<compile_context>
chip_gen: v7x
topology: tpu7x:2x2x1
jax: 0.10.2.dev20260603
libtpu: 0.0.44.dev20260713+nightly
codegen_flags: <defaults>
</compile_context>

<pallas_src>
import functools

import jax
import jax.numpy as jnp
from jax import lax
from jax.experimental import pallas as pl
from jax.experimental.pallas import tpu as pltpu
from jax.experimental.pallas import tpu_sc as plsc

N = 10000
NP = 10240
E = 320000
D = 128
GAMMA_COEF = 0.5

NC = 2
NS = 16
NW = NC * NS
EP = E // NW
BATCH = 40
NB = EP // BATCH
DEPTH = 5
RP = NP // NS

_mesh = plsc.VectorSubcoreMesh(core_axis_name="c", subcore_axis_name="s")
_sc_params = pltpu.CompilerParams(use_tc_tiling_on_sc=False)


@functools.partial(
    pl.kernel,
    out_type=jax.ShapeDtypeStruct((NC, NP, 16), jnp.float32),
    mesh=_mesh,
    compiler_params=_sc_params,
    scratch_types=[
        pltpu.VMEM((NB, BATCH), jnp.int32),
        pltpu.VMEM((RP, 16), jnp.float32),
        pltpu.VMEM_SHARED((NP, 16), jnp.float32),
        pltpu.SemaphoreType.DMA,
    ],
)
def _deg_kernel(dst_hbm, out_hbm, idx_v, ones_v, deg_sh, sem):
    c = lax.axis_index("c")
    s = lax.axis_index("s")
    wid = c * NS + s

    pltpu.sync_copy(dst_hbm.at[wid], idx_v)

    def fill(i, _):
        ones_v[i] = jnp.full((16,), 1.0, jnp.float32)
        return ()

    lax.fori_loop(0, RP, fill, ())
    pltpu.sync_copy(ones_v, deg_sh.at[pl.ds(s * RP, RP)])
    plsc.subcore_barrier()

    def body(j, _):
        pltpu.sync_copy(ones_v.at[pl.ds(0, BATCH)], deg_sh.at[idx_v.at[j]],
                        add=True)
        return ()

    lax.fori_loop(0, NB, body, ())
    plsc.subcore_barrier()
    pltpu.sync_copy(deg_sh.at[pl.ds(s * RP, RP)],
                    out_hbm.at[c, pl.ds(s * RP, RP)])


@functools.partial(
    pl.kernel,
    out_type=jax.ShapeDtypeStruct((NC, NP, D), jnp.float32),
    mesh=_mesh,
    compiler_params=_sc_params,
    scratch_types=(
        [
            pltpu.VMEM((NB, BATCH), jnp.int32),
            pltpu.VMEM((NB, BATCH), jnp.int32),
        ]
        + [pltpu.VMEM((BATCH, D), jnp.float32) for _ in range(DEPTH)]
        + [pltpu.VMEM_SHARED((NP, D), jnp.float32)]
        + [pltpu.SemaphoreType.DMA for _ in range(DEPTH)]
    ),
)
def _prop_kernel(y_hbm, src_hbm, dst_hbm, out_hbm, si_v, di_v, *scratch):
    rows_bufs = scratch[:DEPTH]
    p_sh = scratch[DEPTH]
    sems = scratch[DEPTH + 1:]
    c = lax.axis_index("c")
    s = lax.axis_index("s")
    wid = c * NS + s

    pltpu.sync_copy(src_hbm.at[wid], si_v)
    pltpu.sync_copy(dst_hbm.at[wid], di_v)
    pltpu.sync_copy(y_hbm.at[pl.ds(s * RP, RP)], p_sh.at[pl.ds(s * RP, RP)])
    plsc.subcore_barrier()

    def start(j, buf, sem):
        pltpu.make_async_copy(y_hbm.at[si_v.at[j]], buf, sem).start()

    def drain_scatter(j, buf, sem):
        pltpu.make_async_copy(y_hbm.at[si_v.at[j]], buf, sem).wait()
        pltpu.sync_copy(buf, p_sh.at[di_v.at[j]], add=True)

    bufs = tuple((rows_bufs[t], sems[t]) for t in range(DEPTH))
    for t in range(DEPTH):
        start(t, *bufs[t])

    def body(i, _):
        j = DEPTH * i
        for t in range(DEPTH):
            jj = j + t

            @pl.when(jj < NB)
            def _(jj=jj, t=t):
                drain_scatter(jj, *bufs[t])

            @pl.when(jj + DEPTH < NB)
            def _(jj=jj, t=t):
                start(jj + DEPTH, *bufs[t])

        return ()

    lax.fori_loop(0, (NB + DEPTH - 1) // DEPTH, body, ())
    plsc.subcore_barrier()
    pltpu.sync_copy(p_sh.at[pl.ds(s * RP, RP)],
                    out_hbm.at[c, pl.ds(s * RP, RP)])




def _mm1_body(x_ref, w_ref, xl_ref):
    xl_ref[...] = jnp.dot(x_ref[...], w_ref[...],
                          preferred_element_type=jnp.float32)


_mm1_call = pl.pallas_call(
    _mm1_body,
    out_shape=jax.ShapeDtypeStruct((N, D), jnp.float32),
)


def _scale1_body(deg_ref, xl_ref, dinv_ref, y_ref):
    deg = deg_ref[0][0:N, 0:1] + deg_ref[1][0:N, 0:1] - 1.0
    dinv = lax.rsqrt(deg)
    dinv_ref[...] = dinv
    y_ref[0:N, :] = dinv * xl_ref[...]
    y_ref[N:NP, :] = jnp.zeros((NP - N, D), jnp.float32)


_scale1_call = pl.pallas_call(
    _scale1_body,
    out_shape=[
        jax.ShapeDtypeStruct((N, 1), jnp.float32),
        jax.ShapeDtypeStruct((NP, D), jnp.float32),
    ],
)


def _out_of_layer(xl_ref, y_ref, p_ref, dinv_ref, b_ref, coef, relu):
    y = y_ref[0:N, :]
    agg = dinv_ref[...] * (p_ref[0][0:N, :] + p_ref[1][0:N, :] - y)
    if coef == 1.0:
        out = agg + b_ref[...]
    else:
        out = (1.0 - coef) * xl_ref[...] + coef * agg + b_ref[...]
    if relu:
        out = jnp.maximum(out, 0.0)
    return out


def _mid_body(xl_ref, y_ref, p_ref, dinv_ref, b_ref, w_ref, *refs,
              coef, relu, keep_out):
    out = _out_of_layer(xl_ref, y_ref, p_ref, dinv_ref, b_ref, coef, relu)
    if keep_out:
        out_ref, xl2_ref, y2_ref = refs
        out_ref[...] = out
    else:
        xl2_ref, y2_ref = refs
    xl2 = jnp.dot(out, w_ref[...], preferred_element_type=jnp.float32)
    xl2_ref[...] = xl2
    y2_ref[0:N, :] = dinv_ref[...] * xl2
    y2_ref[N:NP, :] = jnp.zeros((NP - N, D), jnp.float32)


def _mid_call(coef, relu, keep_out):
    shapes = [
        jax.ShapeDtypeStruct((N, D), jnp.float32),
        jax.ShapeDtypeStruct((NP, D), jnp.float32),
    ]
    if keep_out:
        shapes = [jax.ShapeDtypeStruct((N, D), jnp.float32)] + shapes
    return pl.pallas_call(
        functools.partial(_mid_body, coef=coef, relu=relu, keep_out=keep_out),
        out_shape=shapes,
    )


def _last_body(xl_ref, y_ref, p_ref, dinv_ref, b_ref, out_ref, *, coef, relu):
    out_ref[...] = _out_of_layer(xl_ref, y_ref, p_ref, dinv_ref, b_ref,
                                 coef, relu)


def _last_call(coef, relu):
    return pl.pallas_call(
        functools.partial(_last_body, coef=coef, relu=relu),
        out_shape=jax.ShapeDtypeStruct((N, D), jnp.float32),
    )


def kernel(x, We1, be1, We2, be2, Wd1, bd1, Wd2, bd2, edge_index):
    src3 = edge_index[0].astype(jnp.int32).reshape(NW, NB, BATCH)
    dst3 = edge_index[1].astype(jnp.int32).reshape(NW, NB, BATCH)

    deg2 = _deg_kernel(dst3)
    xl1 = _mm1_call(x, We1)
    dinv, y1 = _scale1_call(deg2, xl1)
    p1 = _prop_kernel(y1, src3, dst3)
    xl2, y2 = _mid_call(1.0, True, False)(
        xl1, y1, p1, dinv, be1.reshape(1, D), We2)
    p2 = _prop_kernel(y2, src3, dst3)
    h, xl3, y3 = _mid_call(1.0, False, True)(
        xl2, y2, p2, dinv, be2.reshape(1, D), Wd1)
    p3 = _prop_kernel(y3, src3, dst3)
    xl4, y4 = _mid_call(GAMMA_COEF, True, False)(
        xl3, y3, p3, dinv, bd1.reshape(1, D), Wd2)
    p4 = _prop_kernel(y4, src3, dst3)
    r = _last_call(GAMMA_COEF, False)(xl4, y4, p4, dinv, bd2.reshape(1, D))
    return (h, r)

# --- scband reference (transcript-rebuilt; emitter-appended) ---
"""Pipeline reference for scband-deep-ae-model-20255065768607 (READ-ONLY COPY).

The authoritative reference and input builder live on the scoring server;
editing this copy changes nothing except your own understanding.
"""

import jax, jax.numpy as jnp
import numpy as np

N_NODES = 10000
N_EDGES = 320000
D_IN = 128
D_HID = 128
GAMMA = 0.5


def setup_inputs(seed: int = 0) -> dict:
    key = jax.random.key(seed)
    ks = jax.random.split(key, 12)
    x = jax.random.normal(ks[0], (N_NODES, D_IN), dtype=jnp.float32)
    edge_index = jax.random.randint(ks[1], (2, N_EDGES), 0, N_NODES, dtype=jnp.int64)
    s = 1.0 / np.sqrt(D_IN)
    # encoder: GCN with 2 layers (in->hidden, hidden->hidden)
    We1 = jax.random.uniform(ks[2], (D_IN, D_HID), dtype=jnp.float32, minval=-s, maxval=s)
    be1 = jnp.zeros((D_HID,), dtype=jnp.float32)
    We2 = jax.random.uniform(ks[3], (D_HID, D_HID), dtype=jnp.float32, minval=-s, maxval=s)
    be2 = jnp.zeros((D_HID,), dtype=jnp.float32)
    # decoder: SharpenGCN with 2 layers (hidden->hidden, hidden->in)
    Wd1 = jax.random.uniform(ks[4], (D_HID, D_HID), dtype=jnp.float32, minval=-s, maxval=s)
    bd1 = jnp.zeros((D_HID,), dtype=jnp.float32)
    Wd2 = jax.random.uniform(ks[5], (D_HID, D_IN), dtype=jnp.float32, minval=-s, maxval=s)
    bd2 = jnp.zeros((D_IN,), dtype=jnp.float32)
    return {"x": x, "We1": We1, "be1": be1, "We2": We2, "be2": be2,
            "Wd1": Wd1, "bd1": bd1, "Wd2": Wd2, "bd2": bd2,
            "edge_index": edge_index}


def _gcn_norm(edge_index, num_nodes):
    # add self loops
    loop = jnp.arange(num_nodes, dtype=edge_index.dtype)
    src = jnp.concatenate([edge_index[0], loop])
    dst = jnp.concatenate([edge_index[1], loop])
    ew = jnp.ones(src.shape[0], dtype=jnp.float32)
    deg = jnp.zeros((num_nodes,), dtype=jnp.float32).at[dst].add(ew)
    deg_inv_sqrt = jnp.where(deg > 0, 1.0 / jnp.sqrt(deg), 0.0)
    norm = deg_inv_sqrt[src] * ew * deg_inv_sqrt[dst]
    return src, dst, norm


def _gcn_conv(x, W, b, src, dst, norm, coef):
    # x' = x @ W; propagate: out[dst] += norm * x'[src]
    xl = x @ W
    msg = xl[src] * norm[:, None]
    agg = jnp.zeros_like(xl).at[dst].add(msg)
    out = (1.0 - coef) * xl + coef * agg + b
    return out


def reference(x, We1, be1, We2, be2, Wd1, bd1, Wd2, bd2, edge_index):
    src, dst, norm = _gcn_norm(edge_index, x.shape[0])
    # encoder: plain GCNConv layers (coef=1.0), ReLU between
    h = _gcn_conv(x, We1, be1, src, dst, norm, 1.0)
    h = jax.nn.relu(h)
    h = _gcn_conv(h, We2, be2, src, dst, norm, 1.0)
    # decoder: SharpenGCN layers (coef=gamma), ReLU between
    r = _gcn_conv(h, Wd1, bd1, src, dst, norm, GAMMA)
    r = jax.nn.relu(r)
    r = _gcn_conv(r, Wd2, bd2, src, dst, norm, GAMMA)
    return (h, r)

if __name__ == "__main__":
    import jax
    _d = setup_inputs()
    print(jax.jit(kernel)(*tuple(_d.values())))

</pallas_src>

<mosaic_0001>
#map = affine_map<(d0, d1) -> (0, 0)>
#map1 = affine_map<(d0, d1) -> (0, 0, 0)>
module attributes {stable_mosaic.version = 14 : i64} {
  func.func @_prop_kernel(%arg0: i32, %arg1: i32, %arg2: memref<10240x128xf32, #tpu.memory_space<hbm>>, %arg3: memref<32x250x40xi32, #tpu.memory_space<hbm>>, %arg4: memref<32x250x40xi32, #tpu.memory_space<hbm>>, %arg5: memref<2x10240x128xf32, #tpu.memory_space<hbm>>, %arg6: memref<250x40xi32, #tpu.memory_space<vmem>>, %arg7: memref<250x40xi32, #tpu.memory_space<vmem>>, %arg8: memref<40x128xf32, #tpu.memory_space<vmem>>, %arg9: memref<40x128xf32, #tpu.memory_space<vmem>>, %arg10: memref<40x128xf32, #tpu.memory_space<vmem>>, %arg11: memref<40x128xf32, #tpu.memory_space<vmem>>, %arg12: memref<40x128xf32, #tpu.memory_space<vmem>>, %arg13: memref<10240x128xf32, #tpu.memory_space<vmem_shared>>, %arg14: memref<!tpu.dma_semaphore, #tpu.memory_space<semaphore_mem>>, %arg15: memref<!tpu.dma_semaphore, #tpu.memory_space<semaphore_mem>>, %arg16: memref<!tpu.dma_semaphore, #tpu.memory_space<semaphore_mem>>, %arg17: memref<!tpu.dma_semaphore, #tpu.memory_space<semaphore_mem>>, %arg18: memref<!tpu.dma_semaphore, #tpu.memory_space<semaphore_mem>>) attributes {dimension_semantics = [#tpu.dimension_semantics<core_parallel>, #tpu.dimension_semantics<subcore_parallel>], iteration_bounds = array<i64: 2, 16>, scalar_prefetch = 0 : i64, scratch_operands = 13 : i64, tpu.core_type = #tpu.core_type<sc_vector_subcore>, window_params = [{transform_indices = #map}, {transform_indices = #map1}, {transform_indices = #map1}, {transform_indices = #map1}]} {
    %mul3A = arith.constant 16 : i32
    %mul3A_0 = arith.muli %arg0, %mul3A : i32
    %add3A = arith.addi %mul3A_0, %arg1 : i32
    "tpu.region"() ({
      %run_scoped3A = tpu.sem_alloc : memref<!tpu.dma_semaphore, #tpu.memory_space<semaphore_mem>>
      %dma_start3A_48 = arith.constant 0 : i32
      %dma_start3A_49 = arith.constant 0 : i32
      %dma_start3A_50 = tpu.memref_slice %arg3[%add3A, %dma_start3A_48, %dma_start3A_49] : memref<32x250x40xi32, #tpu.memory_space<hbm>> -> memref<1x250x40xi32, #tpu.memory_space<hbm>>
      %dma_start3A_51 = tpu.memref_squeeze %dma_start3A_50 : memref<1x250x40xi32, #tpu.memory_space<hbm>> -> memref<250x40xi32, #tpu.memory_space<hbm>>
      %dma_start3A_52 = arith.constant 0 : i32
      %dma_start3A_53 = arith.constant 0 : i32
      %dma_start3A_54 = tpu.memref_slice %arg3[%add3A, %dma_start3A_52, %dma_start3A_53] : memref<32x250x40xi32, #tpu.memory_space<hbm>> -> memref<1x250x40xi32, #tpu.memory_space<hbm>>
      %dma_start3A_55 = tpu.memref_squeeze %dma_start3A_54 : memref<1x250x40xi32, #tpu.memory_space<hbm>> -> memref<250x40xi32, #tpu.memory_space<hbm>>
      tpu.enqueue_dma source(%dma_start3A_55 : memref<250x40xi32, #tpu.memory_space<hbm>>) target(%arg6 : memref<250x40xi32, #tpu.memory_space<vmem>>) target_semaphore(%run_scoped3A : memref<!tpu.dma_semaphore, #tpu.memory_space<semaphore_mem>>)
      %dma_wait3A = arith.constant 0 : i32
      %dma_wait3A_56 = arith.constant 0 : i32
      %dma_wait3A_57 = tpu.memref_slice %arg3[%add3A, %dma_wait3A, %dma_wait3A_56] : memref<32x250x40xi32, #tpu.memory_space<hbm>> -> memref<1x250x40xi32, #tpu.memory_space<hbm>>
      %dma_wait3A_58 = tpu.memref_squeeze %dma_wait3A_57 : memref<1x250x40xi32, #tpu.memory_space<hbm>> -> memref<250x40xi32, #tpu.memory_space<hbm>>
      %dma_wait3A_59 = arith.constant 0 : i32
      %dma_wait3A_60 = arith.constant 0 : i32
      %dma_wait3A_61 = tpu.memref_slice %arg3[%add3A, %dma_wait3A_59, %dma_wait3A_60] : memref<32x250x40xi32, #tpu.memory_space<hbm>> -> memref<1x250x40xi32, #tpu.memory_space<hbm>>
      %dma_wait3A_62 = tpu.memref_squeeze %dma_wait3A_61 : memref<1x250x40xi32, #tpu.memory_space<hbm>> -> memref<250x40xi32, #tpu.memory_space<hbm>>
      tpu.wait_dma2 semaphore(%run_scoped3A : memref<!tpu.dma_semaphore, #tpu.memory_space<semaphore_mem>>) src(%dma_wait3A_62 : memref<250x40xi32, #tpu.memory_space<hbm>>) dst(%arg6 : memref<250x40xi32, #tpu.memory_space<vmem>>)
      tpu.yield
    }) : () -> ()
    "tpu.region"() ({
      %run_scoped3A = tpu.sem_alloc : memref<!tpu.dma_semaphore, #tpu.memory_space<semaphore_mem>>
      %dma_start3A_48 = arith.constant 0 : i32
      %dma_start3A_49 = arith.constant 0 : i32
      %dma_start3A_50 = tpu.memref_slice %arg4[%add3A, %dma_start3A_48, %dma_start3A_49] : memref<32x250x40xi32, #tpu.memory_space<hbm>> -> memref<1x250x40xi32, #tpu.memory_space<hbm>>
      %dma_start3A_51 = tpu.memref_squeeze %dma_start3A_50 : memref<1x250x40xi32, #tpu.memory_space<hbm>> -> memref<250x40xi32, #tpu.memory_space<hbm>>
      %dma_start3A_52 = arith.constant 0 : i32
      %dma_start3A_53 = arith.constant 0 : i32
      %dma_start3A_54 = tpu.memref_slice %arg4[%add3A, %dma_start3A_52, %dma_start3A_53] : memref<32x250x40xi32, #tpu.memory_space<hbm>> -> memref<1x250x40xi32, #tpu.memory_space<hbm>>
      %dma_start3A_55 = tpu.memref_squeeze %dma_start3A_54 : memref<1x250x40xi32, #tpu.memory_space<hbm>> -> memref<250x40xi32, #tpu.memory_space<hbm>>
      tpu.enqueue_dma source(%dma_start3A_55 : memref<250x40xi32, #tpu.memory_space<hbm>>) target(%arg7 : memref<250x40xi32, #tpu.memory_space<vmem>>) target_semaphore(%run_scoped3A : memref<!tpu.dma_semaphore, #tpu.memory_space<semaphore_mem>>)
      %dma_wait3A = arith.constant 0 : i32
      %dma_wait3A_56 = arith.constant 0 : i32
      %dma_wait3A_57 = tpu.memref_slice %arg4[%add3A, %dma_wait3A, %dma_wait3A_56] : memref<32x250x40xi32, #tpu.memory_space<hbm>> -> memref<1x250x40xi32, #tpu.memory_space<hbm>>
      %dma_wait3A_58 = tpu.memref_squeeze %dma_wait3A_57 : memref<1x250x40xi32, #tpu.memory_space<hbm>> -> memref<250x40xi32, #tpu.memory_space<hbm>>
      %dma_wait3A_59 = arith.constant 0 : i32
      %dma_wait3A_60 = arith.constant 0 : i32
      %dma_wait3A_61 = tpu.memref_slice %arg4[%add3A, %dma_wait3A_59, %dma_wait3A_60] : memref<32x250x40xi32, #tpu.memory_space<hbm>> -> memref<1x250x40xi32, #tpu.memory_space<hbm>>
      %dma_wait3A_62 = tpu.memref_squeeze %dma_wait3A_61 : memref<1x250x40xi32, #tpu.memory_space<hbm>> -> memref<250x40xi32, #tpu.memory_space<hbm>>
      tpu.wait_dma2 semaphore(%run_scoped3A : memref<!tpu.dma_semaphore, #tpu.memory_space<semaphore_mem>>) src(%dma_wait3A_62 : memref<250x40xi32, #tpu.memory_space<hbm>>) dst(%arg7 : memref<250x40xi32, #tpu.memory_space<vmem>>)
      tpu.yield
    }) : () -> ()
    %mul3A_1 = arith.constant 640 : i32
    %mul3A_2 = arith.muli %arg1, %mul3A_1 : i32
    %mul3A_3 = arith.constant 640 : i32
    %mul3A_4 = arith.muli %arg1, %mul3A_3 : i32
    "tpu.region"() ({
      %run_scoped3A = tpu.sem_alloc : memref<!tpu.dma_semaphore, #tpu.memory_space<semaphore_mem>>
      %dma_start3A_48 = arith.constant 0 : i32
      %dma_start3A_49 = tpu.memref_slice %arg13[%mul3A_4, %dma_start3A_48] : memref<10240x128xf32, #tpu.memory_space<vmem_shared>> -> memref<640x128xf32, #tpu.memory_space<vmem_shared>>
      %dma_start3A_50 = arith.constant 0 : i32
      %dma_start3A_51 = tpu.memref_slice %arg2[%mul3A_2, %dma_start3A_50] : memref<10240x128xf32, #tpu.memory_space<hbm>> -> memref<640x128xf32, #tpu.memory_space<hbm>>
      tpu.enqueue_dma source(%dma_start3A_51 : memref<640x128xf32, #tpu.memory_space<hbm>>) target(%dma_start3A_49 : memref<640x128xf32, #tpu.memory_space<vmem_shared>>) target_semaphore(%run_scoped3A : memref<!tpu.dma_semaphore, #tpu.memory_space<semaphore_mem>>)
      %dma_wait3A = arith.constant 0 : i32
      %dma_wait3A_52 = tpu.memref_slice %arg13[%mul3A_4, %dma_wait3A] : memref<10240x128xf32, #tpu.memory_space<vmem_shared>> -> memref<640x128xf32, #tpu.memory_space<vmem_shared>>
      %dma_wait3A_53 = arith.constant 0 : i32
      %dma_wait3A_54 = tpu.memref_slice %arg2[%mul3A_2, %dma_wait3A_53] : memref<10240x128xf32, #tpu.memory_space<hbm>> -> memref<640x128xf32, #tpu.memory_space<hbm>>
      tpu.wait_dma2 semaphore(%run_scoped3A : memref<!tpu.dma_semaphore, #tpu.memory_space<semaphore_mem>>) src(%dma_wait3A_54 : memref<640x128xf32, #tpu.memory_space<hbm>>) dst(%dma_wait3A_52 : memref<640x128xf32, #tpu.memory_space<vmem_shared>>)
      tpu.yield
    }) : () -> ()
    %barrier3A = arith.constant 0 : index
    tpu.barrier barrier_id(%barrier3A)
    %dma_start3A = arith.constant 0 : i32
    %dma_start3A_5 = arith.constant 0 : i32
    %dma_start3A_6 = tpu.memref_slice %arg6[%dma_start3A, %dma_start3A_5] : memref<250x40xi32, #tpu.memory_space<vmem>> -> memref<1x40xi32, #tpu.memory_space<vmem>>
    %dma_start3A_7 = tpu.memref_squeeze %dma_start3A_6 : memref<1x40xi32, #tpu.memory_space<vmem>> -> memref<40xi32, #tpu.memory_space<vmem>>
    %dma_start3A_8 = arith.constant 0 : i32
    %dma_start3A_9 = arith.constant 0 : i32
    %dma_start3A_10 = tpu.memref_slice %arg2[%dma_start3A_8, %dma_start3A_9] : memref<10240x128xf32, #tpu.memory_space<hbm>> -> memref<10240x128xf32, #tpu.memory_space<hbm>>
    tpu.enqueue_indirect_dma source(%dma_start3A_10 : memref<10240x128xf32, #tpu.memory_space<hbm>>) target(%arg8 : memref<40x128xf32, #tpu.memory_space<vmem>>) offsets(%dma_start3A_7 : memref<40xi32, #tpu.memory_space<vmem>>) semaphore(%arg14 : memref<!tpu.dma_semaphore, #tpu.memory_space<semaphore_mem>>)
    %dma_start3A_11 = arith.constant 1 : i32
    %dma_start3A_12 = arith.constant 0 : i32
    %dma_start3A_13 = tpu.memref_slice %arg6[%dma_start3A_11, %dma_start3A_12] : memref<250x40xi32, #tpu.memory_space<vmem>> -> memref<1x40xi32, #tpu.memory_space<vmem>>
    %dma_start3A_14 = tpu.memref_squeeze %dma_start3A_13 : memref<1x40xi32, #tpu.memory_space<vmem>> -> memref<40xi32, #tpu.memory_space<vmem>>
    %dma_start3A_15 = arith.constant 0 : i32
    %dma_start3A_16 = arith.constant 0 : i32
    %dma_start3A_17 = tpu.memref_slice %arg2[%dma_start3A_15, %dma_start3A_16] : memref<10240x128xf32, #tpu.memory_space<hbm>> -> memref<10240x128xf32, #tpu.memory_space<hbm>>
    tpu.enqueue_indirect_dma source(%dma_start3A_17 : memref<10240x128xf32, #tpu.memory_space<hbm>>) target(%arg9 : memref<40x128xf32, #tpu.memory_space<vmem>>) offsets(%dma_start3A_14 : memref<40xi32, #tpu.memory_space<vmem>>) semaphore(%arg15 : memref<!tpu.dma_semaphore, #tpu.memory_space<semaphore_mem>>)
    %dma_start3A_18 = arith.constant 2 : i32
    %dma_start3A_19 = arith.constant 0 : i32
    %dma_start3A_20 = tpu.memref_slice %arg6[%dma_start3A_18, %dma_start3A_19] : memref<250x40xi32, #tpu.memory_space<vmem>> -> memref<1x40xi32, #tpu.memory_space<vmem>>
    %dma_start3A_21 = tpu.memref_squeeze %dma_start3A_20 : memref<1x40xi32, #tpu.memory_space<vmem>> -> memref<40xi32, #tpu.memory_space<vmem>>
    %dma_start3A_22 = arith.constant 0 : i32
    %dma_start3A_23 = arith.constant 0 : i32
    %dma_start3A_24 = tpu.memref_slice %arg2[%dma_start3A_22, %dma_start3A_23] : memref<10240x128xf32, #tpu.memory_space<hbm>> -> memref<10240x128xf32, #tpu.memory_space<hbm>>
    tpu.enqueue_indirect_dma source(%dma_start3A_24 : memref<10240x128xf32, #tpu.memory_space<hbm>>) target(%arg10 : memref<40x128xf32, #tpu.memory_space<vmem>>) offsets(%dma_start3A_21 : memref<40xi32, #tpu.memory_space<vmem>>) semaphore(%arg16 : memref<!tpu.dma_semaphore, #tpu.memory_space<semaphore_mem>>)
    %dma_start3A_25 = arith.constant 3 : i32
    %dma_start3A_26 = arith.constant 0 : i32
    %dma_start3A_27 = tpu.memref_slice %arg6[%dma_start3A_25, %dma_start3A_26] : memref<250x40xi32, #tpu.memory_space<vmem>> -> memref<1x40xi32, #tpu.memory_space<vmem>>
    %dma_start3A_28 = tpu.memref_squeeze %dma_start3A_27 : memref<1x40xi32, #tpu.memory_space<vmem>> -> memref<40xi32, #tpu.memory_space<vmem>>
    %dma_start3A_29 = arith.constant 0 : i32
    %dma_start3A_30 = arith.constant 0 : i32
    %dma_start3A_31 = tpu.memref_slice %arg2[%dma_start3A_29, %dma_start3A_30] : memref<10240x128xf32, #tpu.memory_space<hbm>> -> memref<10240x128xf32, #tpu.memory_space<hbm>>
    tpu.enqueue_indirect_dma source(%dma_start3A_31 : memref<10240x128xf32, #tpu.memory_space<hbm>>) target(%arg11 : memref<40x128xf32, #tpu.memory_space<vmem>>) offsets(%dma_start3A_28 : memref<40xi32, #tpu.memory_space<vmem>>) semaphore(%arg17 : memref<!tpu.dma_semaphore, #tpu.memory_space<semaphore_mem>>)
    %dma_start3A_32 = arith.constant 4 : i32
    %dma_start3A_33 = arith.constant 0 : i32
    %dma_start3A_34 = tpu.memref_slice %arg6[%dma_start3A_32, %dma_start3A_33] : memref<250x40xi32, #tpu.memory_space<vmem>> -> memref<1x40xi32, #tpu.memory_space<vmem>>
    %dma_start3A_35 = tpu.memref_squeeze %dma_start3A_34 : memref<1x40xi32, #tpu.memory_space<vmem>> -> memref<40xi32, #tpu.memory_space<vmem>>
    %dma_start3A_36 = arith.constant 0 : i32
    %dma_start3A_37 = arith.constant 0 : i32
    %dma_start3A_38 = tpu.memref_slice %arg2[%dma_start3A_36, %dma_start3A_37] : memref<10240x128xf32, #tpu.memory_space<hbm>> -> memref<10240x128xf32, #tpu.memory_space<hbm>>
    tpu.enqueue_indirect_dma source(%dma_start3A_38 : memref<10240x128xf32, #tpu.memory_space<hbm>>) target(%arg12 : memref<40x128xf32, #tpu.memory_space<vmem>>) offsets(%dma_start3A_35 : memref<40xi32, #tpu.memory_space<vmem>>) semaphore(%arg18 : memref<!tpu.dma_semaphore, #tpu.memory_space<semaphore_mem>>)
    %scan3A = arith.constant 0 : i32
    %scan3A_39 = arith.constant 50 : i32
    %scan3A_40 = arith.addi %scan3A, %scan3A_39 : i32
    %scan3A_41 = arith.constant 1 : i32
    scf.for %scan3A_48 = %scan3A to %scan3A_40 step %scan3A_41  : i32 {
      %mul3A_49 = arith.constant 5 : i32
      %mul3A_50 = arith.muli %mul3A_49, %scan3A_48 : i32
      %add3A_51 = arith.constant 0 : i32
      %add3A_52 = arith.addi %mul3A_50, %add3A_51 : i32
      %lt3A = arith.constant 250 : i32
      %lt3A_53 = arith.cmpi slt, %add3A_52, %lt3A : i32
      %convert_element_type3A = arith.extui %lt3A_53 : i1 to i32
      %cond3A = arith.constant 0 : i32
      %cond3A_54 = arith.cmpi ne, %convert_element_type3A, %cond3A : i32
      scf.if %cond3A_54 {
        %dma_wait3A = arith.constant 0 : i32
        %dma_wait3A_118 = tpu.memref_slice %arg6[%add3A_52, %dma_wait3A] : memref<250x40xi32, #tpu.memory_space<vmem>> -> memref<1x40xi32, #tpu.memory_space<vmem>>
        %dma_wait3A_119 = tpu.memref_squeeze %dma_wait3A_118 : memref<1x40xi32, #tpu.memory_space<vmem>> -> memref<40xi32, #tpu.memory_space<vmem>>
        %dma_wait3A_120 = arith.constant 0 : i32
        %dma_wait3A_121 = arith.constant 0 : i32
        %dma_wait3A_122 = tpu.memref_slice %arg2[%dma_wait3A_120, %dma_wait3A_121] : memref<10240x128xf32, #tpu.memory_space<hbm>> -> memref<10240x128xf32, #tpu.memory_space<hbm>>
        tpu.wait_indirect_dma semaphore(%arg14 : memref<!tpu.dma_semaphore, #tpu.memory_space<semaphore_mem>>) src(%dma_wait3A_122 : memref<10240x128xf32, #tpu.memory_space<hbm>>) dst(%arg8 : memref<40x128xf32, #tpu.memory_space<vmem>>)
        "tpu.region"() ({
          %run_scoped3A = tpu.sem_alloc : memref<!tpu.dma_semaphore, #tpu.memory_space<semaphore_mem>>
          %dma_start3A_123 = arith.constant 0 : i32
          %dma_start3A_124 = tpu.memref_slice %arg7[%add3A_52, %dma_start3A_123] : memref<250x40xi32, #tpu.memory_space<vmem>> -> memref<1x40xi32, #tpu.memory_space<vmem>>
          %dma_start3A_125 = tpu.memref_squeeze %dma_start3A_124 : memref<1x40xi32, #tpu.memory_space<vmem>> -> memref<40xi32, #tpu.memory_space<vmem>>
          %dma_start3A_126 = arith.constant 0 : i32
          %dma_start3A_127 = arith.constant 0 : i32
          %dma_start3A_128 = tpu.memref_slice %arg13[%dma_start3A_126, %dma_start3A_127] : memref<10240x128xf32, #tpu.memory_space<vmem_shared>> -> memref<10240x128xf32, #tpu.memory_space<vmem_shared>>
          tpu.enqueue_indirect_dma source(%arg8 : memref<40x128xf32, #tpu.memory_space<vmem>>) target(%dma_start3A_128 : memref<10240x128xf32, #tpu.memory_space<vmem_shared>>) offsets(%dma_start3A_125 : memref<40xi32, #tpu.memory_space<vmem>>) semaphore(%run_scoped3A : memref<!tpu.dma_semaphore, #tpu.memory_space<semaphore_mem>>) {add = true}
          %dma_wait3A_129 = arith.constant 0 : i32
          %dma_wait3A_130 = tpu.memref_slice %arg7[%add3A_52, %dma_wait3A_129] : memref<250x40xi32, #tpu.memory_space<vmem>> -> memref<1x40xi32, #tpu.memory_space<vmem>>
          %dma_wait3A_131 = tpu.memref_squeeze %dma_wait3A_130 : memref<1x40xi32, #tpu.memory_space<vmem>> -> memref<40xi32, #tpu.memory_space<vmem>>
          %dma_wait3A_132 = arith.constant 0 : i32
          %dma_wait3A_133 = arith.constant 0 : i32
          %dma_wait3A_134 = tpu.memref_slice %arg13[%dma_wait3A_132, %dma_wait3A_133] : memref<10240x128xf32, #tpu.memory_space<vmem_shared>> -> memref<10240x128xf32, #tpu.memory_space<vmem_shared>>
          tpu.wait_indirect_dma semaphore(%run_scoped3A : memref<!tpu.dma_semaphore, #tpu.memory_space<semaphore_mem>>) src(%arg8 : memref<40x128xf32, #tpu.memory_space<vmem>>) dst(%dma_wait3A_134 : memref<10240x128xf32, #tpu.memory_space<vmem_shared>>)
          tpu.yield
        }) : () -> ()
      } else {
      }
      %add3A_55 = arith.constant 5 : i32
      %add3A_56 = arith.addi %add3A_52, %add3A_55 : i32
      %lt3A_57 = arith.constant 250 : i32
      %lt3A_58 = arith.cmpi slt, %add3A_56, %lt3A_57 : i32
      %convert_element_type3A_59 = arith.extui %lt3A_58 : i1 to i32
      %cond3A_60 = arith.constant 0 : i32
      %cond3A_61 = arith.cmpi ne, %convert_element_type3A_59, %cond3A_60 : i32
      scf.if %cond3A_61 {
        %add3A_118 = arith.constant 5 : i32
        %add3A_119 = arith.addi %add3A_52, %add3A_118 : i32
        %dma_start3A_120 = arith.constant 0 : i32
        %dma_start3A_121 = tpu.memref_slice %arg6[%add3A_119, %dma_start3A_120] : memref<250x40xi32, #tpu.memory_space<vmem>> -> memref<1x40xi32, #tpu.memory_space<vmem>>
        %dma_start3A_122 = tpu.memref_squeeze %dma_start3A_121 : memref<1x40xi32, #tpu.memory_space<vmem>> -> memref<40xi32, #tpu.memory_space<vmem>>
        %dma_start3A_123 = arith.constant 0 : i32
        %dma_start3A_124 = arith.constant 0 : i32
        %dma_start3A_125 = tpu.memref_slice %arg2[%dma_start3A_123, %dma_start3A_124] : memref<10240x128xf32, #tpu.memory_space<hbm>> -> memref<10240x128xf32, #tpu.memory_space<hbm>>
        tpu.enqueue_indirect_dma source(%dma_start3A_125 : memref<10240x128xf32, #tpu.memory_space<hbm>>) target(%arg8 : memref<40x128xf32, #tpu.memory_space<vmem>>) offsets(%dma_start3A_122 : memref<40xi32, #tpu.memory_space<vmem>>) semaphore(%arg14 : memref<!tpu.dma_semaphore, #tpu.memory_space<semaphore_mem>>)
      } else {
      }
      %add3A_62 = arith.constant 1 : i32
      %add3A_63 = arith.addi %mul3A_50, %add3A_62 : i32
      %lt3A_64 = arith.constant 250 : i32
      %lt3A_65 = arith.cmpi slt, %add3A_63, %lt3A_64 : i32
      %convert_element_type3A_66 = arith.extui %lt3A_65 : i1 to i32
      %cond3A_67 = arith.constant 0 : i32
      %cond3A_68 = arith.cmpi ne, %convert_element_type3A_66, %cond3A_67 : i32
      scf.if %cond3A_68 {
        %dma_wait3A = arith.constant 0 : i32
        %dma_wait3A_118 = tpu.memref_slice %arg6[%add3A_63, %dma_wait3A] : memref<250x40xi32, #tpu.memory_space<vmem>> -> memref<1x40xi32, #tpu.memory_space<vmem>>
        %dma_wait3A_119 = tpu.memref_squeeze %dma_wait3A_118 : memref<1x40xi32, #tpu.memory_space<vmem>> -> memref<40xi32, #tpu.memory_space<vmem>>
        %dma_wait3A_120 = arith.constant 0 : i32
        %dma_wait3A_121 = arith.constant 0 : i32
        %dma_wait3A_122 = tpu.memref_slice %arg2[%dma_wait3A_120, %dma_wait3A_121] : memref<10240x128xf32, #tpu.memory_space<hbm>> -> memref<10240x128xf32, #tpu.memory_space<hbm>>
        tpu.wait_indirect_dma semaphore(%arg15 : memref<!tpu.dma_semaphore, #tpu.memory_space<semaphore_mem>>) src(%dma_wait3A_122 : memref<10240x128xf32, #tpu.memory_space<hbm>>) dst(%arg9 : memref<40x128xf32, #tpu.memory_space<vmem>>)
        "tpu.region"() ({
          %run_scoped3A = tpu.sem_alloc : memref<!tpu.dma_semaphore, #tpu.memory_space<semaphore_mem>>
          %dma_start3A_123 = arith.constant 0 : i32
          %dma_start3A_124 = tpu.memref_slice %arg7[%add3A_63, %dma_start3A_123] : memref<250x40xi32, #tpu.memory_space<vmem>> -> memref<1x40xi32, #tpu.memory_space<vmem>>
          %dma_start3A_125 = tpu.memref_squeeze %dma_start3A_124 : memref<1x40xi32, #tpu.memory_space<vmem>> -> memref<40xi32, #tpu.memory_space<vmem>>
          %dma_start3A_126 = arith.constant 0 : i32
          %dma_start3A_127 = arith.constant 0 : i32
          %dma_start3A_128 = tpu.memref_slice %arg13[%dma_start3A_126, %dma_start3A_127] : memref<10240x128xf32, #tpu.memory_space<vmem_shared>> -> memref<10240x128xf32, #tpu.memory_space<vmem_shared>>
          tpu.enqueue_indirect_dma source(%arg9 : memref<40x128xf32, #tpu.memory_space<vmem>>) target(%dma_start3A_128 : memref<10240x128xf32, #tpu.memory_space<vmem_shared>>) offsets(%dma_start3A_125 : memref<40xi32, #tpu.memory_space<vmem>>) semaphore(%run_scoped3A : memref<!tpu.dma_semaphore, #tpu.memory_space<semaphore_mem>>) {add = true}
          %dma_wait3A_129 = arith.constant 0 : i32
          %dma_wait3A_130 = tpu.memref_slice %arg7[%add3A_63, %dma_wait3A_129] : memref<250x40xi32, #tpu.memory_space<vmem>> -> memref<1x40xi32, #tpu.memory_space<vmem>>
          %dma_wait3A_131 = tpu.memref_squeeze %dma_wait3A_130 : memref<1x40xi32, #tpu.memory_space<vmem>> -> memref<40xi32, #tpu.memory_space<vmem>>
          %dma_wait3A_132 = arith.constant 0 : i32
          %dma_wait3A_133 = arith.constant 0 : i32
          %dma_wait3A_134 = tpu.memref_slice %arg13[%dma_wait3A_132, %dma_wait3A_133] : memref<10240x128xf32, #tpu.memory_space<vmem_shared>> -> memref<10240x128xf32, #tpu.memory_space<vmem_shared>>
          tpu.wait_indirect_dma semaphore(%run_scoped3A : memref<!tpu.dma_semaphore, #tpu.memory_space<semaphore_mem>>) src(%arg9 : memref<40x128xf32, #tpu.memory_space<vmem>>) dst(%dma_wait3A_134 : memref<10240x128xf32, #tpu.memory_space<vmem_shared>>)
          tpu.yield
        }) : () -> ()
      } else {
      }
      %add3A_69 = arith.constant 5 : i32
      %add3A_70 = arith.addi %add3A_63, %add3A_69 : i32
      %lt3A_71 = arith.constant 250 : i32
      %lt3A_72 = arith.cmpi slt, %add3A_70, %lt3A_71 : i32
      %convert_element_type3A_73 = arith.extui %lt3A_72 : i1 to i32
      %cond3A_74 = arith.constant 0 : i32
      %cond3A_75 = arith.cmpi ne, %convert_element_type3A_73, %cond3A_74 : i32
      scf.if %cond3A_75 {
        %add3A_118 = arith.constant 5 : i32
        %add3A_119 = arith.addi %add3A_63, %add3A_118 : i32
        %dma_start3A_120 = arith.constant 0 : i32
        %dma_start3A_121 = tpu.memref_slice %arg6[%add3A_119, %dma_start3A_120] : memref<250x40xi32, #tpu.memory_space<vmem>> -> memref<1x40xi32, #tpu.memory_space<vmem>>
        %dma_start3A_122 = tpu.memref_squeeze %dma_start3A_121 : memref<1x40xi32, #tpu.memory_space<vmem>> -> memref<40xi32, #tpu.memory_space<vmem>>
        %dma_start3A_123 = arith.constant 0 : i32
        %dma_start3A_124 = arith.constant 0 : i32
        %dma_start3A_125 = tpu.memref_slice %arg2[%dma_start3A_123, %dma_start3A_124] : memref<10240x128xf32, #tpu.memory_space<hbm>> -> memref<10240x128xf32, #tpu.memory_space<hbm>>
        tpu.enqueue_indirect_dma source(%dma_start3A_125 : memref<10240x128xf32, #tpu.memory_space<hbm>>) target(%arg9 : memref<40x128xf32, #tpu.memory_space<vmem>>) offsets(%dma_start3A_122 : memref<40xi32, #tpu.memory_space<vmem>>) semaphore(%arg15 : memref<!tpu.dma_semaphore, #tpu.memory_space<semaphore_mem>>)
      } else {
      }
      %add3A_76 = arith.constant 2 : i32
      %add3A_77 = arith.addi %mul3A_50, %add3A_76 : i32
      %lt3A_78 = arith.constant 250 : i32
      %lt3A_79 = arith.cmpi slt, %add3A_77, %lt3A_78 : i32
      %convert_element_type3A_80 = arith.extui %lt3A_79 : i1 to i32
      %cond3A_81 = arith.constant 0 : i32
      %cond3A_82 = arith.cmpi ne, %convert_element_type3A_80, %cond3A_81 : i32
      scf.if %cond3A_82 {
        %dma_wait3A = arith.constant 0 : i32
        %dma_wait3A_118 = tpu.memref_slice %arg6[%add3A_77, %dma_wait3A] : memref<250x40xi32, #tpu.memory_space<vmem>> -> memref<1x40xi32, #tpu.memory_space<vmem>>
        %dma_wait3A_119 = tpu.memref_squeeze %dma_wait3A_118 : memref<1x40xi32, #tpu.memory_space<vmem>> -> memref<40xi32, #tpu.memory_space<vmem>>
        %dma_wait3A_120 = arith.constant 0 : i32
        %dma_wait3A_121 = arith.constant 0 : i32
        %dma_wait3A_122 = tpu.memref_slice %arg2[%dma_wait3A_120, %dma_wait3A_121] : memref<10240x128xf32, #tpu.memory_space<hbm>> -> memref<10240x128xf32, #tpu.memory_space<hbm>>
        tpu.wait_indirect_dma semaphore(%arg16 : memref<!tpu.dma_semaphore, #tpu.memory_space<semaphore_mem>>) src(%dma_wait3A_122 : memref<10240x128xf32, #tpu.memory_space<hbm>>) dst(%arg10 : memref<40x128xf32, #tpu.memory_space<vmem>>)
        "tpu.region"() ({
          %run_scoped3A = tpu.sem_alloc : memref<!tpu.dma_semaphore, #tpu.memory_space<semaphore_mem>>
          %dma_start3A_123 = arith.constant 0 : i32
          %dma_start3A_124 = tpu.memref_slice %arg7[%add3A_77, %dma_start3A_123] : memref<250x40xi32, #tpu.memory_space<vmem>> -> memref<1x40xi32, #tpu.memory_space<vmem>>
          %dma_start3A_125 = tpu.memref_squeeze %dma_start3A_124 : memref<1x40xi32, #tpu.memory_space<vmem>> -> memref<40xi32, #tpu.memory_space<vmem>>
          %dma_start3A_126 = arith.constant 0 : i32
          %dma_start3A_127 = arith.constant 0 : i32
          %dma_start3A_128 = tpu.memref_slice %arg13[%dma_start3A_126, %dma_start3A_127] : memref<10240x128xf32, #tpu.memory_space<vmem_shared>> -> memref<10240x128xf32, #tpu.memory_space<vmem_shared>>
          tpu.enqueue_indirect_dma source(%arg10 : memref<40x128xf32, #tpu.memory_space<vmem>>) target(%dma_start3A_128 : memref<10240x128xf32, #tpu.memory_space<vmem_shared>>) offsets(%dma_start3A_125 : memref<40xi32, #tpu.memory_space<vmem>>) semaphore(%run_scoped3A : memref<!tpu.dma_semaphore, #tpu.memory_space<semaphore_mem>>) {add = true}
          %dma_wait3A_129 = arith.constant 0 : i32
          %dma_wait3A_130 = tpu.memref_slice %arg7[%add3A_77, %dma_wait3A_129] : memref<250x40xi32, #tpu.memory_space<vmem>> -> memref<1x40xi32, #tpu.memory_space<vmem>>
          %dma_wait3A_131 = tpu.memref_squeeze %dma_wait3A_130 : memref<1x40xi32, #tpu.memory_space<vmem>> -> memref<40xi32, #tpu.memory_space<vmem>>
          %dma_wait3A_132 = arith.constant 0 : i32
          %dma_wait3A_133 = arith.constant 0 : i32
          %dma_wait3A_134 = tpu.memref_slice %arg13[%dma_wait3A_132, %dma_wait3A_133] : memref<10240x128xf32, #tpu.memory_space<vmem_shared>> -> memref<10240x128xf32, #tpu.memory_space<vmem_shared>>
          tpu.wait_indirect_dma semaphore(%run_scoped3A : memref<!tpu.dma_semaphore, #tpu.memory_space<semaphore_mem>>) src(%arg10 : memref<40x128xf32, #tpu.memory_space<vmem>>) dst(%dma_wait3A_134 : memref<10240x128xf32, #tpu.memory_space<vmem_shared>>)
          tpu.yield
        }) : () -> ()
      } else {
      }
      %add3A_83 = arith.constant 5 : i32
      %add3A_84 = arith.addi %add3A_77, %add3A_83 : i32
      %lt3A_85 = arith.constant 250 : i32
      %lt3A_86 = arith.cmpi slt, %add3A_84, %lt3A_85 : i32
      %convert_element_type3A_87 = arith.extui %lt3A_86 : i1 to i32
      %cond3A_88 = arith.constant 0 : i32
      %cond3A_89 = arith.cmpi ne, %convert_element_type3A_87, %cond3A_88 : i32
      scf.if %cond3A_89 {
        %add3A_118 = arith.constant 5 : i32
        %add3A_119 = arith.addi %add3A_77, %add3A_118 : i32
        %dma_start3A_120 = arith.constant 0 : i32
        %dma_start3A_121 = tpu.memref_slice %arg6[%add3A_119, %dma_start3A_120] : memref<250x40xi32, #tpu.memory_space<vmem>> -> memref<1x40xi32, #tpu.memory_space<vmem>>
        %dma_start3A_122 = tpu.memref_squeeze %dma_start3A_121 : memref<1x40xi32, #tpu.memory_space<vmem>> -> memref<40xi32, #tpu.memory_space<vmem>>
        %dma_start3A_123 = arith.constant 0 : i32
        %dma_start3A_124 = arith.constant 0 : i32
        %dma_start3A_125 = tpu.memref_slice %arg2[%dma_start3A_123, %dma_start3A_124] : memref<10240x128xf32, #tpu.memory_space<hbm>> -> memref<10240x128xf32, #tpu.memory_space<hbm>>
        tpu.enqueue_indirect_dma source(%dma_start3A_125 : memref<10240x128xf32, #tpu.memory_space<hbm>>) target(%arg10 : memref<40x128xf32, #tpu.memory_space<vmem>>) offsets(%dma_start3A_122 : memref<40xi32, #tpu.memory_space<vmem>>) semaphore(%arg16 : memref<!tpu.dma_semaphore, #tpu.memory_space<semaphore_mem>>)
      } else {
      }
      %add3A_90 = arith.constant 3 : i32
      %add3A_91 = arith.addi %mul3A_50, %add3A_90 : i32
      %lt3A_92 = arith.constant 250 : i32
      %lt3A_93 = arith.cmpi slt, %add3A_91, %lt3A_92 : i32
      %convert_element_type3A_94 = arith.extui %lt3A_93 : i1 to i32
      %cond3A_95 = arith.constant 0 : i32
      %cond3A_96 = arith.cmpi ne, %convert_element_type3A_94, %cond3A_95 : i32
      scf.if %cond3A_96 {
        %dma_wait3A = arith.constant 0 : i32
        %dma_wait3A_118 = tpu.memref_slice %arg6[%add3A_91, %dma_wait3A] : memref<250x40xi32, #tpu.memory_space<vmem>> -> memref<1x40xi32, #tpu.memory_space<vmem>>
        %dma_wait3A_119 = tpu.memref_squeeze %dma_wait3A_118 : memref<1x40xi32, #tpu.memory_space<vmem>> -> memref<40xi32, #tpu.memory_space<vmem>>
        %dma_wait3A_120 = arith.constant 0 : i32
        %dma_wait3A_121 = arith.constant 0 : i32
        %dma_wait3A_122 = tpu.memref_slice %arg2[%dma_wait3A_120, %dma_wait3A_121] : memref<10240x128xf32, #tpu.memory_space<hbm>> -> memref<10240x128xf32, #tpu.memory_space<hbm>>
        tpu.wait_indirect_dma semaphore(%arg17 : memref<!tpu.dma_semaphore, #tpu.memory_space<semaphore_mem>>) src(%dma_wait3A_122 : memref<10240x128xf32, #tpu.memory_space<hbm>>) dst(%arg11 : memref<40x128xf32, #tpu.memory_space<vmem>>)
        "tpu.region"() ({
          %run_scoped3A = tpu.sem_alloc : memref<!tpu.dma_semaphore, #tpu.memory_space<semaphore_mem>>
          %dma_start3A_123 = arith.constant 0 : i32
          %dma_start3A_124 = tpu.memref_slice %arg7[%add3A_91, %dma_start3A_123] : memref<250x40xi32, #tpu.memory_space<vmem>> -> memref<1x40xi32, #tpu.memory_space<vmem>>
          %dma_start3A_125 = tpu.memref_squeeze %dma_start3A_124 : memref<1x40xi32, #tpu.memory_space<vmem>> -> memref<40xi32, #tpu.memory_space<vmem>>
          %dma_start3A_126 = arith.constant 0 : i32
          %dma_start3A_127 = arith.constant 0 : i32
          %dma_start3A_128 = tpu.memref_slice %arg13[%dma_start3A_126, %dma_start3A_127] : memref<10240x128xf32, #tpu.memory_space<vmem_shared>> -> memref<10240x128xf32, #tpu.memory_space<vmem_shared>>
          tpu.enqueue_indirect_dma source(%arg11 : memref<40x128xf32, #tpu.memory_space<vmem>>) target(%dma_start3A_128 : memref<10240x128xf32, #tpu.memory_space<vmem_shared>>) offsets(%dma_start3A_125 : memref<40xi32, #tpu.memory_space<vmem>>) semaphore(%run_scoped3A : memref<!tpu.dma_semaphore, #tpu.memory_space<semaphore_mem>>) {add = true}
          %dma_wait3A_129 = arith.constant 0 : i32
          %dma_wait3A_130 = tpu.memref_slice %arg7[%add3A_91, %dma_wait3A_129] : memref<250x40xi32, #tpu.memory_space<vmem>> -> memref<1x40xi32, #tpu.memory_space<vmem>>
          %dma_wait3A_131 = tpu.memref_squeeze %dma_wait3A_130 : memref<1x40xi32, #tpu.memory_space<vmem>> -> memref<40xi32, #tpu.memory_space<vmem>>
          %dma_wait3A_132 = arith.constant 0 : i32
          %dma_wait3A_133 = arith.constant 0 : i32
          %dma_wait3A_134 = tpu.memref_slice %arg13[%dma_wait3A_132, %dma_wait3A_133] : memref<10240x128xf32, #tpu.memory_space<vmem_shared>> -> memref<10240x128xf32, #tpu.memory_space<vmem_shared>>
          tpu.wait_indirect_dma semaphore(%run_scoped3A : memref<!tpu.dma_semaphore, #tpu.memory_space<semaphore_mem>>) src(%arg11 : memref<40x128xf32, #tpu.memory_space<vmem>>) dst(%dma_wait3A_134 : memref<10240x128xf32, #tpu.memory_space<vmem_shared>>)
          tpu.yield
        }) : () -> ()
      } else {
      }
      %add3A_97 = arith.constant 5 : i32
      %add3A_98 = arith.addi %add3A_91, %add3A_97 : i32
      %lt3A_99 = arith.constant 250 : i32
      %lt3A_100 = arith.cmpi slt, %add3A_98, %lt3A_99 : i32
      %convert_element_type3A_101 = arith.extui %lt3A_100 : i1 to i32
      %cond3A_102 = arith.constant 0 : i32
      %cond3A_103 = arith.cmpi ne, %convert_element_type3A_101, %cond3A_102 : i32
      scf.if %cond3A_103 {
        %add3A_118 = arith.constant 5 : i32
        %add3A_119 = arith.addi %add3A_91, %add3A_118 : i32
        %dma_start3A_120 = arith.constant 0 : i32
        %dma_start3A_121 = tpu.memref_slice %arg6[%add3A_119, %dma_start3A_120] : memref<250x40xi32, #tpu.memory_space<vmem>> -> memref<1x40xi32, #tpu.memory_space<vmem>>
        %dma_start3A_122 = tpu.memref_squeeze %dma_start3A_121 : memref<1x40xi32, #tpu.memory_space<vmem>> -> memref<40xi32, #tpu.memory_space<vmem>>
        %dma_start3A_123 = arith.constant 0 : i32
        %dma_start3A_124 = arith.constant 0 : i32
        %dma_start3A_125 = tpu.memref_slice %arg2[%dma_start3A_123, %dma_start3A_124] : memref<10240x128xf32, #tpu.memory_space<hbm>> -> memref<10240x128xf32, #tpu.memory_space<hbm>>
        tpu.enqueue_indirect_dma source(%dma_start3A_125 : memref<10240x128xf32, #tpu.memory_space<hbm>>) target(%arg11 : memref<40x128xf32, #tpu.memory_space<vmem>>) offsets(%dma_start3A_122 : memref<40xi32, #tpu.memory_space<vmem>>) semaphore(%arg17 : memref<!tpu.dma_semaphore, #tpu.memory_space<semaphore_mem>>)
      } else {
      }
      %add3A_104 = arith.constant 4 : i32
      %add3A_105 = arith.addi %mul3A_50, %add3A_104 : i32
      %lt3A_106 = arith.constant 250 : i32
      %lt3A_107 = arith.cmpi slt, %add3A_105, %lt3A_106 : i32
      %convert_element_type3A_108 = arith.extui %lt3A_107 : i1 to i32
      %cond3A_109 = arith.constant 0 : i32
      %cond3A_110 = arith.cmpi ne, %convert_element_type3A_108, %cond3A_109 : i32
      scf.if %cond3A_110 {
        %dma_wait3A = arith.constant 0 : i32
        %dma_wait3A_118 = tpu.memref_slice %arg6[%add3A_105, %dma_wait3A] : memref<250x40xi32, #tpu.memory_space<vmem>> -> memref<1x40xi32, #tpu.memory_space<vmem>>
        %dma_wait3A_119 = tpu.memref_squeeze %dma_wait3A_118 : memref<1x40xi32, #tpu.memory_space<vmem>> -> memref<40xi32, #tpu.memory_space<vmem>>
        %dma_wait3A_120 = arith.constant 0 : i32
        %dma_wait3A_121 = arith.constant 0 : i32
        %dma_wait3A_122 = tpu.memref_slice %arg2[%dma_wait3A_120, %dma_wait3A_121] : memref<10240x128xf32, #tpu.memory_space<hbm>> -> memref<10240x128xf32, #tpu.memory_space<hbm>>
        tpu.wait_indirect_dma semaphore(%arg18 : memref<!tpu.dma_semaphore, #tpu.memory_space<semaphore_mem>>) src(%dma_wait3A_122 : memref<10240x128xf32, #tpu.memory_space<hbm>>) dst(%arg12 : memref<40x128xf32, #tpu.memory_space<vmem>>)
        "tpu.region"() ({
          %run_scoped3A = tpu.sem_alloc : memref<!tpu.dma_semaphore, #tpu.memory_space<semaphore_mem>>
          %dma_start3A_123 = arith.constant 0 : i32
          %dma_start3A_124 = tpu.memref_slice %arg7[%add3A_105, %dma_start3A_123] : memref<250x40xi32, #tpu.memory_space<vmem>> -> memref<1x40xi32, #tpu.memory_space<vmem>>
          %dma_start3A_125 = tpu.memref_squeeze %dma_start3A_124 : memref<1x40xi32, #tpu.memory_space<vmem>> -> memref<40xi32, #tpu.memory_space<vmem>>
          %dma_start3A_126 = arith.constant 0 : i32
          %dma_start3A_127 = arith.constant 0 : i32
          %dma_start3A_128 = tpu.memref_slice %arg13[%dma_start3A_126, %dma_start3A_127] : memref<10240x128xf32, #tpu.memory_space<vmem_shared>> -> memref<10240x128xf32, #tpu.memory_space<vmem_shared>>
          tpu.enqueue_indirect_dma source(%arg12 : memref<40x128xf32, #tpu.memory_space<vmem>>) target(%dma_start3A_128 : memref<10240x128xf32, #tpu.memory_space<vmem_shared>>) offsets(%dma_start3A_125 : memref<40xi32, #tpu.memory_space<vmem>>) semaphore(%run_scoped3A : memref<!tpu.dma_semaphore, #tpu.memory_space<semaphore_mem>>) {add = true}
          %dma_wait3A_129 = arith.constant 0 : i32
          %dma_wait3A_130 = tpu.memref_slice %arg7[%add3A_105, %dma_wait3A_129] : memref<250x40xi32, #tpu.memory_space<vmem>> -> memref<1x40xi32, #tpu.memory_space<vmem>>
          %dma_wait3A_131 = tpu.memref_squeeze %dma_wait3A_130 : memref<1x40xi32, #tpu.memory_space<vmem>> -> memref<40xi32, #tpu.memory_space<vmem>>
          %dma_wait3A_132 = arith.constant 0 : i32
          %dma_wait3A_133 = arith.constant 0 : i32
          %dma_wait3A_134 = tpu.memref_slice %arg13[%dma_wait3A_132, %dma_wait3A_133] : memref<10240x128xf32, #tpu.memory_space<vmem_shared>> -> memref<10240x128xf32, #tpu.memory_space<vmem_shared>>
          tpu.wait_indirect_dma semaphore(%run_scoped3A : memref<!tpu.dma_semaphore, #tpu.memory_space<semaphore_mem>>) src(%arg12 : memref<40x128xf32, #tpu.memory_space<vmem>>) dst(%dma_wait3A_134 : memref<10240x128xf32, #tpu.memory_space<vmem_shared>>)
          tpu.yield
        }) : () -> ()
      } else {
      }
      %add3A_111 = arith.constant 5 : i32
      %add3A_112 = arith.addi %add3A_105, %add3A_111 : i32
      %lt3A_113 = arith.constant 250 : i32
      %lt3A_114 = arith.cmpi slt, %add3A_112, %lt3A_113 : i32
      %convert_element_type3A_115 = arith.extui %lt3A_114 : i1 to i32
      %cond3A_116 = arith.constant 0 : i32
      %cond3A_117 = arith.cmpi ne, %convert_element_type3A_115, %cond3A_116 : i32
      scf.if %cond3A_117 {
        %add3A_118 = arith.constant 5 : i32
        %add3A_119 = arith.addi %add3A_105, %add3A_118 : i32
        %dma_start3A_120 = arith.constant 0 : i32
        %dma_start3A_121 = tpu.memref_slice %arg6[%add3A_119, %dma_start3A_120] : memref<250x40xi32, #tpu.memory_space<vmem>> -> memref<1x40xi32, #tpu.memory_space<vmem>>
        %dma_start3A_122 = tpu.memref_squeeze %dma_start3A_121 : memref<1x40xi32, #tpu.memory_space<vmem>> -> memref<40xi32, #tpu.memory_space<vmem>>
        %dma_start3A_123 = arith.constant 0 : i32
        %dma_start3A_124 = arith.constant 0 : i32
        %dma_start3A_125 = tpu.memref_slice %arg2[%dma_start3A_123, %dma_start3A_124] : memref<10240x128xf32, #tpu.memory_space<hbm>> -> memref<10240x128xf32, #tpu.memory_space<hbm>>
        tpu.enqueue_indirect_dma source(%dma_start3A_125 : memref<10240x128xf32, #tpu.memory_space<hbm>>) target(%arg12 : memref<40x128xf32, #tpu.memory_space<vmem>>) offsets(%dma_start3A_122 : memref<40xi32, #tpu.memory_space<vmem>>) semaphore(%arg18 : memref<!tpu.dma_semaphore, #tpu.memory_space<semaphore_mem>>)
      } else {
      }
    }
    %scan3A_42 = arith.constant 50 : i32
    %barrier3A_43 = arith.constant 0 : index
    tpu.barrier barrier_id(%barrier3A_43)
    %mul3A_44 = arith.constant 640 : i32
    %mul3A_45 = arith.muli %arg1, %mul3A_44 : i32
    %mul3A_46 = arith.constant 640 : i32
    %mul3A_47 = arith.muli %arg1, %mul3A_46 : i32
    "tpu.region"() ({
      %run_scoped3A = tpu.sem_alloc : memref<!tpu.dma_semaphore, #tpu.memory_space<semaphore_mem>>
      %dma_start3A_48 = arith.constant 0 : i32
      %dma_start3A_49 = tpu.memref_slice %arg5[%arg0, %mul3A_47, %dma_start3A_48] : memref<2x10240x128xf32, #tpu.memory_space<hbm>> -> memref<1x640x128xf32, #tpu.memory_space<hbm>>
      %dma_start3A_50 = tpu.memref_squeeze %dma_start3A_49 : memref<1x640x128xf32, #tpu.memory_space<hbm>> -> memref<640x128xf32, #tpu.memory_space<hbm>>
      %dma_start3A_51 = arith.constant 0 : i32
      %dma_start3A_52 = tpu.memref_slice %arg13[%mul3A_45, %dma_start3A_51] : memref<10240x128xf32, #tpu.memory_space<vmem_shared>> -> memref<640x128xf32, #tpu.memory_space<vmem_shared>>
      tpu.enqueue_dma source(%dma_start3A_52 : memref<640x128xf32, #tpu.memory_space<vmem_shared>>) target(%dma_start3A_50 : memref<640x128xf32, #tpu.memory_space<hbm>>) target_semaphore(%run_scoped3A : memref<!tpu.dma_semaphore, #tpu.memory_space<semaphore_mem>>)
      %dma_wait3A = arith.constant 0 : i32
      %dma_wait3A_53 = tpu.memref_slice %arg5[%arg0, %mul3A_47, %dma_wait3A] : memref<2x10240x128xf32, #tpu.memory_space<hbm>> -> memref<1x640x128xf32, #tpu.memory_space<hbm>>
      %dma_wait3A_54 = tpu.memref_squeeze %dma_wait3A_53 : memref<1x640x128xf32, #tpu.memory_space<hbm>> -> memref<640x128xf32, #tpu.memory_space<hbm>>
      %dma_wait3A_55 = arith.constant 0 : i32
      %dma_wait3A_56 = tpu.memref_slice %arg13[%mul3A_45, %dma_wait3A_55] : memref<10240x128xf32, #tpu.memory_space<vmem_shared>> -> memref<640x128xf32, #tpu.memory_space<vmem_shared>>
      tpu.wait_dma2 semaphore(%run_scoped3A : memref<!tpu.dma_semaphore, #tpu.memory_space<semaphore_mem>>) src(%dma_wait3A_56 : memref<640x128xf32, #tpu.memory_space<vmem_shared>>) dst(%dma_wait3A_54 : memref<640x128xf32, #tpu.memory_space<hbm>>)
      tpu.yield
    }) : () -> ()
    return
  }
}

#map = affine_map<(d0, d1) -> (0, 0)>
#map1 = affine_map<(d0, d1) -> (0, 0, 0)>
module attributes {stable_mosaic.version = 14 : i64} {
  func.func @_prop_kernel(%arg0: i32, %arg1: i32, %arg2: memref<10240x128xf32, #tpu.memory_space<hbm>>, %arg3: memref<32x250x40xi32, #tpu.memory_space<hbm>>, %arg4: memref<32x250x40xi32, #tpu.memory_space<hbm>>, %arg5: memref<2x10240x128xf32, #tpu.memory_space<hbm>>, %arg6: memref<250x40xi32, #tpu.memory_space<vmem>>, %arg7: memref<250x40xi32, #tpu.memory_space<vmem>>, %arg8: memref<40x128xf32, #tpu.memory_space<vmem>>, %arg9: memref<40x128xf32, #tpu.memory_space<vmem>>, %arg10: memref<40x128xf32, #tpu.memory_space<vmem>>, %arg11: memref<40x128xf32, #tpu.memory_space<vmem>>, %arg12: memref<40x128xf32, #tpu.memory_space<vmem>>, %arg13: memref<10240x128xf32, #tpu.memory_space<vmem_shared>>, %arg14: memref<!tpu.dma_semaphore, #tpu.memory_space<semaphore_mem>>, %arg15: memref<!tpu.dma_semaphore, #tpu.memory_space<semaphore_mem>>, %arg16: memref<!tpu.dma_semaphore, #tpu.memory_space<semaphore_mem>>, %arg17: memref<!tpu.dma_semaphore, #tpu.memory_space<semaphore_mem>>, %arg18: memref<!tpu.dma_semaphore, #tpu.memory_space<semaphore_mem>>) attributes {dimension_semantics = [#tpu.dimension_semantics<core_parallel>, #tpu.dimension_semantics<subcore_parallel>], iteration_bounds = array<i64: 2, 16>, scalar_prefetch = 0 : i64, scratch_operands = 13 : i64, tpu.core_type = #tpu.core_type<sc_vector_subcore>, window_params = [{transform_indices = #map}, {transform_indices = #map1}, {transform_indices = #map1}, {transform_indices = #map1}]} {
    %mul3A = arith.constant 16 : i32
    %mul3A_0 = arith.muli %arg0, %mul3A : i32
    %add3A = arith.addi %mul3A_0, %arg1 : i32
    "tpu.region"() ({
      %run_scoped3A = tpu.sem_alloc : memref<!tpu.dma_semaphore, #tpu.memory_space<semaphore_mem>>
      %dma_start3A_48 = arith.constant 0 : i32
      %dma_start3A_49 = arith.constant 0 : i32
      %dma_start3A_50 = tpu.memref_slice %arg3[%add3A, %dma_start3A_48, %dma_start3A_49] : memref<32x250x40xi32, #tpu.memory_space<hbm>> -> memref<1x250x40xi32, #tpu.memory_space<hbm>>
      %dma_start3A_51 = tpu.memref_squeeze %dma_start3A_50 : memref<1x250x40xi32, #tpu.memory_space<hbm>> -> memref<250x40xi32, #tpu.memory_space<hbm>>
      %dma_start3A_52 = arith.constant 0 : i32
      %dma_start3A_53 = arith.constant 0 : i32
      %dma_start3A_54 = tpu.memref_slice %arg3[%add3A, %dma_start3A_52, %dma_start3A_53] : memref<32x250x40xi32, #tpu.memory_space<hbm>> -> memref<1x250x40xi32, #tpu.memory_space<hbm>>
      %dma_start3A_55 = tpu.memref_squeeze %dma_start3A_54 : memref<1x250x40xi32, #tpu.memory_space<hbm>> -> memref<250x40xi32, #tpu.memory_space<hbm>>
      tpu.enqueue_dma source(%dma_start3A_55 : memref<250x40xi32, #tpu.memory_space<hbm>>) target(%arg6 : memref<250x40xi32, #tpu.memory_space<vmem>>) target_semaphore(%run_scoped3A : memref<!tpu.dma_semaphore, #tpu.memory_space<semaphore_mem>>)
      %dma_wait3A = arith.constant 0 : i32
      %dma_wait3A_56 = arith.constant 0 : i32
      %dma_wait3A_57 = tpu.memref_slice %arg3[%add3A, %dma_wait3A, %dma_wait3A_56] : memref<32x250x40xi32, #tpu.memory_space<hbm>> -> memref<1x250x40xi32, #tpu.memory_space<hbm>>
      %dma_wait3A_58 = tpu.memref_squeeze %dma_wait3A_57 : memref<1x250x40xi32, #tpu.memory_space<hbm>> -> memref<250x40xi32, #tpu.memory_space<hbm>>
      %dma_wait3A_59 = arith.constant 0 : i32
      %dma_wait3A_60 = arith.constant 0 : i32
      %dma_wait3A_61 = tpu.memref_slice %arg3[%add3A, %dma_wait3A_59, %dma_wait3A_60] : memref<32x250x40xi32, #tpu.memory_space<hbm>> -> memref<1x250x40xi32, #tpu.memory_space<hbm>>
      %dma_wait3A_62 = tpu.memref_squeeze %dma_wait3A_61 : memref<1x250x40xi32, #tpu.memory_space<hbm>> -> memref<250x40xi32, #tpu.memory_space<hbm>>
      tpu.wait_dma2 semaphore(%run_scoped3A : memref<!tpu.dma_semaphore, #tpu.memory_space<semaphore_mem>>) src(%dma_wait3A_62 : memref<250x40xi32, #tpu.memory_space<hbm>>) dst(%arg6 : memref<250x40xi32, #tpu.memory_space<vmem>>)
      tpu.yield
    }) : () -> ()
    "tpu.region"() ({
      %run_scoped3A = tpu.sem_alloc : memref<!tpu.dma_semaphore, #tpu.memory_space<semaphore_mem>>
      %dma_start3A_48 = arith.constant 0 : i32
      %dma_start3A_49 = arith.constant 0 : i32
      %dma_start3A_50 = tpu.memref_slice %arg4[%add3A, %dma_start3A_48, %dma_start3A_49] : memref<32x250x40xi32, #tpu.memory_space<hbm>> -> memref<1x250x40xi32, #tpu.memory_space<hbm>>
      %dma_start3A_51 = tpu.memref_squeeze %dma_start3A_50 : memref<1x250x40xi32, #tpu.memory_space<hbm>> -> memref<250x40xi32, #tpu.memory_space<hbm>>
      %dma_start3A_52 = arith.constant 0 : i32
      %dma_start3A_53 = arith.constant 0 : i32
      %dma_start3A_54 = tpu.memref_slice %arg4[%add3A, %dma_start3A_52, %dma_start3A_53] : memref<32x250x40xi32, #tpu.memory_space<hbm>> -> memref<1x250x40xi32, #tpu.memory_space<hbm>>
      %dma_start3A_55 = tpu.memref_squeeze %dma_start3A_54 : memref<1x250x40xi32, #tpu.memory_space<hbm>> -> memref<250x40xi32, #tpu.memory_space<hbm>>
      tpu.enqueue_dma source(%dma_start3A_55 : memref<250x40xi32, #tpu.memory_space<hbm>>) target(%arg7 : memref<250x40xi32, #tpu.memory_space<vmem>>) target_semaphore(%run_scoped3A : memref<!tpu.dma_semaphore, #tpu.memory_space<semaphore_mem>>)
      %dma_wait3A = arith.constant 0 : i32
      %dma_wait3A_56 = arith.constant 0 : i32
      %dma_wait3A_57 = tpu.memref_slice %arg4[%add3A, %dma_wait3A, %dma_wait3A_56] : memref<32x250x40xi32, #tpu.memory_space<hbm>> -> memref<1x250x40xi32, #tpu.memory_space<hbm>>
      %dma_wait3A_58 = tpu.memref_squeeze %dma_wait3A_57 : memref<1x250x40xi32, #tpu.memory_space<hbm>> -> memref<250x40xi32, #tpu.memory_space<hbm>>
      %dma_wait3A_59 = arith.constant 0 : i32
      %dma_wait3A_60 = arith.constant 0 : i32
      %dma_wait3A_61 = tpu.memref_slice %arg4[%add3A, %dma_wait3A_59, %dma_wait3A_60] : memref<32x250x40xi32, #tpu.memory_space<hbm>> -> memref<1x250x40xi32, #tpu.memory_space<hbm>>
      %dma_wait3A_62 = tpu.memref_squeeze %dma_wait3A_61 : memref<1x250x40xi32, #tpu.memory_space<hbm>> -> memref<250x40xi32, #tpu.memory_space<hbm>>
      tpu.wait_dma2 semaphore(%run_scoped3A : memref<!tpu.dma_semaphore, #tpu.memory_space<semaphore_mem>>) src(%dma_wait3A_62 : memref<250x40xi32, #tpu.memory_space<hbm>>) dst(%arg7 : memref<250x40xi32, #tpu.memory_space<vmem>>)
      tpu.yield
    }) : () -> ()
    %mul3A_1 = arith.constant 640 : i32
    %mul3A_2 = arith.muli %arg1, %mul3A_1 : i32
    %mul3A_3 = arith.constant 640 : i32
    %mul3A_4 = arith.muli %arg1, %mul3A_3 : i32
    "tpu.region"() ({
      %run_scoped3A = tpu.sem_alloc : memref<!tpu.dma_semaphore, #tpu.memory_space<semaphore_mem>>
      %dma_start3A_48 = arith.constant 0 : i32
      %dma_start3A_49 = tpu.memref_slice %arg13[%mul3A_4, %dma_start3A_48] : memref<10240x128xf32, #tpu.memory_space<vmem_shared>> -> memref<640x128xf32, #tpu.memory_space<vmem_shared>>
      %dma_start3A_50 = arith.constant 0 : i32
      %dma_start3A_51 = tpu.memref_slice %arg2[%mul3A_2, %dma_start3A_50] : memref<10240x128xf32, #tpu.memory_space<hbm>> -> memref<640x128xf32, #tpu.memory_space<hbm>>
      tpu.enqueue_dma source(%dma_start3A_51 : memref<640x128xf32, #tpu.memory_space<hbm>>) target(%dma_start3A_49 : memref<640x128xf32, #tpu.memory_space<vmem_shared>>) target_semaphore(%run_scoped3A : memref<!tpu.dma_semaphore, #tpu.memory_space<semaphore_mem>>)
      %dma_wait3A = arith.constant 0 : i32
      %dma_wait3A_52 = tpu.memref_slice %arg13[%mul3A_4, %dma_wait3A] : memref<10240x128xf32, #tpu.memory_space<vmem_shared>> -> memref<640x128xf32, #tpu.memory_space<vmem_shared>>
      %dma_wait3A_53 = arith.constant 0 : i32
      %dma_wait3A_54 = tpu.memref_slice %arg2[%mul3A_2, %dma_wait3A_53] : memref<10240x128xf32, #tpu.memory_space<hbm>> -> memref<640x128xf32, #tpu.memory_space<hbm>>
      tpu.wait_dma2 semaphore(%run_scoped3A : memref<!tpu.dma_semaphore, #tpu.memory_space<semaphore_mem>>) src(%dma_wait3A_54 : memref<640x128xf32, #tpu.memory_space<hbm>>) dst(%dma_wait3A_52 : memref<640x128xf32, #tpu.memory_space<vmem_shared>>)
      tpu.yield
    }) : () -> ()
    %barrier3A = arith.constant 0 : index
    tpu.barrier barrier_id(%barrier3A)
    %dma_start3A = arith.constant 0 : i32
    %dma_start3A_5 = arith.constant 0 : i32
    %dma_start3A_6 = tpu.memref_slice %arg6[%dma_start3A, %dma_start3A_5] : memref<250x40xi32, #tpu.memory_space<vmem>> -> memref<1x40xi32, #tpu.memory_space<vmem>>
    %dma_start3A_7 = tpu.memref_squeeze %dma_start3A_6 : memref<1x40xi32, #tpu.memory_space<vmem>> -> memref<40xi32, #tpu.memory_space<vmem>>
    %dma_start3A_8 = arith.constant 0 : i32
    %dma_start3A_9 = arith.constant 0 : i32
    %dma_start3A_10 = tpu.memref_slice %arg2[%dma_start3A_8, %dma_start3A_9] : memref<10240x128xf32, #tpu.memory_space<hbm>> -> memref<10240x128xf32, #tpu.memory_space<hbm>>
    tpu.enqueue_indirect_dma source(%dma_start3A_10 : memref<10240x128xf32, #tpu.memory_space<hbm>>) target(%arg8 : memref<40x128xf32, #tpu.memory_space<vmem>>) offsets(%dma_start3A_7 : memref<40xi32, #tpu.memory_space<vmem>>) semaphore(%arg14 : memref<!tpu.dma_semaphore, #tpu.memory_space<semaphore_mem>>)
    %dma_start3A_11 = arith.constant 1 : i32
    %dma_start3A_12 = arith.constant 0 : i32
    %dma_start3A_13 = tpu.memref_slice %arg6[%dma_start3A_11, %dma_start3A_12] : memref<250x40xi32, #tpu.memory_space<vmem>> -> memref<1x40xi32, #tpu.memory_space<vmem>>
    %dma_start3A_14 = tpu.memref_squeeze %dma_start3A_13 : memref<1x40xi32, #tpu.memory_space<vmem>> -> memref<40xi32, #tpu.memory_space<vmem>>
    %dma_start3A_15 = arith.constant 0 : i32
    %dma_start3A_16 = arith.constant 0 : i32
    %dma_start3A_17 = tpu.memref_slice %arg2[%dma_start3A_15, %dma_start3A_16] : memref<10240x128xf32, #tpu.memory_space<hbm>> -> memref<10240x128xf32, #tpu.memory_space<hbm>>
    tpu.enqueue_indirect_dma source(%dma_start3A_17 : memref<10240x128xf32, #tpu.memory_space<hbm>>) target(%arg9 : memref<40x128xf32, #tpu.memory_space<vmem>>) offsets(%dma_start3A_14 : memref<40xi32, #tpu.memory_space<vmem>>) semaphore(%arg15 : memref<!tpu.dma_semaphore, #tpu.memory_space<semaphore_mem>>)
    %dma_start3A_18 = arith.constant 2 : i32
    %dma_start3A_19 = arith.constant 0 : i32
    %dma_start3A_20 = tpu.memref_slice %arg6[%dma_start3A_18, %dma_start3A_19] : memref<250x40xi32, #tpu.memory_space<vmem>> -> memref<1x40xi32, #tpu.memory_space<vmem>>
    %dma_start3A_21 = tpu.memref_squeeze %dma_start3A_20 : memref<1x40xi32, #tpu.memory_space<vmem>> -> memref<40xi32, #tpu.memory_space<vmem>>
    %dma_start3A_22 = arith.constant 0 : i32
    %dma_start3A_23 = arith.constant 0 : i32
    %dma_start3A_24 = tpu.memref_slice %arg2[%dma_start3A_22, %dma_start3A_23] : memref<10240x128xf32, #tpu.memory_space<hbm>> -> memref<10240x128xf32, #tpu.memory_space<hbm>>
    tpu.enqueue_indirect_dma source(%dma_start3A_24 : memref<10240x128xf32, #tpu.memory_space<hbm>>) target(%arg10 : memref<40x128xf32, #tpu.memory_space<vmem>>) offsets(%dma_start3A_21 : memref<40xi32, #tpu.memory_space<vmem>>) semaphore(%arg16 : memref<!tpu.dma_semaphore, #tpu.memory_space<semaphore_mem>>)
    %dma_start3A_25 = arith.constant 3 : i32
    %dma_start3A_26 = arith.constant 0 : i32
    %dma_start3A_27 = tpu.memref_slice %arg6[%dma_start3A_25, %dma_start3A_26] : memref<250x40xi32, #tpu.memory_space<vmem>> -> memref<1x40xi32, #tpu.memory_space<vmem>>
    %dma_start3A_28 = tpu.memref_squeeze %dma_start3A_27 : memref<1x40xi32, #tpu.memory_space<vmem>> -> memref<40xi32, #tpu.memory_space<vmem>>
    %dma_start3A_29 = arith.constant 0 : i32
    %dma_start3A_30 = arith.constant 0 : i32
    %dma_start3A_31 = tpu.memref_slice %arg2[%dma_start3A_29, %dma_start3A_30] : memref<10240x128xf32, #tpu.memory_space<hbm>> -> memref<10240x128xf32, #tpu.memory_space<hbm>>
    tpu.enqueue_indirect_dma source(%dma_start3A_31 : memref<10240x128xf32, #tpu.memory_space<hbm>>) target(%arg11 : memref<40x128xf32, #tpu.memory_space<vmem>>) offsets(%dma_start3A_28 : memref<40xi32, #tpu.memory_space<vmem>>) semaphore(%arg17 : memref<!tpu.dma_semaphore, #tpu.memory_space<semaphore_mem>>)
    %dma_start3A_32 = arith.constant 4 : i32
    %dma_start3A_33 = arith.constant 0 : i32
    %dma_start3A_34 = tpu.memref_slice %arg6[%dma_start3A_32, %dma_start3A_33] : memref<250x40xi32, #tpu.memory_space<vmem>> -> memref<1x40xi32, #tpu.memory_space<vmem>>
    %dma_start3A_35 = tpu.memref_squeeze %dma_start3A_34 : memref<1x40xi32, #tpu.memory_space<vmem>> -> memref<40xi32, #tpu.memory_space<vmem>>
    %dma_start3A_36 = arith.constant 0 : i32
    %dma_start3A_37 = arith.constant 0 : i32
    %dma_start3A_38 = tpu.memref_slice %arg2[%dma_start3A_36, %dma_start3A_37] : memref<10240x128xf32, #tpu.memory_space<hbm>> -> memref<10240x128xf32, #tpu.memory_space<hbm>>
    tpu.enqueue_indirect_dma source(%dma_start3A_38 : memref<10240x128xf32, #tpu.memory_space<hbm>>) target(%arg12 : memref<40x128xf32, #tpu.memory_space<vmem>>) offsets(%dma_start3A_35 : memref<40xi32, #tpu.memory_space<vmem>>) semaphore(%arg18 : memref<!tpu.dma_semaphore, #tpu.memory_space<semaphore_mem>>)
    %scan3A = arith.constant 0 : i32
    %scan3A_39 = arith.constant 50 : i32
    %scan3A_40 = arith.addi %scan3A, %scan3A_39 : i32
    %scan3A_41 = arith.constant 1 : i32
    scf.for %scan3A_48 = %scan3A to %scan3A_40 step %scan3A_41  : i32 {
      %mul3A_49 = arith.constant 5 : i32
      %mul3A_50 = arith.muli %mul3A_49, %scan3A_48 : i32
      %add3A_51 = arith.constant 0 : i32
      %add3A_52 = arith.addi %mul3A_50, %add3A_51 : i32
      %lt3A = arith.constant 250 : i32
      %lt3A_53 = arith.cmpi slt, %add3A_52, %lt3A : i32
      %convert_element_type3A = arith.extui %lt3A_53 : i1 to i32
      %cond3A = arith.constant 0 : i32
      %cond3A_54 = arith.cmpi ne, %convert_element_type3A, %cond3A : i32
      scf.if %cond3A_54 {
        %dma_wait3A = arith.constant 0 : i32
        %dma_wait3A_118 = tpu.memref_slice %arg6[%add3A_52, %dma_wait3A] : memref<250x40xi32, #tpu.memory_space<vmem>> -> memref<1x40xi32, #tpu.memory_space<vmem>>
        %dma_wait3A_119 = tpu.memref_squeeze %dma_wait3A_118 : memref<1x40xi32, #tpu.memory_space<vmem>> -> memref<40xi32, #tpu.memory_space<vmem>>
        %dma_wait3A_120 = arith.constant 0 : i32
        %dma_wait3A_121 = arith.constant 0 : i32
        %dma_wait3A_122 = tpu.memref_slice %arg2[%dma_wait3A_120, %dma_wait3A_121] : memref<10240x128xf32, #tpu.memory_space<hbm>> -> memref<10240x128xf32, #tpu.memory_space<hbm>>
        tpu.wait_indirect_dma semaphore(%arg14 : memref<!tpu.dma_semaphore, #tpu.memory_space<semaphore_mem>>) src(%dma_wait3A_122 : memref<10240x128xf32, #tpu.memory_space<hbm>>) dst(%arg8 : memref<40x128xf32, #tpu.memory_space<vmem>>)
        "tpu.region"() ({
          %run_scoped3A = tpu.sem_alloc : memref<!tpu.dma_semaphore, #tpu.memory_space<semaphore_mem>>
          %dma_start3A_123 = arith.constant 0 : i32
          %dma_start3A_124 = tpu.memref_slice %arg7[%add3A_52, %dma_start3A_123] : memref<250x40xi32, #tpu.memory_space<vmem>> -> memref<1x40xi32, #tpu.memory_space<vmem>>
          %dma_start3A_125 = tpu.memref_squeeze %dma_start3A_124 : memref<1x40xi32, #tpu.memory_space<vmem>> -> memref<40xi32, #tpu.memory_space<vmem>>
          %dma_start3A_126 = arith.constant 0 : i32
          %dma_start3A_127 = arith.constant 0 : i32
          %dma_start3A_128 = tpu.memref_slice %arg13[%dma_start3A_126, %dma_start3A_127] : memref<10240x128xf32, #tpu.memory_space<vmem_shared>> -> memref<10240x128xf32, #tpu.memory_space<vmem_shared>>
          tpu.enqueue_indirect_dma source(%arg8 : memref<40x128xf32, #tpu.memory_space<vmem>>) target(%dma_start3A_128 : memref<10240x128xf32, #tpu.memory_space<vmem_shared>>) offsets(%dma_start3A_125 : memref<40xi32, #tpu.memory_space<vmem>>) semaphore(%run_scoped3A : memref<!tpu.dma_semaphore, #tpu.memory_space<semaphore_mem>>) {add = true}
          %dma_wait3A_129 = arith.constant 0 : i32
          %dma_wait3A_130 = tpu.memref_slice %arg7[%add3A_52, %dma_wait3A_129] : memref<250x40xi32, #tpu.memory_space<vmem>> -> memref<1x40xi32, #tpu.memory_space<vmem>>
          %dma_wait3A_131 = tpu.memref_squeeze %dma_wait3A_130 : memref<1x40xi32, #tpu.memory_space<vmem>> -> memref<40xi32, #tpu.memory_space<vmem>>
          %dma_wait3A_132 = arith.constant 0 : i32
          %dma_wait3A_133 = arith.constant 0 : i32
          %dma_wait3A_134 = tpu.memref_slice %arg13[%dma_wait3A_132, %dma_wait3A_133] : memref<10240x128xf32, #tpu.memory_space<vmem_shared>> -> memref<10240x128xf32, #tpu.memory_space<vmem_shared>>
          tpu.wait_indirect_dma semaphore(%run_scoped3A : memref<!tpu.dma_semaphore, #tpu.memory_space<semaphore_mem>>) src(%arg8 : memref<40x128xf32, #tpu.memory_space<vmem>>) dst(%dma_wait3A_134 : memref<10240x128xf32, #tpu.memory_space<vmem_shared>>)
          tpu.yield
        }) : () -> ()
      } else {
      }
      %add3A_55 = arith.constant 5 : i32
      %add3A_56 = arith.addi %add3A_52, %add3A_55 : i32
      %lt3A_57 = arith.constant 250 : i32
      %lt3A_58 = arith.cmpi slt, %add3A_56, %lt3A_57 : i32
      %convert_element_type3A_59 = arith.extui %lt3A_58 : i1 to i32
      %cond3A_60 = arith.constant 0 : i32
      %cond3A_61 = arith.cmpi ne, %convert_element_type3A_59, %cond3A_60 : i32
      scf.if %cond3A_61 {
        %add3A_118 = arith.constant 5 : i32
        %add3A_119 = arith.addi %add3A_52, %add3A_118 : i32
        %dma_start3A_120 = arith.constant 0 : i32
        %dma_start3A_121 = tpu.memref_slice %arg6[%add3A_119, %dma_start3A_120] : memref<250x40xi32, #tpu.memory_space<vmem>> -> memref<1x40xi32, #tpu.memory_space<vmem>>
        %dma_start3A_122 = tpu.memref_squeeze %dma_start3A_121 : memref<1x40xi32, #tpu.memory_space<vmem>> -> memref<40xi32, #tpu.memory_space<vmem>>
        %dma_start3A_123 = arith.constant 0 : i32
        %dma_start3A_124 = arith.constant 0 : i32
        %dma_start3A_125 = tpu.memref_slice %arg2[%dma_start3A_123, %dma_start3A_124] : memref<10240x128xf32, #tpu.memory_space<hbm>> -> memref<10240x128xf32, #tpu.memory_space<hbm>>
        tpu.enqueue_indirect_dma source(%dma_start3A_125 : memref<10240x128xf32, #tpu.memory_space<hbm>>) target(%arg8 : memref<40x128xf32, #tpu.memory_space<vmem>>) offsets(%dma_start3A_122 : memref<40xi32, #tpu.memory_space<vmem>>) semaphore(%arg14 : memref<!tpu.dma_semaphore, #tpu.memory_space<semaphore_mem>>)
      } else {
      }
      %add3A_62 = arith.constant 1 : i32
      %add3A_63 = arith.addi %mul3A_50, %add3A_62 : i32
      %lt3A_64 = arith.constant 250 : i32
      %lt3A_65 = arith.cmpi slt, %add3A_63, %lt3A_64 : i32
      %convert_element_type3A_66 = arith.extui %lt3A_65 : i1 to i32
      %cond3A_67 = arith.constant 0 : i32
      %cond3A_68 = arith.cmpi ne, %convert_element_type3A_66, %cond3A_67 : i32
      scf.if %cond3A_68 {
        %dma_wait3A = arith.constant 0 : i32
        %dma_wait3A_118 = tpu.memref_slice %arg6[%add3A_63, %dma_wait3A] : memref<250x40xi32, #tpu.memory_space<vmem>> -> memref<1x40xi32, #tpu.memory_space<vmem>>
        %dma_wait3A_119 = tpu.memref_squeeze %dma_wait3A_118 : memref<1x40xi32, #tpu.memory_space<vmem>> -> memref<40xi32, #tpu.memory_space<vmem>>
        %dma_wait3A_120 = arith.constant 0 : i32
        %dma_wait3A_121 = arith.constant 0 : i32
        %dma_wait3A_122 = tpu.memref_slice %arg2[%dma_wait3A_120, %dma_wait3A_121] : memref<10240x128xf32, #tpu.memory_space<hbm>> -> memref<10240x128xf32, #tpu.memory_space<hbm>>
        tpu.wait_indirect_dma semaphore(%arg15 : memref<!tpu.dma_semaphore, #tpu.memory_space<semaphore_mem>>) src(%dma_wait3A_122 : memref<10240x128xf32, #tpu.memory_space<hbm>>) dst(%arg9 : memref<40x128xf32, #tpu.memory_space<vmem>>)
        "tpu.region"() ({
          %run_scoped3A = tpu.sem_alloc : memref<!tpu.dma_semaphore, #tpu.memory_space<semaphore_mem>>
          %dma_start3A_123 = arith.constant 0 : i32
          %dma_start3A_124 = tpu.memref_slice %arg7[%add3A_63, %dma_start3A_123] : memref<250x40xi32, #tpu.memory_space<vmem>> -> memref<1x40xi32, #tpu.memory_space<vmem>>
          %dma_start3A_125 = tpu.memref_squeeze %dma_start3A_124 : memref<1x40xi32, #tpu.memory_space<vmem>> -> memref<40xi32, #tpu.memory_space<vmem>>
          %dma_start3A_126 = arith.constant 0 : i32
          %dma_start3A_127 = arith.constant 0 : i32
          %dma_start3A_128 = tpu.memref_slice %arg13[%dma_start3A_126, %dma_start3A_127] : memref<10240x128xf32, #tpu.memory_space<vmem_shared>> -> memref<10240x128xf32, #tpu.memory_space<vmem_shared>>
          tpu.enqueue_indirect_dma source(%arg9 : memref<40x128xf32, #tpu.memory_space<vmem>>) target(%dma_start3A_128 : memref<10240x128xf32, #tpu.memory_space<vmem_shared>>) offsets(%dma_start3A_125 : memref<40xi32, #tpu.memory_space<vmem>>) semaphore(%run_scoped3A : memref<!tpu.dma_semaphore, #tpu.memory_space<semaphore_mem>>) {add = true}
          %dma_wait3A_129 = arith.constant 0 : i32
          %dma_wait3A_130 = tpu.memref_slice %arg7[%add3A_63, %dma_wait3A_129] : memref<250x40xi32, #tpu.memory_space<vmem>> -> memref<1x40xi32, #tpu.memory_space<vmem>>
          %dma_wait3A_131 = tpu.memref_squeeze %dma_wait3A_130 : memref<1x40xi32, #tpu.memory_space<vmem>> -> memref<40xi32, #tpu.memory_space<vmem>>
          %dma_wait3A_132 = arith.constant 0 : i32
          %dma_wait3A_133 = arith.constant 0 : i32
          %dma_wait3A_134 = tpu.memref_slice %arg13[%dma_wait3A_132, %dma_wait3A_133] : memref<10240x128xf32, #tpu.memory_space<vmem_shared>> -> memref<10240x128xf32, #tpu.memory_space<vmem_shared>>
          tpu.wait_indirect_dma semaphore(%run_scoped3A : memref<!tpu.dma_semaphore, #tpu.memory_space<semaphore_mem>>) src(%arg9 : memref<40x128xf32, #tpu.memory_space<vmem>>) dst(%dma_wait3A_134 : memref<10240x128xf32, #tpu.memory_space<vmem_shared>>)
          tpu.yield
        }) : () -> ()
      } else {
      }
      %add3A_69 = arith.constant 5 : i32
      %add3A_70 = arith.addi %add3A_63, %add3A_69 : i32
      %lt3A_71 = arith.constant 250 : i32
      %lt3A_72 = arith.cmpi slt, %add3A_70, %lt3A_71 : i32
      %convert_element_type3A_73 = arith.extui %lt3A_72 : i1 to i32
      %cond3A_74 = arith.constant 0 : i32
      %cond3A_75 = arith.cmpi ne, %convert_element_type3A_73, %cond3A_74 : i32
      scf.if %cond3A_75 {
        %add3A_118 = arith.constant 5 : i32
        %add3A_119 = arith.addi %add3A_63, %add3A_118 : i32
        %dma_start3A_120 = arith.constant 0 : i32
        %dma_start3A_121 = tpu.memref_slice %arg6[%add3A_119, %dma_start3A_120] : memref<250x40xi32, #tpu.memory_space<vmem>> -> memref<1x40xi32, #tpu.memory_space<vmem>>
        %dma_start3A_122 = tpu.memref_squeeze %dma_start3A_121 : memref<1x40xi32, #tpu.memory_space<vmem>> -> memref<40xi32, #tpu.memory_space<vmem>>
        %dma_start3A_123 = arith.constant 0 : i32
        %dma_start3A_124 = arith.constant 0 : i32
        %dma_start3A_125 = tpu.memref_slice %arg2[%dma_start3A_123, %dma_start3A_124] : memref<10240x128xf32, #tpu.memory_space<hbm>> -> memref<10240x128xf32, #tpu.memory_space<hbm>>
        tpu.enqueue_indirect_dma source(%dma_start3A_125 : memref<10240x128xf32, #tpu.memory_space<hbm>>) target(%arg9 : memref<40x128xf32, #tpu.memory_space<vmem>>) offsets(%dma_start3A_122 : memref<40xi32, #tpu.memory_space<vmem>>) semaphore(%arg15 : memref<!tpu.dma_semaphore, #tpu.memory_space<semaphore_mem>>)
      } else {
      }
      %add3A_76 = arith.constant 2 : i32
      %add3A_77 = arith.addi %mul3A_50, %add3A_76 : i32
      %lt3A_78 = arith.constant 250 : i32
      %lt3A_79 = arith.cmpi slt, %add3A_77, %lt3A_78 : i32
      %convert_element_type3A_80 = arith.extui %lt3A_79 : i1 to i32
      %cond3A_81 = arith.constant 0 : i32
      %cond3A_82 = arith.cmpi ne, %convert_element_type3A_80, %cond3A_81 : i32
      scf.if %cond3A_82 {
        %dma_wait3A = arith.constant 0 : i32
        %dma_wait3A_118 = tpu.memref_slice %arg6[%add3A_77, %dma_wait3A] : memref<250x40xi32, #tpu.memory_space<vmem>> -> memref<1x40xi32, #tpu.memory_space<vmem>>
        %dma_wait3A_119 = tpu.memref_squeeze %dma_wait3A_118 : memref<1x40xi32, #tpu.memory_space<vmem>> -> memref<40xi32, #tpu.memory_space<vmem>>
        %dma_wait3A_120 = arith.constant 0 : i32
        %dma_wait3A_121 = arith.constant 0 : i32
        %dma_wait3A_122 = tpu.memref_slice %arg2[%dma_wait3A_120, %dma_wait3A_121] : memref<10240x128xf32, #tpu.memory_space<hbm>> -> memref<10240x128xf32, #tpu.memory_space<hbm>>
        tpu.wait_indirect_dma semaphore(%arg16 : memref<!tpu.dma_semaphore, #tpu.memory_space<semaphore_mem>>) src(%dma_wait3A_122 : memref<10240x128xf32, #tpu.memory_space<hbm>>) dst(%arg10 : memref<40x128xf32, #tpu.memory_space<vmem>>)
        "tpu.region"() ({
          %run_scoped3A = tpu.sem_alloc : memref<!tpu.dma_semaphore, #tpu.memory_space<semaphore_mem>>
          %dma_start3A_123 = arith.constant 0 : i32
          %dma_start3A_124 = tpu.memref_slice %arg7[%add3A_77, %dma_start3A_123] : memref<250x40xi32, #tpu.memory_space<vmem>> -> memref<1x40xi32, #tpu.memory_space<vmem>>
          %dma_start3A_125 = tpu.memref_squeeze %dma_start3A_124 : memref<1x40xi32, #tpu.memory_space<vmem>> -> memref<40xi32, #tpu.memory_space<vmem>>
          %dma_start3A_126 = arith.constant 0 : i32
          %dma_start3A_127 = arith.constant 0 : i32
          %dma_start3A_128 = tpu.memref_slice %arg13[%dma_start3A_126, %dma_start3A_127] : memref<10240x128xf32, #tpu.memory_space<vmem_shared>> -> memref<10240x128xf32, #tpu.memory_space<vmem_shared>>
          tpu.enqueue_indirect_dma source(%arg10 : memref<40x128xf32, #tpu.memory_space<vmem>>) target(%dma_start3A_128 : memref<10240x128xf32, #tpu.memory_space<vmem_shared>>) offsets(%dma_start3A_125 : memref<40xi32, #tpu.memory_space<vmem>>) semaphore(%run_scoped3A : memref<!tpu.dma_semaphore, #tpu.memory_space<semaphore_mem>>) {add = true}
          %dma_wait3A_129 = arith.constant 0 : i32
          %dma_wait3A_130 = tpu.memref_slice %arg7[%add3A_77, %dma_wait3A_129] : memref<250x40xi32, #tpu.memory_space<vmem>> -> memref<1x40xi32, #tpu.memory_space<vmem>>
          %dma_wait3A_131 = tpu.memref_squeeze %dma_wait3A_130 : memref<1x40xi32, #tpu.memory_space<vmem>> -> memref<40xi32, #tpu.memory_space<vmem>>
          %dma_wait3A_132 = arith.constant 0 : i32
          %dma_wait3A_133 = arith.constant 0 : i32
          %dma_wait3A_134 = tpu.memref_slice %arg13[%dma_wait3A_132, %dma_wait3A_133] : memref<10240x128xf32, #tpu.memory_space<vmem_shared>> -> memref<10240x128xf32, #tpu.memory_space<vmem_shared>>
          tpu.wait_indirect_dma semaphore(%run_scoped3A : memref<!tpu.dma_semaphore, #tpu.memory_space<semaphore_mem>>) src(%arg10 : memref<40x128xf32, #tpu.memory_space<vmem>>) dst(%dma_wait3A_134 : memref<10240x128xf32, #tpu.memory_space<vmem_shared>>)
          tpu.yield
        }) : () -> ()
      } else {
      }
      %add3A_83 = arith.constant 5 : i32
      %add3A_84 = arith.addi %add3A_77, %add3A_83 : i32
      %lt3A_85 = arith.constant 250 : i32
      %lt3A_86 = arith.cmpi slt, %add3A_84, %lt3A_85 : i32
      %convert_element_type3A_87 = arith.extui %lt3A_86 : i1 to i32
      %cond3A_88 = arith.constant 0 : i32
      %cond3A_89 = arith.cmpi ne, %convert_element_type3A_87, %cond3A_88 : i32
      scf.if %cond3A_89 {
        %add3A_118 = arith.constant 5 : i32
        %add3A_119 = arith.addi %add3A_77, %add3A_118 : i32
        %dma_start3A_120 = arith.constant 0 : i32
        %dma_start3A_121 = tpu.memref_slice %arg6[%add3A_119, %dma_start3A_120] : memref<250x40xi32, #tpu.memory_space<vmem>> -> memref<1x40xi32, #tpu.memory_space<vmem>>
        %dma_start3A_122 = tpu.memref_squeeze %dma_start3A_121 : memref<1x40xi32, #tpu.memory_space<vmem>> -> memref<40xi32, #tpu.memory_space<vmem>>
        %dma_start3A_123 = arith.constant 0 : i32
        %dma_start3A_124 = arith.constant 0 : i32
        %dma_start3A_125 = tpu.memref_slice %arg2[%dma_start3A_123, %dma_start3A_124] : memref<10240x128xf32, #tpu.memory_space<hbm>> -> memref<10240x128xf32, #tpu.memory_space<hbm>>
        tpu.enqueue_indirect_dma source(%dma_start3A_125 : memref<10240x128xf32, #tpu.memory_space<hbm>>) target(%arg10 : memref<40x128xf32, #tpu.memory_space<vmem>>) offsets(%dma_start3A_122 : memref<40xi32, #tpu.memory_space<vmem>>) semaphore(%arg16 : memref<!tpu.dma_semaphore, #tpu.memory_space<semaphore_mem>>)
      } else {
      }
      %add3A_90 = arith.constant 3 : i32
      %add3A_91 = arith.addi %mul3A_50, %add3A_90 : i32
      %lt3A_92 = arith.constant 250 : i32
      %lt3A_93 = arith.cmpi slt, %add3A_91, %lt3A_92 : i32
      %convert_element_type3A_94 = arith.extui %lt3A_93 : i1 to i32
      %cond3A_95 = arith.constant 0 : i32
      %cond3A_96 = arith.cmpi ne, %convert_element_type3A_94, %cond3A_95 : i32
      scf.if %cond3A_96 {
        %dma_wait3A = arith.constant 0 : i32
        %dma_wait3A_118 = tpu.memref_slice %arg6[%add3A_91, %dma_wait3A] : memref<250x40xi32, #tpu.memory_space<vmem>> -> memref<1x40xi32, #tpu.memory_space<vmem>>
        %dma_wait3A_119 = tpu.memref_squeeze %dma_wait3A_118 : memref<1x40xi32, #tpu.memory_space<vmem>> -> memref<40xi32, #tpu.memory_space<vmem>>
        %dma_wait3A_120 = arith.constant 0 : i32
        %dma_wait3A_121 = arith.constant 0 : i32
        %dma_wait3A_122 = tpu.memref_slice %arg2[%dma_wait3A_120, %dma_wait3A_121] : memref<10240x128xf32, #tpu.memory_space<hbm>> -> memref<10240x128xf32, #tpu.memory_space<hbm>>
        tpu.wait_indirect_dma semaphore(%arg17 : memref<!tpu.dma_semaphore, #tpu.memory_space<semaphore_mem>>) src(%dma_wait3A_122 : memref<10240x128xf32, #tpu.memory_space<hbm>>) dst(%arg11 : memref<40x128xf32, #tpu.memory_space<vmem>>)
        "tpu.region"() ({
          %run_scoped3A = tpu.sem_alloc : memref<!tpu.dma_semaphore, #tpu.memory_space<semaphore_mem>>
          %dma_start3A_123 = arith.constant 0 : i32
          %dma_start3A_124 = tpu.memref_slice %arg7[%add3A_91, %dma_start3A_123] : memref<250x40xi32, #tpu.memory_space<vmem>> -> memref<1x40xi32, #tpu.memory_space<vmem>>
          %dma_start3A_125 = tpu.memref_squeeze %dma_start3A_124 : memref<1x40xi32, #tpu.memory_space<vmem>> -> memref<40xi32, #tpu.memory_space<vmem>>
          %dma_start3A_126 = arith.constant 0 : i32
          %dma_start3A_127 = arith.constant 0 : i32
          %dma_start3A_128 = tpu.memref_slice %arg13[%dma_start3A_126, %dma_start3A_127] : memref<10240x128xf32, #tpu.memory_space<vmem_shared>> -> memref<10240x128xf32, #tpu.memory_space<vmem_shared>>
          tpu.enqueue_indirect_dma source(%arg11 : memref<40x128xf32, #tpu.memory_space<vmem>>) target(%dma_start3A_128 : memref<10240x128xf32, #tpu.memory_space<vmem_shared>>) offsets(%dma_start3A_125 : memref<40xi32, #tpu.memory_space<vmem>>) semaphore(%run_scoped3A : memref<!tpu.dma_semaphore, #tpu.memory_space<semaphore_mem>>) {add = true}
          %dma_wait3A_129 = arith.constant 0 : i32
          %dma_wait3A_130 = tpu.memref_slice %arg7[%add3A_91, %dma_wait3A_129] : memref<250x40xi32, #tpu.memory_space<vmem>> -> memref<1x40xi32, #tpu.memory_space<vmem>>
          %dma_wait3A_131 = tpu.memref_squeeze %dma_wait3A_130 : memref<1x40xi32, #tpu.memory_space<vmem>> -> memref<40xi32, #tpu.memory_space<vmem>>
          %dma_wait3A_132 = arith.constant 0 : i32
          %dma_wait3A_133 = arith.constant 0 : i32
          %dma_wait3A_134 = tpu.memref_slice %arg13[%dma_wait3A_132, %dma_wait3A_133] : memref<10240x128xf32, #tpu.memory_space<vmem_shared>> -> memref<10240x128xf32, #tpu.memory_space<vmem_shared>>
          tpu.wait_indirect_dma semaphore(%run_scoped3A : memref<!tpu.dma_semaphore, #tpu.memory_space<semaphore_mem>>) src(%arg11 : memref<40x128xf32, #tpu.memory_space<vmem>>) dst(%dma_wait3A_134 : memref<10240x128xf32, #tpu.memory_space<vmem_shared>>)
          tpu.yield
        }) : () -> ()
      } else {
      }
      %add3A_97 = arith.constant 5 : i32
      %add3A_98 = arith.addi %add3A_91, %add3A_97 : i32
      %lt3A_99 = arith.constant 250 : i32
      %lt3A_100 = arith.cmpi slt, %add3A_98, %lt3A_99 : i32
      %convert_element_type3A_101 = arith.extui %lt3A_100 : i1 to i32
      %cond3A_102 = arith.constant 0 : i32
      %cond3A_103 = arith.cmpi ne, %convert_element_type3A_101, %cond3A_102 : i32
      scf.if %cond3A_103 {
        %add3A_118 = arith.constant 5 : i32
        %add3A_119 = arith.addi %add3A_91, %add3A_118 : i32
        %dma_start3A_120 = arith.constant 0 : i32
        %dma_start3A_121 = tpu.memref_slice %arg6[%add3A_119, %dma_start3A_120] : memref<250x40xi32, #tpu.memory_space<vmem>> -> memref<1x40xi32, #tpu.memory_space<vmem>>
        %dma_start3A_122 = tpu.memref_squeeze %dma_start3A_121 : memref<1x40xi32, #tpu.memory_space<vmem>> -> memref<40xi32, #tpu.memory_space<vmem>>
        %dma_start3A_123 = arith.constant 0 : i32
        %dma_start3A_124 = arith.constant 0 : i32
        %dma_start3A_125 = tpu.memref_slice %arg2[%dma_start3A_123, %dma_start3A_124] : memref<10240x128xf32, #tpu.memory_space<hbm>> -> memref<10240x128xf32, #tpu.memory_space<hbm>>
        tpu.enqueue_indirect_dma source(%dma_start3A_125 : memref<10240x128xf32, #tpu.memory_space<hbm>>) target(%arg11 : memref<40x128xf32, #tpu.memory_space<vmem>>) offsets(%dma_start3A_122 : memref<40xi32, #tpu.memory_space<vmem>>) semaphore(%arg17 : memref<!tpu.dma_semaphore, #tpu.memory_space<semaphore_mem>>)
      } else {
      }
      %add3A_104 = arith.constant 4 : i32
      %add3A_105 = arith.addi %mul3A_50, %add3A_104 : i32
      %lt3A_106 = arith.constant 250 : i32
      %lt3A_107 = arith.cmpi slt, %add3A_105, %lt3A_106 : i32
      %convert_element_type3A_108 = arith.extui %lt3A_107 : i1 to i32
      %cond3A_109 = arith.constant 0 : i32
      %cond3A_110 = arith.cmpi ne, %convert_element_type3A_108, %cond3A_109 : i32
      scf.if %cond3A_110 {
        %dma_wait3A = arith.constant 0 : i32
        %dma_wait3A_118 = tpu.memref_slice %arg6[%add3A_105, %dma_wait3A] : memref<250x40xi32, #tpu.memory_space<vmem>> -> memref<1x40xi32, #tpu.memory_space<vmem>>
        %dma_wait3A_119 = tpu.memref_squeeze %dma_wait3A_118 : memref<1x40xi32, #tpu.memory_space<vmem>> -> memref<40xi32, #tpu.memory_space<vmem>>
        %dma_wait3A_120 = arith.constant 0 : i32
        %dma_wait3A_121 = arith.constant 0 : i32
        %dma_wait3A_122 = tpu.memref_slice %arg2[%dma_wait3A_120, %dma_wait3A_121] : memref<10240x128xf32, #tpu.memory_space<hbm>> -> memref<10240x128xf32, #tpu.memory_space<hbm>>
        tpu.wait_indirect_dma semaphore(%arg18 : memref<!tpu.dma_semaphore, #tpu.memory_space<semaphore_mem>>) src(%dma_wait3A_122 : memref<10240x128xf32, #tpu.memory_space<hbm>>) dst(%arg12 : memref<40x128xf32, #tpu.memory_space<vmem>>)
        "tpu.region"() ({
          %run_scoped3A = tpu.sem_alloc : memref<!tpu.dma_semaphore, #tpu.memory_space<semaphore_mem>>
          %dma_start3A_123 = arith.constant 0 : i32
          %dma_start3A_124 = tpu.memref_slice %arg7[%add3A_105, %dma_start3A_123] : memref<250x40xi32, #tpu.memory_space<vmem>> -> memref<1x40xi32, #tpu.memory_space<vmem>>
          %dma_start3A_125 = tpu.memref_squeeze %dma_start3A_124 : memref<1x40xi32, #tpu.memory_space<vmem>> -> memref<40xi32, #tpu.memory_space<vmem>>
          %dma_start3A_126 = arith.constant 0 : i32
          %dma_start3A_127 = arith.constant 0 : i32
          %dma_start3A_128 = tpu.memref_slice %arg13[%dma_start3A_126, %dma_start3A_127] : memref<10240x128xf32, #tpu.memory_space<vmem_shared>> -> memref<10240x128xf32, #tpu.memory_space<vmem_shared>>
          tpu.enqueue_indirect_dma source(%arg12 : memref<40x128xf32, #tpu.memory_space<vmem>>) target(%dma_start3A_128 : memref<10240x128xf32, #tpu.memory_space<vmem_shared>>) offsets(%dma_start3A_125 : memref<40xi32, #tpu.memory_space<vmem>>) semaphore(%run_scoped3A : memref<!tpu.dma_semaphore, #tpu.memory_space<semaphore_mem>>) {add = true}
          %dma_wait3A_129 = arith.constant 0 : i32
          %dma_wait3A_130 = tpu.memref_slice %arg7[%add3A_105, %dma_wait3A_129] : memref<250x40xi32, #tpu.memory_space<vmem>> -> memref<1x40xi32, #tpu.memory_space<vmem>>
          %dma_wait3A_131 = tpu.memref_squeeze %dma_wait3A_130 : memref<1x40xi32, #tpu.memory_space<vmem>> -> memref<40xi32, #tpu.memory_space<vmem>>
          %dma_wait3A_132 = arith.constant 0 : i32
          %dma_wait3A_133 = arith.constant 0 : i32
          %dma_wait3A_134 = tpu.memref_slice %arg13[%dma_wait3A_132, %dma_wait3A_133] : memref<10240x128xf32, #tpu.memory_space<vmem_shared>> -> memref<10240x128xf32, #tpu.memory_space<vmem_shared>>
          tpu.wait_indirect_dma semaphore(%run_scoped3A : memref<!tpu.dma_semaphore, #tpu.memory_space<semaphore_mem>>) src(%arg12 : memref<40x128xf32, #tpu.memory_space<vmem>>) dst(%dma_wait3A_134 : memref<10240x128xf32, #tpu.memory_space<vmem_shared>>)
          tpu.yield
        }) : () -> ()
      } else {
      }
      %add3A_111 = arith.constant 5 : i32
      %add3A_112 = arith.addi %add3A_105, %add3A_111 : i32
      %lt3A_113 = arith.constant 250 : i32
      %lt3A_114 = arith.cmpi slt, %add3A_112, %lt3A_113 : i32
      %convert_element_type3A_115 = arith.extui %lt3A_114 : i1 to i32
      %cond3A_116 = arith.constant 0 : i32
      %cond3A_117 = arith.cmpi ne, %convert_element_type3A_115, %cond3A_116 : i32
      scf.if %cond3A_117 {
        %add3A_118 = arith.constant 5 : i32
        %add3A_119 = arith.addi %add3A_105, %add3A_118 : i32
        %dma_start3A_120 = arith.constant 0 : i32
        %dma_start3A_121 = tpu.memref_slice %arg6[%add3A_119, %dma_start3A_120] : memref<250x40xi32, #tpu.memory_space<vmem>> -> memref<1x40xi32, #tpu.memory_space<vmem>>
        %dma_start3A_122 = tpu.memref_squeeze %dma_start3A_121 : memref<1x40xi32, #tpu.memory_space<vmem>> -> memref<40xi32, #tpu.memory_space<vmem>>
        %dma_start3A_123 = arith.constant 0 : i32
        %dma_start3A_124 = arith.constant 0 : i32
        %dma_start3A_125 = tpu.memref_slice %arg2[%dma_start3A_123, %dma_start3A_124] : memref<10240x128xf32, #tpu.memory_space<hbm>> -> memref<10240x128xf32, #tpu.memory_space<hbm>>
        tpu.enqueue_indirect_dma source(%dma_start3A_125 : memref<10240x128xf32, #tpu.memory_space<hbm>>) target(%arg12 : memref<40x128xf32, #tpu.memory_space<vmem>>) offsets(%dma_start3A_122 : memref<40xi32, #tpu.memory_space<vmem>>) semaphore(%arg18 : memref<!tpu.dma_semaphore, #tpu.memory_space<semaphore_mem>>)
      } else {
      }
    }
    %scan3A_42 = arith.constant 50 : i32
    %barrier3A_43 = arith.constant 0 : index
    tpu.barrier barrier_id(%barrier3A_43)
    %mul3A_44 = arith.constant 640 : i32
    %mul3A_45 = arith.muli %arg1, %mul3A_44 : i32
    %mul3A_46 = arith.constant 640 : i32
    %mul3A_47 = arith.muli %arg1, %mul3A_46 : i32
    "tpu.region"() ({
      %run_scoped3A = tpu.sem_alloc : memref<!tpu.dma_semaphore, #tpu.memory_space<semaphore_mem>>
      %dma_start3A_48 = arith.constant 0 : i32
      %dma_start3A_49 = tpu.memref_slice %arg5[%arg0, %mul3A_47, %dma_start3A_48] : memref<2x10240x128xf32, #tpu.memory_space<hbm>> -> memref<1x640x128xf32, #tpu.memory_space<hbm>>
      %dma_start3A_50 = tpu.memref_squeeze %dma_start3A_49 : memref<1x640x128xf32, #tpu.memory_space<hbm>> -> memref<640x128xf32, #tpu.memory_space<hbm>>
      %dma_start3A_51 = arith.constant 0 : i32
      %dma_start3A_52 = tpu.memref_slice %arg13[%mul3A_45, %dma_start3A_51] : memref<10240x128xf32, #tpu.memory_space<vmem_shared>> -> memref<640x128xf32, #tpu.memory_space<vmem_shared>>
      tpu.enqueue_dma source(%dma_start3A_52 : memref<640x128xf32, #tpu.memory_space<vmem_shared>>) target(%dma_start3A_50 : memref<640x128xf32, #tpu.memory_space<hbm>>) target_semaphore(%run_scoped3A : memref<!tpu.dma_semaphore, #tpu.memory_space<semaphore_mem>>)
      %dma_wait3A = arith.constant 0 : i32
      %dma_wait3A_53 = tpu.memref_slice %arg5[%arg0, %mul3A_47, %dma_wait3A] : memref<2x10240x128xf32, #tpu.memory_space<hbm>> -> memref<1x640x128xf32, #tpu.memory_space<hbm>>
      %dma_wait3A_54 = tpu.memref_squeeze %dma_wait3A_53 : memref<1x640x128xf32, #tpu.memory_space<hbm>> -> memref<640x128xf32, #tpu.memory_space<hbm>>
      %dma_wait3A_55 = arith.constant 0 : i32
      %dma_wait3A_56 = tpu.memref_slice %arg13[%mul3A_45, %dma_wait3A_55] : memref<10240x128xf32, #tpu.memory_space<vmem_shared>> -> memref<640x128xf32, #tpu.memory_space<vmem_shared>>
      tpu.wait_dma2 semaphore(%run_scoped3A : memref<!tpu.dma_semaphore, #tpu.memory_space<semaphore_mem>>) src(%dma_wait3A_56 : memref<640x128xf32, #tpu.memory_space<vmem_shared>>) dst(%dma_wait3A_54 : memref<640x128xf32, #tpu.memory_space<hbm>>)
      tpu.yield
    }) : () -> ()
    return
  }
}

#map = affine_map<(d0, d1) -> (0, 0, 0)>
module attributes {stable_mosaic.version = 14 : i64} {
  func.func @_deg_kernel(%arg0: i32, %arg1: i32, %arg2: memref<32x250x40xi32, #tpu.memory_space<hbm>>, %arg3: memref<2x10240x16xf32, #tpu.memory_space<hbm>>, %arg4: memref<250x40xi32, #tpu.memory_space<vmem>>, %arg5: memref<640x16xf32, #tpu.memory_space<vmem>>, %arg6: memref<10240x16xf32, #tpu.memory_space<vmem_shared>>, %arg7: memref<!tpu.dma_semaphore, #tpu.memory_space<semaphore_mem>>) attributes {dimension_semantics = [#tpu.dimension_semantics<core_parallel>, #tpu.dimension_semantics<subcore_parallel>], iteration_bounds = array<i64: 2, 16>, scalar_prefetch = 0 : i64, scratch_operands = 4 : i64, tpu.core_type = #tpu.core_type<sc_vector_subcore>, window_params = [{transform_indices = #map}, {transform_indices = #map}]} {
    %mul3A = arith.constant 16 : i32
    %mul3A_0 = arith.muli %arg0, %mul3A : i32
    %add3A = arith.addi %mul3A_0, %arg1 : i32
    "tpu.region"() ({
      %run_scoped3A = tpu.sem_alloc : memref<!tpu.dma_semaphore, #tpu.memory_space<semaphore_mem>>
      %dma_start3A = arith.constant 0 : i32
      %dma_start3A_17 = arith.constant 0 : i32
      %dma_start3A_18 = tpu.memref_slice %arg2[%add3A, %dma_start3A, %dma_start3A_17] : memref<32x250x40xi32, #tpu.memory_space<hbm>> -> memref<1x250x40xi32, #tpu.memory_space<hbm>>
      %dma_start3A_19 = tpu.memref_squeeze %dma_start3A_18 : memref<1x250x40xi32, #tpu.memory_space<hbm>> -> memref<250x40xi32, #tpu.memory_space<hbm>>
      %dma_start3A_20 = arith.constant 0 : i32
      %dma_start3A_21 = arith.constant 0 : i32
      %dma_start3A_22 = tpu.memref_slice %arg2[%add3A, %dma_start3A_20, %dma_start3A_21] : memref<32x250x40xi32, #tpu.memory_space<hbm>> -> memref<1x250x40xi32, #tpu.memory_space<hbm>>
      %dma_start3A_23 = tpu.memref_squeeze %dma_start3A_22 : memref<1x250x40xi32, #tpu.memory_space<hbm>> -> memref<250x40xi32, #tpu.memory_space<hbm>>
      tpu.enqueue_dma source(%dma_start3A_23 : memref<250x40xi32, #tpu.memory_space<hbm>>) target(%arg4 : memref<250x40xi32, #tpu.memory_space<vmem>>) target_semaphore(%run_scoped3A : memref<!tpu.dma_semaphore, #tpu.memory_space<semaphore_mem>>)
      %dma_wait3A = arith.constant 0 : i32
      %dma_wait3A_24 = arith.constant 0 : i32
      %dma_wait3A_25 = tpu.memref_slice %arg2[%add3A, %dma_wait3A, %dma_wait3A_24] : memref<32x250x40xi32, #tpu.memory_space<hbm>> -> memref<1x250x40xi32, #tpu.memory_space<hbm>>
      %dma_wait3A_26 = tpu.memref_squeeze %dma_wait3A_25 : memref<1x250x40xi32, #tpu.memory_space<hbm>> -> memref<250x40xi32, #tpu.memory_space<hbm>>
      %dma_wait3A_27 = arith.constant 0 : i32
      %dma_wait3A_28 = arith.constant 0 : i32
      %dma_wait3A_29 = tpu.memref_slice %arg2[%add3A, %dma_wait3A_27, %dma_wait3A_28] : memref<32x250x40xi32, #tpu.memory_space<hbm>> -> memref<1x250x40xi32, #tpu.memory_space<hbm>>
      %dma_wait3A_30 = tpu.memref_squeeze %dma_wait3A_29 : memref<1x250x40xi32, #tpu.memory_space<hbm>> -> memref<250x40xi32, #tpu.memory_space<hbm>>
      tpu.wait_dma2 semaphore(%run_scoped3A : memref<!tpu.dma_semaphore, #tpu.memory_space<semaphore_mem>>) src(%dma_wait3A_30 : memref<250x40xi32, #tpu.memory_space<hbm>>) dst(%arg4 : memref<250x40xi32, #tpu.memory_space<vmem>>)
      tpu.yield
    }) : () -> ()
    %scan3A = arith.constant 0 : i32
    %scan3A_1 = arith.constant 640 : i32
    %scan3A_2 = arith.addi %scan3A, %scan3A_1 : i32
    %scan3A_3 = arith.constant 1 : i32
    scf.for %scan3A_17 = %scan3A to %scan3A_2 step %scan3A_3  : i32 {
      %broadcast_in_dim3A = arith.constant 1.000000e+00 : f32
      %broadcast_in_dim3A_18 = vector.broadcast %broadcast_in_dim3A : f32 to vector<16xf32>
      %swap3A = arith.index_cast %scan3A_17 : i32 to index
      %swap3A_19 = arith.constant 0 : index
      %swap3A_20 = tpu.vector_load %arg5[%swap3A, %swap3A_19] {strides = array<i32>} : memref<640x16xf32, #tpu.memory_space<vmem>>, vector<1x16xf32>,
      %swap3A_21 = vector.shape_cast %swap3A_20 : vector<1x16xf32> to vector<16xf32>
      %swap3A_22 = vector.shape_cast %broadcast_in_dim3A_18 : vector<16xf32> to vector<1x16xf32>
      tpu.vector_store %arg5[%swap3A, %swap3A_19], %swap3A_22 {strides = array<i32>} : memref<640x16xf32, #tpu.memory_space<vmem>>, vector<1x16xf32>,
    }
    %scan3A_4 = arith.constant 640 : i32
    %mul3A_5 = arith.constant 640 : i32
    %mul3A_6 = arith.muli %arg1, %mul3A_5 : i32
    "tpu.region"() ({
      %run_scoped3A = tpu.sem_alloc : memref<!tpu.dma_semaphore, #tpu.memory_space<semaphore_mem>>
      %dma_start3A = arith.constant 0 : i32
      %dma_start3A_17 = tpu.memref_slice %arg6[%mul3A_6, %dma_start3A] : memref<10240x16xf32, #tpu.memory_space<vmem_shared>> -> memref<640x16xf32, #tpu.memory_space<vmem_shared>>
      %dma_start3A_18 = arith.constant 0 : i32
      %dma_start3A_19 = tpu.memref_slice %arg6[%mul3A_6, %dma_start3A_18] : memref<10240x16xf32, #tpu.memory_space<vmem_shared>> -> memref<640x16xf32, #tpu.memory_space<vmem_shared>>
      tpu.enqueue_dma source(%arg5 : memref<640x16xf32, #tpu.memory_space<vmem>>) target(%dma_start3A_19 : memref<640x16xf32, #tpu.memory_space<vmem_shared>>) target_semaphore(%run_scoped3A : memref<!tpu.dma_semaphore, #tpu.memory_space<semaphore_mem>>)
      %dma_wait3A = arith.constant 0 : i32
      %dma_wait3A_20 = tpu.memref_slice %arg6[%mul3A_6, %dma_wait3A] : memref<10240x16xf32, #tpu.memory_space<vmem_shared>> -> memref<640x16xf32, #tpu.memory_space<vmem_shared>>
      %dma_wait3A_21 = arith.constant 0 : i32
      %dma_wait3A_22 = tpu.memref_slice %arg6[%mul3A_6, %dma_wait3A_21] : memref<10240x16xf32, #tpu.memory_space<vmem_shared>> -> memref<640x16xf32, #tpu.memory_space<vmem_shared>>
      tpu.wait_dma2 semaphore(%run_scoped3A : memref<!tpu.dma_semaphore, #tpu.memory_space<semaphore_mem>>) src(%arg5 : memref<640x16xf32, #tpu.memory_space<vmem>>) dst(%dma_wait3A_22 : memref<640x16xf32, #tpu.memory_space<vmem_shared>>)
      tpu.yield
    }) : () -> ()
    %barrier3A = arith.constant 0 : index
    tpu.barrier barrier_id(%barrier3A)
    %scan3A_7 = arith.constant 0 : i32
    %scan3A_8 = arith.constant 250 : i32
    %scan3A_9 = arith.addi %scan3A_7, %scan3A_8 : i32
    %scan3A_10 = arith.constant 1 : i32
    scf.for %scan3A_17 = %scan3A_7 to %scan3A_9 step %scan3A_10  : i32 {
      "tpu.region"() ({
        %run_scoped3A = tpu.sem_alloc : memref<!tpu.dma_semaphore, #tpu.memory_space<semaphore_mem>>
        %dma_start3A = arith.constant 0 : i32
        %dma_start3A_18 = arith.constant 0 : i32
        %dma_start3A_19 = tpu.memref_slice %arg5[%dma_start3A, %dma_start3A_18] : memref<640x16xf32, #tpu.memory_space<vmem>> -> memref<40x16xf32, #tpu.memory_space<vmem>>
        %dma_start3A_20 = arith.constant 0 : i32
        %dma_start3A_21 = tpu.memref_slice %arg4[%scan3A_17, %dma_start3A_20] : memref<250x40xi32, #tpu.memory_space<vmem>> -> memref<1x40xi32, #tpu.memory_space<vmem>>
        %dma_start3A_22 = tpu.memref_squeeze %dma_start3A_21 : memref<1x40xi32, #tpu.memory_space<vmem>> -> memref<40xi32, #tpu.memory_space<vmem>>
        %dma_start3A_23 = arith.constant 0 : i32
        %dma_start3A_24 = arith.constant 0 : i32
        %dma_start3A_25 = tpu.memref_slice %arg6[%dma_start3A_23, %dma_start3A_24] : memref<10240x16xf32, #tpu.memory_space<vmem_shared>> -> memref<10240x16xf32, #tpu.memory_space<vmem_shared>>
        tpu.enqueue_indirect_dma source(%dma_start3A_19 : memref<40x16xf32, #tpu.memory_space<vmem>>) target(%dma_start3A_25 : memref<10240x16xf32, #tpu.memory_space<vmem_shared>>) offsets(%dma_start3A_22 : memref<40xi32, #tpu.memory_space<vmem>>) semaphore(%run_scoped3A : memref<!tpu.dma_semaphore, #tpu.memory_space<semaphore_mem>>) {add = true}
        %dma_wait3A = arith.constant 0 : i32
        %dma_wait3A_26 = arith.constant 0 : i32
        %dma_wait3A_27 = tpu.memref_slice %arg5[%dma_wait3A, %dma_wait3A_26] : memref<640x16xf32, #tpu.memory_space<vmem>> -> memref<40x16xf32, #tpu.memory_space<vmem>>
        %dma_wait3A_28 = arith.constant 0 : i32
        %dma_wait3A_29 = tpu.memref_slice %arg4[%scan3A_17, %dma_wait3A_28] : memref<250x40xi32, #tpu.memory_space<vmem>> -> memref<1x40xi32, #tpu.memory_space<vmem>>
        %dma_wait3A_30 = tpu.memref_squeeze %dma_wait3A_29 : memref<1x40xi32, #tpu.memory_space<vmem>> -> memref<40xi32, #tpu.memory_space<vmem>>
        %dma_wait3A_31 = arith.constant 0 : i32
        %dma_wait3A_32 = arith.constant 0 : i32
        %dma_wait3A_33 = tpu.memref_slice %arg6[%dma_wait3A_31, %dma_wait3A_32] : memref<10240x16xf32, #tpu.memory_space<vmem_shared>> -> memref<10240x16xf32, #tpu.memory_space<vmem_shared>>
        tpu.wait_indirect_dma semaphore(%run_scoped3A : memref<!tpu.dma_semaphore, #tpu.memory_space<semaphore_mem>>) src(%dma_wait3A_27 : memref<40x16xf32, #tpu.memory_space<vmem>>) dst(%dma_wait3A_33 : memref<10240x16xf32, #tpu.memory_space<vmem_shared>>)
        tpu.yield
      }) : () -> ()
    }
    %scan3A_11 = arith.constant 250 : i32
    %barrier3A_12 = arith.constant 0 : index
    tpu.barrier barrier_id(%barrier3A_12)
    %mul3A_13 = arith.constant 640 : i32
    %mul3A_14 = arith.muli %arg1, %mul3A_13 : i32
    %mul3A_15 = arith.constant 640 : i32
    %mul3A_16 = arith.muli %arg1, %mul3A_15 : i32
    "tpu.region"() ({
      %run_scoped3A = tpu.sem_alloc : memref<!tpu.dma_semaphore, #tpu.memory_space<semaphore_mem>>
      %dma_start3A = arith.constant 0 : i32
      %dma_start3A_17 = tpu.memref_slice %arg3[%arg0, %mul3A_16, %dma_start3A] : memref<2x10240x16xf32, #tpu.memory_space<hbm>> -> memref<1x640x16xf32, #tpu.memory_space<hbm>>
      %dma_start3A_18 = tpu.memref_squeeze %dma_start3A_17 : memref<1x640x16xf32, #tpu.memory_space<hbm>> -> memref<640x16xf32, #tpu.memory_space<hbm>>
      %dma_start3A_19 = arith.constant 0 : i32
      %dma_start3A_20 = tpu.memref_slice %arg6[%mul3A_14, %dma_start3A_19] : memref<10240x16xf32, #tpu.memory_space<vmem_shared>> -> memref<640x16xf32, #tpu.memory_space<vmem_shared>>
      tpu.enqueue_dma source(%dma_start3A_20 : memref<640x16xf32, #tpu.memory_space<vmem_shared>>) target(%dma_start3A_18 : memref<640x16xf32, #tpu.memory_space<hbm>>) target_semaphore(%run_scoped3A : memref<!tpu.dma_semaphore, #tpu.memory_space<semaphore_mem>>)
      %dma_wait3A = arith.constant 0 : i32
      %dma_wait3A_21 = tpu.memref_slice %arg3[%arg0, %mul3A_16, %dma_wait3A] : memref<2x10240x16xf32, #tpu.memory_space<hbm>> -> memref<1x640x16xf32, #tpu.memory_space<hbm>>
      %dma_wait3A_22 = tpu.memref_squeeze %dma_wait3A_21 : memref<1x640x16xf32, #tpu.memory_space<hbm>> -> memref<640x16xf32, #tpu.memory_space<hbm>>
      %dma_wait3A_23 = arith.constant 0 : i32
      %dma_wait3A_24 = tpu.memref_slice %arg6[%mul3A_14, %dma_wait3A_23] : memref<10240x16xf32, #tpu.memory_space<vmem_shared>> -> memref<640x16xf32, #tpu.memory_space<vmem_shared>>
      tpu.wait_dma2 semaphore(%run_scoped3A : memref<!tpu.dma_semaphore, #tpu.memory_space<semaphore_mem>>) src(%dma_wait3A_24 : memref<640x16xf32, #tpu.memory_space<vmem_shared>>) dst(%dma_wait3A_22 : memref<640x16xf32, #tpu.memory_space<hbm>>)
      tpu.yield
    }) : () -> ()
    return
  }
}

#map = affine_map<(d0, d1) -> (0, 0)>
#map1 = affine_map<(d0, d1) -> (0, 0, 0)>
module attributes {stable_mosaic.version = 14 : i64} {
  func.func @_prop_kernel(%arg0: i32, %arg1: i32, %arg2: memref<10240x128xf32, #tpu.memory_space<hbm>>, %arg3: memref<32x250x40xi32, #tpu.memory_space<hbm>>, %arg4: memref<32x250x40xi32, #tpu.memory_space<hbm>>, %arg5: memref<2x10240x128xf32, #tpu.memory_space<hbm>>, %arg6: memref<250x40xi32, #tpu.memory_space<vmem>>, %arg7: memref<250x40xi32, #tpu.memory_space<vmem>>, %arg8: memref<40x128xf32, #tpu.memory_space<vmem>>, %arg9: memref<40x128xf32, #tpu.memory_space<vmem>>, %arg10: memref<40x128xf32, #tpu.memory_space<vmem>>, %arg11: memref<40x128xf32, #tpu.memory_space<vmem>>, %arg12: memref<40x128xf32, #tpu.memory_space<vmem>>, %arg13: memref<10240x128xf32, #tpu.memory_space<vmem_shared>>, %arg14: memref<!tpu.dma_semaphore, #tpu.memory_space<semaphore_mem>>, %arg15: memref<!tpu.dma_semaphore, #tpu.memory_space<semaphore_mem>>, %arg16: memref<!tpu.dma_semaphore, #tpu.memory_space<semaphore_mem>>, %arg17: memref<!tpu.dma_semaphore, #tpu.memory_space<semaphore_mem>>, %arg18: memref<!tpu.dma_semaphore, #tpu.memory_space<semaphore_mem>>) attributes {dimension_semantics = [#tpu.dimension_semantics<core_parallel>, #tpu.dimension_semantics<subcore_parallel>], iteration_bounds = array<i64: 2, 16>, scalar_prefetch = 0 : i64, scratch_operands = 13 : i64, tpu.core_type = #tpu.core_type<sc_vector_subcore>, window_params = [{transform_indices = #map}, {transform_indices = #map1}, {transform_indices = #map1}, {transform_indices = #map1}]} {
    %mul3A = arith.constant 16 : i32
    %mul3A_0 = arith.muli %arg0, %mul3A : i32
    %add3A = arith.addi %mul3A_0, %arg1 : i32
    "tpu.region"() ({
      %run_scoped3A = tpu.sem_alloc : memref<!tpu.dma_semaphore, #tpu.memory_space<semaphore_mem>>
      %dma_start3A_48 = arith.constant 0 : i32
      %dma_start3A_49 = arith.constant 0 : i32
      %dma_start3A_50 = tpu.memref_slice %arg3[%add3A, %dma_start3A_48, %dma_start3A_49] : memref<32x250x40xi32, #tpu.memory_space<hbm>> -> memref<1x250x40xi32, #tpu.memory_space<hbm>>
      %dma_start3A_51 = tpu.memref_squeeze %dma_start3A_50 : memref<1x250x40xi32, #tpu.memory_space<hbm>> -> memref<250x40xi32, #tpu.memory_space<hbm>>
      %dma_start3A_52 = arith.constant 0 : i32
      %dma_start3A_53 = arith.constant 0 : i32
      %dma_start3A_54 = tpu.memref_slice %arg3[%add3A, %dma_start3A_52, %dma_start3A_53] : memref<32x250x40xi32, #tpu.memory_space<hbm>> -> memref<1x250x40xi32, #tpu.memory_space<hbm>>
      %dma_start3A_55 = tpu.memref_squeeze %dma_start3A_54 : memref<1x250x40xi32, #tpu.memory_space<hbm>> -> memref<250x40xi32, #tpu.memory_space<hbm>>
      tpu.enqueue_dma source(%dma_start3A_55 : memref<250x40xi32, #tpu.memory_space<hbm>>) target(%arg6 : memref<250x40xi32, #tpu.memory_space<vmem>>) target_semaphore(%run_scoped3A : memref<!tpu.dma_semaphore, #tpu.memory_space<semaphore_mem>>)
      %dma_wait3A = arith.constant 0 : i32
      %dma_wait3A_56 = arith.constant 0 : i32
      %dma_wait3A_57 = tpu.memref_slice %arg3[%add3A, %dma_wait3A, %dma_wait3A_56] : memref<32x250x40xi32, #tpu.memory_space<hbm>> -> memref<1x250x40xi32, #tpu.memory_space<hbm>>
      %dma_wait3A_58 = tpu.memref_squeeze %dma_wait3A_57 : memref<1x250x40xi32, #tpu.memory_space<hbm>> -> memref<250x40xi32, #tpu.memory_space<hbm>>
      %dma_wait3A_59 = arith.constant 0 : i32
      %dma_wait3A_60 = arith.constant 0 : i32
      %dma_wait3A_61 = tpu.memref_slice %arg3[%add3A, %dma_wait3A_59, %dma_wait3A_60] : memref<32x250x40xi32, #tpu.memory_space<hbm>> -> memref<1x250x40xi32, #tpu.memory_space<hbm>>
      %dma_wait3A_62 = tpu.memref_squeeze %dma_wait3A_61 : memref<1x250x40xi32, #tpu.memory_space<hbm>> -> memref<250x40xi32, #tpu.memory_space<hbm>>
      tpu.wait_dma2 semaphore(%run_scoped3A : memref<!tpu.dma_semaphore, #tpu.memory_space<semaphore_mem>>) src(%dma_wait3A_62 : memref<250x40xi32, #tpu.memory_space<hbm>>) dst(%arg6 : memref<250x40xi32, #tpu.memory_space<vmem>>)
      tpu.yield
    }) : () -> ()
    "tpu.region"() ({
      %run_scoped3A = tpu.sem_alloc : memref<!tpu.dma_semaphore, #tpu.memory_space<semaphore_mem>>
      %dma_start3A_48 = arith.constant 0 : i32
      %dma_start3A_49 = arith.constant 0 : i32
      %dma_start3A_50 = tpu.memref_slice %arg4[%add3A, %dma_start3A_48, %dma_start3A_49] : memref<32x250x40xi32, #tpu.memory_space<hbm>> -> memref<1x250x40xi32, #tpu.memory_space<hbm>>
      %dma_start3A_51 = tpu.memref_squeeze %dma_start3A_50 : memref<1x250x40xi32, #tpu.memory_space<hbm>> -> memref<250x40xi32, #tpu.memory_space<hbm>>
      %dma_start3A_52 = arith.constant 0 : i32
      %dma_start3A_53 = arith.constant 0 : i32
      %dma_start3A_54 = tpu.memref_slice %arg4[%add3A, %dma_start3A_52, %dma_start3A_53] : memref<32x250x40xi32, #tpu.memory_space<hbm>> -> memref<1x250x40xi32, #tpu.memory_space<hbm>>
      %dma_start3A_55 = tpu.memref_squeeze %dma_start3A_54 : memref<1x250x40xi32, #tpu.memory_space<hbm>> -> memref<250x40xi32, #tpu.memory_space<hbm>>
      tpu.enqueue_dma source(%dma_start3A_55 : memref<250x40xi32, #tpu.memory_space<hbm>>) target(%arg7 : memref<250x40xi32, #tpu.memory_space<vmem>>) target_semaphore(%run_scoped3A : memref<!tpu.dma_semaphore, #tpu.memory_space<semaphore_mem>>)
      %dma_wait3A = arith.constant 0 : i32
      %dma_wait3A_56 = arith.constant 0 : i32
      %dma_wait3A_57 = tpu.memref_slice %arg4[%add3A, %dma_wait3A, %dma_wait3A_56] : memref<32x250x40xi32, #tpu.memory_space<hbm>> -> memref<1x250x40xi32, #tpu.memory_space<hbm>>
      %dma_wait3A_58 = tpu.memref_squeeze %dma_wait3A_57 : memref<1x250x40xi32, #tpu.memory_space<hbm>> -> memref<250x40xi32, #tpu.memory_space<hbm>>
      %dma_wait3A_59 = arith.constant 0 : i32
      %dma_wait3A_60 = arith.constant 0 : i32
      %dma_wait3A_61 = tpu.memref_slice %arg4[%add3A, %dma_wait3A_59, %dma_wait3A_60] : memref<32x250x40xi32, #tpu.memory_space<hbm>> -> memref<1x250x40xi32, #tpu.memory_space<hbm>>
      %dma_wait3A_62 = tpu.memref_squeeze %dma_wait3A_61 : memref<1x250x40xi32, #tpu.memory_space<hbm>> -> memref<250x40xi32, #tpu.memory_space<hbm>>
      tpu.wait_dma2 semaphore(%run_scoped3A : memref<!tpu.dma_semaphore, #tpu.memory_space<semaphore_mem>>) src(%dma_wait3A_62 : memref<250x40xi32, #tpu.memory_space<hbm>>) dst(%arg7 : memref<250x40xi32, #tpu.memory_space<vmem>>)
      tpu.yield
    }) : () -> ()
    %mul3A_1 = arith.constant 640 : i32
    %mul3A_2 = arith.muli %arg1, %mul3A_1 : i32
    %mul3A_3 = arith.constant 640 : i32
    %mul3A_4 = arith.muli %arg1, %mul3A_3 : i32
    "tpu.region"() ({
      %run_scoped3A = tpu.sem_alloc : memref<!tpu.dma_semaphore, #tpu.memory_space<semaphore_mem>>
      %dma_start3A_48 = arith.constant 0 : i32
      %dma_start3A_49 = tpu.memref_slice %arg13[%mul3A_4, %dma_start3A_48] : memref<10240x128xf32, #tpu.memory_space<vmem_shared>> -> memref<640x128xf32, #tpu.memory_space<vmem_shared>>
      %dma_start3A_50 = arith.constant 0 : i32
      %dma_start3A_51 = tpu.memref_slice %arg2[%mul3A_2, %dma_start3A_50] : memref<10240x128xf32, #tpu.memory_space<hbm>> -> memref<640x128xf32, #tpu.memory_space<hbm>>
      tpu.enqueue_dma source(%dma_start3A_51 : memref<640x128xf32, #tpu.memory_space<hbm>>) target(%dma_start3A_49 : memref<640x128xf32, #tpu.memory_space<vmem_shared>>) target_semaphore(%run_scoped3A : memref<!tpu.dma_semaphore, #tpu.memory_space<semaphore_mem>>)
      %dma_wait3A = arith.constant 0 : i32
      %dma_wait3A_52 = tpu.memref_slice %arg13[%mul3A_4, %dma_wait3A] : memref<10240x128xf32, #tpu.memory_space<vmem_shared>> -> memref<640x128xf32, #tpu.memory_space<vmem_shared>>
      %dma_wait3A_53 = arith.constant 0 : i32
      %dma_wait3A_54 = tpu.memref_slice %arg2[%mul3A_2, %dma_wait3A_53] : memref<10240x128xf32, #tpu.memory_space<hbm>> -> memref<640x128xf32, #tpu.memory_space<hbm>>
      tpu.wait_dma2 semaphore(%run_scoped3A : memref<!tpu.dma_semaphore, #tpu.memory_space<semaphore_mem>>) src(%dma_wait3A_54 : memref<640x128xf32, #tpu.memory_space<hbm>>) dst(%dma_wait3A_52 : memref<640x128xf32, #tpu.memory_space<vmem_shared>>)
      tpu.yield
    }) : () -> ()
    %barrier3A = arith.constant 0 : index
    tpu.barrier barrier_id(%barrier3A)
    %dma_start3A = arith.constant 0 : i32
    %dma_start3A_5 = arith.constant 0 : i32
    %dma_start3A_6 = tpu.memref_slice %arg6[%dma_start3A, %dma_start3A_5] : memref<250x40xi32, #tpu.memory_space<vmem>> -> memref<1x40xi32, #tpu.memory_space<vmem>>
    %dma_start3A_7 = tpu.memref_squeeze %dma_start3A_6 : memref<1x40xi32, #tpu.memory_space<vmem>> -> memref<40xi32, #tpu.memory_space<vmem>>
    %dma_start3A_8 = arith.constant 0 : i32
    %dma_start3A_9 = arith.constant 0 : i32
    %dma_start3A_10 = tpu.memref_slice %arg2[%dma_start3A_8, %dma_start3A_9] : memref<10240x128xf32, #tpu.memory_space<hbm>> -> memref<10240x128xf32, #tpu.memory_space<hbm>>
    tpu.enqueue_indirect_dma source(%dma_start3A_10 : memref<10240x128xf32, #tpu.memory_space<hbm>>) target(%arg8 : memref<40x128xf32, #tpu.memory_space<vmem>>) offsets(%dma_start3A_7 : memref<40xi32, #tpu.memory_space<vmem>>) semaphore(%arg14 : memref<!tpu.dma_semaphore, #tpu.memory_space<semaphore_mem>>)
    %dma_start3A_11 = arith.constant 1 : i32
    %dma_start3A_12 = arith.constant 0 : i32
    %dma_start3A_13 = tpu.memref_slice %arg6[%dma_start3A_11, %dma_start3A_12] : memref<250x40xi32, #tpu.memory_space<vmem>> -> memref<1x40xi32, #tpu.memory_space<vmem>>
    %dma_start3A_14 = tpu.memref_squeeze %dma_start3A_13 : memref<1x40xi32, #tpu.memory_space<vmem>> -> memref<40xi32, #tpu.memory_space<vmem>>
    %dma_start3A_15 = arith.constant 0 : i32
    %dma_start3A_16 = arith.constant 0 : i32
    %dma_start3A_17 = tpu.memref_slice %arg2[%dma_start3A_15, %dma_start3A_16] : memref<10240x128xf32, #tpu.memory_space<hbm>> -> memref<10240x128xf32, #tpu.memory_space<hbm>>
    tpu.enqueue_indirect_dma source(%dma_start3A_17 : memref<10240x128xf32, #tpu.memory_space<hbm>>) target(%arg9 : memref<40x128xf32, #tpu.memory_space<vmem>>) offsets(%dma_start3A_14 : memref<40xi32, #tpu.memory_space<vmem>>) semaphore(%arg15 : memref<!tpu.dma_semaphore, #tpu.memory_space<semaphore_mem>>)
    %dma_start3A_18 = arith.constant 2 : i32
    %dma_start3A_19 = arith.constant 0 : i32
    %dma_start3A_20 = tpu.memref_slice %arg6[%dma_start3A_18, %dma_start3A_19] : memref<250x40xi32, #tpu.memory_space<vmem>> -> memref<1x40xi32, #tpu.memory_space<vmem>>
    %dma_start3A_21 = tpu.memref_squeeze %dma_start3A_20 : memref<1x40xi32, #tpu.memory_space<vmem>> -> memref<40xi32, #tpu.memory_space<vmem>>
    %dma_start3A_22 = arith.constant 0 : i32
    %dma_start3A_23 = arith.constant 0 : i32
    %dma_start3A_24 = tpu.memref_slice %arg2[%dma_start3A_22, %dma_start3A_23] : memref<10240x128xf32, #tpu.memory_space<hbm>> -> memref<10240x128xf32, #tpu.memory_space<hbm>>
    tpu.enqueue_indirect_dma source(%dma_start3A_24 : memref<10240x128xf32, #tpu.memory_space<hbm>>) target(%arg10 : memref<40x128xf32, #tpu.memory_space<vmem>>) offsets(%dma_start3A_21 : memref<40xi32, #tpu.memory_space<vmem>>) semaphore(%arg16 : memref<!tpu.dma_semaphore, #tpu.memory_space<semaphore_mem>>)
    %dma_start3A_25 = arith.constant 3 : i32
    %dma_start3A_26 = arith.constant 0 : i32
    %dma_start3A_27 = tpu.memref_slice %arg6[%dma_start3A_25, %dma_start3A_26] : memref<250x40xi32, #tpu.memory_space<vmem>> -> memref<1x40xi32, #tpu.memory_space<vmem>>
    %dma_start3A_28 = tpu.memref_squeeze %dma_start3A_27 : memref<1x40xi32, #tpu.memory_space<vmem>> -> memref<40xi32, #tpu.memory_space<vmem>>
    %dma_start3A_29 = arith.constant 0 : i32
    %dma_start3A_30 = arith.constant 0 : i32
    %dma_start3A_31 = tpu.memref_slice %arg2[%dma_start3A_29, %dma_start3A_30] : memref<10240x128xf32, #tpu.memory_space<hbm>> -> memref<10240x128xf32, #tpu.memory_space<hbm>>
    tpu.enqueue_indirect_dma source(%dma_start3A_31 : memref<10240x128xf32, #tpu.memory_space<hbm>>) target(%arg11 : memref<40x128xf32, #tpu.memory_space<vmem>>) offsets(%dma_start3A_28 : memref<40xi32, #tpu.memory_space<vmem>>) semaphore(%arg17 : memref<!tpu.dma_semaphore, #tpu.memory_space<semaphore_mem>>)
    %dma_start3A_32 = arith.constant 4 : i32
    %dma_start3A_33 = arith.constant 0 : i32
    %dma_start3A_34 = tpu.memref_slice %arg6[%dma_start3A_32, %dma_start3A_33] : memref<250x40xi32, #tpu.memory_space<vmem>> -> memref<1x40xi32, #tpu.memory_space<vmem>>
    %dma_start3A_35 = tpu.memref_squeeze %dma_start3A_34 : memref<1x40xi32, #tpu.memory_space<vmem>> -> memref<40xi32, #tpu.memory_space<vmem>>
    %dma_start3A_36 = arith.constant 0 : i32
    %dma_start3A_37 = arith.constant 0 : i32
    %dma_start3A_38 = tpu.memref_slice %arg2[%dma_start3A_36, %dma_start3A_37] : memref<10240x128xf32, #tpu.memory_space<hbm>> -> memref<10240x128xf32, #tpu.memory_space<hbm>>
    tpu.enqueue_indirect_dma source(%dma_start3A_38 : memref<10240x128xf32, #tpu.memory_space<hbm>>) target(%arg12 : memref<40x128xf32, #tpu.memory_space<vmem>>) offsets(%dma_start3A_35 : memref<40xi32, #tpu.memory_space<vmem>>) semaphore(%arg18 : memref<!tpu.dma_semaphore, #tpu.memory_space<semaphore_mem>>)
    %scan3A = arith.constant 0 : i32
    %scan3A_39 = arith.constant 50 : i32
    %scan3A_40 = arith.addi %scan3A, %scan3A_39 : i32
    %scan3A_41 = arith.constant 1 : i32
    scf.for %scan3A_48 = %scan3A to %scan3A_40 step %scan3A_41  : i32 {
      %mul3A_49 = arith.constant 5 : i32
      %mul3A_50 = arith.muli %mul3A_49, %scan3A_48 : i32
      %add3A_51 = arith.constant 0 : i32
      %add3A_52 = arith.addi %mul3A_50, %add3A_51 : i32
      %lt3A = arith.constant 250 : i32
      %lt3A_53 = arith.cmpi slt, %add3A_52, %lt3A : i32
      %convert_element_type3A = arith.extui %lt3A_53 : i1 to i32
      %cond3A = arith.constant 0 : i32
      %cond3A_54 = arith.cmpi ne, %convert_element_type3A, %cond3A : i32
      scf.if %cond3A_54 {
        %dma_wait3A = arith.constant 0 : i32
        %dma_wait3A_118 = tpu.memref_slice %arg6[%add3A_52, %dma_wait3A] : memref<250x40xi32, #tpu.memory_space<vmem>> -> memref<1x40xi32, #tpu.memory_space<vmem>>
        %dma_wait3A_119 = tpu.memref_squeeze %dma_wait3A_118 : memref<1x40xi32, #tpu.memory_space<vmem>> -> memref<40xi32, #tpu.memory_space<vmem>>
        %dma_wait3A_120 = arith.constant 0 : i32
        %dma_wait3A_121 = arith.constant 0 : i32
        %dma_wait3A_122 = tpu.memref_slice %arg2[%dma_wait3A_120, %dma_wait3A_121] : memref<10240x128xf32, #tpu.memory_space<hbm>> -> memref<10240x128xf32, #tpu.memory_space<hbm>>
        tpu.wait_indirect_dma semaphore(%arg14 : memref<!tpu.dma_semaphore, #tpu.memory_space<semaphore_mem>>) src(%dma_wait3A_122 : memref<10240x128xf32, #tpu.memory_space<hbm>>) dst(%arg8 : memref<40x128xf32, #tpu.memory_space<vmem>>)
        "tpu.region"() ({
          %run_scoped3A = tpu.sem_alloc : memref<!tpu.dma_semaphore, #tpu.memory_space<semaphore_mem>>
          %dma_start3A_123 = arith.constant 0 : i32
          %dma_start3A_124 = tpu.memref_slice %arg7[%add3A_52, %dma_start3A_123] : memref<250x40xi32, #tpu.memory_space<vmem>> -> memref<1x40xi32, #tpu.memory_space<vmem>>
          %dma_start3A_125 = tpu.memref_squeeze %dma_start3A_124 : memref<1x40xi32, #tpu.memory_space<vmem>> -> memref<40xi32, #tpu.memory_space<vmem>>
          %dma_start3A_126 = arith.constant 0 : i32
          %dma_start3A_127 = arith.constant 0 : i32
          %dma_start3A_128 = tpu.memref_slice %arg13[%dma_start3A_126, %dma_start3A_127] : memref<10240x128xf32, #tpu.memory_space<vmem_shared>> -> memref<10240x128xf32, #tpu.memory_space<vmem_shared>>
          tpu.enqueue_indirect_dma source(%arg8 : memref<40x128xf32, #tpu.memory_space<vmem>>) target(%dma_start3A_128 : memref<10240x128xf32, #tpu.memory_space<vmem_shared>>) offsets(%dma_start3A_125 : memref<40xi32, #tpu.memory_space<vmem>>) semaphore(%run_scoped3A : memref<!tpu.dma_semaphore, #tpu.memory_space<semaphore_mem>>) {add = true}
          %dma_wait3A_129 = arith.constant 0 : i32
          %dma_wait3A_130 = tpu.memref_slice %arg7[%add3A_52, %dma_wait3A_129] : memref<250x40xi32, #tpu.memory_space<vmem>> -> memref<1x40xi32, #tpu.memory_space<vmem>>
          %dma_wait3A_131 = tpu.memref_squeeze %dma_wait3A_130 : memref<1x40xi32, #tpu.memory_space<vmem>> -> memref<40xi32, #tpu.memory_space<vmem>>
          %dma_wait3A_132 = arith.constant 0 : i32
          %dma_wait3A_133 = arith.constant 0 : i32
          %dma_wait3A_134 = tpu.memref_slice %arg13[%dma_wait3A_132, %dma_wait3A_133] : memref<10240x128xf32, #tpu.memory_space<vmem_shared>> -> memref<10240x128xf32, #tpu.memory_space<vmem_shared>>
          tpu.wait_indirect_dma semaphore(%run_scoped3A : memref<!tpu.dma_semaphore, #tpu.memory_space<semaphore_mem>>) src(%arg8 : memref<40x128xf32, #tpu.memory_space<vmem>>) dst(%dma_wait3A_134 : memref<10240x128xf32, #tpu.memory_space<vmem_shared>>)
          tpu.yield
        }) : () -> ()
      } else {
      }
      %add3A_55 = arith.constant 5 : i32
      %add3A_56 = arith.addi %add3A_52, %add3A_55 : i32
      %lt3A_57 = arith.constant 250 : i32
      %lt3A_58 = arith.cmpi slt, %add3A_56, %lt3A_57 : i32
      %convert_element_type3A_59 = arith.extui %lt3A_58 : i1 to i32
      %cond3A_60 = arith.constant 0 : i32
      %cond3A_61 = arith.cmpi ne, %convert_element_type3A_59, %cond3A_60 : i32
      scf.if %cond3A_61 {
        %add3A_118 = arith.constant 5 : i32
        %add3A_119 = arith.addi %add3A_52, %add3A_118 : i32
        %dma_start3A_120 = arith.constant 0 : i32
        %dma_start3A_121 = tpu.memref_slice %arg6[%add3A_119, %dma_start3A_120] : memref<250x40xi32, #tpu.memory_space<vmem>> -> memref<1x40xi32, #tpu.memory_space<vmem>>
        %dma_start3A_122 = tpu.memref_squeeze %dma_start3A_121 : memref<1x40xi32, #tpu.memory_space<vmem>> -> memref<40xi32, #tpu.memory_space<vmem>>
        %dma_start3A_123 = arith.constant 0 : i32
        %dma_start3A_124 = arith.constant 0 : i32
        %dma_start3A_125 = tpu.memref_slice %arg2[%dma_start3A_123, %dma_start3A_124] : memref<10240x128xf32, #tpu.memory_space<hbm>> -> memref<10240x128xf32, #tpu.memory_space<hbm>>
        tpu.enqueue_indirect_dma source(%dma_start3A_125 : memref<10240x128xf32, #tpu.memory_space<hbm>>) target(%arg8 : memref<40x128xf32, #tpu.memory_space<vmem>>) offsets(%dma_start3A_122 : memref<40xi32, #tpu.memory_space<vmem>>) semaphore(%arg14 : memref<!tpu.dma_semaphore, #tpu.memory_space<semaphore_mem>>)
      } else {
      }
      %add3A_62 = arith.constant 1 : i32
      %add3A_63 = arith.addi %mul3A_50, %add3A_62 : i32
      %lt3A_64 = arith.constant 250 : i32
      %lt3A_65 = arith.cmpi slt, %add3A_63, %lt3A_64 : i32
      %convert_element_type3A_66 = arith.extui %lt3A_65 : i1 to i32
      %cond3A_67 = arith.constant 0 : i32
      %cond3A_68 = arith.cmpi ne, %convert_element_type3A_66, %cond3A_67 : i32
      scf.if %cond3A_68 {
        %dma_wait3A = arith.constant 0 : i32
        %dma_wait3A_118 = tpu.memref_slice %arg6[%add3A_63, %dma_wait3A] : memref<250x40xi32, #tpu.memory_space<vmem>> -> memref<1x40xi32, #tpu.memory_space<vmem>>
        %dma_wait3A_119 = tpu.memref_squeeze %dma_wait3A_118 : memref<1x40xi32, #tpu.memory_space<vmem>> -> memref<40xi32, #tpu.memory_space<vmem>>
        %dma_wait3A_120 = arith.constant 0 : i32
        %dma_wait3A_121 = arith.constant 0 : i32
        %dma_wait3A_122 = tpu.memref_slice %arg2[%dma_wait3A_120, %dma_wait3A_121] : memref<10240x128xf32, #tpu.memory_space<hbm>> -> memref<10240x128xf32, #tpu.memory_space<hbm>>
        tpu.wait_indirect_dma semaphore(%arg15 : memref<!tpu.dma_semaphore, #tpu.memory_space<semaphore_mem>>) src(%dma_wait3A_122 : memref<10240x128xf32, #tpu.memory_space<hbm>>) dst(%arg9 : memref<40x128xf32, #tpu.memory_space<vmem>>)
        "tpu.region"() ({
          %run_scoped3A = tpu.sem_alloc : memref<!tpu.dma_semaphore, #tpu.memory_space<semaphore_mem>>
          %dma_start3A_123 = arith.constant 0 : i32
          %dma_start3A_124 = tpu.memref_slice %arg7[%add3A_63, %dma_start3A_123] : memref<250x40xi32, #tpu.memory_space<vmem>> -> memref<1x40xi32, #tpu.memory_space<vmem>>
          %dma_start3A_125 = tpu.memref_squeeze %dma_start3A_124 : memref<1x40xi32, #tpu.memory_space<vmem>> -> memref<40xi32, #tpu.memory_space<vmem>>
          %dma_start3A_126 = arith.constant 0 : i32
          %dma_start3A_127 = arith.constant 0 : i32
          %dma_start3A_128 = tpu.memref_slice %arg13[%dma_start3A_126, %dma_start3A_127] : memref<10240x128xf32, #tpu.memory_space<vmem_shared>> -> memref<10240x128xf32, #tpu.memory_space<vmem_shared>>
          tpu.enqueue_indirect_dma source(%arg9 : memref<40x128xf32, #tpu.memory_space<vmem>>) target(%dma_start3A_128 : memref<10240x128xf32, #tpu.memory_space<vmem_shared>>) offsets(%dma_start3A_125 : memref<40xi32, #tpu.memory_space<vmem>>) semaphore(%run_scoped3A : memref<!tpu.dma_semaphore, #tpu.memory_space<semaphore_mem>>) {add = true}
          %dma_wait3A_129 = arith.constant 0 : i32
          %dma_wait3A_130 = tpu.memref_slice %arg7[%add3A_63, %dma_wait3A_129] : memref<250x40xi32, #tpu.memory_space<vmem>> -> memref<1x40xi32, #tpu.memory_space<vmem>>
          %dma_wait3A_131 = tpu.memref_squeeze %dma_wait3A_130 : memref<1x40xi32, #tpu.memory_space<vmem>> -> memref<40xi32, #tpu.memory_space<vmem>>
          %dma_wait3A_132 = arith.constant 0 : i32
          %dma_wait3A_133 = arith.constant 0 : i32
          %dma_wait3A_134 = tpu.memref_slice %arg13[%dma_wait3A_132, %dma_wait3A_133] : memref<10240x128xf32, #tpu.memory_space<vmem_shared>> -> memref<10240x128xf32, #tpu.memory_space<vmem_shared>>
          tpu.wait_indirect_dma semaphore(%run_scoped3A : memref<!tpu.dma_semaphore, #tpu.memory_space<semaphore_mem>>) src(%arg9 : memref<40x128xf32, #tpu.memory_space<vmem>>) dst(%dma_wait3A_134 : memref<10240x128xf32, #tpu.memory_space<vmem_shared>>)
          tpu.yield
        }) : () -> ()
      } else {
      }
      %add3A_69 = arith.constant 5 : i32
      %add3A_70 = arith.addi %add3A_63, %add3A_69 : i32
      %lt3A_71 = arith.constant 250 : i32
      %lt3A_72 = arith.cmpi slt, %add3A_70, %lt3A_71 : i32
      %convert_element_type3A_73 = arith.extui %lt3A_72 : i1 to i32
      %cond3A_74 = arith.constant 0 : i32
      %cond3A_75 = arith.cmpi ne, %convert_element_type3A_73, %cond3A_74 : i32
      scf.if %cond3A_75 {
        %add3A_118 = arith.constant 5 : i32
        %add3A_119 = arith.addi %add3A_63, %add3A_118 : i32
        %dma_start3A_120 = arith.constant 0 : i32
        %dma_start3A_121 = tpu.memref_slice %arg6[%add3A_119, %dma_start3A_120] : memref<250x40xi32, #tpu.memory_space<vmem>> -> memref<1x40xi32, #tpu.memory_space<vmem>>
        %dma_start3A_122 = tpu.memref_squeeze %dma_start3A_121 : memref<1x40xi32, #tpu.memory_space<vmem>> -> memref<40xi32, #tpu.memory_space<vmem>>
        %dma_start3A_123 = arith.constant 0 : i32
        %dma_start3A_124 = arith.constant 0 : i32
        %dma_start3A_125 = tpu.memref_slice %arg2[%dma_start3A_123, %dma_start3A_124] : memref<10240x128xf32, #tpu.memory_space<hbm>> -> memref<10240x128xf32, #tpu.memory_space<hbm>>
        tpu.enqueue_indirect_dma source(%dma_start3A_125 : memref<10240x128xf32, #tpu.memory_space<hbm>>) target(%arg9 : memref<40x128xf32, #tpu.memory_space<vmem>>) offsets(%dma_start3A_122 : memref<40xi32, #tpu.memory_space<vmem>>) semaphore(%arg15 : memref<!tpu.dma_semaphore, #tpu.memory_space<semaphore_mem>>)
      } else {
      }
      %add3A_76 = arith.constant 2 : i32
      %add3A_77 = arith.addi %mul3A_50, %add3A_76 : i32
      %lt3A_78 = arith.constant 250 : i32
      %lt3A_79 = arith.cmpi slt, %add3A_77, %lt3A_78 : i32
      %convert_element_type3A_80 = arith.extui %lt3A_79 : i1 to i32
      %cond3A_81 = arith.constant 0 : i32
      %cond3A_82 = arith.cmpi ne, %convert_element_type3A_80, %cond3A_81 : i32
      scf.if %cond3A_82 {
        %dma_wait3A = arith.constant 0 : i32
        %dma_wait3A_118 = tpu.memref_slice %arg6[%add3A_77, %dma_wait3A] : memref<250x40xi32, #tpu.memory_space<vmem>> -> memref<1x40xi32, #tpu.memory_space<vmem>>
        %dma_wait3A_119 = tpu.memref_squeeze %dma_wait3A_118 : memref<1x40xi32, #tpu.memory_space<vmem>> -> memref<40xi32, #tpu.memory_space<vmem>>
        %dma_wait3A_120 = arith.constant 0 : i32
        %dma_wait3A_121 = arith.constant 0 : i32
        %dma_wait3A_122 = tpu.memref_slice %arg2[%dma_wait3A_120, %dma_wait3A_121] : memref<10240x128xf32, #tpu.memory_space<hbm>> -> memref<10240x128xf32, #tpu.memory_space<hbm>>
        tpu.wait_indirect_dma semaphore(%arg16 : memref<!tpu.dma_semaphore, #tpu.memory_space<semaphore_mem>>) src(%dma_wait3A_122 : memref<10240x128xf32, #tpu.memory_space<hbm>>) dst(%arg10 : memref<40x128xf32, #tpu.memory_space<vmem>>)
        "tpu.region"() ({
          %run_scoped3A = tpu.sem_alloc : memref<!tpu.dma_semaphore, #tpu.memory_space<semaphore_mem>>
          %dma_start3A_123 = arith.constant 0 : i32
          %dma_start3A_124 = tpu.memref_slice %arg7[%add3A_77, %dma_start3A_123] : memref<250x40xi32, #tpu.memory_space<vmem>> -> memref<1x40xi32, #tpu.memory_space<vmem>>
          %dma_start3A_125 = tpu.memref_squeeze %dma_start3A_124 : memref<1x40xi32, #tpu.memory_space<vmem>> -> memref<40xi32, #tpu.memory_space<vmem>>
          %dma_start3A_126 = arith.constant 0 : i32
          %dma_start3A_127 = arith.constant 0 : i32
          %dma_start3A_128 = tpu.memref_slice %arg13[%dma_start3A_126, %dma_start3A_127] : memref<10240x128xf32, #tpu.memory_space<vmem_shared>> -> memref<10240x128xf32, #tpu.memory_space<vmem_shared>>
          tpu.enqueue_indirect_dma source(%arg10 : memref<40x128xf32, #tpu.memory_space<vmem>>) target(%dma_start3A_128 : memref<10240x128xf32, #tpu.memory_space<vmem_shared>>) offsets(%dma_start3A_125 : memref<40xi32, #tpu.memory_space<vmem>>) semaphore(%run_scoped3A : memref<!tpu.dma_semaphore, #tpu.memory_space<semaphore_mem>>) {add = true}
          %dma_wait3A_129 = arith.constant 0 : i32
          %dma_wait3A_130 = tpu.memref_slice %arg7[%add3A_77, %dma_wait3A_129] : memref<250x40xi32, #tpu.memory_space<vmem>> -> memref<1x40xi32, #tpu.memory_space<vmem>>
          %dma_wait3A_131 = tpu.memref_squeeze %dma_wait3A_130 : memref<1x40xi32, #tpu.memory_space<vmem>> -> memref<40xi32, #tpu.memory_space<vmem>>
          %dma_wait3A_132 = arith.constant 0 : i32
          %dma_wait3A_133 = arith.constant 0 : i32
          %dma_wait3A_134 = tpu.memref_slice %arg13[%dma_wait3A_132, %dma_wait3A_133] : memref<10240x128xf32, #tpu.memory_space<vmem_shared>> -> memref<10240x128xf32, #tpu.memory_space<vmem_shared>>
          tpu.wait_indirect_dma semaphore(%run_scoped3A : memref<!tpu.dma_semaphore, #tpu.memory_space<semaphore_mem>>) src(%arg10 : memref<40x128xf32, #tpu.memory_space<vmem>>) dst(%dma_wait3A_134 : memref<10240x128xf32, #tpu.memory_space<vmem_shared>>)
          tpu.yield
        }) : () -> ()
      } else {
      }
      %add3A_83 = arith.constant 5 : i32
      %add3A_84 = arith.addi %add3A_77, %add3A_83 : i32
      %lt3A_85 = arith.constant 250 : i32
      %lt3A_86 = arith.cmpi slt, %add3A_84, %lt3A_85 : i32
      %convert_element_type3A_87 = arith.extui %lt3A_86 : i1 to i32
      %cond3A_88 = arith.constant 0 : i32
      %cond3A_89 = arith.cmpi ne, %convert_element_type3A_87, %cond3A_88 : i32
      scf.if %cond3A_89 {
        %add3A_118 = arith.constant 5 : i32
        %add3A_119 = arith.addi %add3A_77, %add3A_118 : i32
        %dma_start3A_120 = arith.constant 0 : i32
        %dma_start3A_121 = tpu.memref_slice %arg6[%add3A_119, %dma_start3A_120] : memref<250x40xi32, #tpu.memory_space<vmem>> -> memref<1x40xi32, #tpu.memory_space<vmem>>
        %dma_start3A_122 = tpu.memref_squeeze %dma_start3A_121 : memref<1x40xi32, #tpu.memory_space<vmem>> -> memref<40xi32, #tpu.memory_space<vmem>>
        %dma_start3A_123 = arith.constant 0 : i32
        %dma_start3A_124 = arith.constant 0 : i32
        %dma_start3A_125 = tpu.memref_slice %arg2[%dma_start3A_123, %dma_start3A_124] : memref<10240x128xf32, #tpu.memory_space<hbm>> -> memref<10240x128xf32, #tpu.memory_space<hbm>>
        tpu.enqueue_indirect_dma source(%dma_start3A_125 : memref<10240x128xf32, #tpu.memory_space<hbm>>) target(%arg10 : memref<40x128xf32, #tpu.memory_space<vmem>>) offsets(%dma_start3A_122 : memref<40xi32, #tpu.memory_space<vmem>>) semaphore(%arg16 : memref<!tpu.dma_semaphore, #tpu.memory_space<semaphore_mem>>)
      } else {
      }
      %add3A_90 = arith.constant 3 : i32
      %add3A_91 = arith.addi %mul3A_50, %add3A_90 : i32
      %lt3A_92 = arith.constant 250 : i32
      %lt3A_93 = arith.cmpi slt, %add3A_91, %lt3A_92 : i32
      %convert_element_type3A_94 = arith.extui %lt3A_93 : i1 to i32
      %cond3A_95 = arith.constant 0 : i32
      %cond3A_96 = arith.cmpi ne, %convert_element_type3A_94, %cond3A_95 : i32
      scf.if %cond3A_96 {
        %dma_wait3A = arith.constant 0 : i32
        %dma_wait3A_118 = tpu.memref_slice %arg6[%add3A_91, %dma_wait3A] : memref<250x40xi32, #tpu.memory_space<vmem>> -> memref<1x40xi32, #tpu.memory_space<vmem>>
        %dma_wait3A_119 = tpu.memref_squeeze %dma_wait3A_118 : memref<1x40xi32, #tpu.memory_space<vmem>> -> memref<40xi32, #tpu.memory_space<vmem>>
        %dma_wait3A_120 = arith.constant 0 : i32
        %dma_wait3A_121 = arith.constant 0 : i32
        %dma_wait3A_122 = tpu.memref_slice %arg2[%dma_wait3A_120, %dma_wait3A_121] : memref<10240x128xf32, #tpu.memory_space<hbm>> -> memref<10240x128xf32, #tpu.memory_space<hbm>>
        tpu.wait_indirect_dma semaphore(%arg17 : memref<!tpu.dma_semaphore, #tpu.memory_space<semaphore_mem>>) src(%dma_wait3A_122 : memref<10240x128xf32, #tpu.memory_space<hbm>>) dst(%arg11 : memref<40x128xf32, #tpu.memory_space<vmem>>)
        "tpu.region"() ({
          %run_scoped3A = tpu.sem_alloc : memref<!tpu.dma_semaphore, #tpu.memory_space<semaphore_mem>>
          %dma_start3A_123 = arith.constant 0 : i32
          %dma_start3A_124 = tpu.memref_slice %arg7[%add3A_91, %dma_start3A_123] : memref<250x40xi32, #tpu.memory_space<vmem>> -> memref<1x40xi32, #tpu.memory_space<vmem>>
          %dma_start3A_125 = tpu.memref_squeeze %dma_start3A_124 : memref<1x40xi32, #tpu.memory_space<vmem>> -> memref<40xi32, #tpu.memory_space<vmem>>
          %dma_start3A_126 = arith.constant 0 : i32
          %dma_start3A_127 = arith.constant 0 : i32
          %dma_start3A_128 = tpu.memref_slice %arg13[%dma_start3A_126, %dma_start3A_127] : memref<10240x128xf32, #tpu.memory_space<vmem_shared>> -> memref<10240x128xf32, #tpu.memory_space<vmem_shared>>
          tpu.enqueue_indirect_dma source(%arg11 : memref<40x128xf32, #tpu.memory_space<vmem>>) target(%dma_start3A_128 : memref<10240x128xf32, #tpu.memory_space<vmem_shared>>) offsets(%dma_start3A_125 : memref<40xi32, #tpu.memory_space<vmem>>) semaphore(%run_scoped3A : memref<!tpu.dma_semaphore, #tpu.memory_space<semaphore_mem>>) {add = true}
          %dma_wait3A_129 = arith.constant 0 : i32
          %dma_wait3A_130 = tpu.memref_slice %arg7[%add3A_91, %dma_wait3A_129] : memref<250x40xi32, #tpu.memory_space<vmem>> -> memref<1x40xi32, #tpu.memory_space<vmem>>
          %dma_wait3A_131 = tpu.memref_squeeze %dma_wait3A_130 : memref<1x40xi32, #tpu.memory_space<vmem>> -> memref<40xi32, #tpu.memory_space<vmem>>
          %dma_wait3A_132 = arith.constant 0 : i32
          %dma_wait3A_133 = arith.constant 0 : i32
          %dma_wait3A_134 = tpu.memref_slice %arg13[%dma_wait3A_132, %dma_wait3A_133] : memref<10240x128xf32, #tpu.memory_space<vmem_shared>> -> memref<10240x128xf32, #tpu.memory_space<vmem_shared>>
          tpu.wait_indirect_dma semaphore(%run_scoped3A : memref<!tpu.dma_semaphore, #tpu.memory_space<semaphore_mem>>) src(%arg11 : memref<40x128xf32, #tpu.memory_space<vmem>>) dst(%dma_wait3A_134 : memref<10240x128xf32, #tpu.memory_space<vmem_shared>>)
          tpu.yield
        }) : () -> ()
      } else {
      }
      %add3A_97 = arith.constant 5 : i32
      %add3A_98 = arith.addi %add3A_91, %add3A_97 : i32
      %lt3A_99 = arith.constant 250 : i32
      %lt3A_100 = arith.cmpi slt, %add3A_98, %lt3A_99 : i32
      %convert_element_type3A_101 = arith.extui %lt3A_100 : i1 to i32
      %cond3A_102 = arith.constant 0 : i32
      %cond3A_103 = arith.cmpi ne, %convert_element_type3A_101, %cond3A_102 : i32
      scf.if %cond3A_103 {
        %add3A_118 = arith.constant 5 : i32
        %add3A_119 = arith.addi %add3A_91, %add3A_118 : i32
        %dma_start3A_120 = arith.constant 0 : i32
        %dma_start3A_121 = tpu.memref_slice %arg6[%add3A_119, %dma_start3A_120] : memref<250x40xi32, #tpu.memory_space<vmem>> -> memref<1x40xi32, #tpu.memory_space<vmem>>
        %dma_start3A_122 = tpu.memref_squeeze %dma_start3A_121 : memref<1x40xi32, #tpu.memory_space<vmem>> -> memref<40xi32, #tpu.memory_space<vmem>>
        %dma_start3A_123 = arith.constant 0 : i32
        %dma_start3A_124 = arith.constant 0 : i32
        %dma_start3A_125 = tpu.memref_slice %arg2[%dma_start3A_123, %dma_start3A_124] : memref<10240x128xf32, #tpu.memory_space<hbm>> -> memref<10240x128xf32, #tpu.memory_space<hbm>>
        tpu.enqueue_indirect_dma source(%dma_start3A_125 : memref<10240x128xf32, #tpu.memory_space<hbm>>) target(%arg11 : memref<40x128xf32, #tpu.memory_space<vmem>>) offsets(%dma_start3A_122 : memref<40xi32, #tpu.memory_space<vmem>>) semaphore(%arg17 : memref<!tpu.dma_semaphore, #tpu.memory_space<semaphore_mem>>)
      } else {
      }
      %add3A_104 = arith.constant 4 : i32
      %add3A_105 = arith.addi %mul3A_50, %add3A_104 : i32
      %lt3A_106 = arith.constant 250 : i32
      %lt3A_107 = arith.cmpi slt, %add3A_105, %lt3A_106 : i32
      %convert_element_type3A_108 = arith.extui %lt3A_107 : i1 to i32
      %cond3A_109 = arith.constant 0 : i32
      %cond3A_110 = arith.cmpi ne, %convert_element_type3A_108, %cond3A_109 : i32
      scf.if %cond3A_110 {
        %dma_wait3A = arith.constant 0 : i32
        %dma_wait3A_118 = tpu.memref_slice %arg6[%add3A_105, %dma_wait3A] : memref<250x40xi32, #tpu.memory_space<vmem>> -> memref<1x40xi32, #tpu.memory_space<vmem>>
        %dma_wait3A_119 = tpu.memref_squeeze %dma_wait3A_118 : memref<1x40xi32, #tpu.memory_space<vmem>> -> memref<40xi32, #tpu.memory_space<vmem>>
        %dma_wait3A_120 = arith.constant 0 : i32
        %dma_wait3A_121 = arith.constant 0 : i32
        %dma_wait3A_122 = tpu.memref_slice %arg2[%dma_wait3A_120, %dma_wait3A_121] : memref<10240x128xf32, #tpu.memory_space<hbm>> -> memref<10240x128xf32, #tpu.memory_space<hbm>>
        tpu.wait_indirect_dma semaphore(%arg18 : memref<!tpu.dma_semaphore, #tpu.memory_space<semaphore_mem>>) src(%dma_wait3A_122 : memref<10240x128xf32, #tpu.memory_space<hbm>>) dst(%arg12 : memref<40x128xf32, #tpu.memory_space<vmem>>)
        "tpu.region"() ({
          %run_scoped3A = tpu.sem_alloc : memref<!tpu.dma_semaphore, #tpu.memory_space<semaphore_mem>>
          %dma_start3A_123 = arith.constant 0 : i32
          %dma_start3A_124 = tpu.memref_slice %arg7[%add3A_105, %dma_start3A_123] : memref<250x40xi32, #tpu.memory_space<vmem>> -> memref<1x40xi32, #tpu.memory_space<vmem>>
          %dma_start3A_125 = tpu.memref_squeeze %dma_start3A_124 : memref<1x40xi32, #tpu.memory_space<vmem>> -> memref<40xi32, #tpu.memory_space<vmem>>
          %dma_start3A_126 = arith.constant 0 : i32
          %dma_start3A_127 = arith.constant 0 : i32
          %dma_start3A_128 = tpu.memref_slice %arg13[%dma_start3A_126, %dma_start3A_127] : memref<10240x128xf32, #tpu.memory_space<vmem_shared>> -> memref<10240x128xf32, #tpu.memory_space<vmem_shared>>
          tpu.enqueue_indirect_dma source(%arg12 : memref<40x128xf32, #tpu.memory_space<vmem>>) target(%dma_start3A_128 : memref<10240x128xf32, #tpu.memory_space<vmem_shared>>) offsets(%dma_start3A_125 : memref<40xi32, #tpu.memory_space<vmem>>) semaphore(%run_scoped3A : memref<!tpu.dma_semaphore, #tpu.memory_space<semaphore_mem>>) {add = true}
          %dma_wait3A_129 = arith.constant 0 : i32
          %dma_wait3A_130 = tpu.memref_slice %arg7[%add3A_105, %dma_wait3A_129] : memref<250x40xi32, #tpu.memory_space<vmem>> -> memref<1x40xi32, #tpu.memory_space<vmem>>
          %dma_wait3A_131 = tpu.memref_squeeze %dma_wait3A_130 : memref<1x40xi32, #tpu.memory_space<vmem>> -> memref<40xi32, #tpu.memory_space<vmem>>
          %dma_wait3A_132 = arith.constant 0 : i32
          %dma_wait3A_133 = arith.constant 0 : i32
          %dma_wait3A_134 = tpu.memref_slice %arg13[%dma_wait3A_132, %dma_wait3A_133] : memref<10240x128xf32, #tpu.memory_space<vmem_shared>> -> memref<10240x128xf32, #tpu.memory_space<vmem_shared>>
          tpu.wait_indirect_dma semaphore(%run_scoped3A : memref<!tpu.dma_semaphore, #tpu.memory_space<semaphore_mem>>) src(%arg12 : memref<40x128xf32, #tpu.memory_space<vmem>>) dst(%dma_wait3A_134 : memref<10240x128xf32, #tpu.memory_space<vmem_shared>>)
          tpu.yield
        }) : () -> ()
      } else {
      }
      %add3A_111 = arith.constant 5 : i32
      %add3A_112 = arith.addi %add3A_105, %add3A_111 : i32
      %lt3A_113 = arith.constant 250 : i32
      %lt3A_114 = arith.cmpi slt, %add3A_112, %lt3A_113 : i32
      %convert_element_type3A_115 = arith.extui %lt3A_114 : i1 to i32
      %cond3A_116 = arith.constant 0 : i32
      %cond3A_117 = arith.cmpi ne, %convert_element_type3A_115, %cond3A_116 : i32
      scf.if %cond3A_117 {
        %add3A_118 = arith.constant 5 : i32
        %add3A_119 = arith.addi %add3A_105, %add3A_118 : i32
        %dma_start3A_120 = arith.constant 0 : i32
        %dma_start3A_121 = tpu.memref_slice %arg6[%add3A_119, %dma_start3A_120] : memref<250x40xi32, #tpu.memory_space<vmem>> -> memref<1x40xi32, #tpu.memory_space<vmem>>
        %dma_start3A_122 = tpu.memref_squeeze %dma_start3A_121 : memref<1x40xi32, #tpu.memory_space<vmem>> -> memref<40xi32, #tpu.memory_space<vmem>>
        %dma_start3A_123 = arith.constant 0 : i32
        %dma_start3A_124 = arith.constant 0 : i32
        %dma_start3A_125 = tpu.memref_slice %arg2[%dma_start3A_123, %dma_start3A_124] : memref<10240x128xf32, #tpu.memory_space<hbm>> -> memref<10240x128xf32, #tpu.memory_space<hbm>>
        tpu.enqueue_indirect_dma source(%dma_start3A_125 : memref<10240x128xf32, #tpu.memory_space<hbm>>) target(%arg12 : memref<40x128xf32, #tpu.memory_space<vmem>>) offsets(%dma_start3A_122 : memref<40xi32, #tpu.memory_space<vmem>>) semaphore(%arg18 : memref<!tpu.dma_semaphore, #tpu.memory_space<semaphore_mem>>)
      } else {
      }
    }
    %scan3A_42 = arith.constant 50 : i32
    %barrier3A_43 = arith.constant 0 : index
    tpu.barrier barrier_id(%barrier3A_43)
    %mul3A_44 = arith.constant 640 : i32
    %mul3A_45 = arith.muli %arg1, %mul3A_44 : i32
    %mul3A_46 = arith.constant 640 : i32
    %mul3A_47 = arith.muli %arg1, %mul3A_46 : i32
    "tpu.region"() ({
      %run_scoped3A = tpu.sem_alloc : memref<!tpu.dma_semaphore, #tpu.memory_space<semaphore_mem>>
      %dma_start3A_48 = arith.constant 0 : i32
      %dma_start3A_49 = tpu.memref_slice %arg5[%arg0, %mul3A_47, %dma_start3A_48] : memref<2x10240x128xf32, #tpu.memory_space<hbm>> -> memref<1x640x128xf32, #tpu.memory_space<hbm>>
      %dma_start3A_50 = tpu.memref_squeeze %dma_start3A_49 : memref<1x640x128xf32, #tpu.memory_space<hbm>> -> memref<640x128xf32, #tpu.memory_space<hbm>>
      %dma_start3A_51 = arith.constant 0 : i32
      %dma_start3A_52 = tpu.memref_slice %arg13[%mul3A_45, %dma_start3A_51] : memref<10240x128xf32, #tpu.memory_space<vmem_shared>> -> memref<640x128xf32, #tpu.memory_space<vmem_shared>>
      tpu.enqueue_dma source(%dma_start3A_52 : memref<640x128xf32, #tpu.memory_space<vmem_shared>>) target(%dma_start3A_50 : memref<640x128xf32, #tpu.memory_space<hbm>>) target_semaphore(%run_scoped3A : memref<!tpu.dma_semaphore, #tpu.memory_space<semaphore_mem>>)
      %dma_wait3A = arith.constant 0 : i32
      %dma_wait3A_53 = tpu.memref_slice %arg5[%arg0, %mul3A_47, %dma_wait3A] : memref<2x10240x128xf32, #tpu.memory_space<hbm>> -> memref<1x640x128xf32, #tpu.memory_space<hbm>>
      %dma_wait3A_54 = tpu.memref_squeeze %dma_wait3A_53 : memref<1x640x128xf32, #tpu.memory_space<hbm>> -> memref<640x128xf32, #tpu.memory_space<hbm>>
      %dma_wait3A_55 = arith.constant 0 : i32
      %dma_wait3A_56 = tpu.memref_slice %arg13[%mul3A_45, %dma_wait3A_55] : memref<10240x128xf32, #tpu.memory_space<vmem_shared>> -> memref<640x128xf32, #tpu.memory_space<vmem_shared>>
      tpu.wait_dma2 semaphore(%run_scoped3A : memref<!tpu.dma_semaphore, #tpu.memory_space<semaphore_mem>>) src(%dma_wait3A_56 : memref<640x128xf32, #tpu.memory_space<vmem_shared>>) dst(%dma_wait3A_54 : memref<640x128xf32, #tpu.memory_space<hbm>>)
      tpu.yield
    }) : () -> ()
    return
  }
}

#map = affine_map<(d0, d1) -> (0, 0)>
#map1 = affine_map<(d0, d1) -> (0, 0, 0)>
module attributes {stable_mosaic.version = 14 : i64} {
  func.func @_prop_kernel(%arg0: i32, %arg1: i32, %arg2: memref<10240x128xf32, #tpu.memory_space<hbm>>, %arg3: memref<32x250x40xi32, #tpu.memory_space<hbm>>, %arg4: memref<32x250x40xi32, #tpu.memory_space<hbm>>, %arg5: memref<2x10240x128xf32, #tpu.memory_space<hbm>>, %arg6: memref<250x40xi32, #tpu.memory_space<vmem>>, %arg7: memref<250x40xi32, #tpu.memory_space<vmem>>, %arg8: memref<40x128xf32, #tpu.memory_space<vmem>>, %arg9: memref<40x128xf32, #tpu.memory_space<vmem>>, %arg10: memref<40x128xf32, #tpu.memory_space<vmem>>, %arg11: memref<40x128xf32, #tpu.memory_space<vmem>>, %arg12: memref<40x128xf32, #tpu.memory_space<vmem>>, %arg13: memref<10240x128xf32, #tpu.memory_space<vmem_shared>>, %arg14: memref<!tpu.dma_semaphore, #tpu.memory_space<semaphore_mem>>, %arg15: memref<!tpu.dma_semaphore, #tpu.memory_space<semaphore_mem>>, %arg16: memref<!tpu.dma_semaphore, #tpu.memory_space<semaphore_mem>>, %arg17: memref<!tpu.dma_semaphore, #tpu.memory_space<semaphore_mem>>, %arg18: memref<!tpu.dma_semaphore, #tpu.memory_space<semaphore_mem>>) attributes {dimension_semantics = [#tpu.dimension_semantics<core_parallel>, #tpu.dimension_semantics<subcore_parallel>], iteration_bounds = array<i64: 2, 16>, scalar_prefetch = 0 : i64, scratch_operands = 13 : i64, tpu.core_type = #tpu.core_type<sc_vector_subcore>, window_params = [{transform_indices = #map}, {transform_indices = #map1}, {transform_indices = #map1}, {transform_indices = #map1}]} {
    %mul3A = arith.constant 16 : i32
    %mul3A_0 = arith.muli %arg0, %mul3A : i32
    %add3A = arith.addi %mul3A_0, %arg1 : i32
    "tpu.region"() ({
      %run_scoped3A = tpu.sem_alloc : memref<!tpu.dma_semaphore, #tpu.memory_space<semaphore_mem>>
      %dma_start3A_48 = arith.constant 0 : i32
      %dma_start3A_49 = arith.constant 0 : i32
      %dma_start3A_50 = tpu.memref_slice %arg3[%add3A, %dma_start3A_48, %dma_start3A_49] : memref<32x250x40xi32, #tpu.memory_space<hbm>> -> memref<1x250x40xi32, #tpu.memory_space<hbm>>
      %dma_start3A_51 = tpu.memref_squeeze %dma_start3A_50 : memref<1x250x40xi32, #tpu.memory_space<hbm>> -> memref<250x40xi32, #tpu.memory_space<hbm>>
      %dma_start3A_52 = arith.constant 0 : i32
      %dma_start3A_53 = arith.constant 0 : i32
      %dma_start3A_54 = tpu.memref_slice %arg3[%add3A, %dma_start3A_52, %dma_start3A_53] : memref<32x250x40xi32, #tpu.memory_space<hbm>> -> memref<1x250x40xi32, #tpu.memory_space<hbm>>
      %dma_start3A_55 = tpu.memref_squeeze %dma_start3A_54 : memref<1x250x40xi32, #tpu.memory_space<hbm>> -> memref<250x40xi32, #tpu.memory_space<hbm>>
      tpu.enqueue_dma source(%dma_start3A_55 : memref<250x40xi32, #tpu.memory_space<hbm>>) target(%arg6 : memref<250x40xi32, #tpu.memory_space<vmem>>) target_semaphore(%run_scoped3A : memref<!tpu.dma_semaphore, #tpu.memory_space<semaphore_mem>>)
      %dma_wait3A = arith.constant 0 : i32
      %dma_wait3A_56 = arith.constant 0 : i32
      %dma_wait3A_57 = tpu.memref_slice %arg3[%add3A, %dma_wait3A, %dma_wait3A_56] : memref<32x250x40xi32, #tpu.memory_space<hbm>> -> memref<1x250x40xi32, #tpu.memory_space<hbm>>
      %dma_wait3A_58 = tpu.memref_squeeze %dma_wait3A_57 : memref<1x250x40xi32, #tpu.memory_space<hbm>> -> memref<250x40xi32, #tpu.memory_space<hbm>>
      %dma_wait3A_59 = arith.constant 0 : i32
      %dma_wait3A_60 = arith.constant 0 : i32
      %dma_wait3A_61 = tpu.memref_slice %arg3[%add3A, %dma_wait3A_59, %dma_wait3A_60] : memref<32x250x40xi32, #tpu.memory_space<hbm>> -> memref<1x250x40xi32, #tpu.memory_space<hbm>>
      %dma_wait3A_62 = tpu.memref_squeeze %dma_wait3A_61 : memref<1x250x40xi32, #tpu.memory_space<hbm>> -> memref<250x40xi32, #tpu.memory_space<hbm>>
      tpu.wait_dma2 semaphore(%run_scoped3A : memref<!tpu.dma_semaphore, #tpu.memory_space<semaphore_mem>>) src(%dma_wait3A_62 : memref<250x40xi32, #tpu.memory_space<hbm>>) dst(%arg6 : memref<250x40xi32, #tpu.memory_space<vmem>>)
      tpu.yield
    }) : () -> ()
    "tpu.region"() ({
      %run_scoped3A = tpu.sem_alloc : memref<!tpu.dma_semaphore, #tpu.memory_space<semaphore_mem>>
      %dma_start3A_48 = arith.constant 0 : i32
      %dma_start3A_49 = arith.constant 0 : i32
      %dma_start3A_50 = tpu.memref_slice %arg4[%add3A, %dma_start3A_48, %dma_start3A_49] : memref<32x250x40xi32, #tpu.memory_space<hbm>> -> memref<1x250x40xi32, #tpu.memory_space<hbm>>
      %dma_start3A_51 = tpu.memref_squeeze %dma_start3A_50 : memref<1x250x40xi32, #tpu.memory_space<hbm>> -> memref<250x40xi32, #tpu.memory_space<hbm>>
      %dma_start3A_52 = arith.constant 0 : i32
      %dma_start3A_53 = arith.constant 0 : i32
      %dma_start3A_54 = tpu.memref_slice %arg4[%add3A, %dma_start3A_52, %dma_start3A_53] : memref<32x250x40xi32, #tpu.memory_space<hbm>> -> memref<1x250x40xi32, #tpu.memory_space<hbm>>
      %dma_start3A_55 = tpu.memref_squeeze %dma_start3A_54 : memref<1x250x40xi32, #tpu.memory_space<hbm>> -> memref<250x40xi32, #tpu.memory_space<hbm>>
      tpu.enqueue_dma source(%dma_start3A_55 : memref<250x40xi32, #tpu.memory_space<hbm>>) target(%arg7 : memref<250x40xi32, #tpu.memory_space<vmem>>) target_semaphore(%run_scoped3A : memref<!tpu.dma_semaphore, #tpu.memory_space<semaphore_mem>>)
      %dma_wait3A = arith.constant 0 : i32
      %dma_wait3A_56 = arith.constant 0 : i32
      %dma_wait3A_57 = tpu.memref_slice %arg4[%add3A, %dma_wait3A, %dma_wait3A_56] : memref<32x250x40xi32, #tpu.memory_space<hbm>> -> memref<1x250x40xi32, #tpu.memory_space<hbm>>
      %dma_wait3A_58 = tpu.memref_squeeze %dma_wait3A_57 : memref<1x250x40xi32, #tpu.memory_space<hbm>> -> memref<250x40xi32, #tpu.memory_space<hbm>>
      %dma_wait3A_59 = arith.constant 0 : i32
      %dma_wait3A_60 = arith.constant 0 : i32
      %dma_wait3A_61 = tpu.memref_slice %arg4[%add3A, %dma_wait3A_59, %dma_wait3A_60] : memref<32x250x40xi32, #tpu.memory_space<hbm>> -> memref<1x250x40xi32, #tpu.memory_space<hbm>>
      %dma_wait3A_62 = tpu.memref_squeeze %dma_wait3A_61 : memref<1x250x40xi32, #tpu.memory_space<hbm>> -> memref<250x40xi32, #tpu.memory_space<hbm>>
      tpu.wait_dma2 semaphore(%run_scoped3A : memref<!tpu.dma_semaphore, #tpu.memory_space<semaphore_mem>>) src(%dma_wait3A_62 : memref<250x40xi32, #tpu.memory_space<hbm>>) dst(%arg7 : memref<250x40xi32, #tpu.memory_space<vmem>>)
      tpu.yield
    }) : () -> ()
    %mul3A_1 = arith.constant 640 : i32
    %mul3A_2 = arith.muli %arg1, %mul3A_1 : i32
    %mul3A_3 = arith.constant 640 : i32
    %mul3A_4 = arith.muli %arg1, %mul3A_3 : i32
    "tpu.region"() ({
      %run_scoped3A = tpu.sem_alloc : memref<!tpu.dma_semaphore, #tpu.memory_space<semaphore_mem>>
      %dma_start3A_48 = arith.constant 0 : i32
      %dma_start3A_49 = tpu.memref_slice %arg13[%mul3A_4, %dma_start3A_48] : memref<10240x128xf32, #tpu.memory_space<vmem_shared>> -> memref<640x128xf32, #tpu.memory_space<vmem_shared>>
      %dma_start3A_50 = arith.constant 0 : i32
      %dma_start3A_51 = tpu.memref_slice %arg2[%mul3A_2, %dma_start3A_50] : memref<10240x128xf32, #tpu.memory_space<hbm>> -> memref<640x128xf32, #tpu.memory_space<hbm>>
      tpu.enqueue_dma source(%dma_start3A_51 : memref<640x128xf32, #tpu.memory_space<hbm>>) target(%dma_start3A_49 : memref<640x128xf32, #tpu.memory_space<vmem_shared>>) target_semaphore(%run_scoped3A : memref<!tpu.dma_semaphore, #tpu.memory_space<semaphore_mem>>)
      %dma_wait3A = arith.constant 0 : i32
      %dma_wait3A_52 = tpu.memref_slice %arg13[%mul3A_4, %dma_wait3A] : memref<10240x128xf32, #tpu.memory_space<vmem_shared>> -> memref<640x128xf32, #tpu.memory_space<vmem_shared>>
      %dma_wait3A_53 = arith.constant 0 : i32
      %dma_wait3A_54 = tpu.memref_slice %arg2[%mul3A_2, %dma_wait3A_53] : memref<10240x128xf32, #tpu.memory_space<hbm>> -> memref<640x128xf32, #tpu.memory_space<hbm>>
      tpu.wait_dma2 semaphore(%run_scoped3A : memref<!tpu.dma_semaphore, #tpu.memory_space<semaphore_mem>>) src(%dma_wait3A_54 : memref<640x128xf32, #tpu.memory_space<hbm>>) dst(%dma_wait3A_52 : memref<640x128xf32, #tpu.memory_space<vmem_shared>>)
      tpu.yield
    }) : () -> ()
    %barrier3A = arith.constant 0 : index
    tpu.barrier barrier_id(%barrier3A)
    %dma_start3A = arith.constant 0 : i32
    %dma_start3A_5 = arith.constant 0 : i32
    %dma_start3A_6 = tpu.memref_slice %arg6[%dma_start3A, %dma_start3A_5] : memref<250x40xi32, #tpu.memory_space<vmem>> -> memref<1x40xi32, #tpu.memory_space<vmem>>
    %dma_start3A_7 = tpu.memref_squeeze %dma_start3A_6 : memref<1x40xi32, #tpu.memory_space<vmem>> -> memref<40xi32, #tpu.memory_space<vmem>>
    %dma_start3A_8 = arith.constant 0 : i32
    %dma_start3A_9 = arith.constant 0 : i32
    %dma_start3A_10 = tpu.memref_slice %arg2[%dma_start3A_8, %dma_start3A_9] : memref<10240x128xf32, #tpu.memory_space<hbm>> -> memref<10240x128xf32, #tpu.memory_space<hbm>>
    tpu.enqueue_indirect_dma source(%dma_start3A_10 : memref<10240x128xf32, #tpu.memory_space<hbm>>) target(%arg8 : memref<40x128xf32, #tpu.memory_space<vmem>>) offsets(%dma_start3A_7 : memref<40xi32, #tpu.memory_space<vmem>>) semaphore(%arg14 : memref<!tpu.dma_semaphore, #tpu.memory_space<semaphore_mem>>)
    %dma_start3A_11 = arith.constant 1 : i32
    %dma_start3A_12 = arith.constant 0 : i32
    %dma_start3A_13 = tpu.memref_slice %arg6[%dma_start3A_11, %dma_start3A_12] : memref<250x40xi32, #tpu.memory_space<vmem>> -> memref<1x40xi32, #tpu.memory_space<vmem>>
    %dma_start3A_14 = tpu.memref_squeeze %dma_start3A_13 : memref<1x40xi32, #tpu.memory_space<vmem>> -> memref<40xi32, #tpu.memory_space<vmem>>
    %dma_start3A_15 = arith.constant 0 : i32
    %dma_start3A_16 = arith.constant 0 : i32
    %dma_start3A_17 = tpu.memref_slice %arg2[%dma_start3A_15, %dma_start3A_16] : memref<10240x128xf32, #tpu.memory_space<hbm>> -> memref<10240x128xf32, #tpu.memory_space<hbm>>
    tpu.enqueue_indirect_dma source(%dma_start3A_17 : memref<10240x128xf32, #tpu.memory_space<hbm>>) target(%arg9 : memref<40x128xf32, #tpu.memory_space<vmem>>) offsets(%dma_start3A_14 : memref<40xi32, #tpu.memory_space<vmem>>) semaphore(%arg15 : memref<!tpu.dma_semaphore, #tpu.memory_space<semaphore_mem>>)
    %dma_start3A_18 = arith.constant 2 : i32
    %dma_start3A_19 = arith.constant 0 : i32
    %dma_start3A_20 = tpu.memref_slice %arg6[%dma_start3A_18, %dma_start3A_19] : memref<250x40xi32, #tpu.memory_space<vmem>> -> memref<1x40xi32, #tpu.memory_space<vmem>>
    %dma_start3A_21 = tpu.memref_squeeze %dma_start3A_20 : memref<1x40xi32, #tpu.memory_space<vmem>> -> memref<40xi32, #tpu.memory_space<vmem>>
    %dma_start3A_22 = arith.constant 0 : i32
    %dma_start3A_23 = arith.constant 0 : i32
    %dma_start3A_24 = tpu.memref_slice %arg2[%dma_start3A_22, %dma_start3A_23] : memref<10240x128xf32, #tpu.memory_space<hbm>> -> memref<10240x128xf32, #tpu.memory_space<hbm>>
    tpu.enqueue_indirect_dma source(%dma_start3A_24 : memref<10240x128xf32, #tpu.memory_space<hbm>>) target(%arg10 : memref<40x128xf32, #tpu.memory_space<vmem>>) offsets(%dma_start3A_21 : memref<40xi32, #tpu.memory_space<vmem>>) semaphore(%arg16 : memref<!tpu.dma_semaphore, #tpu.memory_space<semaphore_mem>>)
    %dma_start3A_25 = arith.constant 3 : i32
    %dma_start3A_26 = arith.constant 0 : i32
    %dma_start3A_27 = tpu.memref_slice %arg6[%dma_start3A_25, %dma_start3A_26] : memref<250x40xi32, #tpu.memory_space<vmem>> -> memref<1x40xi32, #tpu.memory_space<vmem>>
    %dma_start3A_28 = tpu.memref_squeeze %dma_start3A_27 : memref<1x40xi32, #tpu.memory_space<vmem>> -> memref<40xi32, #tpu.memory_space<vmem>>
    %dma_start3A_29 = arith.constant 0 : i32
    %dma_start3A_30 = arith.constant 0 : i32
    %dma_start3A_31 = tpu.memref_slice %arg2[%dma_start3A_29, %dma_start3A_30] : memref<10240x128xf32, #tpu.memory_space<hbm>> -> memref<10240x128xf32, #tpu.memory_space<hbm>>
    tpu.enqueue_indirect_dma source(%dma_start3A_31 : memref<10240x128xf32, #tpu.memory_space<hbm>>) target(%arg11 : memref<40x128xf32, #tpu.memory_space<vmem>>) offsets(%dma_start3A_28 : memref<40xi32, #tpu.memory_space<vmem>>) semaphore(%arg17 : memref<!tpu.dma_semaphore, #tpu.memory_space<semaphore_mem>>)
    %dma_start3A_32 = arith.constant 4 : i32
    %dma_start3A_33 = arith.constant 0 : i32
    %dma_start3A_34 = tpu.memref_slice %arg6[%dma_start3A_32, %dma_start3A_33] : memref<250x40xi32, #tpu.memory_space<vmem>> -> memref<1x40xi32, #tpu.memory_space<vmem>>
    %dma_start3A_35 = tpu.memref_squeeze %dma_start3A_34 : memref<1x40xi32, #tpu.memory_space<vmem>> -> memref<40xi32, #tpu.memory_space<vmem>>
    %dma_start3A_36 = arith.constant 0 : i32
    %dma_start3A_37 = arith.constant 0 : i32
    %dma_start3A_38 = tpu.memref_slice %arg2[%dma_start3A_36, %dma_start3A_37] : memref<10240x128xf32, #tpu.memory_space<hbm>> -> memref<10240x128xf32, #tpu.memory_space<hbm>>
    tpu.enqueue_indirect_dma source(%dma_start3A_38 : memref<10240x128xf32, #tpu.memory_space<hbm>>) target(%arg12 : memref<40x128xf32, #tpu.memory_space<vmem>>) offsets(%dma_start3A_35 : memref<40xi32, #tpu.memory_space<vmem>>) semaphore(%arg18 : memref<!tpu.dma_semaphore, #tpu.memory_space<semaphore_mem>>)
    %scan3A = arith.constant 0 : i32
    %scan3A_39 = arith.constant 50 : i32
    %scan3A_40 = arith.addi %scan3A, %scan3A_39 : i32
    %scan3A_41 = arith.constant 1 : i32
    scf.for %scan3A_48 = %scan3A to %scan3A_40 step %scan3A_41  : i32 {
      %mul3A_49 = arith.constant 5 : i32
      %mul3A_50 = arith.muli %mul3A_49, %scan3A_48 : i32
      %add3A_51 = arith.constant 0 : i32
      %add3A_52 = arith.addi %mul3A_50, %add3A_51 : i32
      %lt3A = arith.constant 250 : i32
      %lt3A_53 = arith.cmpi slt, %add3A_52, %lt3A : i32
      %convert_element_type3A = arith.extui %lt3A_53 : i1 to i32
      %cond3A = arith.constant 0 : i32
      %cond3A_54 = arith.cmpi ne, %convert_element_type3A, %cond3A : i32
      scf.if %cond3A_54 {
        %dma_wait3A = arith.constant 0 : i32
        %dma_wait3A_118 = tpu.memref_slice %arg6[%add3A_52, %dma_wait3A] : memref<250x40xi32, #tpu.memory_space<vmem>> -> memref<1x40xi32, #tpu.memory_space<vmem>>
        %dma_wait3A_119 = tpu.memref_squeeze %dma_wait3A_118 : memref<1x40xi32, #tpu.memory_space<vmem>> -> memref<40xi32, #tpu.memory_space<vmem>>
        %dma_wait3A_120 = arith.constant 0 : i32
        %dma_wait3A_121 = arith.constant 0 : i32
        %dma_wait3A_122 = tpu.memref_slice %arg2[%dma_wait3A_120, %dma_wait3A_121] : memref<10240x128xf32, #tpu.memory_space<hbm>> -> memref<10240x128xf32, #tpu.memory_space<hbm>>
        tpu.wait_indirect_dma semaphore(%arg14 : memref<!tpu.dma_semaphore, #tpu.memory_space<semaphore_mem>>) src(%dma_wait3A_122 : memref<10240x128xf32, #tpu.memory_space<hbm>>) dst(%arg8 : memref<40x128xf32, #tpu.memory_space<vmem>>)
        "tpu.region"() ({
          %run_scoped3A = tpu.sem_alloc : memref<!tpu.dma_semaphore, #tpu.memory_space<semaphore_mem>>
          %dma_start3A_123 = arith.constant 0 : i32
          %dma_start3A_124 = tpu.memref_slice %arg7[%add3A_52, %dma_start3A_123] : memref<250x40xi32, #tpu.memory_space<vmem>> -> memref<1x40xi32, #tpu.memory_space<vmem>>
          %dma_start3A_125 = tpu.memref_squeeze %dma_start3A_124 : memref<1x40xi32, #tpu.memory_space<vmem>> -> memref<40xi32, #tpu.memory_space<vmem>>
          %dma_start3A_126 = arith.constant 0 : i32
          %dma_start3A_127 = arith.constant 0 : i32
          %dma_start3A_128 = tpu.memref_slice %arg13[%dma_start3A_126, %dma_start3A_127] : memref<10240x128xf32, #tpu.memory_space<vmem_shared>> -> memref<10240x128xf32, #tpu.memory_space<vmem_shared>>
          tpu.enqueue_indirect_dma source(%arg8 : memref<40x128xf32, #tpu.memory_space<vmem>>) target(%dma_start3A_128 : memref<10240x128xf32, #tpu.memory_space<vmem_shared>>) offsets(%dma_start3A_125 : memref<40xi32, #tpu.memory_space<vmem>>) semaphore(%run_scoped3A : memref<!tpu.dma_semaphore, #tpu.memory_space<semaphore_mem>>) {add = true}
          %dma_wait3A_129 = arith.constant 0 : i32
          %dma_wait3A_130 = tpu.memref_slice %arg7[%add3A_52, %dma_wait3A_129] : memref<250x40xi32, #tpu.memory_space<vmem>> -> memref<1x40xi32, #tpu.memory_space<vmem>>
          %dma_wait3A_131 = tpu.memref_squeeze %dma_wait3A_130 : memref<1x40xi32, #tpu.memory_space<vmem>> -> memref<40xi32, #tpu.memory_space<vmem>>
          %dma_wait3A_132 = arith.constant 0 : i32
          %dma_wait3A_133 = arith.constant 0 : i32
          %dma_wait3A_134 = tpu.memref_slice %arg13[%dma_wait3A_132, %dma_wait3A_133] : memref<10240x128xf32, #tpu.memory_space<vmem_shared>> -> memref<10240x128xf32, #tpu.memory_space<vmem_shared>>
          tpu.wait_indirect_dma semaphore(%run_scoped3A : memref<!tpu.dma_semaphore, #tpu.memory_space<semaphore_mem>>) src(%arg8 : memref<40x128xf32, #tpu.memory_space<vmem>>) dst(%dma_wait3A_134 : memref<10240x128xf32, #tpu.memory_space<vmem_shared>>)
          tpu.yield
        }) : () -> ()
      } else {
      }
      %add3A_55 = arith.constant 5 : i32
      %add3A_56 = arith.addi %add3A_52, %add3A_55 : i32
      %lt3A_57 = arith.constant 250 : i32
      %lt3A_58 = arith.cmpi slt, %add3A_56, %lt3A_57 : i32
      %convert_element_type3A_59 = arith.extui %lt3A_58 : i1 to i32
      %cond3A_60 = arith.constant 0 : i32
      %cond3A_61 = arith.cmpi ne, %convert_element_type3A_59, %cond3A_60 : i32
      scf.if %cond3A_61 {
        %add3A_118 = arith.constant 5 : i32
        %add3A_119 = arith.addi %add3A_52, %add3A_118 : i32
        %dma_start3A_120 = arith.constant 0 : i32
        %dma_start3A_121 = tpu.memref_slice %arg6[%add3A_119, %dma_start3A_120] : memref<250x40xi32, #tpu.memory_space<vmem>> -> memref<1x40xi32, #tpu.memory_space<vmem>>
        %dma_start3A_122 = tpu.memref_squeeze %dma_start3A_121 : memref<1x40xi32, #tpu.memory_space<vmem>> -> memref<40xi32, #tpu.memory_space<vmem>>
        %dma_start3A_123 = arith.constant 0 : i32
        %dma_start3A_124 = arith.constant 0 : i32
        %dma_start3A_125 = tpu.memref_slice %arg2[%dma_start3A_123, %dma_start3A_124] : memref<10240x128xf32, #tpu.memory_space<hbm>> -> memref<10240x128xf32, #tpu.memory_space<hbm>>
        tpu.enqueue_indirect_dma source(%dma_start3A_125 : memref<10240x128xf32, #tpu.memory_space<hbm>>) target(%arg8 : memref<40x128xf32, #tpu.memory_space<vmem>>) offsets(%dma_start3A_122 : memref<40xi32, #tpu.memory_space<vmem>>) semaphore(%arg14 : memref<!tpu.dma_semaphore, #tpu.memory_space<semaphore_mem>>)
      } else {
      }
      %add3A_62 = arith.constant 1 : i32
      %add3A_63 = arith.addi %mul3A_50, %add3A_62 : i32
      %lt3A_64 = arith.constant 250 : i32
      %lt3A_65 = arith.cmpi slt, %add3A_63, %lt3A_64 : i32
      %convert_element_type3A_66 = arith.extui %lt3A_65 : i1 to i32
      %cond3A_67 = arith.constant 0 : i32
      %cond3A_68 = arith.cmpi ne, %convert_element_type3A_66, %cond3A_67 : i32
      scf.if %cond3A_68 {
        %dma_wait3A = arith.constant 0 : i32
        %dma_wait3A_118 = tpu.memref_slice %arg6[%add3A_63, %dma_wait3A] : memref<250x40xi32, #tpu.memory_space<vmem>> -> memref<1x40xi32, #tpu.memory_space<vmem>>
        %dma_wait3A_119 = tpu.memref_squeeze %dma_wait3A_118 : memref<1x40xi32, #tpu.memory_space<vmem>> -> memref<40xi32, #tpu.memory_space<vmem>>
        %dma_wait3A_120 = arith.constant 0 : i32
        %dma_wait3A_121 = arith.constant 0 : i32
        %dma_wait3A_122 = tpu.memref_slice %arg2[%dma_wait3A_120, %dma_wait3A_121] : memref<10240x128xf32, #tpu.memory_space<hbm>> -> memref<10240x128xf32, #tpu.memory_space<hbm>>
        tpu.wait_indirect_dma semaphore(%arg15 : memref<!tpu.dma_semaphore, #tpu.memory_space<semaphore_mem>>) src(%dma_wait3A_122 : memref<10240x128xf32, #tpu.memory_space<hbm>>) dst(%arg9 : memref<40x128xf32, #tpu.memory_space<vmem>>)
        "tpu.region"() ({
          %run_scoped3A = tpu.sem_alloc : memref<!tpu.dma_semaphore, #tpu.memory_space<semaphore_mem>>
          %dma_start3A_123 = arith.constant 0 : i32
          %dma_start3A_124 = tpu.memref_slice %arg7[%add3A_63, %dma_start3A_123] : memref<250x40xi32, #tpu.memory_space<vmem>> -> memref<1x40xi32, #tpu.memory_space<vmem>>
          %dma_start3A_125 = tpu.memref_squeeze %dma_start3A_124 : memref<1x40xi32, #tpu.memory_space<vmem>> -> memref<40xi32, #tpu.memory_space<vmem>>
          %dma_start3A_126 = arith.constant 0 : i32
          %dma_start3A_127 = arith.constant 0 : i32
          %dma_start3A_128 = tpu.memref_slice %arg13[%dma_start3A_126, %dma_start3A_127] : memref<10240x128xf32, #tpu.memory_space<vmem_shared>> -> memref<10240x128xf32, #tpu.memory_space<vmem_shared>>
          tpu.enqueue_indirect_dma source(%arg9 : memref<40x128xf32, #tpu.memory_space<vmem>>) target(%dma_start3A_128 : memref<10240x128xf32, #tpu.memory_space<vmem_shared>>) offsets(%dma_start3A_125 : memref<40xi32, #tpu.memory_space<vmem>>) semaphore(%run_scoped3A : memref<!tpu.dma_semaphore, #tpu.memory_space<semaphore_mem>>) {add = true}
          %dma_wait3A_129 = arith.constant 0 : i32
          %dma_wait3A_130 = tpu.memref_slice %arg7[%add3A_63, %dma_wait3A_129] : memref<250x40xi32, #tpu.memory_space<vmem>> -> memref<1x40xi32, #tpu.memory_space<vmem>>
          %dma_wait3A_131 = tpu.memref_squeeze %dma_wait3A_130 : memref<1x40xi32, #tpu.memory_space<vmem>> -> memref<40xi32, #tpu.memory_space<vmem>>
          %dma_wait3A_132 = arith.constant 0 : i32
          %dma_wait3A_133 = arith.constant 0 : i32
          %dma_wait3A_134 = tpu.memref_slice %arg13[%dma_wait3A_132, %dma_wait3A_133] : memref<10240x128xf32, #tpu.memory_space<vmem_shared>> -> memref<10240x128xf32, #tpu.memory_space<vmem_shared>>
          tpu.wait_indirect_dma semaphore(%run_scoped3A : memref<!tpu.dma_semaphore, #tpu.memory_space<semaphore_mem>>) src(%arg9 : memref<40x128xf32, #tpu.memory_space<vmem>>) dst(%dma_wait3A_134 : memref<10240x128xf32, #tpu.memory_space<vmem_shared>>)
          tpu.yield
        }) : () -> ()
      } else {
      }
      %add3A_69 = arith.constant 5 : i32
      %add3A_70 = arith.addi %add3A_63, %add3A_69 : i32
      %lt3A_71 = arith.constant 250 : i32
      %lt3A_72 = arith.cmpi slt, %add3A_70, %lt3A_71 : i32
      %convert_element_type3A_73 = arith.extui %lt3A_72 : i1 to i32
      %cond3A_74 = arith.constant 0 : i32
      %cond3A_75 = arith.cmpi ne, %convert_element_type3A_73, %cond3A_74 : i32
      scf.if %cond3A_75 {
        %add3A_118 = arith.constant 5 : i32
        %add3A_119 = arith.addi %add3A_63, %add3A_118 : i32
        %dma_start3A_120 = arith.constant 0 : i32
        %dma_start3A_121 = tpu.memref_slice %arg6[%add3A_119, %dma_start3A_120] : memref<250x40xi32, #tpu.memory_space<vmem>> -> memref<1x40xi32, #tpu.memory_space<vmem>>
        %dma_start3A_122 = tpu.memref_squeeze %dma_start3A_121 : memref<1x40xi32, #tpu.memory_space<vmem>> -> memref<40xi32, #tpu.memory_space<vmem>>
        %dma_start3A_123 = arith.constant 0 : i32
        %dma_start3A_124 = arith.constant 0 : i32
        %dma_start3A_125 = tpu.memref_slice %arg2[%dma_start3A_123, %dma_start3A_124] : memref<10240x128xf32, #tpu.memory_space<hbm>> -> memref<10240x128xf32, #tpu.memory_space<hbm>>
        tpu.enqueue_indirect_dma source(%dma_start3A_125 : memref<10240x128xf32, #tpu.memory_space<hbm>>) target(%arg9 : memref<40x128xf32, #tpu.memory_space<vmem>>) offsets(%dma_start3A_122 : memref<40xi32, #tpu.memory_space<vmem>>) semaphore(%arg15 : memref<!tpu.dma_semaphore, #tpu.memory_space<semaphore_mem>>)
      } else {
      }
      %add3A_76 = arith.constant 2 : i32
      %add3A_77 = arith.addi %mul3A_50, %add3A_76 : i32
      %lt3A_78 = arith.constant 250 : i32
      %lt3A_79 = arith.cmpi slt, %add3A_77, %lt3A_78 : i32
      %convert_element_type3A_80 = arith.extui %lt3A_79 : i1 to i32
      %cond3A_81 = arith.constant 0 : i32
      %cond3A_82 = arith.cmpi ne, %convert_element_type3A_80, %cond3A_81 : i32
      scf.if %cond3A_82 {
        %dma_wait3A = arith.constant 0 : i32
        %dma_wait3A_118 = tpu.memref_slice %arg6[%add3A_77, %dma_wait3A] : memref<250x40xi32, #tpu.memory_space<vmem>> -> memref<1x40xi32, #tpu.memory_space<vmem>>
        %dma_wait3A_119 = tpu.memref_squeeze %dma_wait3A_118 : memref<1x40xi32, #tpu.memory_space<vmem>> -> memref<40xi32, #tpu.memory_space<vmem>>
        %dma_wait3A_120 = arith.constant 0 : i32
        %dma_wait3A_121 = arith.constant 0 : i32
        %dma_wait3A_122 = tpu.memref_slice %arg2[%dma_wait3A_120, %dma_wait3A_121] : memref<10240x128xf32, #tpu.memory_space<hbm>> -> memref<10240x128xf32, #tpu.memory_space<hbm>>
        tpu.wait_indirect_dma semaphore(%arg16 : memref<!tpu.dma_semaphore, #tpu.memory_space<semaphore_mem>>) src(%dma_wait3A_122 : memref<10240x128xf32, #tpu.memory_space<hbm>>) dst(%arg10 : memref<40x128xf32, #tpu.memory_space<vmem>>)
        "tpu.region"() ({
          %run_scoped3A = tpu.sem_alloc : memref<!tpu.dma_semaphore, #tpu.memory_space<semaphore_mem>>
          %dma_start3A_123 = arith.constant 0 : i32
          %dma_start3A_124 = tpu.memref_slice %arg7[%add3A_77, %dma_start3A_123] : memref<250x40xi32, #tpu.memory_space<vmem>> -> memref<1x40xi32, #tpu.memory_space<vmem>>
          %dma_start3A_125 = tpu.memref_squeeze %dma_start3A_124 : memref<1x40xi32, #tpu.memory_space<vmem>> -> memref<40xi32, #tpu.memory_space<vmem>>
          %dma_start3A_126 = arith.constant 0 : i32
          %dma_start3A_127 = arith.constant 0 : i32
          %dma_start3A_128 = tpu.memref_slice %arg13[%dma_start3A_126, %dma_start3A_127] : memref<10240x128xf32, #tpu.memory_space<vmem_shared>> -> memref<10240x128xf32, #tpu.memory_space<vmem_shared>>
          tpu.enqueue_indirect_dma source(%arg10 : memref<40x128xf32, #tpu.memory_space<vmem>>) target(%dma_start3A_128 : memref<10240x128xf32, #tpu.memory_space<vmem_shared>>) offsets(%dma_start3A_125 : memref<40xi32, #tpu.memory_space<vmem>>) semaphore(%run_scoped3A : memref<!tpu.dma_semaphore, #tpu.memory_space<semaphore_mem>>) {add = true}
          %dma_wait3A_129 = arith.constant 0 : i32
          %dma_wait3A_130 = tpu.memref_slice %arg7[%add3A_77, %dma_wait3A_129] : memref<250x40xi32, #tpu.memory_space<vmem>> -> memref<1x40xi32, #tpu.memory_space<vmem>>
          %dma_wait3A_131 = tpu.memref_squeeze %dma_wait3A_130 : memref<1x40xi32, #tpu.memory_space<vmem>> -> memref<40xi32, #tpu.memory_space<vmem>>
          %dma_wait3A_132 = arith.constant 0 : i32
          %dma_wait3A_133 = arith.constant 0 : i32
          %dma_wait3A_134 = tpu.memref_slice %arg13[%dma_wait3A_132, %dma_wait3A_133] : memref<10240x128xf32, #tpu.memory_space<vmem_shared>> -> memref<10240x128xf32, #tpu.memory_space<vmem_shared>>
          tpu.wait_indirect_dma semaphore(%run_scoped3A : memref<!tpu.dma_semaphore, #tpu.memory_space<semaphore_mem>>) src(%arg10 : memref<40x128xf32, #tpu.memory_space<vmem>>) dst(%dma_wait3A_134 : memref<10240x128xf32, #tpu.memory_space<vmem_shared>>)
          tpu.yield
        }) : () -> ()
      } else {
      }
      %add3A_83 = arith.constant 5 : i32
      %add3A_84 = arith.addi %add3A_77, %add3A_83 : i32
      %lt3A_85 = arith.constant 250 : i32
      %lt3A_86 = arith.cmpi slt, %add3A_84, %lt3A_85 : i32
      %convert_element_type3A_87 = arith.extui %lt3A_86 : i1 to i32
      %cond3A_88 = arith.constant 0 : i32
      %cond3A_89 = arith.cmpi ne, %convert_element_type3A_87, %cond3A_88 : i32
      scf.if %cond3A_89 {
        %add3A_118 = arith.constant 5 : i32
        %add3A_119 = arith.addi %add3A_77, %add3A_118 : i32
        %dma_start3A_120 = arith.constant 0 : i32
        %dma_start3A_121 = tpu.memref_slice %arg6[%add3A_119, %dma_start3A_120] : memref<250x40xi32, #tpu.memory_space<vmem>> -> memref<1x40xi32, #tpu.memory_space<vmem>>
        %dma_start3A_122 = tpu.memref_squeeze %dma_start3A_121 : memref<1x40xi32, #tpu.memory_space<vmem>> -> memref<40xi32, #tpu.memory_space<vmem>>
        %dma_start3A_123 = arith.constant 0 : i32
        %dma_start3A_124 = arith.constant 0 : i32
        %dma_start3A_125 = tpu.memref_slice %arg2[%dma_start3A_123, %dma_start3A_124] : memref<10240x128xf32, #tpu.memory_space<hbm>> -> memref<10240x128xf32, #tpu.memory_space<hbm>>
        tpu.enqueue_indirect_dma source(%dma_start3A_125 : memref<10240x128xf32, #tpu.memory_space<hbm>>) target(%arg10 : memref<40x128xf32, #tpu.memory_space<vmem>>) offsets(%dma_start3A_122 : memref<40xi32, #tpu.memory_space<vmem>>) semaphore(%arg16 : memref<!tpu.dma_semaphore, #tpu.memory_space<semaphore_mem>>)
      } else {
      }
      %add3A_90 = arith.constant 3 : i32
      %add3A_91 = arith.addi %mul3A_50, %add3A_90 : i32
      %lt3A_92 = arith.constant 250 : i32
      %lt3A_93 = arith.cmpi slt, %add3A_91, %lt3A_92 : i32
      %convert_element_type3A_94 = arith.extui %lt3A_93 : i1 to i32
      %cond3A_95 = arith.constant 0 : i32
      %cond3A_96 = arith.cmpi ne, %convert_element_type3A_94, %cond3A_95 : i32
      scf.if %cond3A_96 {
        %dma_wait3A = arith.constant 0 : i32
        %dma_wait3A_118 = tpu.memref_slice %arg6[%add3A_91, %dma_wait3A] : memref<250x40xi32, #tpu.memory_space<vmem>> -> memref<1x40xi32, #tpu.memory_space<vmem>>
        %dma_wait3A_119 = tpu.memref_squeeze %dma_wait3A_118 : memref<1x40xi32, #tpu.memory_space<vmem>> -> memref<40xi32, #tpu.memory_space<vmem>>
        %dma_wait3A_120 = arith.constant 0 : i32
        %dma_wait3A_121 = arith.constant 0 : i32
        %dma_wait3A_122 = tpu.memref_slice %arg2[%dma_wait3A_120, %dma_wait3A_121] : memref<10240x128xf32, #tpu.memory_space<hbm>> -> memref<10240x128xf32, #tpu.memory_space<hbm>>
        tpu.wait_indirect_dma semaphore(%arg17 : memref<!tpu.dma_semaphore, #tpu.memory_space<semaphore_mem>>) src(%dma_wait3A_122 : memref<10240x128xf32, #tpu.memory_space<hbm>>) dst(%arg11 : memref<40x128xf32, #tpu.memory_space<vmem>>)
        "tpu.region"() ({
          %run_scoped3A = tpu.sem_alloc : memref<!tpu.dma_semaphore, #tpu.memory_space<semaphore_mem>>
          %dma_start3A_123 = arith.constant 0 : i32
          %dma_start3A_124 = tpu.memref_slice %arg7[%add3A_91, %dma_start3A_123] : memref<250x40xi32, #tpu.memory_space<vmem>> -> memref<1x40xi32, #tpu.memory_space<vmem>>
          %dma_start3A_125 = tpu.memref_squeeze %dma_start3A_124 : memref<1x40xi32, #tpu.memory_space<vmem>> -> memref<40xi32, #tpu.memory_space<vmem>>
          %dma_start3A_126 = arith.constant 0 : i32
          %dma_start3A_127 = arith.constant 0 : i32
          %dma_start3A_128 = tpu.memref_slice %arg13[%dma_start3A_126, %dma_start3A_127] : memref<10240x128xf32, #tpu.memory_space<vmem_shared>> -> memref<10240x128xf32, #tpu.memory_space<vmem_shared>>
          tpu.enqueue_indirect_dma source(%arg11 : memref<40x128xf32, #tpu.memory_space<vmem>>) target(%dma_start3A_128 : memref<10240x128xf32, #tpu.memory_space<vmem_shared>>) offsets(%dma_start3A_125 : memref<40xi32, #tpu.memory_space<vmem>>) semaphore(%run_scoped3A : memref<!tpu.dma_semaphore, #tpu.memory_space<semaphore_mem>>) {add = true}
          %dma_wait3A_129 = arith.constant 0 : i32
          %dma_wait3A_130 = tpu.memref_slice %arg7[%add3A_91, %dma_wait3A_129] : memref<250x40xi32, #tpu.memory_space<vmem>> -> memref<1x40xi32, #tpu.memory_space<vmem>>
          %dma_wait3A_131 = tpu.memref_squeeze %dma_wait3A_130 : memref<1x40xi32, #tpu.memory_space<vmem>> -> memref<40xi32, #tpu.memory_space<vmem>>
          %dma_wait3A_132 = arith.constant 0 : i32
          %dma_wait3A_133 = arith.constant 0 : i32
          %dma_wait3A_134 = tpu.memref_slice %arg13[%dma_wait3A_132, %dma_wait3A_133] : memref<10240x128xf32, #tpu.memory_space<vmem_shared>> -> memref<10240x128xf32, #tpu.memory_space<vmem_shared>>
          tpu.wait_indirect_dma semaphore(%run_scoped3A : memref<!tpu.dma_semaphore, #tpu.memory_space<semaphore_mem>>) src(%arg11 : memref<40x128xf32, #tpu.memory_space<vmem>>) dst(%dma_wait3A_134 : memref<10240x128xf32, #tpu.memory_space<vmem_shared>>)
          tpu.yield
        }) : () -> ()
      } else {
      }
      %add3A_97 = arith.constant 5 : i32
      %add3A_98 = arith.addi %add3A_91, %add3A_97 : i32
      %lt3A_99 = arith.constant 250 : i32
      %lt3A_100 = arith.cmpi slt, %add3A_98, %lt3A_99 : i32
      %convert_element_type3A_101 = arith.extui %lt3A_100 : i1 to i32
      %cond3A_102 = arith.constant 0 : i32
      %cond3A_103 = arith.cmpi ne, %convert_element_type3A_101, %cond3A_102 : i32
      scf.if %cond3A_103 {
        %add3A_118 = arith.constant 5 : i32
        %add3A_119 = arith.addi %add3A_91, %add3A_118 : i32
        %dma_start3A_120 = arith.constant 0 : i32
        %dma_start3A_121 = tpu.memref_slice %arg6[%add3A_119, %dma_start3A_120] : memref<250x40xi32, #tpu.memory_space<vmem>> -> memref<1x40xi32, #tpu.memory_space<vmem>>
        %dma_start3A_122 = tpu.memref_squeeze %dma_start3A_121 : memref<1x40xi32, #tpu.memory_space<vmem>> -> memref<40xi32, #tpu.memory_space<vmem>>
        %dma_start3A_123 = arith.constant 0 : i32
        %dma_start3A_124 = arith.constant 0 : i32
        %dma_start3A_125 = tpu.memref_slice %arg2[%dma_start3A_123, %dma_start3A_124] : memref<10240x128xf32, #tpu.memory_space<hbm>> -> memref<10240x128xf32, #tpu.memory_space<hbm>>
        tpu.enqueue_indirect_dma source(%dma_start3A_125 : memref<10240x128xf32, #tpu.memory_space<hbm>>) target(%arg11 : memref<40x128xf32, #tpu.memory_space<vmem>>) offsets(%dma_start3A_122 : memref<40xi32, #tpu.memory_space<vmem>>) semaphore(%arg17 : memref<!tpu.dma_semaphore, #tpu.memory_space<semaphore_mem>>)
      } else {
      }
      %add3A_104 = arith.constant 4 : i32
      %add3A_105 = arith.addi %mul3A_50, %add3A_104 : i32
      %lt3A_106 = arith.constant 250 : i32
      %lt3A_107 = arith.cmpi slt, %add3A_105, %lt3A_106 : i32
      %convert_element_type3A_108 = arith.extui %lt3A_107 : i1 to i32
      %cond3A_109 = arith.constant 0 : i32
      %cond3A_110 = arith.cmpi ne, %convert_element_type3A_108, %cond3A_109 : i32
      scf.if %cond3A_110 {
        %dma_wait3A = arith.constant 0 : i32
        %dma_wait3A_118 = tpu.memref_slice %arg6[%add3A_105, %dma_wait3A] : memref<250x40xi32, #tpu.memory_space<vmem>> -> memref<1x40xi32, #tpu.memory_space<vmem>>
        %dma_wait3A_119 = tpu.memref_squeeze %dma_wait3A_118 : memref<1x40xi32, #tpu.memory_space<vmem>> -> memref<40xi32, #tpu.memory_space<vmem>>
        %dma_wait3A_120 = arith.constant 0 : i32
        %dma_wait3A_121 = arith.constant 0 : i32
        %dma_wait3A_122 = tpu.memref_slice %arg2[%dma_wait3A_120, %dma_wait3A_121] : memref<10240x128xf32, #tpu.memory_space<hbm>> -> memref<10240x128xf32, #tpu.memory_space<hbm>>
        tpu.wait_indirect_dma semaphore(%arg18 : memref<!tpu.dma_semaphore, #tpu.memory_space<semaphore_mem>>) src(%dma_wait3A_122 : memref<10240x128xf32, #tpu.memory_space<hbm>>) dst(%arg12 : memref<40x128xf32, #tpu.memory_space<vmem>>)
        "tpu.region"() ({
          %run_scoped3A = tpu.sem_alloc : memref<!tpu.dma_semaphore, #tpu.memory_space<semaphore_mem>>
          %dma_start3A_123 = arith.constant 0 : i32
          %dma_start3A_124 = tpu.memref_slice %arg7[%add3A_105, %dma_start3A_123] : memref<250x40xi32, #tpu.memory_space<vmem>> -> memref<1x40xi32, #tpu.memory_space<vmem>>
          %dma_start3A_125 = tpu.memref_squeeze %dma_start3A_124 : memref<1x40xi32, #tpu.memory_space<vmem>> -> memref<40xi32, #tpu.memory_space<vmem>>
          %dma_start3A_126 = arith.constant 0 : i32
          %dma_start3A_127 = arith.constant 0 : i32
          %dma_start3A_128 = tpu.memref_slice %arg13[%dma_start3A_126, %dma_start3A_127] : memref<10240x128xf32, #tpu.memory_space<vmem_shared>> -> memref<10240x128xf32, #tpu.memory_space<vmem_shared>>
          tpu.enqueue_indirect_dma source(%arg12 : memref<40x128xf32, #tpu.memory_space<vmem>>) target(%dma_start3A_128 : memref<10240x128xf32, #tpu.memory_space<vmem_shared>>) offsets(%dma_start3A_125 : memref<40xi32, #tpu.memory_space<vmem>>) semaphore(%run_scoped3A : memref<!tpu.dma_semaphore, #tpu.memory_space<semaphore_mem>>) {add = true}
          %dma_wait3A_129 = arith.constant 0 : i32
          %dma_wait3A_130 = tpu.memref_slice %arg7[%add3A_105, %dma_wait3A_129] : memref<250x40xi32, #tpu.memory_space<vmem>> -> memref<1x40xi32, #tpu.memory_space<vmem>>
          %dma_wait3A_131 = tpu.memref_squeeze %dma_wait3A_130 : memref<1x40xi32, #tpu.memory_space<vmem>> -> memref<40xi32, #tpu.memory_space<vmem>>
          %dma_wait3A_132 = arith.constant 0 : i32
          %dma_wait3A_133 = arith.constant 0 : i32
          %dma_wait3A_134 = tpu.memref_slice %arg13[%dma_wait3A_132, %dma_wait3A_133] : memref<10240x128xf32, #tpu.memory_space<vmem_shared>> -> memref<10240x128xf32, #tpu.memory_space<vmem_shared>>
          tpu.wait_indirect_dma semaphore(%run_scoped3A : memref<!tpu.dma_semaphore, #tpu.memory_space<semaphore_mem>>) src(%arg12 : memref<40x128xf32, #tpu.memory_space<vmem>>) dst(%dma_wait3A_134 : memref<10240x128xf32, #tpu.memory_space<vmem_shared>>)
          tpu.yield
        }) : () -> ()
      } else {
      }
      %add3A_111 = arith.constant 5 : i32
      %add3A_112 = arith.addi %add3A_105, %add3A_111 : i32
      %lt3A_113 = arith.constant 250 : i32
      %lt3A_114 = arith.cmpi slt, %add3A_112, %lt3A_113 : i32
      %convert_element_type3A_115 = arith.extui %lt3A_114 : i1 to i32
      %cond3A_116 = arith.constant 0 : i32
      %cond3A_117 = arith.cmpi ne, %convert_element_type3A_115, %cond3A_116 : i32
      scf.if %cond3A_117 {
        %add3A_118 = arith.constant 5 : i32
        %add3A_119 = arith.addi %add3A_105, %add3A_118 : i32
        %dma_start3A_120 = arith.constant 0 : i32
        %dma_start3A_121 = tpu.memref_slice %arg6[%add3A_119, %dma_start3A_120] : memref<250x40xi32, #tpu.memory_space<vmem>> -> memref<1x40xi32, #tpu.memory_space<vmem>>
        %dma_start3A_122 = tpu.memref_squeeze %dma_start3A_121 : memref<1x40xi32, #tpu.memory_space<vmem>> -> memref<40xi32, #tpu.memory_space<vmem>>
        %dma_start3A_123 = arith.constant 0 : i32
        %dma_start3A_124 = arith.constant 0 : i32
        %dma_start3A_125 = tpu.memref_slice %arg2[%dma_start3A_123, %dma_start3A_124] : memref<10240x128xf32, #tpu.memory_space<hbm>> -> memref<10240x128xf32, #tpu.memory_space<hbm>>
        tpu.enqueue_indirect_dma source(%dma_start3A_125 : memref<10240x128xf32, #tpu.memory_space<hbm>>) target(%arg12 : memref<40x128xf32, #tpu.memory_space<vmem>>) offsets(%dma_start3A_122 : memref<40xi32, #tpu.memory_space<vmem>>) semaphore(%arg18 : memref<!tpu.dma_semaphore, #tpu.memory_space<semaphore_mem>>)
      } else {
      }
    }
    %scan3A_42 = arith.constant 50 : i32
    %barrier3A_43 = arith.constant 0 : index
    tpu.barrier barrier_id(%barrier3A_43)
    %mul3A_44 = arith.constant 640 : i32
    %mul3A_45 = arith.muli %arg1, %mul3A_44 : i32
    %mul3A_46 = arith.constant 640 : i32
    %mul3A_47 = arith.muli %arg1, %mul3A_46 : i32
    "tpu.region"() ({
      %run_scoped3A = tpu.sem_alloc : memref<!tpu.dma_semaphore, #tpu.memory_space<semaphore_mem>>
      %dma_start3A_48 = arith.constant 0 : i32
      %dma_start3A_49 = tpu.memref_slice %arg5[%arg0, %mul3A_47, %dma_start3A_48] : memref<2x10240x128xf32, #tpu.memory_space<hbm>> -> memref<1x640x128xf32, #tpu.memory_space<hbm>>
      %dma_start3A_50 = tpu.memref_squeeze %dma_start3A_49 : memref<1x640x128xf32, #tpu.memory_space<hbm>> -> memref<640x128xf32, #tpu.memory_space<hbm>>
      %dma_start3A_51 = arith.constant 0 : i32
      %dma_start3A_52 = tpu.memref_slice %arg13[%mul3A_45, %dma_start3A_51] : memref<10240x128xf32, #tpu.memory_space<vmem_shared>> -> memref<640x128xf32, #tpu.memory_space<vmem_shared>>
      tpu.enqueue_dma source(%dma_start3A_52 : memref<640x128xf32, #tpu.memory_space<vmem_shared>>) target(%dma_start3A_50 : memref<640x128xf32, #tpu.memory_space<hbm>>) target_semaphore(%run_scoped3A : memref<!tpu.dma_semaphore, #tpu.memory_space<semaphore_mem>>)
      %dma_wait3A = arith.constant 0 : i32
      %dma_wait3A_53 = tpu.memref_slice %arg5[%arg0, %mul3A_47, %dma_wait3A] : memref<2x10240x128xf32, #tpu.memory_space<hbm>> -> memref<1x640x128xf32, #tpu.memory_space<hbm>>
      %dma_wait3A_54 = tpu.memref_squeeze %dma_wait3A_53 : memref<1x640x128xf32, #tpu.memory_space<hbm>> -> memref<640x128xf32, #tpu.memory_space<hbm>>
      %dma_wait3A_55 = arith.constant 0 : i32
      %dma_wait3A_56 = tpu.memref_slice %arg13[%mul3A_45, %dma_wait3A_55] : memref<10240x128xf32, #tpu.memory_space<vmem_shared>> -> memref<640x128xf32, #tpu.memory_space<vmem_shared>>
      tpu.wait_dma2 semaphore(%run_scoped3A : memref<!tpu.dma_semaphore, #tpu.memory_space<semaphore_mem>>) src(%dma_wait3A_56 : memref<640x128xf32, #tpu.memory_space<vmem_shared>>) dst(%dma_wait3A_54 : memref<640x128xf32, #tpu.memory_space<hbm>>)
      tpu.yield
    }) : () -> ()
    return
  }
}

module attributes {stable_mosaic.version = 14 : i64} {
  func.func @_scale1_body(%arg0: memref<2x10240x16xf32, #tpu.memory_space<vmem>>, %arg1: memref<10000x128xf32, #tpu.memory_space<vmem>>, %arg2: memref<10000x1xf32, #tpu.memory_space<vmem>>, %arg3: memref<10240x128xf32, #tpu.memory_space<vmem>>) attributes {dimension_semantics = [], scalar_prefetch = 0 : i64, scratch_operands = 0 : i64, tpu.core_type = #tpu.core_type<tc>} {
    %get3A = arith.constant 0 : index
    %get3A_0 = arith.constant 0 : index
    %get3A_1 = arith.constant 0 : index
    %get3A_2 = vector.load %arg0[%get3A, %get3A_0, %get3A_1] : memref<2x10240x16xf32, #tpu.memory_space<vmem>>, vector<1x10240x16xf32>
    %get3A_3 = vector.shape_cast %get3A_2 : vector<1x10240x16xf32> to vector<10240x16xf32>
    %slice3A = vector.extract_strided_slice %get3A_3 {offsets = [0, 0], sizes = [10000, 1], strides = [1, 1]} : vector<10240x16xf32> to vector<10000x1xf32>
    %get3A_4 = arith.constant 1 : index
    %get3A_5 = arith.constant 0 : index
    %get3A_6 = arith.constant 0 : index
    %get3A_7 = vector.load %arg0[%get3A_4, %get3A_5, %get3A_6] : memref<2x10240x16xf32, #tpu.memory_space<vmem>>, vector<1x10240x16xf32>
    %get3A_8 = vector.shape_cast %get3A_7 : vector<1x10240x16xf32> to vector<10240x16xf32>
    %slice3A_9 = vector.extract_strided_slice %get3A_8 {offsets = [0, 0], sizes = [10000, 1], strides = [1, 1]} : vector<10240x16xf32> to vector<10000x1xf32>
    %add3A = arith.addf %slice3A, %slice3A_9 : vector<10000x1xf32>
    %sub3A = arith.constant 1.000000e+00 : f32
    %sub3A_10 = vector.broadcast %sub3A : f32 to vector<10000x1xf32>
    %sub3A_11 = arith.subf %add3A, %sub3A_10 : vector<10000x1xf32>
    %rsqrt3A = math.rsqrt %sub3A_11 : vector<10000x1xf32>
    %swap3A = arith.constant 0 : index
    %swap3A_12 = arith.constant 0 : index
    %swap3A_13 = vector.load %arg2[%swap3A, %swap3A_12] : memref<10000x1xf32, #tpu.memory_space<vmem>>, vector<10000x1xf32>
    tpu.vector_store %arg2[%swap3A, %swap3A_12], %rsqrt3A {strides = array<i32>} : memref<10000x1xf32, #tpu.memory_space<vmem>>, vector<10000x1xf32>,
    %get3A_14 = arith.constant 0 : index
    %get3A_15 = arith.constant 0 : index
    %get3A_16 = vector.load %arg1[%get3A_14, %get3A_15] : memref<10000x128xf32, #tpu.memory_space<vmem>>, vector<10000x128xf32>
    %mul3A = vector.broadcast %rsqrt3A : vector<10000x1xf32> to vector<10000x128xf32>
    %mul3A_17 = arith.mulf %mul3A, %get3A_16 : vector<10000x128xf32>
    %swap3A_18 = arith.constant 0 : index
    %swap3A_19 = arith.constant 0 : index
    %swap3A_20 = vector.load %arg3[%swap3A_18, %swap3A_19] : memref<10240x128xf32, #tpu.memory_space<vmem>>, vector<10000x128xf32>
    tpu.vector_store %arg3[%swap3A_18, %swap3A_19], %mul3A_17 {strides = array<i32>} : memref<10240x128xf32, #tpu.memory_space<vmem>>, vector<10000x128xf32>,
    %broadcast_in_dim3A = arith.constant 0.000000e+00 : f32
    %broadcast_in_dim3A_21 = vector.broadcast %broadcast_in_dim3A : f32 to vector<240x128xf32>
    %swap3A_22 = arith.constant 10000 : index
    %swap3A_23 = arith.constant 0 : index
    %swap3A_24 = vector.load %arg3[%swap3A_22, %swap3A_23] : memref<10240x128xf32, #tpu.memory_space<vmem>>, vector<240x128xf32>
    tpu.vector_store %arg3[%swap3A_22, %swap3A_23], %broadcast_in_dim3A_21 {strides = array<i32>} : memref<10240x128xf32, #tpu.memory_space<vmem>>, vector<240x128xf32>,
    return
  }
}

module attributes {stable_mosaic.version = 14 : i64} {
  func.func @_mm1_body(%arg0: memref<10000x128xf32, #tpu.memory_space<vmem>>, %arg1: memref<128x128xf32, #tpu.memory_space<vmem>>, %arg2: memref<10000x128xf32, #tpu.memory_space<vmem>>) attributes {dimension_semantics = [], scalar_prefetch = 0 : i64, scratch_operands = 0 : i64, tpu.core_type = #tpu.core_type<tc>} {
    %get3A = arith.constant 0 : index
    %get3A_0 = arith.constant 0 : index
    %get3A_1 = vector.load %arg0[%get3A, %get3A_0] : memref<10000x128xf32, #tpu.memory_space<vmem>>, vector<10000x128xf32>
    %get3A_2 = arith.constant 0 : index
    %get3A_3 = arith.constant 0 : index
    %get3A_4 = vector.load %arg1[%get3A_2, %get3A_3] : memref<128x128xf32, #tpu.memory_space<vmem>>, vector<128x128xf32>
    %dot_general3A = arith.constant dense<0.000000e+00> : vector<10000x128xf32>
    %dot_general3A_5 = tpu.matmul %get3A_1, %get3A_4, %dot_general3A {dimension_numbers = #tpu.dot_dimension_numbers<[1], [0], [0], [1], [0, 0, 1, 1], [], []>, transpose_lhs_hint = false} : vector<10000x128xf32>, vector<128x128xf32>, vector<10000x128xf32> -> vector<10000x128xf32>
    %swap3A = arith.constant 0 : index
    %swap3A_6 = arith.constant 0 : index
    %swap3A_7 = vector.load %arg2[%swap3A, %swap3A_6] : memref<10000x128xf32, #tpu.memory_space<vmem>>, vector<10000x128xf32>
    tpu.vector_store %arg2[%swap3A, %swap3A_6], %dot_general3A_5 {strides = array<i32>} : memref<10000x128xf32, #tpu.memory_space<vmem>>, vector<10000x128xf32>,
    return
  }
}

module attributes {stable_mosaic.version = 14 : i64} {
  func.func @_mid_body(%arg0: memref<10000x128xf32, #tpu.memory_space<vmem>>, %arg1: memref<10240x128xf32, #tpu.memory_space<vmem>>, %arg2: memref<2x10240x128xf32, #tpu.memory_space<vmem>>, %arg3: memref<10000x1xf32, #tpu.memory_space<vmem>>, %arg4: memref<1x128xf32, #tpu.memory_space<vmem>>, %arg5: memref<128x128xf32, #tpu.memory_space<vmem>>, %arg6: memref<10000x128xf32, #tpu.memory_space<vmem>>, %arg7: memref<10240x128xf32, #tpu.memory_space<vmem>>) attributes {dimension_semantics = [], scalar_prefetch = 0 : i64, scratch_operands = 0 : i64, tpu.core_type = #tpu.core_type<tc>} {
    %get3A = arith.constant 0 : index
    %get3A_0 = arith.constant 0 : index
    %get3A_1 = vector.load %arg1[%get3A, %get3A_0] : memref<10240x128xf32, #tpu.memory_space<vmem>>, vector<10000x128xf32>
    %get3A_2 = arith.constant 0 : index
    %get3A_3 = arith.constant 0 : index
    %get3A_4 = vector.load %arg3[%get3A_2, %get3A_3] : memref<10000x1xf32, #tpu.memory_space<vmem>>, vector<10000x1xf32>
    %get3A_5 = arith.constant 0 : index
    %get3A_6 = arith.constant 0 : index
    %get3A_7 = arith.constant 0 : index
    %get3A_8 = vector.load %arg2[%get3A_5, %get3A_6, %get3A_7] : memref<2x10240x128xf32, #tpu.memory_space<vmem>>, vector<1x10240x128xf32>
    %get3A_9 = vector.shape_cast %get3A_8 : vector<1x10240x128xf32> to vector<10240x128xf32>
    %slice3A = vector.extract_strided_slice %get3A_9 {offsets = [0, 0], sizes = [10000, 128], strides = [1, 1]} : vector<10240x128xf32> to vector<10000x128xf32>
    %get3A_10 = arith.constant 1 : index
    %get3A_11 = arith.constant 0 : index
    %get3A_12 = arith.constant 0 : index
    %get3A_13 = vector.load %arg2[%get3A_10, %get3A_11, %get3A_12] : memref<2x10240x128xf32, #tpu.memory_space<vmem>>, vector<1x10240x128xf32>
    %get3A_14 = vector.shape_cast %get3A_13 : vector<1x10240x128xf32> to vector<10240x128xf32>
    %slice3A_15 = vector.extract_strided_slice %get3A_14 {offsets = [0, 0], sizes = [10000, 128], strides = [1, 1]} : vector<10240x128xf32> to vector<10000x128xf32>
    %add3A = arith.addf %slice3A, %slice3A_15 : vector<10000x128xf32>
    %sub3A = arith.subf %add3A, %get3A_1 : vector<10000x128xf32>
    %mul3A = vector.broadcast %get3A_4 : vector<10000x1xf32> to vector<10000x128xf32>
    %mul3A_16 = arith.mulf %mul3A, %sub3A : vector<10000x128xf32>
    %get3A_17 = arith.constant 0 : index
    %get3A_18 = arith.constant 0 : index
    %get3A_19 = vector.load %arg4[%get3A_17, %get3A_18] : memref<1x128xf32, #tpu.memory_space<vmem>>, vector<1x128xf32>
    %add3A_20 = vector.broadcast %get3A_19 : vector<1x128xf32> to vector<10000x128xf32>
    %add3A_21 = arith.addf %mul3A_16, %add3A_20 : vector<10000x128xf32>
    %max3A = arith.constant 0.000000e+00 : f32
    %max3A_22 = vector.broadcast %max3A : f32 to vector<10000x128xf32>
    %max3A_23 = arith.maximumf %add3A_21, %max3A_22 : vector<10000x128xf32>
    %get3A_24 = arith.constant 0 : index
    %get3A_25 = arith.constant 0 : index
    %get3A_26 = vector.load %arg5[%get3A_24, %get3A_25] : memref<128x128xf32, #tpu.memory_space<vmem>>, vector<128x128xf32>
    %dot_general3A = arith.constant dense<0.000000e+00> : vector<10000x128xf32>
    %dot_general3A_27 = tpu.matmul %max3A_23, %get3A_26, %dot_general3A {dimension_numbers = #tpu.dot_dimension_numbers<[1], [0], [0], [1], [0, 0, 1, 1], [], []>, transpose_lhs_hint = false} : vector<10000x128xf32>, vector<128x128xf32>, vector<10000x128xf32> -> vector<10000x128xf32>
    %swap3A = arith.constant 0 : index
    %swap3A_28 = arith.constant 0 : index
    %swap3A_29 = vector.load %arg6[%swap3A, %swap3A_28] : memref<10000x128xf32, #tpu.memory_space<vmem>>, vector<10000x128xf32>
    tpu.vector_store %arg6[%swap3A, %swap3A_28], %dot_general3A_27 {strides = array<i32>} : memref<10000x128xf32, #tpu.memory_space<vmem>>, vector<10000x128xf32>,
    %get3A_30 = arith.constant 0 : index
    %get3A_31 = arith.constant 0 : index
    %get3A_32 = vector.load %arg3[%get3A_30, %get3A_31] : memref<10000x1xf32, #tpu.memory_space<vmem>>, vector<10000x1xf32>
    %mul3A_33 = vector.broadcast %get3A_32 : vector<10000x1xf32> to vector<10000x128xf32>
    %mul3A_34 = arith.mulf %mul3A_33, %dot_general3A_27 : vector<10000x128xf32>
    %swap3A_35 = arith.constant 0 : index
    %swap3A_36 = arith.constant 0 : index
    %swap3A_37 = vector.load %arg7[%swap3A_35, %swap3A_36] : memref<10240x128xf32, #tpu.memory_space<vmem>>, vector<10000x128xf32>
    tpu.vector_store %arg7[%swap3A_35, %swap3A_36], %mul3A_34 {strides = array<i32>} : memref<10240x128xf32, #tpu.memory_space<vmem>>, vector<10000x128xf32>,
    %broadcast_in_dim3A = arith.constant 0.000000e+00 : f32
    %broadcast_in_dim3A_38 = vector.broadcast %broadcast_in_dim3A : f32 to vector<240x128xf32>
    %swap3A_39 = arith.constant 10000 : index
    %swap3A_40 = arith.constant 0 : index
    %swap3A_41 = vector.load %arg7[%swap3A_39, %swap3A_40] : memref<10240x128xf32, #tpu.memory_space<vmem>>, vector<240x128xf32>
    tpu.vector_store %arg7[%swap3A_39, %swap3A_40], %broadcast_in_dim3A_38 {strides = array<i32>} : memref<10240x128xf32, #tpu.memory_space<vmem>>, vector<240x128xf32>,
    return
  }
}

module attributes {stable_mosaic.version = 14 : i64} {
  func.func @_mid_body(%arg0: memref<10000x128xf32, #tpu.memory_space<vmem>>, %arg1: memref<10240x128xf32, #tpu.memory_space<vmem>>, %arg2: memref<2x10240x128xf32, #tpu.memory_space<vmem>>, %arg3: memref<10000x1xf32, #tpu.memory_space<vmem>>, %arg4: memref<1x128xf32, #tpu.memory_space<vmem>>, %arg5: memref<128x128xf32, #tpu.memory_space<vmem>>, %arg6: memref<10000x128xf32, #tpu.memory_space<vmem>>, %arg7: memref<10000x128xf32, #tpu.memory_space<vmem>>, %arg8: memref<10240x128xf32, #tpu.memory_space<vmem>>) attributes {dimension_semantics = [], scalar_prefetch = 0 : i64, scratch_operands = 0 : i64, tpu.core_type = #tpu.core_type<tc>} {
    %get3A = arith.constant 0 : index
    %get3A_0 = arith.constant 0 : index
    %get3A_1 = vector.load %arg1[%get3A, %get3A_0] : memref<10240x128xf32, #tpu.memory_space<vmem>>, vector<10000x128xf32>
    %get3A_2 = arith.constant 0 : index
    %get3A_3 = arith.constant 0 : index
    %get3A_4 = vector.load %arg3[%get3A_2, %get3A_3] : memref<10000x1xf32, #tpu.memory_space<vmem>>, vector<10000x1xf32>
    %get3A_5 = arith.constant 0 : index
    %get3A_6 = arith.constant 0 : index
    %get3A_7 = arith.constant 0 : index
    %get3A_8 = vector.load %arg2[%get3A_5, %get3A_6, %get3A_7] : memref<2x10240x128xf32, #tpu.memory_space<vmem>>, vector<1x10240x128xf32>
    %get3A_9 = vector.shape_cast %get3A_8 : vector<1x10240x128xf32> to vector<10240x128xf32>
    %slice3A = vector.extract_strided_slice %get3A_9 {offsets = [0, 0], sizes = [10000, 128], strides = [1, 1]} : vector<10240x128xf32> to vector<10000x128xf32>
    %get3A_10 = arith.constant 1 : index
    %get3A_11 = arith.constant 0 : index
    %get3A_12 = arith.constant 0 : index
    %get3A_13 = vector.load %arg2[%get3A_10, %get3A_11, %get3A_12] : memref<2x10240x128xf32, #tpu.memory_space<vmem>>, vector<1x10240x128xf32>
    %get3A_14 = vector.shape_cast %get3A_13 : vector<1x10240x128xf32> to vector<10240x128xf32>
    %slice3A_15 = vector.extract_strided_slice %get3A_14 {offsets = [0, 0], sizes = [10000, 128], strides = [1, 1]} : vector<10240x128xf32> to vector<10000x128xf32>
    %add3A = arith.addf %slice3A, %slice3A_15 : vector<10000x128xf32>
    %sub3A = arith.subf %add3A, %get3A_1 : vector<10000x128xf32>
    %mul3A = vector.broadcast %get3A_4 : vector<10000x1xf32> to vector<10000x128xf32>
    %mul3A_16 = arith.mulf %mul3A, %sub3A : vector<10000x128xf32>
    %get3A_17 = arith.constant 0 : index
    %get3A_18 = arith.constant 0 : index
    %get3A_19 = vector.load %arg4[%get3A_17, %get3A_18] : memref<1x128xf32, #tpu.memory_space<vmem>>, vector<1x128xf32>
    %add3A_20 = vector.broadcast %get3A_19 : vector<1x128xf32> to vector<10000x128xf32>
    %add3A_21 = arith.addf %mul3A_16, %add3A_20 : vector<10000x128xf32>
    %swap3A = arith.constant 0 : index
    %swap3A_22 = arith.constant 0 : index
    %swap3A_23 = vector.load %arg6[%swap3A, %swap3A_22] : memref<10000x128xf32, #tpu.memory_space<vmem>>, vector<10000x128xf32>
    tpu.vector_store %arg6[%swap3A, %swap3A_22], %add3A_21 {strides = array<i32>} : memref<10000x128xf32, #tpu.memory_space<vmem>>, vector<10000x128xf32>,
    %get3A_24 = arith.constant 0 : index
    %get3A_25 = arith.constant 0 : index
    %get3A_26 = vector.load %arg5[%get3A_24, %get3A_25] : memref<128x128xf32, #tpu.memory_space<vmem>>, vector<128x128xf32>
    %dot_general3A = arith.constant dense<0.000000e+00> : vector<10000x128xf32>
    %dot_general3A_27 = tpu.matmul %add3A_21, %get3A_26, %dot_general3A {dimension_numbers = #tpu.dot_dimension_numbers<[1], [0], [0], [1], [0, 0, 1, 1], [], []>, transpose_lhs_hint = false} : vector<10000x128xf32>, vector<128x128xf32>, vector<10000x128xf32> -> vector<10000x128xf32>
    %swap3A_28 = arith.constant 0 : index
    %swap3A_29 = arith.constant 0 : index
    %swap3A_30 = vector.load %arg7[%swap3A_28, %swap3A_29] : memref<10000x128xf32, #tpu.memory_space<vmem>>, vector<10000x128xf32>
    tpu.vector_store %arg7[%swap3A_28, %swap3A_29], %dot_general3A_27 {strides = array<i32>} : memref<10000x128xf32, #tpu.memory_space<vmem>>, vector<10000x128xf32>,
    %get3A_31 = arith.constant 0 : index
    %get3A_32 = arith.constant 0 : index
    %get3A_33 = vector.load %arg3[%get3A_31, %get3A_32] : memref<10000x1xf32, #tpu.memory_space<vmem>>, vector<10000x1xf32>
    %mul3A_34 = vector.broadcast %get3A_33 : vector<10000x1xf32> to vector<10000x128xf32>
    %mul3A_35 = arith.mulf %mul3A_34, %dot_general3A_27 : vector<10000x128xf32>
    %swap3A_36 = arith.constant 0 : index
    %swap3A_37 = arith.constant 0 : index
    %swap3A_38 = vector.load %arg8[%swap3A_36, %swap3A_37] : memref<10240x128xf32, #tpu.memory_space<vmem>>, vector<10000x128xf32>
    tpu.vector_store %arg8[%swap3A_36, %swap3A_37], %mul3A_35 {strides = array<i32>} : memref<10240x128xf32, #tpu.memory_space<vmem>>, vector<10000x128xf32>,
    %broadcast_in_dim3A = arith.constant 0.000000e+00 : f32
    %broadcast_in_dim3A_39 = vector.broadcast %broadcast_in_dim3A : f32 to vector<240x128xf32>
    %swap3A_40 = arith.constant 10000 : index
    %swap3A_41 = arith.constant 0 : index
    %swap3A_42 = vector.load %arg8[%swap3A_40, %swap3A_41] : memref<10240x128xf32, #tpu.memory_space<vmem>>, vector<240x128xf32>
    tpu.vector_store %arg8[%swap3A_40, %swap3A_41], %broadcast_in_dim3A_39 {strides = array<i32>} : memref<10240x128xf32, #tpu.memory_space<vmem>>, vector<240x128xf32>,
    return
  }
}

module attributes {stable_mosaic.version = 14 : i64} {
  func.func @_mid_body(%arg0: memref<10000x128xf32, #tpu.memory_space<vmem>>, %arg1: memref<10240x128xf32, #tpu.memory_space<vmem>>, %arg2: memref<2x10240x128xf32, #tpu.memory_space<vmem>>, %arg3: memref<10000x1xf32, #tpu.memory_space<vmem>>, %arg4: memref<1x128xf32, #tpu.memory_space<vmem>>, %arg5: memref<128x128xf32, #tpu.memory_space<vmem>>, %arg6: memref<10000x128xf32, #tpu.memory_space<vmem>>, %arg7: memref<10240x128xf32, #tpu.memory_space<vmem>>) attributes {dimension_semantics = [], scalar_prefetch = 0 : i64, scratch_operands = 0 : i64, tpu.core_type = #tpu.core_type<tc>} {
    %get3A = arith.constant 0 : index
    %get3A_0 = arith.constant 0 : index
    %get3A_1 = vector.load %arg1[%get3A, %get3A_0] : memref<10240x128xf32, #tpu.memory_space<vmem>>, vector<10000x128xf32>
    %get3A_2 = arith.constant 0 : index
    %get3A_3 = arith.constant 0 : index
    %get3A_4 = vector.load %arg3[%get3A_2, %get3A_3] : memref<10000x1xf32, #tpu.memory_space<vmem>>, vector<10000x1xf32>
    %get3A_5 = arith.constant 0 : index
    %get3A_6 = arith.constant 0 : index
    %get3A_7 = arith.constant 0 : index
    %get3A_8 = vector.load %arg2[%get3A_5, %get3A_6, %get3A_7] : memref<2x10240x128xf32, #tpu.memory_space<vmem>>, vector<1x10240x128xf32>
    %get3A_9 = vector.shape_cast %get3A_8 : vector<1x10240x128xf32> to vector<10240x128xf32>
    %slice3A = vector.extract_strided_slice %get3A_9 {offsets = [0, 0], sizes = [10000, 128], strides = [1, 1]} : vector<10240x128xf32> to vector<10000x128xf32>
    %get3A_10 = arith.constant 1 : index
    %get3A_11 = arith.constant 0 : index
    %get3A_12 = arith.constant 0 : index
    %get3A_13 = vector.load %arg2[%get3A_10, %get3A_11, %get3A_12] : memref<2x10240x128xf32, #tpu.memory_space<vmem>>, vector<1x10240x128xf32>
    %get3A_14 = vector.shape_cast %get3A_13 : vector<1x10240x128xf32> to vector<10240x128xf32>
    %slice3A_15 = vector.extract_strided_slice %get3A_14 {offsets = [0, 0], sizes = [10000, 128], strides = [1, 1]} : vector<10240x128xf32> to vector<10000x128xf32>
    %add3A = arith.addf %slice3A, %slice3A_15 : vector<10000x128xf32>
    %sub3A = arith.subf %add3A, %get3A_1 : vector<10000x128xf32>
    %mul3A = vector.broadcast %get3A_4 : vector<10000x1xf32> to vector<10000x128xf32>
    %mul3A_16 = arith.mulf %mul3A, %sub3A : vector<10000x128xf32>
    %get3A_17 = arith.constant 0 : index
    %get3A_18 = arith.constant 0 : index
    %get3A_19 = vector.load %arg0[%get3A_17, %get3A_18] : memref<10000x128xf32, #tpu.memory_space<vmem>>, vector<10000x128xf32>
    %mul3A_20 = arith.constant 5.000000e-01 : f32
    %mul3A_21 = vector.broadcast %mul3A_20 : f32 to vector<10000x128xf32>
    %mul3A_22 = arith.mulf %mul3A_21, %get3A_19 : vector<10000x128xf32>
    %mul3A_23 = arith.constant 5.000000e-01 : f32
    %mul3A_24 = vector.broadcast %mul3A_23 : f32 to vector<10000x128xf32>
    %mul3A_25 = arith.mulf %mul3A_24, %mul3A_16 : vector<10000x128xf32>
    %add3A_26 = arith.addf %mul3A_22, %mul3A_25 : vector<10000x128xf32>
    %get3A_27 = arith.constant 0 : index
    %get3A_28 = arith.constant 0 : index
    %get3A_29 = vector.load %arg4[%get3A_27, %get3A_28] : memref<1x128xf32, #tpu.memory_space<vmem>>, vector<1x128xf32>
    %add3A_30 = vector.broadcast %get3A_29 : vector<1x128xf32> to vector<10000x128xf32>
    %add3A_31 = arith.addf %add3A_26, %add3A_30 : vector<10000x128xf32>
    %max3A = arith.constant 0.000000e+00 : f32
    %max3A_32 = vector.broadcast %max3A : f32 to vector<10000x128xf32>
    %max3A_33 = arith.maximumf %add3A_31, %max3A_32 : vector<10000x128xf32>
    %get3A_34 = arith.constant 0 : index
    %get3A_35 = arith.constant 0 : index
    %get3A_36 = vector.load %arg5[%get3A_34, %get3A_35] : memref<128x128xf32, #tpu.memory_space<vmem>>, vector<128x128xf32>
    %dot_general3A = arith.constant dense<0.000000e+00> : vector<10000x128xf32>
    %dot_general3A_37 = tpu.matmul %max3A_33, %get3A_36, %dot_general3A {dimension_numbers = #tpu.dot_dimension_numbers<[1], [0], [0], [1], [0, 0, 1, 1], [], []>, transpose_lhs_hint = false} : vector<10000x128xf32>, vector<128x128xf32>, vector<10000x128xf32> -> vector<10000x128xf32>
    %swap3A = arith.constant 0 : index
    %swap3A_38 = arith.constant 0 : index
    %swap3A_39 = vector.load %arg6[%swap3A, %swap3A_38] : memref<10000x128xf32, #tpu.memory_space<vmem>>, vector<10000x128xf32>
    tpu.vector_store %arg6[%swap3A, %swap3A_38], %dot_general3A_37 {strides = array<i32>} : memref<10000x128xf32, #tpu.memory_space<vmem>>, vector<10000x128xf32>,
    %get3A_40 = arith.constant 0 : index
    %get3A_41 = arith.constant 0 : index
    %get3A_42 = vector.load %arg3[%get3A_40, %get3A_41] : memref<10000x1xf32, #tpu.memory_space<vmem>>, vector<10000x1xf32>
    %mul3A_43 = vector.broadcast %get3A_42 : vector<10000x1xf32> to vector<10000x128xf32>
    %mul3A_44 = arith.mulf %mul3A_43, %dot_general3A_37 : vector<10000x128xf32>
    %swap3A_45 = arith.constant 0 : index
    %swap3A_46 = arith.constant 0 : index
    %swap3A_47 = vector.load %arg7[%swap3A_45, %swap3A_46] : memref<10240x128xf32, #tpu.memory_space<vmem>>, vector<10000x128xf32>
    tpu.vector_store %arg7[%swap3A_45, %swap3A_46], %mul3A_44 {strides = array<i32>} : memref<10240x128xf32, #tpu.memory_space<vmem>>, vector<10000x128xf32>,
    %broadcast_in_dim3A = arith.constant 0.000000e+00 : f32
    %broadcast_in_dim3A_48 = vector.broadcast %broadcast_in_dim3A : f32 to vector<240x128xf32>
    %swap3A_49 = arith.constant 10000 : index
    %swap3A_50 = arith.constant 0 : index
    %swap3A_51 = vector.load %arg7[%swap3A_49, %swap3A_50] : memref<10240x128xf32, #tpu.memory_space<vmem>>, vector<240x128xf32>
    tpu.vector_store %arg7[%swap3A_49, %swap3A_50], %broadcast_in_dim3A_48 {strides = array<i32>} : memref<10240x128xf32, #tpu.memory_space<vmem>>, vector<240x128xf32>,
    return
  }
}

module attributes {stable_mosaic.version = 14 : i64} {
  func.func @_last_body(%arg0: memref<10000x128xf32, #tpu.memory_space<vmem>>, %arg1: memref<10240x128xf32, #tpu.memory_space<vmem>>, %arg2: memref<2x10240x128xf32, #tpu.memory_space<vmem>>, %arg3: memref<10000x1xf32, #tpu.memory_space<vmem>>, %arg4: memref<1x128xf32, #tpu.memory_space<vmem>>, %arg5: memref<10000x128xf32, #tpu.memory_space<vmem>>) attributes {dimension_semantics = [], scalar_prefetch = 0 : i64, scratch_operands = 0 : i64, tpu.core_type = #tpu.core_type<tc>} {
    %get3A = arith.constant 0 : index
    %get3A_0 = arith.constant 0 : index
    %get3A_1 = vector.load %arg1[%get3A, %get3A_0] : memref<10240x128xf32, #tpu.memory_space<vmem>>, vector<10000x128xf32>
    %get3A_2 = arith.constant 0 : index
    %get3A_3 = arith.constant 0 : index
    %get3A_4 = vector.load %arg3[%get3A_2, %get3A_3] : memref<10000x1xf32, #tpu.memory_space<vmem>>, vector<10000x1xf32>
    %get3A_5 = arith.constant 0 : index
    %get3A_6 = arith.constant 0 : index
    %get3A_7 = arith.constant 0 : index
    %get3A_8 = vector.load %arg2[%get3A_5, %get3A_6, %get3A_7] : memref<2x10240x128xf32, #tpu.memory_space<vmem>>, vector<1x10240x128xf32>
    %get3A_9 = vector.shape_cast %get3A_8 : vector<1x10240x128xf32> to vector<10240x128xf32>
    %slice3A = vector.extract_strided_slice %get3A_9 {offsets = [0, 0], sizes = [10000, 128], strides = [1, 1]} : vector<10240x128xf32> to vector<10000x128xf32>
    %get3A_10 = arith.constant 1 : index
    %get3A_11 = arith.constant 0 : index
    %get3A_12 = arith.constant 0 : index
    %get3A_13 = vector.load %arg2[%get3A_10, %get3A_11, %get3A_12] : memref<2x10240x128xf32, #tpu.memory_space<vmem>>, vector<1x10240x128xf32>
    %get3A_14 = vector.shape_cast %get3A_13 : vector<1x10240x128xf32> to vector<10240x128xf32>
    %slice3A_15 = vector.extract_strided_slice %get3A_14 {offsets = [0, 0], sizes = [10000, 128], strides = [1, 1]} : vector<10240x128xf32> to vector<10000x128xf32>
    %add3A = arith.addf %slice3A, %slice3A_15 : vector<10000x128xf32>
    %sub3A = arith.subf %add3A, %get3A_1 : vector<10000x128xf32>
    %mul3A = vector.broadcast %get3A_4 : vector<10000x1xf32> to vector<10000x128xf32>
    %mul3A_16 = arith.mulf %mul3A, %sub3A : vector<10000x128xf32>
    %get3A_17 = arith.constant 0 : index
    %get3A_18 = arith.constant 0 : index
    %get3A_19 = vector.load %arg0[%get3A_17, %get3A_18] : memref<10000x128xf32, #tpu.memory_space<vmem>>, vector<10000x128xf32>
    %mul3A_20 = arith.constant 5.000000e-01 : f32
    %mul3A_21 = vector.broadcast %mul3A_20 : f32 to vector<10000x128xf32>
    %mul3A_22 = arith.mulf %mul3A_21, %get3A_19 : vector<10000x128xf32>
    %mul3A_23 = arith.constant 5.000000e-01 : f32
    %mul3A_24 = vector.broadcast %mul3A_23 : f32 to vector<10000x128xf32>
    %mul3A_25 = arith.mulf %mul3A_24, %mul3A_16 : vector<10000x128xf32>
    %add3A_26 = arith.addf %mul3A_22, %mul3A_25 : vector<10000x128xf32>
    %get3A_27 = arith.constant 0 : index
    %get3A_28 = arith.constant 0 : index
    %get3A_29 = vector.load %arg4[%get3A_27, %get3A_28] : memref<1x128xf32, #tpu.memory_space<vmem>>, vector<1x128xf32>
    %add3A_30 = vector.broadcast %get3A_29 : vector<1x128xf32> to vector<10000x128xf32>
    %add3A_31 = arith.addf %add3A_26, %add3A_30 : vector<10000x128xf32>
    %swap3A = arith.constant 0 : index
    %swap3A_32 = arith.constant 0 : index
    %swap3A_33 = vector.load %arg5[%swap3A, %swap3A_32] : memref<10000x128xf32, #tpu.memory_space<vmem>>, vector<10000x128xf32>
    tpu.vector_store %arg5[%swap3A, %swap3A_32], %add3A_31 {strides = array<i32>} : memref<10000x128xf32, #tpu.memory_space<vmem>>, vector<10000x128xf32>,
    return
  }
}

</mosaic_0001>

<sc_bundles>
// kernel: kernel.13.cloned.1.call-start
scs
__scs_entry_jumppad:
0x0: {  	(pc) =	sbr.rel $0x88, $3  }
0x1: {  	(tag) =	ssettag $0x0;
	lr =	simm.s32 $0x1  }
0x2: {  	[smem:$0x3F97] =	sst lr;
	_ =	strace $0xD0000000  }
0x3: {  	_ = 	snop  }
0x4: {  	_ = 	snop  }
0x5: {  	_ = 	snop  }
0x6: {  	_ = 	snop  }
0x7: {  	_ = 	snop  }
__scs_overlays_trampoline_lowered:
0x8: {  	[smem:$0x3FA6] =	sst s0  }
0x9: {  	[smem:$0x3FA7] =	sst s1  }
0xa: {  	[smem:$0x3FA8] =	sst s2  }
0xb: {  	[smem:$0x3FA9] =	sst s3  }
0xc: {  	[smem:$0x3FAA] =	sst s4  }
0xd: {  	[smem:$0x3FAB] =	sst s5  }
0xe: {  	[smem:$0x3FAC] =	sst s6  }
0xf: {  	[smem:$0x3FAD] =	sst s7  }
0x10: {  	[smem:$0x3FAE] =	sst s8  }
0x11: {  	[smem:$0x3FAF] =	sst s9;
	s0 =	simm.s32 @!p0 $0x0  }
0x12: {  	s1 =	sld [smem:$0x3F95];
	s0 =	simm.s32 @p0 $0x1  }
0x13: {  	[smem:$0x3FB0] =	sst s0;
	s0 =	simm.s32 @!p1 $0x0  }
0x14: {  	s2 =	sld [smem:$0x3F94];
	s0 =	simm.s32 @p1 $0x1  }
0x15: {  	[smem:$0x3FB1] =	sst s0;
	s0 =	simm.s32 @!p2 $0x0  }
0x16: {  	s3 =	sld [smem:$0x3FDB];
	s0 =	simm.s32 @p2 $0x1  }
0x17: {  	s4 =	simm.s32 $0x1BF5;
	[smem:$0x3FB3] =	sst s0  }
0x18: {  	s0 =	sld [smem:$0x3F96];
	_ =	swait.ge [sflag:s4], $0x0  }
0x19: {  	s7 =	sld [smem:$0x3F97]  }
0x1a: {  	s8 =	sadd.s32 $0xFFFFE003, lr  }
0x1b: {  	s9 =	sadd.s32 $0xFFFFFEF7, lr;
	s5 =	simm.s32 $0xFFFFFFFF;
	p2 =	slt.u32 s8, $0xFFFFF086  }
0x1c: {  	p1 =	slt.u32 s9, $0xF7A;
	s5 =	simm.s32 @!p2 $0x0  }
0x1d: {  	s5 =	simm.s32 @p1 $0x1;
	p0 =	seq.s32 s7, s2  }
0x1e: {  	s7 =	smul.u32 @!p0 $0xF7A, s2;
	p2 =	seq.s32 @!p0 s5, $0x0  }
0x1f: {  	s9 =	smul.u32 $0xF7A, s1;
	s8 =	simm.s32 @!p0 $0x1BF5;
	p2 =	por !p2, p0  }
0x20: {  	[sflag:s8] =	ssyncset.s32 @!p0 $0xFFFFF086;
	s6 =	sadd.s32 @!p0 s3, s7;
	s7 =	simm.s32 @!p0 $0x108  }
0x21: {  	s3 =	sadd.s32 s3, s9;
	s6 =	sadd.s32 @!p0 $0x88, s6;
	s7 =	simm.s32 @p2 $0x1082  }
0x22: {  	[simem:s7], [sflag:s8] =	dma.local @!p0 [hbm:s6], $0xF7A  }
0x23: {  	s9 =	sor.u32 $0xD0000000, s2;
	s6 =	simm.s32 $0x108;
	_ =	swait.ge @!p0 [sflag:s8], $0x0  }
0x24: {  	s3 =	sadd.s32 $0x88, s3;
	s6 =	simm.s32 @!p1 $0x1082;
	[sflag:s4] =	ssyncset.s32 $0xFFFFF086  }
0x25: {  	[simem:s6], [sflag:s4] =	dma.local [hbm:s3], $0xF7A  }
0x26: {  	[smem:$0x3F97] =	sst s1;
	(tag) =	ssettag s2;
	_ =	strace s9  }
0x27: {  	s1 =	sld [smem:$0x3FA7]  }
0x28: {  	s2 =	sld [smem:$0x3FA8]  }
0x29: {  	s4 =	sld [smem:$0x3FAA]  }
0x2a: {  	p0 =	seq.s32 s5, $0x0;
	s5 =	sld [smem:$0x3FAB]  }
0x2b: {  	s6 =	sld [smem:$0x3FAC]  }
0x2c: {  	s7 =	sld [smem:$0x3FAD]  }
0x2d: {  	s3 =	simm.s32 $0x108;
	s8 =	sld [smem:$0x3FAE]  }
0x2e: {  	s3 =	simm.s32 @!p0 $0x1082;
	s9 =	sld [smem:$0x3FAF]  }
0x2f: {  	lr =	sadd.s32 s0, s3;
	s0 =	sld [smem:$0x3FA6]  }
0x30: {  	s3 =	sld [smem:$0x3FA9]  }
0x31: {  	[smem:$0x3FB2] =	sst s10  }
0x32: {  	s10 =	sld [smem:$0x3FB0];
	_ =	sdelay $0x3  }
0x33: {  	p0 =	seq.s32 s10, $0x1;
	s10 =	sld [smem:$0x3FB2];
	_ =	sdelay $0x3  }
0x34: {  	[smem:$0x3FB2] =	sst s10  }
0x35: {  	s10 =	sld [smem:$0x3FB1];
	_ =	sdelay $0x3  }
0x36: {  	p1 =	seq.s32 s10, $0x1;
	s10 =	sld [smem:$0x3FB2];
	_ =	sdelay $0x3  }
0x37: {  	[smem:$0x3FB2] =	sst s10  }
0x38: {  	s10 =	sld [smem:$0x3FB3]  }
0x39: {  	_ = 	snop;
	(pc) =	sbr.ind lr, $3  }
0x3a: {  	_ = 	snop  }
0x3b: {  	_ = 	snop  }
0x3c: {  	p2 =	seq.s32 s10, $0x1;
	s10 =	sld [smem:$0x3FB2]  }
0x3d: {  	_ =	shalt  }
0x3e: {  	_ =	shalt  }
0x3f: {  	_ =	shalt  }
0x40: {  	_ =	shalt  }
0x41: {  	_ =	shalt  }
0x42: {  	_ =	shalt  }
0x43: {  	_ =	shalt  }
0x44: {  	_ =	shalt  }
0x45: {  	_ =	shalt  }
0x46: {  	_ =	shalt  }
0x47: {  	_ =	shalt  }
0x48: {  	_ =	shalt  }
0x49: {  	_ =	shalt  }
0x4a: {  	_ =	shalt  }
0x4b: {  	_ =	shalt  }
0x4c: {  	_ =	shalt  }
0x4d: {  	_ =	shalt  }
0x4e: {  	_ =	shalt  }
0x4f: {  	_ =	shalt  }
0x50: {  	_ =	shalt  }
0x51: {  	_ =	shalt  }
0x52: {  	_ =	shalt  }
0x53: {  	_ =	shalt  }
0x54: {  	_ =	shalt  }
0x55: {  	_ =	shalt  }
0x56: {  	_ =	shalt  }
0x57: {  	_ =	shalt  }
0x58: {  	_ =	shalt  }
0x59: {  	_ =	shalt  }
0x5a: {  	_ =	shalt  }
0x5b: {  	_ =	shalt  }
0x5c: {  	_ =	shalt  }
0x5d: {  	_ =	shalt  }
0x5e: {  	_ =	shalt  }
0x5f: {  	_ =	shalt  }
0x60: {  	_ =	shalt  }
0x61: {  	_ =	shalt  }
0x62: {  	_ =	shalt  }
0x63: {  	_ =	shalt  }
0x64: {  	_ =	shalt  }
0x65: {  	_ =	shalt  }
0x66: {  	_ =	shalt  }
0x67: {  	_ =	shalt  }
0x68: {  	_ =	shalt  }
0x69: {  	_ =	shalt  }
0x6a: {  	_ =	shalt  }
0x6b: {  	_ =	shalt  }
0x6c: {  	_ =	shalt  }
0x6d: {  	_ =	shalt  }
0x6e: {  	_ =	shalt  }
0x6f: {  	_ =	shalt  }
0x70: {  	_ =	shalt  }
0x71: {  	_ =	shalt  }
0x72: {  	_ =	shalt  }
0x73: {  	_ =	shalt  }
0x74: {  	_ =	shalt  }
0x75: {  	_ =	shalt  }
0x76: {  	_ =	shalt  }
0x77: {  	_ =	shalt  }
0x78: {  	_ =	shalt  }
0x79: {  	_ =	shalt  }
0x7a: {  	_ =	shalt  }
0x7b: {  	_ =	shalt  }
0x7c: {  	_ =	shalt  }
0x7d: {  	_ =	shalt  }
0x7e: {  	_ =	shalt  }
0x7f: {  	_ =	shalt  }
0x80: {  	_ =	shalt  }
0x81: {  	_ =	shalt  }
0x82: {  	_ =	shalt  }
0x83: {  	_ =	shalt  }
0x84: {  	_ =	shalt  }
0x85: {  	_ =	shalt  }
0x86: {  	_ =	shalt  }
0x87: {  	_ =	shalt  }
.Lfunc_end0:
.L_simem_size_0:
called_computation_lowered:
.L_overlay_start_0:
0x88: {  	s2 =	sld [smem:$0x3FD9]  }
0x89: {  	s3 =	sld [smem:$0x3FFE];
	_ =	sdelay $0x1  }
0x8a: {  	s1 =	srdreg.scid  }
0x8b: {  	s0 =	sand.u32 $0x1, s1  }
0x8c: {  	s14 =	sshll.u32 s0, $0xA;
	s2 =	sadd.s32 s3, s2  }
0x8d: {  	s2 =	sadd.s32 s2, s14  }
0x8e: {  	[smem:$0x3FBE] =	sst s2  }
0x8f: {  	_ = 	snop  }
0x90: {  	s2 =	sld [smem:$0x3FD0];
	_ =	sdelay $0x2  }
0x91: {  	s15 =	simm.s32 $0xA;
	s4 =	simm.s32 $0x10  }
0x92: {  	[smem:s4], [sflag:s15] =	dma.local [hbm:s2], $0x1  }
0x93: {  	_ =	swait.eq [sflag:s15], $0x1  }
0x94: {  	[sflag:s15] =	ssyncset.done $0x0  }
0x95: {  	[sflag:s15] =	ssyncadd.s32 $0xFFFFFFFF  }
0x96: {  	s16 =	sld [smem:$0x11];
	(tm) =	ssettm $0x1  }
0x97: {  	s17 =	sld [smem:$0x3FFB];
	_ =	sdelay $0x3  }
0x98: {  	_ =	strace s17  }
0x99: {  	s3 =	sld [smem:$0x3FFC];
	_ =	sdelay $0x3  }
0x9a: {  	_ =	strace s3  }
0x9b: {  	s3 =	sld [smem:$0x3FFD];
	_ =	sdelay $0x3  }
0x9c: {  	_ =	strace s3  }
0x9d: {  	_ =	strace $0x8FFFFFFF  }
0x9e: {  	s18 =	sld [smem:$0x3FDB];
	_ =	sdelay $0x1  }
0x9f: {  	s19 =	simm.s32 $_scs_section_size  }
0xa0: {  	s5 =	simm.s32 $_size__tile_overlayer_lowered;
	s6 =	simm.s32 $_tile_overlayer_lowered  }
0xa1: {  	s22 =	simm.s32 $0x1BFF;
	s21 =	sshll.u32 s6, $0x1;
	s3 =	sadd.s32 s19, s18  }
0xa2: {  	s7 =	simm.s32 $0x0;
	s20 =	sshll.u32 s5, $0x1;
	s5 =	sadd.s32 s21, s3  }
0xa3: {  	[timem:s7], [sflag:s22] =	dma.local [hbm:s5], s20  }
0xa4: {  	_ =	swait.ge [sflag:s22], s20  }
0xa5: {  	s4 =	ssub.s32 $0x0, s20;
	[sflag:s22] =	ssyncset.done $0x0  }
0xa6: {  	[sflag:s22] =	ssyncadd.s32 s4;
	_ =	sdelay $0x1  }
0xa7: {  	s23 =	simm.s32 $0x1B8B  }
0xa8: {  	_ =	swait.ge [sflag:s23], $0x1  }
0xa9: {  	[sflag:s23] =	ssyncset.done $0x0  }
0xaa: {  	s25 =	simm.s32 $0x1B8E;
	s24 =	sld [smem:$0x3FFE];
	[sflag:s23] =	ssyncadd.s32 $0xFFFFFFFF  }
0xab: {  	s26 =	simm.s32 $execute0_lowered;
	[smem:$0x3FD2] =	sst s25  }
0xac: {  	s5 =	sshll.u32 s26, $0x1;
	_ =	strace $0x80000046;
	[dreg:$0x1] =	wrdreg $0xFFFFFFFF  }
0xad: {  	s28 =	simm.s32 $_size_execute0_lowered;
	s3 =	sadd.s32 s3, s5;
	[dreg:$0x0] =	wrdreg $0x0  }
0xae: {  	s5 =	sshll.u32 s28, $0x1;
	[dreg:$0x2] =	wrdreg s3  }
0xaf: {  	[dreg:$0x3] =	wrdreg s5  }
0xb0: {  	[dreg:$0x4] =	wrdreg $0xC0  }
0xb1: {  	_ =	task [dreg:s7], $0x5FFFF  }
0xb2: {  	[dreg:$0x1] =	wrdreg $0xFFFFFFFF  }
0xb3: {  	[dreg:$0x0] =	wrdreg $0x60  }
0xb4: {  	[dreg:$0x2] =	wrdreg s24  }
0xb5: {  	[dreg:$0x3] =	wrdreg s16  }
0xb6: {  	[dreg:$0x4] =	wrdreg $0x4F100  }
0xb7: {  	[dreg:$0x5] =	wrdreg $0x9  }
0xb8: {  	_ =	task.clear_ibuf [dreg:s7], $0x6FFFF;
	_ =	strace $0x90000046  }
0xb9: {  	s29 =	simm.s32 $0x9;
	_ =	strace $0x80000048  }
0xba: {  	_ =	swait.ge [sflag:s29], $0x1  }
0xbb: {  	[sflag:s29] =	ssyncadd.s32 $0xFFFFFFFF  }
0xbc: {  	_ =	strace $0x90000048  }
0xbd: {  	_ =	sfence  }
0xbe: {  	s30 =	sld [smem:$0x0];
	_ =	sdelay $0x2  }
0xbf: {  	s31 =	sshll.u32 s1, $0xD;
	s1 =	sshrl.u32 s1, $0x2  }
0xc0: {  	s3 =	sand.u32 $0x4000, s31;
	s1 =	sadd.s32 s1, s30  }
0xc1: {  	s0 =	sor.u32 s3, s0;
	s1 =	sshll.u32 s1, $0x11  }
0xc2: {  	s0 =	sor.u32 s1, s0  }
0xc3: {  	s0 =	sadd.s32 $0x8F2B, s0  }
0xc4: {  	[sflag:s0] =	ssyncadd.remote.s32 $0x1  }
0xc5: {  	_ =	sfence.sel $0xFFFF  }
0xc6: {  	[dreg:$0x0] =	wrdreg $0xFFFFFFFF;
	(pc) =	sbr.abs _section_cstart, $3  }
0xc7: {  	[dreg:$0x1] =	wrdreg $0xFFFFFFFF  }
0xc8: {  	_ =	task.clear_ibuf [dreg:s7], $0x2FFFF;
	_ =	strace $0x9FFFFFFF  }
0xc9: {  	(tm) =	ssettm $0x7FFFFFFF  }
tec
execute0_lowered:
.L_overlay_start_1:
0x0: {  	(tag) =	ssettag $0x1  }
0x1: {  	s5 =	rddreg [dreg:$0x0]  }
0x2: {  	s6 =	rddreg [dreg:$0x1]  }
0x3: {  	s0 =	srdreg.scid;
	s2 =	rddreg [dreg:$0x2];
	s3 =	simm.s32 $0x0  }
0x4: {  	s13 =	simm.s32 $0x0;
	s4 =	sand.u32 $0x1, s0;
	s0 =	stileid.u32  }
0x5: {  	[smem:$0x7FF] =	sst s3;
	s1 =	sshll.u32 s4, $0x4;
	s8 =	smul.u32 $0x2800, s0  }
0x6: {  	s9 =	ssub.s32 $0x2, s4;
	s4 =	smul.u32 $0x28000, s4;
	s11 =	sshll.u32 s0, $0x6  }
0x7: {  	s1 =	sor.u32 s0, s1;
	s10 =	sshrl.u32 s9, $0x1;
	s11 =	sor.u32 $0x1C01, s11  }
0x8: {  	s7 =	smul.u32 $0x4E2, s1;
	s1 =	rddreg [dreg:$0x3];
	_ =	strace $0x80000047  }
0x9: {  	s29 =	ssub.s32 s9, s10;
	s30 =	sadd.s32 s8, s4;
	s9 =	simm.s32 $0x2710  }
0xa: {  	s10 =	simm.s32 $0x28;
	s31 =	sshrl.u32 s30, $0x3;
	s5 =	sadd.s32 s7, s5  }
0xb: {  	s6 =	sadd.s32 s6, s31;
	s4 =	sadd.s32 $0xD400, s5;
	s5 =	sadd.s32 s8, s2  }
0xc: {  	v0 =	vimm.f32 $1.000000000e+00;
	s7 =	smax.u32 s29, $0x1;
	s8 =	simm.s32 $0x1;
	s12 =	sshrl.u32 s5, $0x3  }
.LBB2_1:
0xd: {  	[tilespmem:s3], [sflag:$0x1] =	stream.linear.gather [hbm4b:s4+s3], $0x2710, $0x38;
	[tilespmem:$0x7710] =	vst v63  }
0xe: {  	_ =	swait.ge [sflag:s8], $0x2710  }
0xf: {  	[sflag:s8] =	ssyncset.done $0x0  }
0x10: {  	s14 =	simm.s32 $0x40;
	s15 =	simm.s32 $0x0;
	[sflag:s8] =	ssyncadd.s32 $0xFFFFD8F0  }
.LBB2_2:
0x11: {  	p0 =	sne.s32 s14, $0x9FC0;
	[tilespmem:s15+$0x2710] =	vst v0;
	s15 =	smov.u32 s14;
	s14 =	sadd.s32 $0x40, s14  }
.Ltmp0:
0x12: {  	(pc) =	sbr.rel @p0 .LBB2_2-.Ltmp0, $2  }
0x13: {  	_ =	sdelay $0x2  }
0x14: {  	s15 =	sshra.s32 s15, $0x2  }
0x15: {  	[tilespmem:s15+$0x2710] =	vst v0  }
0x16: {  	[spmem:s5] =	stream.linear.scatter [tilespmem:s9], [sflag:$0x1], $0x2800, $0x38;
	[tilespmem:$0x7710] =	vst v63  }
0x17: {  	_ =	swait.ge [sflag:s8], $0x2800  }
0x18: {  	[sflag:s8] =	ssyncset.done $0x0  }
0x19: {  	[sflag:s8] =	ssyncadd.s32 $0xFFFFD800  }
0x1a: {  	s14 =	simm.s32 $0x0;
	[bflag:$0x0] =	sbarrier.arrive $0xFFFF  }
0x1b: {  	[spmem:s2] =	stream.indirect.scatter.add.f32 [tilespmem:s9], [sflag:$0x1], $0x10, s14, s10, $0xb8;
	[tilespmem:$0x7710] =	vst v63  }
0x1c: {  	_ =	swait.ge [sflag:s8], $0x280  }
0x1d: {  	s14 =	simm.s32 $0xA0;
	[sflag:s8] =	ssyncset.done $0x0  }
.LBB2_4:
0x1e: {  	s15 =	sshra.s32 s14, $0x2;
	[sflag:s8] =	ssyncadd.s32 $0xFFFFFD80;
	p0 =	sne.s32 s14, $0x9BA0  }
0x1f: {  	[spmem:s2] =	stream.indirect.scatter.add.f32 [tilespmem:s9], [sflag:$0x1], $0x10, s15, s10, $0xb8;
	[tilespmem:$0x7710] =	vst v63  }
.Ltmp1:
0x20: {  	_ = 	snop;
	(pc) =	sbr.rel @p0 .LBB2_4-.Ltmp1, $4  }
0x21: {  	_ = 	snop  }
0x22: {  	s14 =	sadd.s32 $0xA0, s14  }
0x23: {  	_ =	swait.ge [sflag:s8], $0x280  }
0x24: {  	[sflag:s8] =	ssyncset.done $0x0  }
0x25: {  	s13 =	sadd.s32 $0x1, s13  }
0x26: {  	[sflag:s8] =	ssyncadd.s32 $0xFFFFFD80;
	p0 =	sne.s32 s13, s7  }
.Ltmp2:
0x27: {  	[bflag:$0x0] =	sbarrier.arrive $0xFFFF;
	(pc) =	sbr.rel @p0 .LBB2_1-.Ltmp2, $4  }
0x28: {  	[hbm:s6], [sflag:s11] =	dma.local [spmem:s12], $0x500  }
0x29: {  	_ =	swait.ge [sflag:s8], $0x500  }
0x2a: {  	[sflag:s8] =	ssyncset.done $0x0  }
0x2b: {  	[sflag:s8] =	ssyncadd.s32 $0xFFFFFB00  }
0x2c: {  	_ =	sfence.sel $0x180000  }
0x2d: {  	[bflag:$0x0] =	sbarrier.arrive $0xFFFF  }
0x2e: {  	p0 =	sne.s32 s0, $0x0;
	_ =	strace $0x90000047  }
0x2f: {  	s0 =	sadd.s32 @!p0 $0x100000, s1;
	[bflag:$0x2] =	sbarrier.arrive $0xFFFF  }
0x30: {  	[sflag:s0] =	ssyncadd.tile.s32 @!p0 $0x1;
	_ =	shalt  }
.Lfunc_end2:
_tile_overlayer_lowered:
.L_overlay_start_2:
0x31: {  	(tag) =	ssettag $0x2  }
0x32: {  	s0 =	rddreg [dreg:$0x0];
	s2 =	stileid.u32  }
0x33: {  	s1 =	rddreg [dreg:$0x1];
	p0 =	sne.s32 s2, $0x0  }
0x34: {  	s3 =	rddreg [dreg:$0x2];
	[bflag:$0x3] =	sbarrier.arrive $0xFFFF;
	s2 =	simm.s32 @!p0 $0x1C01  }
0x35: {  	[timem:s3], [sflag:s2] =	dma.local @!p0 [hbm:s0], s1  }
0x36: {  	s0 =	simm.s32 @!p0 $0x1  }
0x37: {  	_ =	swait.ge @!p0 [sflag:s0], s1  }
0x38: {  	s1 =	ssub.s32 @!p0 $0x0, s1;
	[sflag:s0] =	ssyncset.done @!p0 $0x0  }
0x39: {  	[sflag:s0] =	ssyncadd.s32 @!p0 s1  }
0x3a: {  	[bflag:$0x3] =	sbarrier.arrive $0xFFFF  }
0x3b: {  	_ =	shalt  }

// kernel: kernel.16.cloned.1.call-start
scs
__scs_entry_jumppad:
0x0: {  	(pc) =	sbr.rel $0x88, $3  }
0x1: {  	(tag) =	ssettag $0x0;
	lr =	simm.s32 $0x1  }
0x2: {  	[smem:$0x3F97] =	sst lr;
	_ =	strace $0xD0000000  }
0x3: {  	_ = 	snop  }
0x4: {  	_ = 	snop  }
0x5: {  	_ = 	snop  }
0x6: {  	_ = 	snop  }
0x7: {  	_ = 	snop  }
__scs_overlays_trampoline_lowered:
0x8: {  	[smem:$0x3FA6] =	sst s0  }
0x9: {  	[smem:$0x3FA7] =	sst s1  }
0xa: {  	[smem:$0x3FA8] =	sst s2  }
0xb: {  	[smem:$0x3FA9] =	sst s3  }
0xc: {  	[smem:$0x3FAA] =	sst s4  }
0xd: {  	[smem:$0x3FAB] =	sst s5  }
0xe: {  	[smem:$0x3FAC] =	sst s6  }
0xf: {  	[smem:$0x3FAD] =	sst s7  }
0x10: {  	[smem:$0x3FAE] =	sst s8  }
0x11: {  	[smem:$0x3FAF] =	sst s9;
	s0 =	simm.s32 @!p0 $0x0  }
0x12: {  	s1 =	sld [smem:$0x3F95];
	s0 =	simm.s32 @p0 $0x1  }
0x13: {  	[smem:$0x3FB0] =	sst s0;
	s0 =	simm.s32 @!p1 $0x0  }
0x14: {  	s2 =	sld [smem:$0x3F94];
	s0 =	simm.s32 @p1 $0x1  }
0x15: {  	[smem:$0x3FB1] =	sst s0;
	s0 =	simm.s32 @!p2 $0x0  }
0x16: {  	s3 =	sld [smem:$0x3FDB];
	s0 =	simm.s32 @p2 $0x1  }
0x17: {  	s4 =	simm.s32 $0x1BF5;
	[smem:$0x3FB3] =	sst s0  }
0x18: {  	s0 =	sld [smem:$0x3F96];
	_ =	swait.ge [sflag:s4], $0x0  }
0x19: {  	s7 =	sld [smem:$0x3F97]  }
0x1a: {  	s8 =	sadd.s32 $0xFFFFE003, lr  }
0x1b: {  	s9 =	sadd.s32 $0xFFFFFEF7, lr;
	s5 =	simm.s32 $0xFFFFFFFF;
	p2 =	slt.u32 s8, $0xFFFFF086  }
0x1c: {  	p1 =	slt.u32 s9, $0xF7A;
	s5 =	simm.s32 @!p2 $0x0  }
0x1d: {  	s5 =	simm.s32 @p1 $0x1;
	p0 =	seq.s32 s7, s2  }
0x1e: {  	s7 =	smul.u32 @!p0 $0xF7A, s2;
	p2 =	seq.s32 @!p0 s5, $0x0  }
0x1f: {  	s9 =	smul.u32 $0xF7A, s1;
	s8 =	simm.s32 @!p0 $0x1BF5;
	p2 =	por !p2, p0  }
0x20: {  	[sflag:s8] =	ssyncset.s32 @!p0 $0xFFFFF086;
	s6 =	sadd.s32 @!p0 s3, s7;
	s7 =	simm.s32 @!p0 $0x108  }
0x21: {  	s3 =	sadd.s32 s3, s9;
	s6 =	sadd.s32 @!p0 $0x88, s6;
	s7 =	simm.s32 @p2 $0x1082  }
0x22: {  	[simem:s7], [sflag:s8] =	dma.local @!p0 [hbm:s6], $0xF7A  }
0x23: {  	s9 =	sor.u32 $0xD0000000, s2;
	s6 =	simm.s32 $0x108;
	_ =	swait.ge @!p0 [sflag:s8], $0x0  }
0x24: {  	s3 =	sadd.s32 $0x88, s3;
	s6 =	simm.s32 @!p1 $0x1082;
	[sflag:s4] =	ssyncset.s32 $0xFFFFF086  }
0x25: {  	[simem:s6], [sflag:s4] =	dma.local [hbm:s3], $0xF7A  }
0x26: {  	[smem:$0x3F97] =	sst s1;
	(tag) =	ssettag s2;
	_ =	strace s9  }
0x27: {  	s1 =	sld [smem:$0x3FA7]  }
0x28: {  	s2 =	sld [smem:$0x3FA8]  }
0x29: {  	s4 =	sld [smem:$0x3FAA]  }
0x2a: {  	p0 =	seq.s32 s5, $0x0;
	s5 =	sld [smem:$0x3FAB]  }
0x2b: {  	s6 =	sld [smem:$0x3FAC]  }
0x2c: {  	s7 =	sld [smem:$0x3FAD]  }
0x2d: {  	s3 =	simm.s32 $0x108;
	s8 =	sld [smem:$0x3FAE]  }
0x2e: {  	s3 =	simm.s32 @!p0 $0x1082;
	s9 =	sld [smem:$0x3FAF]  }
0x2f: {  	lr =	sadd.s32 s0, s3;
	s0 =	sld [smem:$0x3FA6]  }
0x30: {  	s3 =	sld [smem:$0x3FA9]  }
0x31: {  	[smem:$0x3FB2] =	sst s10  }
0x32: {  	s10 =	sld [smem:$0x3FB0];
	_ =	sdelay $0x3  }
0x33: {  	p0 =	seq.s32 s10, $0x1;
	s10 =	sld [smem:$0x3FB2];
	_ =	sdelay $0x3  }
0x34: {  	[smem:$0x3FB2] =	sst s10  }
0x35: {  	s10 =	sld [smem:$0x3FB1];
	_ =	sdelay $0x3  }
0x36: {  	p1 =	seq.s32 s10, $0x1;
	s10 =	sld [smem:$0x3FB2];
	_ =	sdelay $0x3  }
0x37: {  	[smem:$0x3FB2] =	sst s10  }
0x38: {  	s10 =	sld [smem:$0x3FB3]  }
0x39: {  	_ = 	snop;
	(pc) =	sbr.ind lr, $3  }
0x3a: {  	_ = 	snop  }
0x3b: {  	_ = 	snop  }
0x3c: {  	p2 =	seq.s32 s10, $0x1;
	s10 =	sld [smem:$0x3FB2]  }
0x3d: {  	_ =	shalt  }
0x3e: {  	_ =	shalt  }
0x3f: {  	_ =	shalt  }
0x40: {  	_ =	shalt  }
0x41: {  	_ =	shalt  }
0x42: {  	_ =	shalt  }
0x43: {  	_ =	shalt  }
0x44: {  	_ =	shalt  }
0x45: {  	_ =	shalt  }
0x46: {  	_ =	shalt  }
0x47: {  	_ =	shalt  }
0x48: {  	_ =	shalt  }
0x49: {  	_ =	shalt  }
0x4a: {  	_ =	shalt  }
0x4b: {  	_ =	shalt  }
0x4c: {  	_ =	shalt  }
0x4d: {  	_ =	shalt  }
0x4e: {  	_ =	shalt  }
0x4f: {  	_ =	shalt  }
0x50: {  	_ =	shalt  }
0x51: {  	_ =	shalt  }
0x52: {  	_ =	shalt  }
0x53: {  	_ =	shalt  }
0x54: {  	_ =	shalt  }
0x55: {  	_ =	shalt  }
0x56: {  	_ =	shalt  }
0x57: {  	_ =	shalt  }
0x58: {  	_ =	shalt  }
0x59: {  	_ =	shalt  }
0x5a: {  	_ =	shalt  }
0x5b: {  	_ =	shalt  }
0x5c: {  	_ =	shalt  }
0x5d: {  	_ =	shalt  }
0x5e: {  	_ =	shalt  }
0x5f: {  	_ =	shalt  }
0x60: {  	_ =	shalt  }
0x61: {  	_ =	shalt  }
0x62: {  	_ =	shalt  }
0x63: {  	_ =	shalt  }
0x64: {  	_ =	shalt  }
0x65: {  	_ =	shalt  }
0x66: {  	_ =	shalt  }
0x67: {  	_ =	shalt  }
0x68: {  	_ =	shalt  }
0x69: {  	_ =	shalt  }
0x6a: {  	_ =	shalt  }
0x6b: {  	_ =	shalt  }
0x6c: {  	_ =	shalt  }
0x6d: {  	_ =	shalt  }
0x6e: {  	_ =	shalt  }
0x6f: {  	_ =	shalt  }
0x70: {  	_ =	shalt  }
0x71: {  	_ =	shalt  }
0x72: {  	_ =	shalt  }
0x73: {  	_ =	shalt  }
0x74: {  	_ =	shalt  }
0x75: {  	_ =	shalt  }
0x76: {  	_ =	shalt  }
0x77: {  	_ =	shalt  }
0x78: {  	_ =	shalt  }
0x79: {  	_ =	shalt  }
0x7a: {  	_ =	shalt  }
0x7b: {  	_ =	shalt  }
0x7c: {  	_ =	shalt  }
0x7d: {  	_ =	shalt  }
0x7e: {  	_ =	shalt  }
0x7f: {  	_ =	shalt  }
0x80: {  	_ =	shalt  }
0x81: {  	_ =	shalt  }
0x82: {  	_ =	shalt  }
0x83: {  	_ =	shalt  }
0x84: {  	_ =	shalt  }
0x85: {  	_ =	shalt  }
0x86: {  	_ =	shalt  }
0x87: {  	_ =	shalt  }
.Lfunc_end0:
.L_simem_size_0:
called_computation.1_lowered:
.L_overlay_start_0:
0x88: {  	s2 =	sld [smem:$0x3FD9]  }
0x89: {  	s3 =	sld [smem:$0x3FFE];
	_ =	sdelay $0x1  }
0x8a: {  	s1 =	srdreg.scid  }
0x8b: {  	s0 =	sand.u32 $0x1, s1  }
0x8c: {  	s16 =	sshll.u32 s0, $0xA;
	s2 =	sadd.s32 s3, s2  }
0x8d: {  	s2 =	sadd.s32 s2, s16  }
0x8e: {  	[smem:$0x3FBE] =	sst s2  }
0x8f: {  	_ = 	snop  }
0x90: {  	(tm) =	ssettm $0x1  }
0x91: {  	s17 =	sld [smem:$0x3FFB];
	_ =	sdelay $0x3  }
0x92: {  	_ =	strace s17  }
0x93: {  	s2 =	sld [smem:$0x3FFC];
	_ =	sdelay $0x3  }
0x94: {  	_ =	strace s2  }
0x95: {  	s2 =	sld [smem:$0x3FFD];
	_ =	sdelay $0x3  }
0x96: {  	_ =	strace s2  }
0x97: {  	_ =	strace $0x8FFFFFFF  }
0x98: {  	s18 =	sld [smem:$0x3FDB];
	_ =	sdelay $0x1  }
0x99: {  	s19 =	simm.s32 $_scs_section_size  }
0x9a: {  	s4 =	simm.s32 $_size__tile_overlayer_lowered;
	s5 =	simm.s32 $_tile_overlayer_lowered  }
0x9b: {  	s22 =	simm.s32 $0x1BFF;
	s21 =	sshll.u32 s5, $0x1;
	s2 =	sadd.s32 s19, s18  }
0x9c: {  	s6 =	simm.s32 $0x0;
	s20 =	sshll.u32 s4, $0x1;
	s4 =	sadd.s32 s21, s2  }
0x9d: {  	[timem:s6], [sflag:s22] =	dma.local [hbm:s4], s20  }
0x9e: {  	_ =	swait.ge [sflag:s22], s20  }
0x9f: {  	s3 =	ssub.s32 $0x0, s20;
	[sflag:s22] =	ssyncset.done $0x0  }
0xa0: {  	[sflag:s22] =	ssyncadd.s32 s3;
	_ =	sdelay $0x1  }
0xa1: {  	s23 =	simm.s32 $0x1B8B  }
0xa2: {  	_ =	swait.ge [sflag:s23], $0x1  }
0xa3: {  	[sflag:s23] =	ssyncset.done $0x0  }
0xa4: {  	s25 =	simm.s32 $0x1B8E;
	s24 =	sld [smem:$0x3FFE];
	[sflag:s23] =	ssyncadd.s32 $0xFFFFFFFF  }
0xa5: {  	s26 =	simm.s32 $execute0_lowered;
	[smem:$0x3FD2] =	sst s25  }
0xa6: {  	s4 =	sshll.u32 s26, $0x1;
	_ =	strace $0x80000049;
	[dreg:$0x1] =	wrdreg $0xFFFFFFFF  }
0xa7: {  	s28 =	simm.s32 $_size_execute0_lowered;
	s2 =	sadd.s32 s2, s4;
	[dreg:$0x0] =	wrdreg $0x0  }
0xa8: {  	s4 =	sshll.u32 s28, $0x1;
	[dreg:$0x2] =	wrdreg s2  }
0xa9: {  	[dreg:$0x3] =	wrdreg s4  }
0xaa: {  	[dreg:$0x4] =	wrdreg $0xC0  }
0xab: {  	_ =	task [dreg:s6], $0x5FFFF  }
0xac: {  	[dreg:$0x1] =	wrdreg $0xFFFFFFFF  }
0xad: {  	[dreg:$0x0] =	wrdreg $0x60  }
0xae: {  	[dreg:$0x2] =	wrdreg s24  }
0xaf: {  	[dreg:$0x3] =	wrdreg $0xB2200  }
0xb0: {  	[dreg:$0x4] =	wrdreg $0x9  }
0xb1: {  	_ =	task.clear_ibuf [dreg:s6], $0x5FFFF;
	_ =	strace $0x90000049  }
0xb2: {  	s29 =	simm.s32 $0x9;
	_ =	strace $0x8000004B  }
0xb3: {  	_ =	swait.ge [sflag:s29], $0x1  }
0xb4: {  	[sflag:s29] =	ssyncadd.s32 $0xFFFFFFFF  }
0xb5: {  	_ =	strace $0x9000004B  }
0xb6: {  	_ =	sfence  }
0xb7: {  	s30 =	sld [smem:$0x0];
	_ =	sdelay $0x2  }
0xb8: {  	s31 =	sshll.u32 s1, $0xD;
	s1 =	sshrl.u32 s1, $0x2  }
0xb9: {  	s3 =	sand.u32 $0x4000, s31;
	s1 =	sadd.s32 s1, s30  }
0xba: {  	s0 =	sor.u32 s3, s0;
	s1 =	sshll.u32 s1, $0x11  }
0xbb: {  	s0 =	sor.u32 s1, s0  }
0xbc: {  	s0 =	sadd.s32 $0x8F2B, s0  }
0xbd: {  	[sflag:s0] =	ssyncadd.remote.s32 $0x1  }
0xbe: {  	_ =	sfence.sel $0xFFFF  }
0xbf: {  	[dreg:$0x0] =	wrdreg $0xFFFFFFFF;
	(pc) =	sbr.abs _section_cstart, $3  }
0xc0: {  	[dreg:$0x1] =	wrdreg $0xFFFFFFFF  }
0xc1: {  	_ =	task.clear_ibuf [dreg:s6], $0x2FFFF;
	_ =	strace $0x9FFFFFFF  }
0xc2: {  	(tm) =	ssettm $0x7FFFFFFF  }
0xc3: {  	_ =	shalt  }
tec
execute0_lowered:
.L_overlay_start_1:
0x0: {  	(tag) =	ssettag $0x1  }
0x1: {  	s0 =	rddreg [dreg:$0x0]  }
0x2: {  	s2 =	rddreg [dreg:$0x1]  }
0x3: {  	s1 =	srdreg.scid;
	s10 =	stileid.u32  }
0x4: {  	s3 =	simm.s32 $0x0;
	s14 =	simm.s32 $0x28;
	s15 =	simm.s32 $0x4E20  }
0x5: {  	s16 =	simm.s32 $0x6220;
	s18 =	simm.s32 $0x7620;
	s20 =	simm.s32 $0x8A20  }
0x6: {  	s22 =	simm.s32 $0x9E20;
	s23 =	simm.s32 $0x1;
	s24 =	simm.s32 $0x2  }
0x7: {  	s28 =	simm.s32 $0x5;
	s29 =	simm.s32 $0x4D58;
	s30 =	simm.s32 $0x4D80  }
0x8: {  	s31 =	simm.s32 $0x4DA8;
	s1 =	sand.u32 $0x1, s1;
	s7 =	smul.u32 $0x14000, s10  }
0x9: {  	[smem:$0x7FF] =	sst s3;
	s26 =	sshll.u32 s10, $0x6;
	s4 =	sshll.u32 s1, $0x4  }
0xa: {  	s5 =	smul.u32 $0x140000, s1;
	_ =	strace $0x8000004A;
	s1 =	ssub.s32 $0x2, s1  }
0xb: {  	s12 =	sor.u32 $0x1C06, s26;
	s26 =	simm.s32 $0x4;
	s4 =	sor.u32 s10, s4  }
0xc: {  	s25 =	sshrl.u32 s1, $0x1;
	s8 =	sshrl.u32 s7, $0x3;
	s11 =	sadd.s32 s7, s2  }
0xd: {  	s10 =	simm.s32 $0x6;
	s6 =	smul.u32 $0x4E2, s4;
	s5 =	sadd.s32 s7, s5  }
0xe: {  	s4 =	sadd.s32 $0x17200, s0;
	s1 =	ssub.s32 s1, s25;
	s13 =	sshrl.u32 s11, $0x3  }
0xf: {  	s25 =	simm.s32 $0x3;
	s11 =	simm.s32 $0x0;
	s5 =	sshrl.u32 s5, $0x3  }
0x10: {  	s7 =	sadd.s32 s4, s8;
	s9 =	smax.u32 s1, $0x1;
	s6 =	sadd.s32 s6, s0  }
0x11: {  	s1 =	simm.s32 $0x4DF8;
	s0 =	sadd.s32 s5, s0;
	s5 =	sadd.s32 $0x3600, s6  }
0x12: {  	s6 =	sadd.s32 $0xD400, s6;
	s8 =	sadd.s32 $0x3F200, s0;
	s0 =	simm.s32 $0x4DD0  }
.LBB2_1:
0x13: {  	[tilespmem:s3], [sflag:$0x6] =	stream.linear.gather [hbm4b:s5+s3], $0x2710, $0x38;
	[tilespmem:$0x1F220] =	vst v63  }
0x14: {  	_ =	swait.ge [sflag:s10], $0x2710  }
0x15: {  	[sflag:s10] =	ssyncset.done $0x0  }
0x16: {  	s17 =	simm.s32 $0x2710;
	[sflag:s10] =	ssyncadd.s32 $0xFFFFD8F0  }
0x17: {  	[tilespmem:s17], [sflag:$0x6] =	stream.linear.gather [hbm4b:s6+s3], $0x2710, $0x38;
	[tilespmem:$0x1F220] =	vst v63  }
0x18: {  	_ =	swait.ge [sflag:s10], $0x2710  }
0x19: {  	[sflag:s10] =	ssyncset.done $0x0  }
0x1a: {  	[sflag:s10] =	ssyncadd.s32 $0xFFFFD8F0  }
0x1b: {  	[spmem:s13], [sflag:s12] =	dma.local [hbm:s7], $0x2800  }
0x1c: {  	_ =	swait.ge [sflag:s10], $0x2800  }
0x1d: {  	[sflag:s10] =	ssyncset.done $0x0  }
0x1e: {  	[sflag:s10] =	ssyncadd.s32 $0xFFFFD800  }
0x1f: {  	[bflag:$0x0] =	sbarrier.arrive $0xFFFF  }
0x20: {  	[tilespmem:s15], [sflag:$0x1] =	stream.indirect.gather [hbm4b:s4+s14], $0x80, s3, s14, $0xb8;
	[tilespmem:$0x1F220] =	vst v63  }
0x21: {  	_ = 	snop  }
0x22: {  	[tilespmem:s16], [sflag:$0x2] =	stream.indirect.gather [hbm4b:s4+s14], $0x80, s14, s14, $0xb8;
	[tilespmem:$0x1F220] =	vst v63  }
0x23: {  	s19 =	simm.s32 $0x50  }
0x24: {  	[tilespmem:s18], [sflag:$0x3] =	stream.indirect.gather [hbm4b:s4+s14], $0x80, s19, s14, $0xb8;
	[tilespmem:$0x1F220] =	vst v63  }
0x25: {  	s21 =	simm.s32 $0x78  }
0x26: {  	[tilespmem:s20], [sflag:$0x4] =	stream.indirect.gather [hbm4b:s4+s14], $0x80, s21, s14, $0xb8;
	[tilespmem:$0x1F220] =	vst v63  }
0x27: {  	s19 =	simm.s32 $0xA0  }
0x28: {  	[tilespmem:s22], [sflag:$0x5] =	stream.indirect.gather [hbm4b:s4+s14], $0x80, s19, s14, $0xb8;
	[tilespmem:$0x1F220] =	vst v63  }
0x29: {  	_ =	swait.ge [sflag:s23], $0x1400  }
0x2a: {  	[sflag:s23] =	ssyncset.done $0x0  }
0x2b: {  	s21 =	simm.s32 $0x2710;
	[sflag:s23] =	ssyncadd.s32 $0xFFFFEC00  }
0x2c: {  	[spmem:s2] =	stream.indirect.scatter.add.f32 [tilespmem:s15], [sflag:$0x6], $0x80, s21, s14, $0xb8;
	[tilespmem:$0x1F220] =	vst v63  }
0x2d: {  	_ =	swait.ge [sflag:s10], $0x1400  }
0x2e: {  	[sflag:s10] =	ssyncset.done $0x0  }
0x2f: {  	s19 =	simm.s32 $0xC8;
	[sflag:s10] =	ssyncadd.s32 $0xFFFFEC00  }
0x30: {  	[tilespmem:s15], [sflag:$0x1] =	stream.indirect.gather [hbm4b:s4+s14], $0x80, s19, s14, $0xb8;
	[tilespmem:$0x1F220] =	vst v63  }
0x31: {  	_ =	swait.ge [sflag:s24], $0x1400  }
0x32: {  	[sflag:s24] =	ssyncset.done $0x0  }
0x33: {  	s21 =	simm.s32 $0x2738;
	[sflag:s24] =	ssyncadd.s32 $0xFFFFEC00  }
0x34: {  	[spmem:s2] =	stream.indirect.scatter.add.f32 [tilespmem:s16], [sflag:$0x6], $0x80, s21, s14, $0xb8;
	[tilespmem:$0x1F220] =	vst v63  }
0x35: {  	_ =	swait.ge [sflag:s10], $0x1400  }
0x36: {  	[sflag:s10] =	ssyncset.done $0x0  }
0x37: {  	s19 =	simm.s32 $0xF0;
	[sflag:s10] =	ssyncadd.s32 $0xFFFFEC00  }
0x38: {  	[tilespmem:s16], [sflag:$0x2] =	stream.indirect.gather [hbm4b:s4+s14], $0x80, s19, s14, $0xb8;
	[tilespmem:$0x1F220] =	vst v63  }
0x39: {  	_ =	swait.ge [sflag:s25], $0x1400  }
0x3a: {  	[sflag:s25] =	ssyncset.done $0x0  }
0x3b: {  	s21 =	simm.s32 $0x2760;
	[sflag:s25] =	ssyncadd.s32 $0xFFFFEC00  }
0x3c: {  	[spmem:s2] =	stream.indirect.scatter.add.f32 [tilespmem:s18], [sflag:$0x6], $0x80, s21, s14, $0xb8;
	[tilespmem:$0x1F220] =	vst v63  }
0x3d: {  	_ =	swait.ge [sflag:s10], $0x1400  }
0x3e: {  	[sflag:s10] =	ssyncset.done $0x0  }
0x3f: {  	s19 =	simm.s32 $0x118;
	[sflag:s10] =	ssyncadd.s32 $0xFFFFEC00  }
0x40: {  	[tilespmem:s18], [sflag:$0x3] =	stream.indirect.gather [hbm4b:s4+s14], $0x80, s19, s14, $0xb8;
	[tilespmem:$0x1F220] =	vst v63  }
0x41: {  	_ =	swait.ge [sflag:s26], $0x1400  }
0x42: {  	[sflag:s26] =	ssyncset.done $0x0  }
0x43: {  	s21 =	simm.s32 $0x2788;
	[sflag:s26] =	ssyncadd.s32 $0xFFFFEC00  }
0x44: {  	[spmem:s2] =	stream.indirect.scatter.add.f32 [tilespmem:s20], [sflag:$0x6], $0x80, s21, s14, $0xb8;
	[tilespmem:$0x1F220] =	vst v63  }
0x45: {  	_ =	swait.ge [sflag:s10], $0x1400  }
0x46: {  	[sflag:s10] =	ssyncset.done $0x0  }
0x47: {  	s19 =	simm.s32 $0x140;
	[sflag:s10] =	ssyncadd.s32 $0xFFFFEC00  }
0x48: {  	[tilespmem:s20], [sflag:$0x4] =	stream.indirect.gather [hbm4b:s4+s14], $0x80, s19, s14, $0xb8;
	[tilespmem:$0x1F220] =	vst v63  }
0x49: {  	_ =	swait.ge [sflag:s28], $0x1400  }
0x4a: {  	[sflag:s28] =	ssyncset.done $0x0  }
0x4b: {  	s21 =	simm.s32 $0x27B0;
	[sflag:s28] =	ssyncadd.s32 $0xFFFFEC00  }
0x4c: {  	[spmem:s2] =	stream.indirect.scatter.add.f32 [tilespmem:s22], [sflag:$0x6], $0x80, s21, s14, $0xb8;
	[tilespmem:$0x1F220] =	vst v63  }
0x4d: {  	_ =	swait.ge [sflag:s10], $0x1400  }
0x4e: {  	[sflag:s10] =	ssyncset.done $0x0  }
0x4f: {  	s17 =	simm.s32 $0x320;
	s19 =	simm.s32 $0x168;
	[sflag:s10] =	ssyncadd.s32 $0xFFFFEC00  }
.LBB2_2:
0x50: {  	[tilespmem:s22], [sflag:$0x5] =	stream.indirect.gather [hbm4b:s4+s14], $0x80, s19, s14, $0xb8;
	[tilespmem:$0x1F220] =	vst v63  }
0x51: {  	s19 =	smov.u32 s17  }
0x52: {  	p0 =	sne.s32 s17, $0x9600;
	s17 =	sadd.s32 $0x320, s17;
	_ =	swait.ge [sflag:s23], $0x1400  }
0x53: {  	s19 =	sshra.s32 s19, $0x2;
	[sflag:s23] =	ssyncset.done $0x0  }
0x54: {  	s21 =	sadd.s32 $0x2710, s19;
	[sflag:s23] =	ssyncadd.s32 $0xFFFFEC00  }
0x55: {  	[spmem:s2] =	stream.indirect.scatter.add.f32 [tilespmem:s15], [sflag:$0x6], $0x80, s21, s14, $0xb8;
	[tilespmem:$0x1F220] =	vst v63  }
0x56: {  	_ =	swait.ge [sflag:s10], $0x1400  }
0x57: {  	[sflag:s10] =	ssyncset.done $0x0  }
0x58: {  	s21 =	sadd.s32 $0xC8, s19;
	[sflag:s10] =	ssyncadd.s32 $0xFFFFEC00  }
0x59: {  	[tilespmem:s15], [sflag:$0x1] =	stream.indirect.gather [hbm4b:s4+s14], $0x80, s21, s14, $0xb8;
	[tilespmem:$0x1F220] =	vst v63  }
0x5a: {  	_ =	swait.ge [sflag:s24], $0x1400  }
0x5b: {  	[sflag:s24] =	ssyncset.done $0x0  }
0x5c: {  	s21 =	sadd.s32 $0x2738, s19;
	[sflag:s24] =	ssyncadd.s32 $0xFFFFEC00  }
0x5d: {  	[spmem:s2] =	stream.indirect.scatter.add.f32 [tilespmem:s16], [sflag:$0x6], $0x80, s21, s14, $0xb8;
	[tilespmem:$0x1F220] =	vst v63  }
0x5e: {  	_ =	swait.ge [sflag:s10], $0x1400  }
0x5f: {  	[sflag:s10] =	ssyncset.done $0x0  }
0x60: {  	s21 =	sadd.s32 $0xF0, s19;
	[sflag:s10] =	ssyncadd.s32 $0xFFFFEC00  }
0x61: {  	[tilespmem:s16], [sflag:$0x2] =	stream.indirect.gather [hbm4b:s4+s14], $0x80, s21, s14, $0xb8;
	[tilespmem:$0x1F220] =	vst v63  }
0x62: {  	_ =	swait.ge [sflag:s25], $0x1400  }
0x63: {  	[sflag:s25] =	ssyncset.done $0x0  }
0x64: {  	s21 =	sadd.s32 $0x2760, s19;
	[sflag:s25] =	ssyncadd.s32 $0xFFFFEC00  }
0x65: {  	[spmem:s2] =	stream.indirect.scatter.add.f32 [tilespmem:s18], [sflag:$0x6], $0x80, s21, s14, $0xb8;
	[tilespmem:$0x1F220] =	vst v63  }
0x66: {  	_ =	swait.ge [sflag:s10], $0x1400  }
0x67: {  	[sflag:s10] =	ssyncset.done $0x0  }
0x68: {  	s21 =	sadd.s32 $0x118, s19;
	[sflag:s10] =	ssyncadd.s32 $0xFFFFEC00  }
0x69: {  	[tilespmem:s18], [sflag:$0x3] =	stream.indirect.gather [hbm4b:s4+s14], $0x80, s21, s14, $0xb8;
	[tilespmem:$0x1F220] =	vst v63  }
0x6a: {  	_ =	swait.ge [sflag:s26], $0x1400  }
0x6b: {  	[sflag:s26] =	ssyncset.done $0x0  }
0x6c: {  	s21 =	sadd.s32 $0x2788, s19;
	[sflag:s26] =	ssyncadd.s32 $0xFFFFEC00  }
0x6d: {  	[spmem:s2] =	stream.indirect.scatter.add.f32 [tilespmem:s20], [sflag:$0x6], $0x80, s21, s14, $0xb8;
	[tilespmem:$0x1F220] =	vst v63  }
0x6e: {  	_ =	swait.ge [sflag:s10], $0x1400  }
0x6f: {  	[sflag:s10] =	ssyncset.done $0x0  }
0x70: {  	s21 =	sadd.s32 $0x140, s19;
	[sflag:s10] =	ssyncadd.s32 $0xFFFFEC00  }
0x71: {  	[tilespmem:s20], [sflag:$0x4] =	stream.indirect.gather [hbm4b:s4+s14], $0x80, s21, s14, $0xb8;
	[tilespmem:$0x1F220] =	vst v63  }
0x72: {  	_ =	swait.ge [sflag:s28], $0x1400  }
0x73: {  	[sflag:s28] =	ssyncset.done $0x0  }
.Ltmp0:
0x74: {  	s21 =	sadd.s32 $0x27B0, s19;
	[sflag:s28] =	ssyncadd.s32 $0xFFFFEC00;
	(pc) =	sbr.rel @p0 .LBB2_2-.Ltmp0, $4  }
0x75: {  	[spmem:s2] =	stream.indirect.scatter.add.f32 [tilespmem:s22], [sflag:$0x6], $0x80, s21, s14, $0xb8;
	[tilespmem:$0x1F220] =	vst v63  }
0x76: {  	_ =	swait.ge [sflag:s10], $0x1400  }
0x77: {  	[sflag:s10] =	ssyncset.done $0x0  }
0x78: {  	s19 =	sadd.s32 $0x168, s19;
	[sflag:s10] =	ssyncadd.s32 $0xFFFFEC00  }
0x79: {  	[tilespmem:s22], [sflag:$0x5] =	stream.indirect.gather [hbm4b:s4+s14], $0x80, s19, s14, $0xb8;
	[tilespmem:$0x1F220] =	vst v63  }
0x7a: {  	_ =	swait.ge [sflag:s23], $0x1400  }
0x7b: {  	[sflag:s23] =	ssyncset.done $0x0  }
0x7c: {  	[sflag:s23] =	ssyncadd.s32 $0xFFFFEC00  }
0x7d: {  	[spmem:s2] =	stream.indirect.scatter.add.f32 [tilespmem:s15], [sflag:$0x6], $0x80, s29, s14, $0xb8;
	[tilespmem:$0x1F220] =	vst v63  }
0x7e: {  	_ =	swait.ge [sflag:s10], $0x1400  }
0x7f: {  	[sflag:s10] =	ssyncset.done $0x0  }
0x80: {  	[sflag:s10] =	ssyncadd.s32 $0xFFFFEC00  }
0x81: {  	_ =	swait.ge [sflag:s24], $0x1400  }
0x82: {  	[sflag:s24] =	ssyncset.done $0x0  }
0x83: {  	[sflag:s24] =	ssyncadd.s32 $0xFFFFEC00  }
0x84: {  	[spmem:s2] =	stream.indirect.scatter.add.f32 [tilespmem:s16], [sflag:$0x6], $0x80, s30, s14, $0xb8;
	[tilespmem:$0x1F220] =	vst v63  }
0x85: {  	_ =	swait.ge [sflag:s10], $0x1400  }
0x86: {  	[sflag:s10] =	ssyncset.done $0x0  }
0x87: {  	[sflag:s10] =	ssyncadd.s32 $0xFFFFEC00  }
0x88: {  	_ =	swait.ge [sflag:s25], $0x1400  }
0x89: {  	[sflag:s25] =	ssyncset.done $0x0  }
0x8a: {  	[sflag:s25] =	ssyncadd.s32 $0xFFFFEC00  }
0x8b: {  	[spmem:s2] =	stream.indirect.scatter.add.f32 [tilespmem:s18], [sflag:$0x6], $0x80, s31, s14, $0xb8;
	[tilespmem:$0x1F220] =	vst v63  }
0x8c: {  	_ =	swait.ge [sflag:s10], $0x1400  }
0x8d: {  	[sflag:s10] =	ssyncset.done $0x0  }
0x8e: {  	[sflag:s10] =	ssyncadd.s32 $0xFFFFEC00  }
0x8f: {  	_ =	swait.ge [sflag:s26], $0x1400  }
0x90: {  	[sflag:s26] =	ssyncset.done $0x0  }
0x91: {  	[sflag:s26] =	ssyncadd.s32 $0xFFFFEC00  }
0x92: {  	[spmem:s2] =	stream.indirect.scatter.add.f32 [tilespmem:s20], [sflag:$0x6], $0x80, s0, s14, $0xb8;
	[tilespmem:$0x1F220] =	vst v63  }
0x93: {  	_ =	swait.ge [sflag:s10], $0x1400  }
0x94: {  	[sflag:s10] =	ssyncset.done $0x0  }
0x95: {  	[sflag:s10] =	ssyncadd.s32 $0xFFFFEC00  }
0x96: {  	_ =	swait.ge [sflag:s28], $0x1400  }
0x97: {  	[sflag:s28] =	ssyncset.done $0x0  }
0x98: {  	[sflag:s28] =	ssyncadd.s32 $0xFFFFEC00  }
0x99: {  	[spmem:s2] =	stream.indirect.scatter.add.f32 [tilespmem:s22], [sflag:$0x6], $0x80, s1, s14, $0xb8;
	[tilespmem:$0x1F220] =	vst v63  }
0x9a: {  	_ =	swait.ge [sflag:s10], $0x1400  }
0x9b: {  	s11 =	sadd.s32 $0x1, s11;
	[sflag:s10] =	ssyncset.done $0x0  }
0x9c: {  	p0 =	sne.s32 s11, s9;
	[sflag:s10] =	ssyncadd.s32 $0xFFFFEC00  }
.Ltmp1:
0x9d: {  	[bflag:$0x0] =	sbarrier.arrive $0xFFFF;
	(pc) =	sbr.rel @p0 .LBB2_1-.Ltmp1, $4  }
0x9e: {  	[hbm:s8], [sflag:s12] =	dma.local [spmem:s13], $0x2800  }
0x9f: {  	_ =	swait.ge [sflag:s10], $0x2800  }
0xa0: {  	[sflag:s10] =	ssyncset.done $0x0  }
0xa1: {  	[sflag:s10] =	ssyncadd.s32 $0xFFFFD800  }
0xa2: {  	_ =	sfence.sel $0x180000  }
0xa3: {  	[bflag:$0x0] =	sbarrier.arrive $0xFFFF  }
0xa4: {  	_ =	strace $0x9000004A  }
0xa5: {  	s0 =	stileid.u32;
	[bflag:$0x2] =	sbarrier.arrive $0xFFFF  }
0xa6: {  	p0 =	sne.s32 s0, $0x0;
	s0 =	rddreg [dreg:$0x2]  }
0xa7: {  	s0 =	sadd.s32 @!p0 $0x100000, s0  }
0xa8: {  	[sflag:s0] =	ssyncadd.tile.s32 @!p0 $0x1;
	_ =	shalt  }
.Lfunc_end2:
_tile_overlayer_lowered:
.L_overlay_start_2:
0xa9: {  	(tag) =	ssettag $0x2  }
0xaa: {  	s0 =	rddreg [dreg:$0x0];
	s2 =	stileid.u32  }
0xab: {  	s1 =	rddreg [dreg:$0x1];
	p0 =	sne.s32 s2, $0x0  }
0xac: {  	s3 =	rddreg [dreg:$0x2];
	[bflag:$0x3] =	sbarrier.arrive $0xFFFF;
	s2 =	simm.s32 @!p0 $0x1C06  }
0xad: {  	[timem:s3], [sflag:s2] =	dma.local @!p0 [hbm:s0], s1  }
0xae: {  	s0 =	simm.s32 @!p0 $0x6  }
0xaf: {  	_ =	swait.ge @!p0 [sflag:s0], s1  }
0xb0: {  	s1 =	ssub.s32 @!p0 $0x0, s1;
	[sflag:s0] =	ssyncset.done @!p0 $0x0  }
0xb1: {  	[sflag:s0] =	ssyncadd.s32 @!p0 s1  }
0xb2: {  	[bflag:$0x3] =	sbarrier.arrive $0xFFFF  }
0xb3: {  	_ =	shalt  }

// kernel: kernel.19.cloned.1.call-start
scs
__scs_entry_jumppad:
0x0: {  	(pc) =	sbr.rel $0x88, $3  }
0x1: {  	(tag) =	ssettag $0x0;
	lr =	simm.s32 $0x1  }
0x2: {  	[smem:$0x3F97] =	sst lr;
	_ =	strace $0xD0000000  }
0x3: {  	_ = 	snop  }
0x4: {  	_ = 	snop  }
0x5: {  	_ = 	snop  }
0x6: {  	_ = 	snop  }
0x7: {  	_ = 	snop  }
__scs_overlays_trampoline_lowered:
0x8: {  	[smem:$0x3FA6] =	sst s0  }
0x9: {  	[smem:$0x3FA7] =	sst s1  }
0xa: {  	[smem:$0x3FA8] =	sst s2  }
0xb: {  	[smem:$0x3FA9] =	sst s3  }
0xc: {  	[smem:$0x3FAA] =	sst s4  }
0xd: {  	[smem:$0x3FAB] =	sst s5  }
0xe: {  	[smem:$0x3FAC] =	sst s6  }
0xf: {  	[smem:$0x3FAD] =	sst s7  }
0x10: {  	[smem:$0x3FAE] =	sst s8  }
0x11: {  	[smem:$0x3FAF] =	sst s9;
	s0 =	simm.s32 @!p0 $0x0  }
0x12: {  	s1 =	sld [smem:$0x3F95];
	s0 =	simm.s32 @p0 $0x1  }
0x13: {  	[smem:$0x3FB0] =	sst s0;
	s0 =	simm.s32 @!p1 $0x0  }
0x14: {  	s2 =	sld [smem:$0x3F94];
	s0 =	simm.s32 @p1 $0x1  }
0x15: {  	[smem:$0x3FB1] =	sst s0;
	s0 =	simm.s32 @!p2 $0x0  }
0x16: {  	s3 =	sld [smem:$0x3FDB];
	s0 =	simm.s32 @p2 $0x1  }
0x17: {  	s4 =	simm.s32 $0x1BF5;
	[smem:$0x3FB3] =	sst s0  }
0x18: {  	s0 =	sld [smem:$0x3F96];
	_ =	swait.ge [sflag:s4], $0x0  }
0x19: {  	s7 =	sld [smem:$0x3F97]  }
0x1a: {  	s8 =	sadd.s32 $0xFFFFE003, lr  }
0x1b: {  	s9 =	sadd.s32 $0xFFFFFEF7, lr;
	s5 =	simm.s32 $0xFFFFFFFF;
	p2 =	slt.u32 s8, $0xFFFFF086  }
0x1c: {  	p1 =	slt.u32 s9, $0xF7A;
	s5 =	simm.s32 @!p2 $0x0  }
0x1d: {  	s5 =	simm.s32 @p1 $0x1;
	p0 =	seq.s32 s7, s2  }
0x1e: {  	s7 =	smul.u32 @!p0 $0xF7A, s2;
	p2 =	seq.s32 @!p0 s5, $0x0  }
0x1f: {  	s9 =	smul.u32 $0xF7A, s1;
	s8 =	simm.s32 @!p0 $0x1BF5;
	p2 =	por !p2, p0  }
0x20: {  	[sflag:s8] =	ssyncset.s32 @!p0 $0xFFFFF086;
	s6 =	sadd.s32 @!p0 s3, s7;
	s7 =	simm.s32 @!p0 $0x108  }
0x21: {  	s3 =	sadd.s32 s3, s9;
	s6 =	sadd.s32 @!p0 $0x88, s6;
	s7 =	simm.s32 @p2 $0x1082  }
0x22: {  	[simem:s7], [sflag:s8] =	dma.local @!p0 [hbm:s6], $0xF7A  }
0x23: {  	s9 =	sor.u32 $0xD0000000, s2;
	s6 =	simm.s32 $0x108;
	_ =	swait.ge @!p0 [sflag:s8], $0x0  }
0x24: {  	s3 =	sadd.s32 $0x88, s3;
	s6 =	simm.s32 @!p1 $0x1082;
	[sflag:s4] =	ssyncset.s32 $0xFFFFF086  }
0x25: {  	[simem:s6], [sflag:s4] =	dma.local [hbm:s3], $0xF7A  }
0x26: {  	[smem:$0x3F97] =	sst s1;
	(tag) =	ssettag s2;
	_ =	strace s9  }
0x27: {  	s1 =	sld [smem:$0x3FA7]  }
0x28: {  	s2 =	sld [smem:$0x3FA8]  }
0x29: {  	s4 =	sld [smem:$0x3FAA]  }
0x2a: {  	p0 =	seq.s32 s5, $0x0;
	s5 =	sld [smem:$0x3FAB]  }
0x2b: {  	s6 =	sld [smem:$0x3FAC]  }
0x2c: {  	s7 =	sld [smem:$0x3FAD]  }
0x2d: {  	s3 =	simm.s32 $0x108;
	s8 =	sld [smem:$0x3FAE]  }
0x2e: {  	s3 =	simm.s32 @!p0 $0x1082;
	s9 =	sld [smem:$0x3FAF]  }
0x2f: {  	lr =	sadd.s32 s0, s3;
	s0 =	sld [smem:$0x3FA6]  }
0x30: {  	s3 =	sld [smem:$0x3FA9]  }
0x31: {  	[smem:$0x3FB2] =	sst s10  }
0x32: {  	s10 =	sld [smem:$0x3FB0];
	_ =	sdelay $0x3  }
0x33: {  	p0 =	seq.s32 s10, $0x1;
	s10 =	sld [smem:$0x3FB2];
	_ =	sdelay $0x3  }
0x34: {  	[smem:$0x3FB2] =	sst s10  }
0x35: {  	s10 =	sld [smem:$0x3FB1];
	_ =	sdelay $0x3  }
0x36: {  	p1 =	seq.s32 s10, $0x1;
	s10 =	sld [smem:$0x3FB2];
	_ =	sdelay $0x3  }
0x37: {  	[smem:$0x3FB2] =	sst s10  }
0x38: {  	s10 =	sld [smem:$0x3FB3]  }
0x39: {  	_ = 	snop;
	(pc) =	sbr.ind lr, $3  }
0x3a: {  	_ = 	snop  }
0x3b: {  	_ = 	snop  }
0x3c: {  	p2 =	seq.s32 s10, $0x1;
	s10 =	sld [smem:$0x3FB2]  }
0x3d: {  	_ =	shalt  }
0x3e: {  	_ =	shalt  }
0x3f: {  	_ =	shalt  }
0x40: {  	_ =	shalt  }
0x41: {  	_ =	shalt  }
0x42: {  	_ =	shalt  }
0x43: {  	_ =	shalt  }
0x44: {  	_ =	shalt  }
0x45: {  	_ =	shalt  }
0x46: {  	_ =	shalt  }
0x47: {  	_ =	shalt  }
0x48: {  	_ =	shalt  }
0x49: {  	_ =	shalt  }
0x4a: {  	_ =	shalt  }
0x4b: {  	_ =	shalt  }
0x4c: {  	_ =	shalt  }
0x4d: {  	_ =	shalt  }
0x4e: {  	_ =	shalt  }
0x4f: {  	_ =	shalt  }
0x50: {  	_ =	shalt  }
0x51: {  	_ =	shalt  }
0x52: {  	_ =	shalt  }
0x53: {  	_ =	shalt  }
0x54: {  	_ =	shalt  }
0x55: {  	_ =	shalt  }
0x56: {  	_ =	shalt  }
0x57: {  	_ =	shalt  }
0x58: {  	_ =	shalt  }
0x59: {  	_ =	shalt  }
0x5a: {  	_ =	shalt  }
0x5b: {  	_ =	shalt  }
0x5c: {  	_ =	shalt  }
0x5d: {  	_ =	shalt  }
0x5e: {  	_ =	shalt  }
0x5f: {  	_ =	shalt  }
0x60: {  	_ =	shalt  }
0x61: {  	_ =	shalt  }
0x62: {  	_ =	shalt  }
0x63: {  	_ =	shalt  }
0x64: {  	_ =	shalt  }
0x65: {  	_ =	shalt  }
0x66: {  	_ =	shalt  }
0x67: {  	_ =	shalt  }
0x68: {  	_ =	shalt  }
0x69: {  	_ =	shalt  }
0x6a: {  	_ =	shalt  }
0x6b: {  	_ =	shalt  }
0x6c: {  	_ =	shalt  }
0x6d: {  	_ =	shalt  }
0x6e: {  	_ =	shalt  }
0x6f: {  	_ =	shalt  }
0x70: {  	_ =	shalt  }
0x71: {  	_ =	shalt  }
0x72: {  	_ =	shalt  }
0x73: {  	_ =	shalt  }
0x74: {  	_ =	shalt  }
0x75: {  	_ =	shalt  }
0x76: {  	_ =	shalt  }
0x77: {  	_ =	shalt  }
0x78: {  	_ =	shalt  }
0x79: {  	_ =	shalt  }
0x7a: {  	_ =	shalt  }
0x7b: {  	_ =	shalt  }
0x7c: {  	_ =	shalt  }
0x7d: {  	_ =	shalt  }
0x7e: {  	_ =	shalt  }
0x7f: {  	_ =	shalt  }
0x80: {  	_ =	shalt  }
0x81: {  	_ =	shalt  }
0x82: {  	_ =	shalt  }
0x83: {  	_ =	shalt  }
0x84: {  	_ =	shalt  }
0x85: {  	_ =	shalt  }
0x86: {  	_ =	shalt  }
0x87: {  	_ =	shalt  }
.Lfunc_end0:
.L_simem_size_0:
called_computation.2_lowered:
.L_overlay_start_0:
0x88: {  	s2 =	sld [smem:$0x3FD9]  }
0x89: {  	s3 =	sld [smem:$0x3FFE];
	_ =	sdelay $0x1  }
0x8a: {  	s1 =	srdreg.scid  }
0x8b: {  	s0 =	sand.u32 $0x1, s1  }
0x8c: {  	s16 =	sshll.u32 s0, $0xA;
	s2 =	sadd.s32 s3, s2  }
0x8d: {  	s2 =	sadd.s32 s2, s16  }
0x8e: {  	[smem:$0x3FBE] =	sst s2  }
0x8f: {  	_ = 	snop  }
0x90: {  	(tm) =	ssettm $0x1  }
0x91: {  	s17 =	sld [smem:$0x3FFB];
	_ =	sdelay $0x3  }
0x92: {  	_ =	strace s17  }
0x93: {  	s2 =	sld [smem:$0x3FFC];
	_ =	sdelay $0x3  }
0x94: {  	_ =	strace s2  }
0x95: {  	s2 =	sld [smem:$0x3FFD];
	_ =	sdelay $0x3  }
0x96: {  	_ =	strace s2  }
0x97: {  	_ =	strace $0x8FFFFFFF  }
0x98: {  	s18 =	sld [smem:$0x3FDB];
	_ =	sdelay $0x1  }
0x99: {  	s19 =	simm.s32 $_scs_section_size  }
0x9a: {  	s4 =	simm.s32 $_size__tile_overlayer_lowered;
	s5 =	simm.s32 $_tile_overlayer_lowered  }
0x9b: {  	s22 =	simm.s32 $0x1BFF;
	s21 =	sshll.u32 s5, $0x1;
	s2 =	sadd.s32 s19, s18  }
0x9c: {  	s6 =	simm.s32 $0x0;
	s20 =	sshll.u32 s4, $0x1;
	s4 =	sadd.s32 s21, s2  }
0x9d: {  	[timem:s6], [sflag:s22] =	dma.local [hbm:s4], s20  }
0x9e: {  	_ =	swait.ge [sflag:s22], s20  }
0x9f: {  	s3 =	ssub.s32 $0x0, s20;
	[sflag:s22] =	ssyncset.done $0x0  }
0xa0: {  	[sflag:s22] =	ssyncadd.s32 s3;
	_ =	sdelay $0x1  }
0xa1: {  	s23 =	simm.s32 $0x1B8B  }
0xa2: {  	_ =	swait.ge [sflag:s23], $0x1  }
0xa3: {  	[sflag:s23] =	ssyncset.done $0x0  }
0xa4: {  	s25 =	simm.s32 $0x1B8E;
	s24 =	sld [smem:$0x3FFE];
	[sflag:s23] =	ssyncadd.s32 $0xFFFFFFFF  }
0xa5: {  	s26 =	simm.s32 $execute0_lowered;
	[smem:$0x3FD2] =	sst s25  }
0xa6: {  	s4 =	sshll.u32 s26, $0x1;
	_ =	strace $0x8000004C;
	[dreg:$0x1] =	wrdreg $0xFFFFFFFF  }
0xa7: {  	s28 =	simm.s32 $_size_execute0_lowered;
	s2 =	sadd.s32 s2, s4;
	[dreg:$0x0] =	wrdreg $0x0  }
0xa8: {  	s4 =	sshll.u32 s28, $0x1;
	[dreg:$0x2] =	wrdreg s2  }
0xa9: {  	[dreg:$0x3] =	wrdreg s4  }
0xaa: {  	[dreg:$0x4] =	wrdreg $0xC0  }
0xab: {  	_ =	task [dreg:s6], $0x5FFFF  }
0xac: {  	[dreg:$0x1] =	wrdreg $0xFFFFFFFF  }
0xad: {  	[dreg:$0x0] =	wrdreg $0x60  }
0xae: {  	[dreg:$0x2] =	wrdreg s24  }
0xaf: {  	[dreg:$0x3] =	wrdreg $0xB2200  }
0xb0: {  	[dreg:$0x4] =	wrdreg $0x9  }
0xb1: {  	_ =	task.clear_ibuf [dreg:s6], $0x5FFFF;
	_ =	strace $0x9000004C  }
0xb2: {  	s29 =	simm.s32 $0x9;
	_ =	strace $0x8000004E  }
0xb3: {  	_ =	swait.ge [sflag:s29], $0x1  }
0xb4: {  	[sflag:s29] =	ssyncadd.s32 $0xFFFFFFFF  }
0xb5: {  	_ =	strace $0x9000004E  }
0xb6: {  	_ =	sfence  }
0xb7: {  	s30 =	sld [smem:$0x0];
	_ =	sdelay $0x2  }
0xb8: {  	s31 =	sshll.u32 s1, $0xD;
	s1 =	sshrl.u32 s1, $0x2  }
0xb9: {  	s3 =	sand.u32 $0x4000, s31;
	s1 =	sadd.s32 s1, s30  }
0xba: {  	s0 =	sor.u32 s3, s0;
	s1 =	sshll.u32 s1, $0x11  }
0xbb: {  	s0 =	sor.u32 s1, s0  }
0xbc: {  	s0 =	sadd.s32 $0x8F2B, s0  }
0xbd: {  	[sflag:s0] =	ssyncadd.remote.s32 $0x1  }
0xbe: {  	_ =	sfence.sel $0xFFFF  }
0xbf: {  	[dreg:$0x0] =	wrdreg $0xFFFFFFFF;
	(pc) =	sbr.abs _section_cstart, $3  }
0xc0: {  	[dreg:$0x1] =	wrdreg $0xFFFFFFFF  }
0xc1: {  	_ =	task.clear_ibuf [dreg:s6], $0x2FFFF;
	_ =	strace $0x9FFFFFFF  }
0xc2: {  	(tm) =	ssettm $0x7FFFFFFF  }
0xc3: {  	_ =	shalt  }
tec
execute0_lowered:
.L_overlay_start_1:
0x0: {  	(tag) =	ssettag $0x1  }
0x1: {  	s0 =	rddreg [dreg:$0x0]  }
0x2: {  	s2 =	rddreg [dreg:$0x1]  }
0x3: {  	s1 =	srdreg.scid;
	s10 =	stileid.u32  }
0x4: {  	s3 =	simm.s32 $0x0;
	s14 =	simm.s32 $0x28;
	s15 =	simm.s32 $0x4E20  }
0x5: {  	s16 =	simm.s32 $0x6220;
	s18 =	simm.s32 $0x7620;
	s20 =	simm.s32 $0x8A20  }
0x6: {  	s22 =	simm.s32 $0x9E20;
	s23 =	simm.s32 $0x1;
	s24 =	simm.s32 $0x2  }
0x7: {  	s28 =	simm.s32 $0x5;
	s29 =	simm.s32 $0x4D58;
	s30 =	simm.s32 $0x4D80  }
0x8: {  	s31 =	simm.s32 $0x4DA8;
	s1 =	sand.u32 $0x1, s1;
	s7 =	smul.u32 $0x14000, s10  }
0x9: {  	[smem:$0x7FF] =	sst s3;
	s26 =	sshll.u32 s10, $0x6;
	s4 =	sshll.u32 s1, $0x4  }
0xa: {  	s5 =	smul.u32 $0x140000, s1;
	_ =	strace $0x8000004D;
	s1 =	ssub.s32 $0x2, s1  }
0xb: {  	s12 =	sor.u32 $0x1C06, s26;
	s26 =	simm.s32 $0x4;
	s4 =	sor.u32 s10, s4  }
0xc: {  	s25 =	sshrl.u32 s1, $0x1;
	s8 =	sshrl.u32 s7, $0x3;
	s11 =	sadd.s32 s7, s2  }
0xd: {  	s10 =	simm.s32 $0x6;
	s6 =	smul.u32 $0x4E2, s4;
	s5 =	sadd.s32 s7, s5  }
0xe: {  	s4 =	sadd.s32 $0x17200, s0;
	s1 =	ssub.s32 s1, s25;
	s13 =	sshrl.u32 s11, $0x3  }
0xf: {  	s25 =	simm.s32 $0x3;
	s11 =	simm.s32 $0x0;
	s5 =	sshrl.u32 s5, $0x3  }
0x10: {  	s7 =	sadd.s32 s4, s8;
	s9 =	smax.u32 s1, $0x1;
	s6 =	sadd.s32 s6, s0  }
0x11: {  	s1 =	simm.s32 $0x4DF8;
	s0 =	sadd.s32 s5, s0;
	s5 =	sadd.s32 $0x3600, s6  }
0x12: {  	s6 =	sadd.s32 $0xD400, s6;
	s8 =	sadd.s32 $0x3F200, s0;
	s0 =	simm.s32 $0x4DD0  }
.LBB2_1:
0x13: {  	[tilespmem:s3], [sflag:$0x6] =	stream.linear.gather [hbm4b:s5+s3], $0x2710, $0x38;
	[tilespmem:$0x1F220] =	vst v63  }
0x14: {  	_ =	swait.ge [sflag:s10], $0x2710  }
0x15: {  	[sflag:s10] =	ssyncset.done $0x0  }
0x16: {  	s17 =	simm.s32 $0x2710;
	[sflag:s10] =	ssyncadd.s32 $0xFFFFD8F0  }
0x17: {  	[tilespmem:s17], [sflag:$0x6] =	stream.linear.gather [hbm4b:s6+s3], $0x2710, $0x38;
	[tilespmem:$0x1F220] =	vst v63  }
0x18: {  	_ =	swait.ge [sflag:s10], $0x2710  }
0x19: {  	[sflag:s10] =	ssyncset.done $0x0  }
0x1a: {  	[sflag:s10] =	ssyncadd.s32 $0xFFFFD8F0  }
0x1b: {  	[spmem:s13], [sflag:s12] =	dma.local [hbm:s7], $0x2800  }
0x1c: {  	_ =	swait.ge [sflag:s10], $0x2800  }
0x1d: {  	[sflag:s10] =	ssyncset.done $0x0  }
0x1e: {  	[sflag:s10] =	ssyncadd.s32 $0xFFFFD800  }
0x1f: {  	[bflag:$0x0] =	sbarrier.arrive $0xFFFF  }
0x20: {  	[tilespmem:s15], [sflag:$0x1] =	stream.indirect.gather [hbm4b:s4+s14], $0x80, s3, s14, $0xb8;
	[tilespmem:$0x1F220] =	vst v63  }
0x21: {  	_ = 	snop  }
0x22: {  	[tilespmem:s16], [sflag:$0x2] =	stream.indirect.gather [hbm4b:s4+s14], $0x80, s14, s14, $0xb8;
	[tilespmem:$0x1F220] =	vst v63  }
0x23: {  	s19 =	simm.s32 $0x50  }
0x24: {  	[tilespmem:s18], [sflag:$0x3] =	stream.indirect.gather [hbm4b:s4+s14], $0x80, s19, s14, $0xb8;
	[tilespmem:$0x1F220] =	vst v63  }
0x25: {  	s21 =	simm.s32 $0x78  }
0x26: {  	[tilespmem:s20], [sflag:$0x4] =	stream.indirect.gather [hbm4b:s4+s14], $0x80, s21, s14, $0xb8;
	[tilespmem:$0x1F220] =	vst v63  }
0x27: {  	s19 =	simm.s32 $0xA0  }
0x28: {  	[tilespmem:s22], [sflag:$0x5] =	stream.indirect.gather [hbm4b:s4+s14], $0x80, s19, s14, $0xb8;
	[tilespmem:$0x1F220] =	vst v63  }
0x29: {  	_ =	swait.ge [sflag:s23], $0x1400  }
0x2a: {  	[sflag:s23] =	ssyncset.done $0x0  }
0x2b: {  	s21 =	simm.s32 $0x2710;
	[sflag:s23] =	ssyncadd.s32 $0xFFFFEC00  }
0x2c: {  	[spmem:s2] =	stream.indirect.scatter.add.f32 [tilespmem:s15], [sflag:$0x6], $0x80, s21, s14, $0xb8;
	[tilespmem:$0x1F220] =	vst v63  }
0x2d: {  	_ =	swait.ge [sflag:s10], $0x1400  }
0x2e: {  	[sflag:s10] =	ssyncset.done $0x0  }
0x2f: {  	s19 =	simm.s32 $0xC8;
	[sflag:s10] =	ssyncadd.s32 $0xFFFFEC00  }
0x30: {  	[tilespmem:s15], [sflag:$0x1] =	stream.indirect.gather [hbm4b:s4+s14], $0x80, s19, s14, $0xb8;
	[tilespmem:$0x1F220] =	vst v63  }
0x31: {  	_ =	swait.ge [sflag:s24], $0x1400  }
0x32: {  	[sflag:s24] =	ssyncset.done $0x0  }
0x33: {  	s21 =	simm.s32 $0x2738;
	[sflag:s24] =	ssyncadd.s32 $0xFFFFEC00  }
0x34: {  	[spmem:s2] =	stream.indirect.scatter.add.f32 [tilespmem:s16], [sflag:$0x6], $0x80, s21, s14, $0xb8;
	[tilespmem:$0x1F220] =	vst v63  }
0x35: {  	_ =	swait.ge [sflag:s10], $0x1400  }
0x36: {  	[sflag:s10] =	ssyncset.done $0x0  }
0x37: {  	s19 =	simm.s32 $0xF0;
	[sflag:s10] =	ssyncadd.s32 $0xFFFFEC00  }
0x38: {  	[tilespmem:s16], [sflag:$0x2] =	stream.indirect.gather [hbm4b:s4+s14], $0x80, s19, s14, $0xb8;
	[tilespmem:$0x1F220] =	vst v63  }
0x39: {  	_ =	swait.ge [sflag:s25], $0x1400  }
0x3a: {  	[sflag:s25] =	ssyncset.done $0x0  }
0x3b: {  	s21 =	simm.s32 $0x2760;
	[sflag:s25] =	ssyncadd.s32 $0xFFFFEC00  }
0x3c: {  	[spmem:s2] =	stream.indirect.scatter.add.f32 [tilespmem:s18], [sflag:$0x6], $0x80, s21, s14, $0xb8;
	[tilespmem:$0x1F220] =	vst v63  }
0x3d: {  	_ =	swait.ge [sflag:s10], $0x1400  }
0x3e: {  	[sflag:s10] =	ssyncset.done $0x0  }
0x3f: {  	s19 =	simm.s32 $0x118;
	[sflag:s10] =	ssyncadd.s32 $0xFFFFEC00  }
0x40: {  	[tilespmem:s18], [sflag:$0x3] =	stream.indirect.gather [hbm4b:s4+s14], $0x80, s19, s14, $0xb8;
	[tilespmem:$0x1F220] =	vst v63  }
0x41: {  	_ =	swait.ge [sflag:s26], $0x1400  }
0x42: {  	[sflag:s26] =	ssyncset.done $0x0  }
0x43: {  	s21 =	simm.s32 $0x2788;
	[sflag:s26] =	ssyncadd.s32 $0xFFFFEC00  }
0x44: {  	[spmem:s2] =	stream.indirect.scatter.add.f32 [tilespmem:s20], [sflag:$0x6], $0x80, s21, s14, $0xb8;
	[tilespmem:$0x1F220] =	vst v63  }
0x45: {  	_ =	swait.ge [sflag:s10], $0x1400  }
0x46: {  	[sflag:s10] =	ssyncset.done $0x0  }
0x47: {  	s19 =	simm.s32 $0x140;
	[sflag:s10] =	ssyncadd.s32 $0xFFFFEC00  }
0x48: {  	[tilespmem:s20], [sflag:$0x4] =	stream.indirect.gather [hbm4b:s4+s14], $0x80, s19, s14, $0xb8;
	[tilespmem:$0x1F220] =	vst v63  }
0x49: {  	_ =	swait.ge [sflag:s28], $0x1400  }
0x4a: {  	[sflag:s28] =	ssyncset.done $0x0  }
0x4b: {  	s21 =	simm.s32 $0x27B0;
	[sflag:s28] =	ssyncadd.s32 $0xFFFFEC00  }
0x4c: {  	[spmem:s2] =	stream.indirect.scatter.add.f32 [tilespmem:s22], [sflag:$0x6], $0x80, s21, s14, $0xb8;
	[tilespmem:$0x1F220] =	vst v63  }
0x4d: {  	_ =	swait.ge [sflag:s10], $0x1400  }
0x4e: {  	[sflag:s10] =	ssyncset.done $0x0  }
0x4f: {  	s17 =	simm.s32 $0x320;
	s19 =	simm.s32 $0x168;
	[sflag:s10] =	ssyncadd.s32 $0xFFFFEC00  }
.LBB2_2:
0x50: {  	[tilespmem:s22], [sflag:$0x5] =	stream.indirect.gather [hbm4b:s4+s14], $0x80, s19, s14, $0xb8;
	[tilespmem:$0x1F220] =	vst v63  }
0x51: {  	s19 =	smov.u32 s17  }
0x52: {  	p0 =	sne.s32 s17, $0x9600;
	s17 =	sadd.s32 $0x320, s17;
	_ =	swait.ge [sflag:s23], $0x1400  }
0x53: {  	s19 =	sshra.s32 s19, $0x2;
	[sflag:s23] =	ssyncset.done $0x0  }
0x54: {  	s21 =	sadd.s32 $0x2710, s19;
	[sflag:s23] =	ssyncadd.s32 $0xFFFFEC00  }
0x55: {  	[spmem:s2] =	stream.indirect.scatter.add.f32 [tilespmem:s15], [sflag:$0x6], $0x80, s21, s14, $0xb8;
	[tilespmem:$0x1F220] =	vst v63  }
0x56: {  	_ =	swait.ge [sflag:s10], $0x1400  }
0x57: {  	[sflag:s10] =	ssyncset.done $0x0  }
0x58: {  	s21 =	sadd.s32 $0xC8, s19;
	[sflag:s10] =	ssyncadd.s32 $0xFFFFEC00  }
0x59: {  	[tilespmem:s15], [sflag:$0x1] =	stream.indirect.gather [hbm4b:s4+s14], $0x80, s21, s14, $0xb8;
	[tilespmem:$0x1F220] =	vst v63  }
0x5a: {  	_ =	swait.ge [sflag:s24], $0x1400  }
0x5b: {  	[sflag:s24] =	ssyncset.done $0x0  }
0x5c: {  	s21 =	sadd.s32 $0x2738, s19;
	[sflag:s24] =	ssyncadd.s32 $0xFFFFEC00  }
0x5d: {  	[spmem:s2] =	stream.indirect.scatter.add.f32 [tilespmem:s16], [sflag:$0x6], $0x80, s21, s14, $0xb8;
	[tilespmem:$0x1F220] =	vst v63  }
0x5e: {  	_ =	swait.ge [sflag:s10], $0x1400  }
0x5f: {  	[sflag:s10] =	ssyncset.done $0x0  }
0x60: {  	s21 =	sadd.s32 $0xF0, s19;
	[sflag:s10] =	ssyncadd.s32 $0xFFFFEC00  }
0x61: {  	[tilespmem:s16], [sflag:$0x2] =	stream.indirect.gather [hbm4b:s4+s14], $0x80, s21, s14, $0xb8;
	[tilespmem:$0x1F220] =	vst v63  }
0x62: {  	_ =	swait.ge [sflag:s25], $0x1400  }
0x63: {  	[sflag:s25] =	ssyncset.done $0x0  }
0x64: {  	s21 =	sadd.s32 $0x2760, s19;
	[sflag:s25] =	ssyncadd.s32 $0xFFFFEC00  }
0x65: {  	[spmem:s2] =	stream.indirect.scatter.add.f32 [tilespmem:s18], [sflag:$0x6], $0x80, s21, s14, $0xb8;
	[tilespmem:$0x1F220] =	vst v63  }
0x66: {  	_ =	swait.ge [sflag:s10], $0x1400  }
0x67: {  	[sflag:s10] =	ssyncset.done $0x0  }
0x68: {  	s21 =	sadd.s32 $0x118, s19;
	[sflag:s10] =	ssyncadd.s32 $0xFFFFEC00  }
0x69: {  	[tilespmem:s18], [sflag:$0x3] =	stream.indirect.gather [hbm4b:s4+s14], $0x80, s21, s14, $0xb8;
	[tilespmem:$0x1F220] =	vst v63  }
0x6a: {  	_ =	swait.ge [sflag:s26], $0x1400  }
0x6b: {  	[sflag:s26] =	ssyncset.done $0x0  }
0x6c: {  	s21 =	sadd.s32 $0x2788, s19;
	[sflag:s26] =	ssyncadd.s32 $0xFFFFEC00  }
0x6d: {  	[spmem:s2] =	stream.indirect.scatter.add.f32 [tilespmem:s20], [sflag:$0x6], $0x80, s21, s14, $0xb8;
	[tilespmem:$0x1F220] =	vst v63  }
0x6e: {  	_ =	swait.ge [sflag:s10], $0x1400  }
0x6f: {  	[sflag:s10] =	ssyncset.done $0x0  }
0x70: {  	s21 =	sadd.s32 $0x140, s19;
	[sflag:s10] =	ssyncadd.s32 $0xFFFFEC00  }
0x71: {  	[tilespmem:s20], [sflag:$0x4] =	stream.indirect.gather [hbm4b:s4+s14], $0x80, s21, s14, $0xb8;
	[tilespmem:$0x1F220] =	vst v63  }
0x72: {  	_ =	swait.ge [sflag:s28], $0x1400  }
0x73: {  	[sflag:s28] =	ssyncset.done $0x0  }
.Ltmp0:
0x74: {  	s21 =	sadd.s32 $0x27B0, s19;
	[sflag:s28] =	ssyncadd.s32 $0xFFFFEC00;
	(pc) =	sbr.rel @p0 .LBB2_2-.Ltmp0, $4  }
0x75: {  	[spmem:s2] =	stream.indirect.scatter.add.f32 [tilespmem:s22], [sflag:$0x6], $0x80, s21, s14, $0xb8;
	[tilespmem:$0x1F220] =	vst v63  }
0x76: {  	_ =	swait.ge [sflag:s10], $0x1400  }
0x77: {  	[sflag:s10] =	ssyncset.done $0x0  }
0x78: {  	s19 =	sadd.s32 $0x168, s19;
	[sflag:s10] =	ssyncadd.s32 $0xFFFFEC00  }
0x79: {  	[tilespmem:s22], [sflag:$0x5] =	stream.indirect.gather [hbm4b:s4+s14], $0x80, s19, s14, $0xb8;
	[tilespmem:$0x1F220] =	vst v63  }
0x7a: {  	_ =	swait.ge [sflag:s23], $0x1400  }
0x7b: {  	[sflag:s23] =	ssyncset.done $0x0  }
0x7c: {  	[sflag:s23] =	ssyncadd.s32 $0xFFFFEC00  }
0x7d: {  	[spmem:s2] =	stream.indirect.scatter.add.f32 [tilespmem:s15], [sflag:$0x6], $0x80, s29, s14, $0xb8;
	[tilespmem:$0x1F220] =	vst v63  }
0x7e: {  	_ =	swait.ge [sflag:s10], $0x1400  }
0x7f: {  	[sflag:s10] =	ssyncset.done $0x0  }
0x80: {  	[sflag:s10] =	ssyncadd.s32 $0xFFFFEC00  }
0x81: {  	_ =	swait.ge [sflag:s24], $0x1400  }
0x82: {  	[sflag:s24] =	ssyncset.done $0x0  }
0x83: {  	[sflag:s24] =	ssyncadd.s32 $0xFFFFEC00  }
0x84: {  	[spmem:s2] =	stream.indirect.scatter.add.f32 [tilespmem:s16], [sflag:$0x6], $0x80, s30, s14, $0xb8;
	[tilespmem:$0x1F220] =	vst v63  }
0x85: {  	_ =	swait.ge [sflag:s10], $0x1400  }
0x86: {  	[sflag:s10] =	ssyncset.done $0x0  }
0x87: {  	[sflag:s10] =	ssyncadd.s32 $0xFFFFEC00  }
0x88: {  	_ =	swait.ge [sflag:s25], $0x1400  }
0x89: {  	[sflag:s25] =	ssyncset.done $0x0  }
0x8a: {  	[sflag:s25] =	ssyncadd.s32 $0xFFFFEC00  }
0x8b: {  	[spmem:s2] =	stream.indirect.scatter.add.f32 [tilespmem:s18], [sflag:$0x6], $0x80, s31, s14, $0xb8;
	[tilespmem:$0x1F220] =	vst v63  }
0x8c: {  	_ =	swait.ge [sflag:s10], $0x1400  }
0x8d: {  	[sflag:s10] =	ssyncset.done $0x0  }
0x8e: {  	[sflag:s10] =	ssyncadd.s32 $0xFFFFEC00  }
0x8f: {  	_ =	swait.ge [sflag:s26], $0x1400  }
0x90: {  	[sflag:s26] =	ssyncset.done $0x0  }
0x91: {  	[sflag:s26] =	ssyncadd.s32 $0xFFFFEC00  }
0x92: {  	[spmem:s2] =	stream.indirect.scatter.add.f32 [tilespmem:s20], [sflag:$0x6], $0x80, s0, s14, $0xb8;
	[tilespmem:$0x1F220] =	vst v63  }
0x93: {  	_ =	swait.ge [sflag:s10], $0x1400  }
0x94: {  	[sflag:s10] =	ssyncset.done $0x0  }
0x95: {  	[sflag:s10] =	ssyncadd.s32 $0xFFFFEC00  }
0x96: {  	_ =	swait.ge [sflag:s28], $0x1400  }
0x97: {  	[sflag:s28] =	ssyncset.done $0x0  }
0x98: {  	[sflag:s28] =	ssyncadd.s32 $0xFFFFEC00  }
0x99: {  	[spmem:s2] =	stream.indirect.scatter.add.f32 [tilespmem:s22], [sflag:$0x6], $0x80, s1, s14, $0xb8;
	[tilespmem:$0x1F220] =	vst v63  }
0x9a: {  	_ =	swait.ge [sflag:s10], $0x1400  }
0x9b: {  	s11 =	sadd.s32 $0x1, s11;
	[sflag:s10] =	ssyncset.done $0x0  }
0x9c: {  	p0 =	sne.s32 s11, s9;
	[sflag:s10] =	ssyncadd.s32 $0xFFFFEC00  }
.Ltmp1:
0x9d: {  	[bflag:$0x0] =	sbarrier.arrive $0xFFFF;
	(pc) =	sbr.rel @p0 .LBB2_1-.Ltmp1, $4  }
0x9e: {  	[hbm:s8], [sflag:s12] =	dma.local [spmem:s13], $0x2800  }
0x9f: {  	_ =	swait.ge [sflag:s10], $0x2800  }
0xa0: {  	[sflag:s10] =	ssyncset.done $0x0  }
0xa1: {  	[sflag:s10] =	ssyncadd.s32 $0xFFFFD800  }
0xa2: {  	_ =	sfence.sel $0x180000  }
0xa3: {  	[bflag:$0x0] =	sbarrier.arrive $0xFFFF  }
0xa4: {  	_ =	strace $0x9000004D  }
0xa5: {  	s0 =	stileid.u32;
	[bflag:$0x2] =	sbarrier.arrive $0xFFFF  }
0xa6: {  	p0 =	sne.s32 s0, $0x0;
	s0 =	rddreg [dreg:$0x2]  }
0xa7: {  	s0 =	sadd.s32 @!p0 $0x100000, s0  }
0xa8: {  	[sflag:s0] =	ssyncadd.tile.s32 @!p0 $0x1;
	_ =	shalt  }
.Lfunc_end2:
_tile_overlayer_lowered:
.L_overlay_start_2:
0xa9: {  	(tag) =	ssettag $0x2  }
0xaa: {  	s0 =	rddreg [dreg:$0x0];
	s2 =	stileid.u32  }
0xab: {  	s1 =	rddreg [dreg:$0x1];
	p0 =	sne.s32 s2, $0x0  }
0xac: {  	s3 =	rddreg [dreg:$0x2];
	[bflag:$0x3] =	sbarrier.arrive $0xFFFF;
	s2 =	simm.s32 @!p0 $0x1C06  }
0xad: {  	[timem:s3], [sflag:s2] =	dma.local @!p0 [hbm:s0], s1  }
0xae: {  	s0 =	simm.s32 @!p0 $0x6  }
0xaf: {  	_ =	swait.ge @!p0 [sflag:s0], s1  }
0xb0: {  	s1 =	ssub.s32 @!p0 $0x0, s1;
	[sflag:s0] =	ssyncset.done @!p0 $0x0  }
0xb1: {  	[sflag:s0] =	ssyncadd.s32 @!p0 s1  }
0xb2: {  	[bflag:$0x3] =	sbarrier.arrive $0xFFFF  }
0xb3: {  	_ =	shalt  }

// kernel: kernel.22.cloned.1.call-start
scs
__scs_entry_jumppad:
0x0: {  	(pc) =	sbr.rel $0x88, $3  }
0x1: {  	(tag) =	ssettag $0x0;
	lr =	simm.s32 $0x1  }
0x2: {  	[smem:$0x3F97] =	sst lr;
	_ =	strace $0xD0000000  }
0x3: {  	_ = 	snop  }
0x4: {  	_ = 	snop  }
0x5: {  	_ = 	snop  }
0x6: {  	_ = 	snop  }
0x7: {  	_ = 	snop  }
__scs_overlays_trampoline_lowered:
0x8: {  	[smem:$0x3FA6] =	sst s0  }
0x9: {  	[smem:$0x3FA7] =	sst s1  }
0xa: {  	[smem:$0x3FA8] =	sst s2  }
0xb: {  	[smem:$0x3FA9] =	sst s3  }
0xc: {  	[smem:$0x3FAA] =	sst s4  }
0xd: {  	[smem:$0x3FAB] =	sst s5  }
0xe: {  	[smem:$0x3FAC] =	sst s6  }
0xf: {  	[smem:$0x3FAD] =	sst s7  }
0x10: {  	[smem:$0x3FAE] =	sst s8  }
0x11: {  	[smem:$0x3FAF] =	sst s9;
	s0 =	simm.s32 @!p0 $0x0  }
0x12: {  	s1 =	sld [smem:$0x3F95];
	s0 =	simm.s32 @p0 $0x1  }
0x13: {  	[smem:$0x3FB0] =	sst s0;
	s0 =	simm.s32 @!p1 $0x0  }
0x14: {  	s2 =	sld [smem:$0x3F94];
	s0 =	simm.s32 @p1 $0x1  }
0x15: {  	[smem:$0x3FB1] =	sst s0;
	s0 =	simm.s32 @!p2 $0x0  }
0x16: {  	s3 =	sld [smem:$0x3FDB];
	s0 =	simm.s32 @p2 $0x1  }
0x17: {  	s4 =	simm.s32 $0x1BF5;
	[smem:$0x3FB3] =	sst s0  }
0x18: {  	s0 =	sld [smem:$0x3F96];
	_ =	swait.ge [sflag:s4], $0x0  }
0x19: {  	s7 =	sld [smem:$0x3F97]  }
0x1a: {  	s8 =	sadd.s32 $0xFFFFE003, lr  }
0x1b: {  	s9 =	sadd.s32 $0xFFFFFEF7, lr;
	s5 =	simm.s32 $0xFFFFFFFF;
	p2 =	slt.u32 s8, $0xFFFFF086  }
0x1c: {  	p1 =	slt.u32 s9, $0xF7A;
	s5 =	simm.s32 @!p2 $0x0  }
0x1d: {  	s5 =	simm.s32 @p1 $0x1;
	p0 =	seq.s32 s7, s2  }
0x1e: {  	s7 =	smul.u32 @!p0 $0xF7A, s2;
	p2 =	seq.s32 @!p0 s5, $0x0  }
0x1f: {  	s9 =	smul.u32 $0xF7A, s1;
	s8 =	simm.s32 @!p0 $0x1BF5;
	p2 =	por !p2, p0  }
0x20: {  	[sflag:s8] =	ssyncset.s32 @!p0 $0xFFFFF086;
	s6 =	sadd.s32 @!p0 s3, s7;
	s7 =	simm.s32 @!p0 $0x108  }
0x21: {  	s3 =	sadd.s32 s3, s9;
	s6 =	sadd.s32 @!p0 $0x88, s6;
	s7 =	simm.s32 @p2 $0x1082  }
0x22: {  	[simem:s7], [sflag:s8] =	dma.local @!p0 [hbm:s6], $0xF7A  }
0x23: {  	s9 =	sor.u32 $0xD0000000, s2;
	s6 =	simm.s32 $0x108;
	_ =	swait.ge @!p0 [sflag:s8], $0x0  }
0x24: {  	s3 =	sadd.s32 $0x88, s3;
	s6 =	simm.s32 @!p1 $0x1082;
	[sflag:s4] =	ssyncset.s32 $0xFFFFF086  }
0x25: {  	[simem:s6], [sflag:s4] =	dma.local [hbm:s3], $0xF7A  }
0x26: {  	[smem:$0x3F97] =	sst s1;
	(tag) =	ssettag s2;
	_ =	strace s9  }
0x27: {  	s1 =	sld [smem:$0x3FA7]  }
0x28: {  	s2 =	sld [smem:$0x3FA8]  }
0x29: {  	s4 =	sld [smem:$0x3FAA]  }
0x2a: {  	p0 =	seq.s32 s5, $0x0;
	s5 =	sld [smem:$0x3FAB]  }
0x2b: {  	s6 =	sld [smem:$0x3FAC]  }
0x2c: {  	s7 =	sld [smem:$0x3FAD]  }
0x2d: {  	s3 =	simm.s32 $0x108;
	s8 =	sld [smem:$0x3FAE]  }
0x2e: {  	s3 =	simm.s32 @!p0 $0x1082;
	s9 =	sld [smem:$0x3FAF]  }
0x2f: {  	lr =	sadd.s32 s0, s3;
	s0 =	sld [smem:$0x3FA6]  }
0x30: {  	s3 =	sld [smem:$0x3FA9]  }
0x31: {  	[smem:$0x3FB2] =	sst s10  }
0x32: {  	s10 =	sld [smem:$0x3FB0];
	_ =	sdelay $0x3  }
0x33: {  	p0 =	seq.s32 s10, $0x1;
	s10 =	sld [smem:$0x3FB2];
	_ =	sdelay $0x3  }
0x34: {  	[smem:$0x3FB2] =	sst s10  }
0x35: {  	s10 =	sld [smem:$0x3FB1];
	_ =	sdelay $0x3  }
0x36: {  	p1 =	seq.s32 s10, $0x1;
	s10 =	sld [smem:$0x3FB2];
	_ =	sdelay $0x3  }
0x37: {  	[smem:$0x3FB2] =	sst s10  }
0x38: {  	s10 =	sld [smem:$0x3FB3]  }
0x39: {  	_ = 	snop;
	(pc) =	sbr.ind lr, $3  }
0x3a: {  	_ = 	snop  }
0x3b: {  	_ = 	snop  }
0x3c: {  	p2 =	seq.s32 s10, $0x1;
	s10 =	sld [smem:$0x3FB2]  }
0x3d: {  	_ =	shalt  }
0x3e: {  	_ =	shalt  }
0x3f: {  	_ =	shalt  }
0x40: {  	_ =	shalt  }
0x41: {  	_ =	shalt  }
0x42: {  	_ =	shalt  }
0x43: {  	_ =	shalt  }
0x44: {  	_ =	shalt  }
0x45: {  	_ =	shalt  }
0x46: {  	_ =	shalt  }
0x47: {  	_ =	shalt  }
0x48: {  	_ =	shalt  }
0x49: {  	_ =	shalt  }
0x4a: {  	_ =	shalt  }
0x4b: {  	_ =	shalt  }
0x4c: {  	_ =	shalt  }
0x4d: {  	_ =	shalt  }
0x4e: {  	_ =	shalt  }
0x4f: {  	_ =	shalt  }
0x50: {  	_ =	shalt  }
0x51: {  	_ =	shalt  }
0x52: {  	_ =	shalt  }
0x53: {  	_ =	shalt  }
0x54: {  	_ =	shalt  }
0x55: {  	_ =	shalt  }
0x56: {  	_ =	shalt  }
0x57: {  	_ =	shalt  }
0x58: {  	_ =	shalt  }
0x59: {  	_ =	shalt  }
0x5a: {  	_ =	shalt  }
0x5b: {  	_ =	shalt  }
0x5c: {  	_ =	shalt  }
0x5d: {  	_ =	shalt  }
0x5e: {  	_ =	shalt  }
0x5f: {  	_ =	shalt  }
0x60: {  	_ =	shalt  }
0x61: {  	_ =	shalt  }
0x62: {  	_ =	shalt  }
0x63: {  	_ =	shalt  }
0x64: {  	_ =	shalt  }
0x65: {  	_ =	shalt  }
0x66: {  	_ =	shalt  }
0x67: {  	_ =	shalt  }
0x68: {  	_ =	shalt  }
0x69: {  	_ =	shalt  }
0x6a: {  	_ =	shalt  }
0x6b: {  	_ =	shalt  }
0x6c: {  	_ =	shalt  }
0x6d: {  	_ =	shalt  }
0x6e: {  	_ =	shalt  }
0x6f: {  	_ =	shalt  }
0x70: {  	_ =	shalt  }
0x71: {  	_ =	shalt  }
0x72: {  	_ =	shalt  }
0x73: {  	_ =	shalt  }
0x74: {  	_ =	shalt  }
0x75: {  	_ =	shalt  }
0x76: {  	_ =	shalt  }
0x77: {  	_ =	shalt  }
0x78: {  	_ =	shalt  }
0x79: {  	_ =	shalt  }
0x7a: {  	_ =	shalt  }
0x7b: {  	_ =	shalt  }
0x7c: {  	_ =	shalt  }
0x7d: {  	_ =	shalt  }
0x7e: {  	_ =	shalt  }
0x7f: {  	_ =	shalt  }
0x80: {  	_ =	shalt  }
0x81: {  	_ =	shalt  }
0x82: {  	_ =	shalt  }
0x83: {  	_ =	shalt  }
0x84: {  	_ =	shalt  }
0x85: {  	_ =	shalt  }
0x86: {  	_ =	shalt  }
0x87: {  	_ =	shalt  }
.Lfunc_end0:
.L_simem_size_0:
called_computation.3_lowered:
.L_overlay_start_0:
0x88: {  	s2 =	sld [smem:$0x3FD9]  }
0x89: {  	s3 =	sld [smem:$0x3FFE];
	_ =	sdelay $0x1  }
0x8a: {  	s1 =	srdreg.scid  }
0x8b: {  	s0 =	sand.u32 $0x1, s1  }
0x8c: {  	s16 =	sshll.u32 s0, $0xA;
	s2 =	sadd.s32 s3, s2  }
0x8d: {  	s2 =	sadd.s32 s2, s16  }
0x8e: {  	[smem:$0x3FBE] =	sst s2  }
0x8f: {  	_ = 	snop  }
0x90: {  	(tm) =	ssettm $0x1  }
0x91: {  	s17 =	sld [smem:$0x3FFB];
	_ =	sdelay $0x3  }
0x92: {  	_ =	strace s17  }
0x93: {  	s2 =	sld [smem:$0x3FFC];
	_ =	sdelay $0x3  }
0x94: {  	_ =	strace s2  }
0x95: {  	s2 =	sld [smem:$0x3FFD];
	_ =	sdelay $0x3  }
0x96: {  	_ =	strace s2  }
0x97: {  	_ =	strace $0x8FFFFFFF  }
0x98: {  	s18 =	sld [smem:$0x3FDB];
	_ =	sdelay $0x1  }
0x99: {  	s19 =	simm.s32 $_scs_section_size  }
0x9a: {  	s4 =	simm.s32 $_size__tile_overlayer_lowered;
	s5 =	simm.s32 $_tile_overlayer_lowered  }
0x9b: {  	s22 =	simm.s32 $0x1BFF;
	s21 =	sshll.u32 s5, $0x1;
	s2 =	sadd.s32 s19, s18  }
0x9c: {  	s6 =	simm.s32 $0x0;
	s20 =	sshll.u32 s4, $0x1;
	s4 =	sadd.s32 s21, s2  }
0x9d: {  	[timem:s6], [sflag:s22] =	dma.local [hbm:s4], s20  }
0x9e: {  	_ =	swait.ge [sflag:s22], s20  }
0x9f: {  	s3 =	ssub.s32 $0x0, s20;
	[sflag:s22] =	ssyncset.done $0x0  }
0xa0: {  	[sflag:s22] =	ssyncadd.s32 s3;
	_ =	sdelay $0x1  }
0xa1: {  	s23 =	simm.s32 $0x1B8B  }
0xa2: {  	_ =	swait.ge [sflag:s23], $0x1  }
0xa3: {  	[sflag:s23] =	ssyncset.done $0x0  }
0xa4: {  	s25 =	simm.s32 $0x1B8E;
	s24 =	sld [smem:$0x3FFE];
	[sflag:s23] =	ssyncadd.s32 $0xFFFFFFFF  }
0xa5: {  	s26 =	simm.s32 $execute0_lowered;
	[smem:$0x3FD2] =	sst s25  }
0xa6: {  	s4 =	sshll.u32 s26, $0x1;
	_ =	strace $0x8000004F;
	[dreg:$0x1] =	wrdreg $0xFFFFFFFF  }
0xa7: {  	s28 =	simm.s32 $_size_execute0_lowered;
	s2 =	sadd.s32 s2, s4;
	[dreg:$0x0] =	wrdreg $0x0  }
0xa8: {  	s4 =	sshll.u32 s28, $0x1;
	[dreg:$0x2] =	wrdreg s2  }
0xa9: {  	[dreg:$0x3] =	wrdreg s4  }
0xaa: {  	[dreg:$0x4] =	wrdreg $0xC0  }
0xab: {  	_ =	task [dreg:s6], $0x5FFFF  }
0xac: {  	[dreg:$0x1] =	wrdreg $0xFFFFFFFF  }
0xad: {  	[dreg:$0x0] =	wrdreg $0x60  }
0xae: {  	[dreg:$0x2] =	wrdreg s24  }
0xaf: {  	[dreg:$0x3] =	wrdreg $0xB2200  }
0xb0: {  	[dreg:$0x4] =	wrdreg $0x9  }
0xb1: {  	_ =	task.clear_ibuf [dreg:s6], $0x5FFFF;
	_ =	strace $0x9000004F  }
0xb2: {  	s29 =	simm.s32 $0x9;
	_ =	strace $0x80000051  }
0xb3: {  	_ =	swait.ge [sflag:s29], $0x1  }
0xb4: {  	[sflag:s29] =	ssyncadd.s32 $0xFFFFFFFF  }
0xb5: {  	_ =	strace $0x90000051  }
0xb6: {  	_ =	sfence  }
0xb7: {  	s30 =	sld [smem:$0x0];
	_ =	sdelay $0x2  }
0xb8: {  	s31 =	sshll.u32 s1, $0xD;
	s1 =	sshrl.u32 s1, $0x2  }
0xb9: {  	s3 =	sand.u32 $0x4000, s31;
	s1 =	sadd.s32 s1, s30  }
0xba: {  	s0 =	sor.u32 s3, s0;
	s1 =	sshll.u32 s1, $0x11  }
0xbb: {  	s0 =	sor.u32 s1, s0  }
0xbc: {  	s0 =	sadd.s32 $0x8F2B, s0  }
0xbd: {  	[sflag:s0] =	ssyncadd.remote.s32 $0x1  }
0xbe: {  	_ =	sfence.sel $0xFFFF  }
0xbf: {  	[dreg:$0x0] =	wrdreg $0xFFFFFFFF;
	(pc) =	sbr.abs _section_cstart, $3  }
0xc0: {  	[dreg:$0x1] =	wrdreg $0xFFFFFFFF  }
0xc1: {  	_ =	task.clear_ibuf [dreg:s6], $0x2FFFF;
	_ =	strace $0x9FFFFFFF  }
0xc2: {  	(tm) =	ssettm $0x7FFFFFFF  }
0xc3: {  	_ =	shalt  }
tec
execute0_lowered:
.L_overlay_start_1:
0x0: {  	(tag) =	ssettag $0x1  }
0x1: {  	s0 =	rddreg [dreg:$0x0]  }
0x2: {  	s2 =	rddreg [dreg:$0x1]  }
0x3: {  	s1 =	srdreg.scid;
	s10 =	stileid.u32  }
0x4: {  	s3 =	simm.s32 $0x0;
	s14 =	simm.s32 $0x28;
	s15 =	simm.s32 $0x4E20  }
0x5: {  	s16 =	simm.s32 $0x6220;
	s18 =	simm.s32 $0x7620;
	s20 =	simm.s32 $0x8A20  }
0x6: {  	s22 =	simm.s32 $0x9E20;
	s23 =	simm.s32 $0x1;
	s24 =	simm.s32 $0x2  }
0x7: {  	s28 =	simm.s32 $0x5;
	s29 =	simm.s32 $0x4D58;
	s30 =	simm.s32 $0x4D80  }
0x8: {  	s31 =	simm.s32 $0x4DA8;
	s1 =	sand.u32 $0x1, s1;
	s7 =	smul.u32 $0x14000, s10  }
0x9: {  	[smem:$0x7FF] =	sst s3;
	s26 =	sshll.u32 s10, $0x6;
	s4 =	sshll.u32 s1, $0x4  }
0xa: {  	s5 =	smul.u32 $0x140000, s1;
	_ =	strace $0x80000050;
	s1 =	ssub.s32 $0x2, s1  }
0xb: {  	s12 =	sor.u32 $0x1C06, s26;
	s26 =	simm.s32 $0x4;
	s4 =	sor.u32 s10, s4  }
0xc: {  	s25 =	sshrl.u32 s1, $0x1;
	s8 =	sshrl.u32 s7, $0x3;
	s11 =	sadd.s32 s7, s2  }
0xd: {  	s10 =	simm.s32 $0x6;
	s6 =	smul.u32 $0x4E2, s4;
	s5 =	sadd.s32 s7, s5  }
0xe: {  	s4 =	sadd.s32 $0x17200, s0;
	s1 =	ssub.s32 s1, s25;
	s13 =	sshrl.u32 s11, $0x3  }
0xf: {  	s25 =	simm.s32 $0x3;
	s11 =	simm.s32 $0x0;
	s5 =	sshrl.u32 s5, $0x3  }
0x10: {  	s7 =	sadd.s32 s4, s8;
	s9 =	smax.u32 s1, $0x1;
	s6 =	sadd.s32 s6, s0  }
0x11: {  	s1 =	simm.s32 $0x4DF8;
	s0 =	sadd.s32 s5, s0;
	s5 =	sadd.s32 $0x3600, s6  }
0x12: {  	s6 =	sadd.s32 $0xD400, s6;
	s8 =	sadd.s32 $0x3F200, s0;
	s0 =	simm.s32 $0x4DD0  }
.LBB2_1:
0x13: {  	[tilespmem:s3], [sflag:$0x6] =	stream.linear.gather [hbm4b:s5+s3], $0x2710, $0x38;
	[tilespmem:$0x1F220] =	vst v63  }
0x14: {  	_ =	swait.ge [sflag:s10], $0x2710  }
0x15: {  	[sflag:s10] =	ssyncset.done $0x0  }
0x16: {  	s17 =	simm.s32 $0x2710;
	[sflag:s10] =	ssyncadd.s32 $0xFFFFD8F0  }
0x17: {  	[tilespmem:s17], [sflag:$0x6] =	stream.linear.gather [hbm4b:s6+s3], $0x2710, $0x38;
	[tilespmem:$0x1F220] =	vst v63  }
0x18: {  	_ =	swait.ge [sflag:s10], $0x2710  }
0x19: {  	[sflag:s10] =	ssyncset.done $0x0  }
0x1a: {  	[sflag:s10] =	ssyncadd.s32 $0xFFFFD8F0  }
0x1b: {  	[spmem:s13], [sflag:s12] =	dma.local [hbm:s7], $0x2800  }
0x1c: {  	_ =	swait.ge [sflag:s10], $0x2800  }
0x1d: {  	[sflag:s10] =	ssyncset.done $0x0  }
0x1e: {  	[sflag:s10] =	ssyncadd.s32 $0xFFFFD800  }
0x1f: {  	[bflag:$0x0] =	sbarrier.arrive $0xFFFF  }
0x20: {  	[tilespmem:s15], [sflag:$0x1] =	stream.indirect.gather [hbm4b:s4+s14], $0x80, s3, s14, $0xb8;
	[tilespmem:$0x1F220] =	vst v63  }
0x21: {  	_ = 	snop  }
0x22: {  	[tilespmem:s16], [sflag:$0x2] =	stream.indirect.gather [hbm4b:s4+s14], $0x80, s14, s14, $0xb8;
	[tilespmem:$0x1F220] =	vst v63  }
0x23: {  	s19 =	simm.s32 $0x50  }
0x24: {  	[tilespmem:s18], [sflag:$0x3] =	stream.indirect.gather [hbm4b:s4+s14], $0x80, s19, s14, $0xb8;
	[tilespmem:$0x1F220] =	vst v63  }
0x25: {  	s21 =	simm.s32 $0x78  }
0x26: {  	[tilespmem:s20], [sflag:$0x4] =	stream.indirect.gather [hbm4b:s4+s14], $0x80, s21, s14, $0xb8;
	[tilespmem:$0x1F220] =	vst v63  }
0x27: {  	s19 =	simm.s32 $0xA0  }
0x28: {  	[tilespmem:s22], [sflag:$0x5] =	stream.indirect.gather [hbm4b:s4+s14], $0x80, s19, s14, $0xb8;
	[tilespmem:$0x1F220] =	vst v63  }
0x29: {  	_ =	swait.ge [sflag:s23], $0x1400  }
0x2a: {  	[sflag:s23] =	ssyncset.done $0x0  }
0x2b: {  	s21 =	simm.s32 $0x2710;
	[sflag:s23] =	ssyncadd.s32 $0xFFFFEC00  }
0x2c: {  	[spmem:s2] =	stream.indirect.scatter.add.f32 [tilespmem:s15], [sflag:$0x6], $0x80, s21, s14, $0xb8;
	[tilespmem:$0x1F220] =	vst v63  }
0x2d: {  	_ =	swait.ge [sflag:s10], $0x1400  }
0x2e: {  	[sflag:s10] =	ssyncset.done $0x0  }
0x2f: {  	s19 =	simm.s32 $0xC8;
	[sflag:s10] =	ssyncadd.s32 $0xFFFFEC00  }
0x30: {  	[tilespmem:s15], [sflag:$0x1] =	stream.indirect.gather [hbm4b:s4+s14], $0x80, s19, s14, $0xb8;
	[tilespmem:$0x1F220] =	vst v63  }
0x31: {  	_ =	swait.ge [sflag:s24], $0x1400  }
0x32: {  	[sflag:s24] =	ssyncset.done $0x0  }
0x33: {  	s21 =	simm.s32 $0x2738;
	[sflag:s24] =	ssyncadd.s32 $0xFFFFEC00  }
0x34: {  	[spmem:s2] =	stream.indirect.scatter.add.f32 [tilespmem:s16], [sflag:$0x6], $0x80, s21, s14, $0xb8;
	[tilespmem:$0x1F220] =	vst v63  }
0x35: {  	_ =	swait.ge [sflag:s10], $0x1400  }
0x36: {  	[sflag:s10] =	ssyncset.done $0x0  }
0x37: {  	s19 =	simm.s32 $0xF0;
	[sflag:s10] =	ssyncadd.s32 $0xFFFFEC00  }
0x38: {  	[tilespmem:s16], [sflag:$0x2] =	stream.indirect.gather [hbm4b:s4+s14], $0x80, s19, s14, $0xb8;
	[tilespmem:$0x1F220] =	vst v63  }
0x39: {  	_ =	swait.ge [sflag:s25], $0x1400  }
0x3a: {  	[sflag:s25] =	ssyncset.done $0x0  }
0x3b: {  	s21 =	simm.s32 $0x2760;
	[sflag:s25] =	ssyncadd.s32 $0xFFFFEC00  }
0x3c: {  	[spmem:s2] =	stream.indirect.scatter.add.f32 [tilespmem:s18], [sflag:$0x6], $0x80, s21, s14, $0xb8;
	[tilespmem:$0x1F220] =	vst v63  }
0x3d: {  	_ =	swait.ge [sflag:s10], $0x1400  }
0x3e: {  	[sflag:s10] =	ssyncset.done $0x0  }
0x3f: {  	s19 =	simm.s32 $0x118;
	[sflag:s10] =	ssyncadd.s32 $0xFFFFEC00  }
0x40: {  	[tilespmem:s18], [sflag:$0x3] =	stream.indirect.gather [hbm4b:s4+s14], $0x80, s19, s14, $0xb8;
	[tilespmem:$0x1F220] =	vst v63  }
0x41: {  	_ =	swait.ge [sflag:s26], $0x1400  }
0x42: {  	[sflag:s26] =	ssyncset.done $0x0  }
0x43: {  	s21 =	simm.s32 $0x2788;
	[sflag:s26] =	ssyncadd.s32 $0xFFFFEC00  }
0x44: {  	[spmem:s2] =	stream.indirect.scatter.add.f32 [tilespmem:s20], [sflag:$0x6], $0x80, s21, s14, $0xb8;
	[tilespmem:$0x1F220] =	vst v63  }
0x45: {  	_ =	swait.ge [sflag:s10], $0x1400  }
0x46: {  	[sflag:s10] =	ssyncset.done $0x0  }
0x47: {  	s19 =	simm.s32 $0x140;
	[sflag:s10] =	ssyncadd.s32 $0xFFFFEC00  }
0x48: {  	[tilespmem:s20], [sflag:$0x4] =	stream.indirect.gather [hbm4b:s4+s14], $0x80, s19, s14, $0xb8;
	[tilespmem:$0x1F220] =	vst v63  }
0x49: {  	_ =	swait.ge [sflag:s28], $0x1400  }
0x4a: {  	[sflag:s28] =	ssyncset.done $0x0  }
0x4b: {  	s21 =	simm.s32 $0x27B0;
	[sflag:s28] =	ssyncadd.s32 $0xFFFFEC00  }
0x4c: {  	[spmem:s2] =	stream.indirect.scatter.add.f32 [tilespmem:s22], [sflag:$0x6], $0x80, s21, s14, $0xb8;
	[tilespmem:$0x1F220] =	vst v63  }
0x4d: {  	_ =	swait.ge [sflag:s10], $0x1400  }
0x4e: {  	[sflag:s10] =	ssyncset.done $0x0  }
0x4f: {  	s17 =	simm.s32 $0x320;
	s19 =	simm.s32 $0x168;
	[sflag:s10] =	ssyncadd.s32 $0xFFFFEC00  }
.LBB2_2:
0x50: {  	[tilespmem:s22], [sflag:$0x5] =	stream.indirect.gather [hbm4b:s4+s14], $0x80, s19, s14, $0xb8;
	[tilespmem:$0x1F220] =	vst v63  }
0x51: {  	s19 =	smov.u32 s17  }
0x52: {  	p0 =	sne.s32 s17, $0x9600;
	s17 =	sadd.s32 $0x320, s17;
	_ =	swait.ge [sflag:s23], $0x1400  }
0x53: {  	s19 =	sshra.s32 s19, $0x2;
	[sflag:s23] =	ssyncset.done $0x0  }
0x54: {  	s21 =	sadd.s32 $0x2710, s19;
	[sflag:s23] =	ssyncadd.s32 $0xFFFFEC00  }
0x55: {  	[spmem:s2] =	stream.indirect.scatter.add.f32 [tilespmem:s15], [sflag:$0x6], $0x80, s21, s14, $0xb8;
	[tilespmem:$0x1F220] =	vst v63  }
0x56: {  	_ =	swait.ge [sflag:s10], $0x1400  }
0x57: {  	[sflag:s10] =	ssyncset.done $0x0  }
0x58: {  	s21 =	sadd.s32 $0xC8, s19;
	[sflag:s10] =	ssyncadd.s32 $0xFFFFEC00  }
0x59: {  	[tilespmem:s15], [sflag:$0x1] =	stream.indirect.gather [hbm4b:s4+s14], $0x80, s21, s14, $0xb8;
	[tilespmem:$0x1F220] =	vst v63  }
0x5a: {  	_ =	swait.ge [sflag:s24], $0x1400  }
0x5b: {  	[sflag:s24] =	ssyncset.done $0x0  }
0x5c: {  	s21 =	sadd.s32 $0x2738, s19;
	[sflag:s24] =	ssyncadd.s32 $0xFFFFEC00  }
0x5d: {  	[spmem:s2] =	stream.indirect.scatter.add.f32 [tilespmem:s16], [sflag:$0x6], $0x80, s21, s14, $0xb8;
	[tilespmem:$0x1F220] =	vst v63  }
0x5e: {  	_ =	swait.ge [sflag:s10], $0x1400  }
0x5f: {  	[sflag:s10] =	ssyncset.done $0x0  }
0x60: {  	s21 =	sadd.s32 $0xF0, s19;
	[sflag:s10] =	ssyncadd.s32 $0xFFFFEC00  }
0x61: {  	[tilespmem:s16], [sflag:$0x2] =	stream.indirect.gather [hbm4b:s4+s14], $0x80, s21, s14, $0xb8;
	[tilespmem:$0x1F220] =	vst v63  }
0x62: {  	_ =	swait.ge [sflag:s25], $0x1400  }
0x63: {  	[sflag:s25] =	ssyncset.done $0x0  }
0x64: {  	s21 =	sadd.s32 $0x2760, s19;
	[sflag:s25] =	ssyncadd.s32 $0xFFFFEC00  }
0x65: {  	[spmem:s2] =	stream.indirect.scatter.add.f32 [tilespmem:s18], [sflag:$0x6], $0x80, s21, s14, $0xb8;
	[tilespmem:$0x1F220] =	vst v63  }
0x66: {  	_ =	swait.ge [sflag:s10], $0x1400  }
0x67: {  	[sflag:s10] =	ssyncset.done $0x0  }
0x68: {  	s21 =	sadd.s32 $0x118, s19;
	[sflag:s10] =	ssyncadd.s32 $0xFFFFEC00  }
0x69: {  	[tilespmem:s18], [sflag:$0x3] =	stream.indirect.gather [hbm4b:s4+s14], $0x80, s21, s14, $0xb8;
	[tilespmem:$0x1F220] =	vst v63  }
0x6a: {  	_ =	swait.ge [sflag:s26], $0x1400  }
0x6b: {  	[sflag:s26] =	ssyncset.done $0x0  }
0x6c: {  	s21 =	sadd.s32 $0x2788, s19;
	[sflag:s26] =	ssyncadd.s32 $0xFFFFEC00  }
0x6d: {  	[spmem:s2] =	stream.indirect.scatter.add.f32 [tilespmem:s20], [sflag:$0x6], $0x80, s21, s14, $0xb8;
	[tilespmem:$0x1F220] =	vst v63  }
0x6e: {  	_ =	swait.ge [sflag:s10], $0x1400  }
0x6f: {  	[sflag:s10] =	ssyncset.done $0x0  }
0x70: {  	s21 =	sadd.s32 $0x140, s19;
	[sflag:s10] =	ssyncadd.s32 $0xFFFFEC00  }
0x71: {  	[tilespmem:s20], [sflag:$0x4] =	stream.indirect.gather [hbm4b:s4+s14], $0x80, s21, s14, $0xb8;
	[tilespmem:$0x1F220] =	vst v63  }
0x72: {  	_ =	swait.ge [sflag:s28], $0x1400  }
0x73: {  	[sflag:s28] =	ssyncset.done $0x0  }
.Ltmp0:
0x74: {  	s21 =	sadd.s32 $0x27B0, s19;
	[sflag:s28] =	ssyncadd.s32 $0xFFFFEC00;
	(pc) =	sbr.rel @p0 .LBB2_2-.Ltmp0, $4  }
0x75: {  	[spmem:s2] =	stream.indirect.scatter.add.f32 [tilespmem:s22], [sflag:$0x6], $0x80, s21, s14, $0xb8;
	[tilespmem:$0x1F220] =	vst v63  }
0x76: {  	_ =	swait.ge [sflag:s10], $0x1400  }
0x77: {  	[sflag:s10] =	ssyncset.done $0x0  }
0x78: {  	s19 =	sadd.s32 $0x168, s19;
	[sflag:s10] =	ssyncadd.s32 $0xFFFFEC00  }
0x79: {  	[tilespmem:s22], [sflag:$0x5] =	stream.indirect.gather [hbm4b:s4+s14], $0x80, s19, s14, $0xb8;
	[tilespmem:$0x1F220] =	vst v63  }
0x7a: {  	_ =	swait.ge [sflag:s23], $0x1400  }
0x7b: {  	[sflag:s23] =	ssyncset.done $0x0  }
0x7c: {  	[sflag:s23] =	ssyncadd.s32 $0xFFFFEC00  }
0x7d: {  	[spmem:s2] =	stream.indirect.scatter.add.f32 [tilespmem:s15], [sflag:$0x6], $0x80, s29, s14, $0xb8;
	[tilespmem:$0x1F220] =	vst v63  }
0x7e: {  	_ =	swait.ge [sflag:s10], $0x1400  }
0x7f: {  	[sflag:s10] =	ssyncset.done $0x0  }
0x80: {  	[sflag:s10] =	ssyncadd.s32 $0xFFFFEC00  }
0x81: {  	_ =	swait.ge [sflag:s24], $0x1400  }
0x82: {  	[sflag:s24] =	ssyncset.done $0x0  }
0x83: {  	[sflag:s24] =	ssyncadd.s32 $0xFFFFEC00  }
0x84: {  	[spmem:s2] =	stream.indirect.scatter.add.f32 [tilespmem:s16], [sflag:$0x6], $0x80, s30, s14, $0xb8;
	[tilespmem:$0x1F220] =	vst v63  }
0x85: {  	_ =	swait.ge [sflag:s10], $0x1400  }
0x86: {  	[sflag:s10] =	ssyncset.done $0x0  }
0x87: {  	[sflag:s10] =	ssyncadd.s32 $0xFFFFEC00  }
0x88: {  	_ =	swait.ge [sflag:s25], $0x1400  }
0x89: {  	[sflag:s25] =	ssyncset.done $0x0  }
0x8a: {  	[sflag:s25] =	ssyncadd.s32 $0xFFFFEC00  }
0x8b: {  	[spmem:s2] =	stream.indirect.scatter.add.f32 [tilespmem:s18], [sflag:$0x6], $0x80, s31, s14, $0xb8;
	[tilespmem:$0x1F220] =	vst v63  }
0x8c: {  	_ =	swait.ge [sflag:s10], $0x1400  }
0x8d: {  	[sflag:s10] =	ssyncset.done $0x0  }
0x8e: {  	[sflag:s10] =	ssyncadd.s32 $0xFFFFEC00  }
0x8f: {  	_ =	swait.ge [sflag:s26], $0x1400  }
0x90: {  	[sflag:s26] =	ssyncset.done $0x0  }
0x91: {  	[sflag:s26] =	ssyncadd.s32 $0xFFFFEC00  }
0x92: {  	[spmem:s2] =	stream.indirect.scatter.add.f32 [tilespmem:s20], [sflag:$0x6], $0x80, s0, s14, $0xb8;
	[tilespmem:$0x1F220] =	vst v63  }
0x93: {  	_ =	swait.ge [sflag:s10], $0x1400  }
0x94: {  	[sflag:s10] =	ssyncset.done $0x0  }
0x95: {  	[sflag:s10] =	ssyncadd.s32 $0xFFFFEC00  }
0x96: {  	_ =	swait.ge [sflag:s28], $0x1400  }
0x97: {  	[sflag:s28] =	ssyncset.done $0x0  }
0x98: {  	[sflag:s28] =	ssyncadd.s32 $0xFFFFEC00  }
0x99: {  	[spmem:s2] =	stream.indirect.scatter.add.f32 [tilespmem:s22], [sflag:$0x6], $0x80, s1, s14, $0xb8;
	[tilespmem:$0x1F220] =	vst v63  }
0x9a: {  	_ =	swait.ge [sflag:s10], $0x1400  }
0x9b: {  	s11 =	sadd.s32 $0x1, s11;
	[sflag:s10] =	ssyncset.done $0x0  }
0x9c: {  	p0 =	sne.s32 s11, s9;
	[sflag:s10] =	ssyncadd.s32 $0xFFFFEC00  }
.Ltmp1:
0x9d: {  	[bflag:$0x0] =	sbarrier.arrive $0xFFFF;
	(pc) =	sbr.rel @p0 .LBB2_1-.Ltmp1, $4  }
0x9e: {  	[hbm:s8], [sflag:s12] =	dma.local [spmem:s13], $0x2800  }
0x9f: {  	_ =	swait.ge [sflag:s10], $0x2800  }
0xa0: {  	[sflag:s10] =	ssyncset.done $0x0  }
0xa1: {  	[sflag:s10] =	ssyncadd.s32 $0xFFFFD800  }
0xa2: {  	_ =	sfence.sel $0x180000  }
0xa3: {  	[bflag:$0x0] =	sbarrier.arrive $0xFFFF  }
0xa4: {  	_ =	strace $0x90000050  }
0xa5: {  	s0 =	stileid.u32;
	[bflag:$0x2] =	sbarrier.arrive $0xFFFF  }
0xa6: {  	p0 =	sne.s32 s0, $0x0;
	s0 =	rddreg [dreg:$0x2]  }
0xa7: {  	s0 =	sadd.s32 @!p0 $0x100000, s0  }
0xa8: {  	[sflag:s0] =	ssyncadd.tile.s32 @!p0 $0x1;
	_ =	shalt  }
.Lfunc_end2:
_tile_overlayer_lowered:
.L_overlay_start_2:
0xa9: {  	(tag) =	ssettag $0x2  }
0xaa: {  	s0 =	rddreg [dreg:$0x0];
	s2 =	stileid.u32  }
0xab: {  	s1 =	rddreg [dreg:$0x1];
	p0 =	sne.s32 s2, $0x0  }
0xac: {  	s3 =	rddreg [dreg:$0x2];
	[bflag:$0x3] =	sbarrier.arrive $0xFFFF;
	s2 =	simm.s32 @!p0 $0x1C06  }
0xad: {  	[timem:s3], [sflag:s2] =	dma.local @!p0 [hbm:s0], s1  }
0xae: {  	s0 =	simm.s32 @!p0 $0x6  }
0xaf: {  	_ =	swait.ge @!p0 [sflag:s0], s1  }
0xb0: {  	s1 =	ssub.s32 @!p0 $0x0, s1;
	[sflag:s0] =	ssyncset.done @!p0 $0x0  }
0xb1: {  	[sflag:s0] =	ssyncadd.s32 @!p0 s1  }
0xb2: {  	[bflag:$0x3] =	sbarrier.arrive $0xFFFF  }
0xb3: {  	_ =	shalt  }

// kernel: kernel.25.cloned.1.call-start
scs
__scs_entry_jumppad:
0x0: {  	(pc) =	sbr.rel $0x88, $3  }
0x1: {  	(tag) =	ssettag $0x0;
	lr =	simm.s32 $0x1  }
0x2: {  	[smem:$0x3F97] =	sst lr;
	_ =	strace $0xD0000000  }
0x3: {  	_ = 	snop  }
0x4: {  	_ = 	snop  }
0x5: {  	_ = 	snop  }
0x6: {  	_ = 	snop  }
0x7: {  	_ = 	snop  }
__scs_overlays_trampoline_lowered:
0x8: {  	[smem:$0x3FA6] =	sst s0  }
0x9: {  	[smem:$0x3FA7] =	sst s1  }
0xa: {  	[smem:$0x3FA8] =	sst s2  }
0xb: {  	[smem:$0x3FA9] =	sst s3  }
0xc: {  	[smem:$0x3FAA] =	sst s4  }
0xd: {  	[smem:$0x3FAB] =	sst s5  }
0xe: {  	[smem:$0x3FAC] =	sst s6  }
0xf: {  	[smem:$0x3FAD] =	sst s7  }
0x10: {  	[smem:$0x3FAE] =	sst s8  }
0x11: {  	[smem:$0x3FAF] =	sst s9;
	s0 =	simm.s32 @!p0 $0x0  }
0x12: {  	s1 =	sld [smem:$0x3F95];
	s0 =	simm.s32 @p0 $0x1  }
0x13: {  	[smem:$0x3FB0] =	sst s0;
	s0 =	simm.s32 @!p1 $0x0  }
0x14: {  	s2 =	sld [smem:$0x3F94];
	s0 =	simm.s32 @p1 $0x1  }
0x15: {  	[smem:$0x3FB1] =	sst s0;
	s0 =	simm.s32 @!p2 $0x0  }
0x16: {  	s3 =	sld [smem:$0x3FDB];
	s0 =	simm.s32 @p2 $0x1  }
0x17: {  	s4 =	simm.s32 $0x1BF5;
	[smem:$0x3FB3] =	sst s0  }
0x18: {  	s0 =	sld [smem:$0x3F96];
	_ =	swait.ge [sflag:s4], $0x0  }
0x19: {  	s7 =	sld [smem:$0x3F97]  }
0x1a: {  	s8 =	sadd.s32 $0xFFFFE003, lr  }
0x1b: {  	s9 =	sadd.s32 $0xFFFFFEF7, lr;
	s5 =	simm.s32 $0xFFFFFFFF;
	p2 =	slt.u32 s8, $0xFFFFF086  }
0x1c: {  	p1 =	slt.u32 s9, $0xF7A;
	s5 =	simm.s32 @!p2 $0x0  }
0x1d: {  	s5 =	simm.s32 @p1 $0x1;
	p0 =	seq.s32 s7, s2  }
0x1e: {  	s7 =	smul.u32 @!p0 $0xF7A, s2;
	p2 =	seq.s32 @!p0 s5, $0x0  }
0x1f: {  	s9 =	smul.u32 $0xF7A, s1;
	s8 =	simm.s32 @!p0 $0x1BF5;
	p2 =	por !p2, p0  }
0x20: {  	[sflag:s8] =	ssyncset.s32 @!p0 $0xFFFFF086;
	s6 =	sadd.s32 @!p0 s3, s7;
	s7 =	simm.s32 @!p0 $0x108  }
0x21: {  	s3 =	sadd.s32 s3, s9;
	s6 =	sadd.s32 @!p0 $0x88, s6;
	s7 =	simm.s32 @p2 $0x1082  }
0x22: {  	[simem:s7], [sflag:s8] =	dma.local @!p0 [hbm:s6], $0xF7A  }
0x23: {  	s9 =	sor.u32 $0xD0000000, s2;
	s6 =	simm.s32 $0x108;
	_ =	swait.ge @!p0 [sflag:s8], $0x0  }
0x24: {  	s3 =	sadd.s32 $0x88, s3;
	s6 =	simm.s32 @!p1 $0x1082;
	[sflag:s4] =	ssyncset.s32 $0xFFFFF086  }
0x25: {  	[simem:s6], [sflag:s4] =	dma.local [hbm:s3], $0xF7A  }
0x26: {  	[smem:$0x3F97] =	sst s1;
	(tag) =	ssettag s2;
	_ =	strace s9  }
0x27: {  	s1 =	sld [smem:$0x3FA7]  }
0x28: {  	s2 =	sld [smem:$0x3FA8]  }
0x29: {  	s4 =	sld [smem:$0x3FAA]  }
0x2a: {  	p0 =	seq.s32 s5, $0x0;
	s5 =	sld [smem:$0x3FAB]  }
0x2b: {  	s6 =	sld [smem:$0x3FAC]  }
0x2c: {  	s7 =	sld [smem:$0x3FAD]  }
0x2d: {  	s3 =	simm.s32 $0x108;
	s8 =	sld [smem:$0x3FAE]  }
0x2e: {  	s3 =	simm.s32 @!p0 $0x1082;
	s9 =	sld [smem:$0x3FAF]  }
0x2f: {  	lr =	sadd.s32 s0, s3;
	s0 =	sld [smem:$0x3FA6]  }
0x30: {  	s3 =	sld [smem:$0x3FA9]  }
0x31: {  	[smem:$0x3FB2] =	sst s10  }
0x32: {  	s10 =	sld [smem:$0x3FB0];
	_ =	sdelay $0x3  }
0x33: {  	p0 =	seq.s32 s10, $0x1;
	s10 =	sld [smem:$0x3FB2];
	_ =	sdelay $0x3  }
0x34: {  	[smem:$0x3FB2] =	sst s10  }
0x35: {  	s10 =	sld [smem:$0x3FB1];
	_ =	sdelay $0x3  }
0x36: {  	p1 =	seq.s32 s10, $0x1;
	s10 =	sld [smem:$0x3FB2];
	_ =	sdelay $0x3  }
0x37: {  	[smem:$0x3FB2] =	sst s10  }
0x38: {  	s10 =	sld [smem:$0x3FB3]  }
0x39: {  	_ = 	snop;
	(pc) =	sbr.ind lr, $3  }
0x3a: {  	_ = 	snop  }
0x3b: {  	_ = 	snop  }
0x3c: {  	p2 =	seq.s32 s10, $0x1;
	s10 =	sld [smem:$0x3FB2]  }
0x3d: {  	_ =	shalt  }
0x3e: {  	_ =	shalt  }
0x3f: {  	_ =	shalt  }
0x40: {  	_ =	shalt  }
0x41: {  	_ =	shalt  }
0x42: {  	_ =	shalt  }
0x43: {  	_ =	shalt  }
0x44: {  	_ =	shalt  }
0x45: {  	_ =	shalt  }
0x46: {  	_ =	shalt  }
0x47: {  	_ =	shalt  }
0x48: {  	_ =	shalt  }
0x49: {  	_ =	shalt  }
0x4a: {  	_ =	shalt  }
0x4b: {  	_ =	shalt  }
0x4c: {  	_ =	shalt  }
0x4d: {  	_ =	shalt  }
0x4e: {  	_ =	shalt  }
0x4f: {  	_ =	shalt  }
0x50: {  	_ =	shalt  }
0x51: {  	_ =	shalt  }
0x52: {  	_ =	shalt  }
0x53: {  	_ =	shalt  }
0x54: {  	_ =	shalt  }
0x55: {  	_ =	shalt  }
0x56: {  	_ =	shalt  }
0x57: {  	_ =	shalt  }
0x58: {  	_ =	shalt  }
0x59: {  	_ =	shalt  }
0x5a: {  	_ =	shalt  }
0x5b: {  	_ =	shalt  }
0x5c: {  	_ =	shalt  }
0x5d: {  	_ =	shalt  }
0x5e: {  	_ =	shalt  }
0x5f: {  	_ =	shalt  }
0x60: {  	_ =	shalt  }
0x61: {  	_ =	shalt  }
0x62: {  	_ =	shalt  }
0x63: {  	_ =	shalt  }
0x64: {  	_ =	shalt  }
0x65: {  	_ =	shalt  }
0x66: {  	_ =	shalt  }
0x67: {  	_ =	shalt  }
0x68: {  	_ =	shalt  }
0x69: {  	_ =	shalt  }
0x6a: {  	_ =	shalt  }
0x6b: {  	_ =	shalt  }
0x6c: {  	_ =	shalt  }
0x6d: {  	_ =	shalt  }
0x6e: {  	_ =	shalt  }
0x6f: {  	_ =	shalt  }
0x70: {  	_ =	shalt  }
0x71: {  	_ =	shalt  }
0x72: {  	_ =	shalt  }
0x73: {  	_ =	shalt  }
0x74: {  	_ =	shalt  }
0x75: {  	_ =	shalt  }
0x76: {  	_ =	shalt  }
0x77: {  	_ =	shalt  }
0x78: {  	_ =	shalt  }
0x79: {  	_ =	shalt  }
0x7a: {  	_ =	shalt  }
0x7b: {  	_ =	shalt  }
0x7c: {  	_ =	shalt  }
0x7d: {  	_ =	shalt  }
0x7e: {  	_ =	shalt  }
0x7f: {  	_ =	shalt  }
0x80: {  	_ =	shalt  }
0x81: {  	_ =	shalt  }
0x82: {  	_ =	shalt  }
0x83: {  	_ =	shalt  }
0x84: {  	_ =	shalt  }
0x85: {  	_ =	shalt  }
0x86: {  	_ =	shalt  }
0x87: {  	_ =	shalt  }
.Lfunc_end0:
.L_simem_size_0:
called_computation.4_lowered:
.L_overlay_start_0:
0x88: {  	s2 =	sld [smem:$0x3FD9]  }
0x89: {  	s3 =	sld [smem:$0x3FFE];
	_ =	sdelay $0x1  }
0x8a: {  	s1 =	srdreg.scid  }
0x8b: {  	s0 =	sand.u32 $0x1, s1  }
0x8c: {  	s16 =	sshll.u32 s0, $0xA;
	s2 =	sadd.s32 s3, s2  }
0x8d: {  	s2 =	sadd.s32 s2, s16  }
0x8e: {  	[smem:$0x3FBE] =	sst s2  }
0x8f: {  	_ = 	snop  }
0x90: {  	(tm) =	ssettm $0x1  }
0x91: {  	s17 =	sld [smem:$0x3FFB];
	_ =	sdelay $0x3  }
0x92: {  	_ =	strace s17  }
0x93: {  	s2 =	sld [smem:$0x3FFC];
	_ =	sdelay $0x3  }
0x94: {  	_ =	strace s2  }
0x95: {  	s2 =	sld [smem:$0x3FFD];
	_ =	sdelay $0x3  }
0x96: {  	_ =	strace s2  }
0x97: {  	_ =	strace $0x8FFFFFFF  }
0x98: {  	s18 =	sld [smem:$0x3FDB];
	_ =	sdelay $0x1  }
0x99: {  	s19 =	simm.s32 $_scs_section_size  }
0x9a: {  	s4 =	simm.s32 $_size__tile_overlayer_lowered;
	s5 =	simm.s32 $_tile_overlayer_lowered  }
0x9b: {  	s22 =	simm.s32 $0x1BFF;
	s21 =	sshll.u32 s5, $0x1;
	s2 =	sadd.s32 s19, s18  }
0x9c: {  	s6 =	simm.s32 $0x0;
	s20 =	sshll.u32 s4, $0x1;
	s4 =	sadd.s32 s21, s2  }
0x9d: {  	[timem:s6], [sflag:s22] =	dma.local [hbm:s4], s20  }
0x9e: {  	_ =	swait.ge [sflag:s22], s20  }
0x9f: {  	s3 =	ssub.s32 $0x0, s20;
	[sflag:s22] =	ssyncset.done $0x0  }
0xa0: {  	[sflag:s22] =	ssyncadd.s32 s3;
	_ =	sdelay $0x1  }
0xa1: {  	s23 =	simm.s32 $0x1B8B  }
0xa2: {  	_ =	swait.ge [sflag:s23], $0x1  }
0xa3: {  	[sflag:s23] =	ssyncset.done $0x0  }
0xa4: {  	s25 =	simm.s32 $0x1B8E;
	s24 =	sld [smem:$0x3FFE];
	[sflag:s23] =	ssyncadd.s32 $0xFFFFFFFF  }
0xa5: {  	s26 =	simm.s32 $execute0_lowered;
	[smem:$0x3FD2] =	sst s25  }
0xa6: {  	s4 =	sshll.u32 s26, $0x1;
	_ =	strace $0x80000052;
	[dreg:$0x1] =	wrdreg $0xFFFFFFFF  }
0xa7: {  	s28 =	simm.s32 $_size_execute0_lowered;
	s2 =	sadd.s32 s2, s4;
	[dreg:$0x0] =	wrdreg $0x0  }
0xa8: {  	s4 =	sshll.u32 s28, $0x1;
	[dreg:$0x2] =	wrdreg s2  }
0xa9: {  	[dreg:$0x3] =	wrdreg s4  }
0xaa: {  	[dreg:$0x4] =	wrdreg $0xC0  }
0xab: {  	_ =	task [dreg:s6], $0x5FFFF  }
0xac: {  	[dreg:$0x1] =	wrdreg $0xFFFFFFFF  }
0xad: {  	[dreg:$0x0] =	wrdreg $0x60  }
0xae: {  	[dreg:$0x2] =	wrdreg s24  }
0xaf: {  	[dreg:$0x3] =	wrdreg $0xB2200  }
0xb0: {  	[dreg:$0x4] =	wrdreg $0x9  }
0xb1: {  	_ =	task.clear_ibuf [dreg:s6], $0x5FFFF;
	_ =	strace $0x90000052  }
0xb2: {  	s29 =	simm.s32 $0x9;
	_ =	strace $0x80000054  }
0xb3: {  	_ =	swait.ge [sflag:s29], $0x1  }
0xb4: {  	[sflag:s29] =	ssyncadd.s32 $0xFFFFFFFF  }
0xb5: {  	_ =	strace $0x90000054  }
0xb6: {  	_ =	sfence  }
0xb7: {  	s30 =	sld [smem:$0x0];
	_ =	sdelay $0x2  }
0xb8: {  	s31 =	sshll.u32 s1, $0xD;
	s1 =	sshrl.u32 s1, $0x2  }
0xb9: {  	s3 =	sand.u32 $0x4000, s31;
	s1 =	sadd.s32 s1, s30  }
0xba: {  	s0 =	sor.u32 s3, s0;
	s1 =	sshll.u32 s1, $0x11  }
0xbb: {  	s0 =	sor.u32 s1, s0  }
0xbc: {  	s0 =	sadd.s32 $0x8F2B, s0  }
0xbd: {  	[sflag:s0] =	ssyncadd.remote.s32 $0x1  }
0xbe: {  	_ =	sfence.sel $0xFFFF  }
0xbf: {  	[dreg:$0x0] =	wrdreg $0xFFFFFFFF;
	(pc) =	sbr.abs _section_cstart, $3  }
0xc0: {  	[dreg:$0x1] =	wrdreg $0xFFFFFFFF  }
0xc1: {  	_ =	task.clear_ibuf [dreg:s6], $0x2FFFF;
	_ =	strace $0x9FFFFFFF  }
0xc2: {  	(tm) =	ssettm $0x7FFFFFFF  }
0xc3: {  	_ =	shalt  }
tec
execute0_lowered:
.L_overlay_start_1:
0x0: {  	(tag) =	ssettag $0x1  }
0x1: {  	s0 =	rddreg [dreg:$0x0]  }
0x2: {  	s2 =	rddreg [dreg:$0x1]  }
0x3: {  	s1 =	srdreg.scid;
	s10 =	stileid.u32  }
0x4: {  	s3 =	simm.s32 $0x0;
	s14 =	simm.s32 $0x28;
	s15 =	simm.s32 $0x4E20  }
0x5: {  	s16 =	simm.s32 $0x6220;
	s18 =	simm.s32 $0x7620;
	s20 =	simm.s32 $0x8A20  }
0x6: {  	s22 =	simm.s32 $0x9E20;
	s23 =	simm.s32 $0x1;
	s24 =	simm.s32 $0x2  }
0x7: {  	s28 =	simm.s32 $0x5;
	s29 =	simm.s32 $0x4D58;
	s30 =	simm.s32 $0x4D80  }
0x8: {  	s31 =	simm.s32 $0x4DA8;
	s1 =	sand.u32 $0x1, s1;
	s7 =	smul.u32 $0x14000, s10  }
0x9: {  	[smem:$0x7FF] =	sst s3;
	s26 =	sshll.u32 s10, $0x6;
	s4 =	sshll.u32 s1, $0x4  }
0xa: {  	s5 =	smul.u32 $0x140000, s1;
	_ =	strace $0x80000053;
	s1 =	ssub.s32 $0x2, s1  }
0xb: {  	s12 =	sor.u32 $0x1C06, s26;
	s26 =	simm.s32 $0x4;
	s4 =	sor.u32 s10, s4  }
0xc: {  	s25 =	sshrl.u32 s1, $0x1;
	s8 =	sshrl.u32 s7, $0x3;
	s11 =	sadd.s32 s7, s2  }
0xd: {  	s10 =	simm.s32 $0x6;
	s6 =	smul.u32 $0x4E2, s4;
	s5 =	sadd.s32 s7, s5  }
0xe: {  	s4 =	sadd.s32 $0x17200, s0;
	s1 =	ssub.s32 s1, s25;
	s13 =	sshrl.u32 s11, $0x3  }
0xf: {  	s25 =	simm.s32 $0x3;
	s11 =	simm.s32 $0x0;
	s5 =	sshrl.u32 s5, $0x3  }
0x10: {  	s7 =	sadd.s32 s4, s8;
	s9 =	smax.u32 s1, $0x1;
	s6 =	sadd.s32 s6, s0  }
0x11: {  	s1 =	simm.s32 $0x4DF8;
	s0 =	sadd.s32 s5, s0;
	s5 =	sadd.s32 $0x3600, s6  }
0x12: {  	s6 =	sadd.s32 $0xD400, s6;
	s8 =	sadd.s32 $0x3F200, s0;
	s0 =	simm.s32 $0x4DD0  }
.LBB2_1:
0x13: {  	[tilespmem:s3], [sflag:$0x6] =	stream.linear.gather [hbm4b:s5+s3], $0x2710, $0x38;
	[tilespmem:$0x1F220] =	vst v63  }
0x14: {  	_ =	swait.ge [sflag:s10], $0x2710  }
0x15: {  	[sflag:s10] =	ssyncset.done $0x0  }
0x16: {  	s17 =	simm.s32 $0x2710;
	[sflag:s10] =	ssyncadd.s32 $0xFFFFD8F0  }
0x17: {  	[tilespmem:s17], [sflag:$0x6] =	stream.linear.gather [hbm4b:s6+s3], $0x2710, $0x38;
	[tilespmem:$0x1F220] =	vst v63  }
0x18: {  	_ =	swait.ge [sflag:s10], $0x2710  }
0x19: {  	[sflag:s10] =	ssyncset.done $0x0  }
0x1a: {  	[sflag:s10] =	ssyncadd.s32 $0xFFFFD8F0  }
0x1b: {  	[spmem:s13], [sflag:s12] =	dma.local [hbm:s7], $0x2800  }
0x1c: {  	_ =	swait.ge [sflag:s10], $0x2800  }
0x1d: {  	[sflag:s10] =	ssyncset.done $0x0  }
0x1e: {  	[sflag:s10] =	ssyncadd.s32 $0xFFFFD800  }
0x1f: {  	[bflag:$0x0] =	sbarrier.arrive $0xFFFF  }
0x20: {  	[tilespmem:s15], [sflag:$0x1] =	stream.indirect.gather [hbm4b:s4+s14], $0x80, s3, s14, $0xb8;
	[tilespmem:$0x1F220] =	vst v63  }
0x21: {  	_ = 	snop  }
0x22: {  	[tilespmem:s16], [sflag:$0x2] =	stream.indirect.gather [hbm4b:s4+s14], $0x80, s14, s14, $0xb8;
	[tilespmem:$0x1F220] =	vst v63  }
0x23: {  	s19 =	simm.s32 $0x50  }
0x24: {  	[tilespmem:s18], [sflag:$0x3] =	stream.indirect.gather [hbm4b:s4+s14], $0x80, s19, s14, $0xb8;
	[tilespmem:$0x1F220] =	vst v63  }
0x25: {  	s21 =	simm.s32 $0x78  }
0x26: {  	[tilespmem:s20], [sflag:$0x4] =	stream.indirect.gather [hbm4b:s4+s14], $0x80, s21, s14, $0xb8;
	[tilespmem:$0x1F220] =	vst v63  }
0x27: {  	s19 =	simm.s32 $0xA0  }
0x28: {  	[tilespmem:s22], [sflag:$0x5] =	stream.indirect.gather [hbm4b:s4+s14], $0x80, s19, s14, $0xb8;
	[tilespmem:$0x1F220] =	vst v63  }
0x29: {  	_ =	swait.ge [sflag:s23], $0x1400  }
0x2a: {  	[sflag:s23] =	ssyncset.done $0x0  }
0x2b: {  	s21 =	simm.s32 $0x2710;
	[sflag:s23] =	ssyncadd.s32 $0xFFFFEC00  }
0x2c: {  	[spmem:s2] =	stream.indirect.scatter.add.f32 [tilespmem:s15], [sflag:$0x6], $0x80, s21, s14, $0xb8;
	[tilespmem:$0x1F220] =	vst v63  }
0x2d: {  	_ =	swait.ge [sflag:s10], $0x1400  }
0x2e: {  	[sflag:s10] =	ssyncset.done $0x0  }
0x2f: {  	s19 =	simm.s32 $0xC8;
	[sflag:s10] =	ssyncadd.s32 $0xFFFFEC00  }
0x30: {  	[tilespmem:s15], [sflag:$0x1] =	stream.indirect.gather [hbm4b:s4+s14], $0x80, s19, s14, $0xb8;
	[tilespmem:$0x1F220] =	vst v63  }
0x31: {  	_ =	swait.ge [sflag:s24], $0x1400  }
0x32: {  	[sflag:s24] =	ssyncset.done $0x0  }
0x33: {  	s21 =	simm.s32 $0x2738;
	[sflag:s24] =	ssyncadd.s32 $0xFFFFEC00  }
0x34: {  	[spmem:s2] =	stream.indirect.scatter.add.f32 [tilespmem:s16], [sflag:$0x6], $0x80, s21, s14, $0xb8;
	[tilespmem:$0x1F220] =	vst v63  }
0x35: {  	_ =	swait.ge [sflag:s10], $0x1400  }
0x36: {  	[sflag:s10] =	ssyncset.done $0x0  }
0x37: {  	s19 =	simm.s32 $0xF0;
	[sflag:s10] =	ssyncadd.s32 $0xFFFFEC00  }
0x38: {  	[tilespmem:s16], [sflag:$0x2] =	stream.indirect.gather [hbm4b:s4+s14], $0x80, s19, s14, $0xb8;
	[tilespmem:$0x1F220] =	vst v63  }
0x39: {  	_ =	swait.ge [sflag:s25], $0x1400  }
0x3a: {  	[sflag:s25] =	ssyncset.done $0x0  }
0x3b: {  	s21 =	simm.s32 $0x2760;
	[sflag:s25] =	ssyncadd.s32 $0xFFFFEC00  }
0x3c: {  	[spmem:s2] =	stream.indirect.scatter.add.f32 [tilespmem:s18], [sflag:$0x6], $0x80, s21, s14, $0xb8;
	[tilespmem:$0x1F220] =	vst v63  }
0x3d: {  	_ =	swait.ge [sflag:s10], $0x1400  }
0x3e: {  	[sflag:s10] =	ssyncset.done $0x0  }
0x3f: {  	s19 =	simm.s32 $0x118;
	[sflag:s10] =	ssyncadd.s32 $0xFFFFEC00  }
0x40: {  	[tilespmem:s18], [sflag:$0x3] =	stream.indirect.gather [hbm4b:s4+s14], $0x80, s19, s14, $0xb8;
	[tilespmem:$0x1F220] =	vst v63  }
0x41: {  	_ =	swait.ge [sflag:s26], $0x1400  }
0x42: {  	[sflag:s26] =	ssyncset.done $0x0  }
0x43: {  	s21 =	simm.s32 $0x2788;
	[sflag:s26] =	ssyncadd.s32 $0xFFFFEC00  }
0x44: {  	[spmem:s2] =	stream.indirect.scatter.add.f32 [tilespmem:s20], [sflag:$0x6], $0x80, s21, s14, $0xb8;
	[tilespmem:$0x1F220] =	vst v63  }
0x45: {  	_ =	swait.ge [sflag:s10], $0x1400  }
0x46: {  	[sflag:s10] =	ssyncset.done $0x0  }
0x47: {  	s19 =	simm.s32 $0x140;
	[sflag:s10] =	ssyncadd.s32 $0xFFFFEC00  }
0x48: {  	[tilespmem:s20], [sflag:$0x4] =	stream.indirect.gather [hbm4b:s4+s14], $0x80, s19, s14, $0xb8;
	[tilespmem:$0x1F220] =	vst v63  }
0x49: {  	_ =	swait.ge [sflag:s28], $0x1400  }
0x4a: {  	[sflag:s28] =	ssyncset.done $0x0  }
0x4b: {  	s21 =	simm.s32 $0x27B0;
	[sflag:s28] =	ssyncadd.s32 $0xFFFFEC00  }
0x4c: {  	[spmem:s2] =	stream.indirect.scatter.add.f32 [tilespmem:s22], [sflag:$0x6], $0x80, s21, s14, $0xb8;
	[tilespmem:$0x1F220] =	vst v63  }
0x4d: {  	_ =	swait.ge [sflag:s10], $0x1400  }
0x4e: {  	[sflag:s10] =	ssyncset.done $0x0  }
0x4f: {  	s17 =	simm.s32 $0x320;
	s19 =	simm.s32 $0x168;
	[sflag:s10] =	ssyncadd.s32 $0xFFFFEC00  }
.LBB2_2:
0x50: {  	[tilespmem:s22], [sflag:$0x5] =	stream.indirect.gather [hbm4b:s4+s14], $0x80, s19, s14, $0xb8;
	[tilespmem:$0x1F220] =	vst v63  }
0x51: {  	s19 =	smov.u32 s17  }
0x52: {  	p0 =	sne.s32 s17, $0x9600;
	s17 =	sadd.s32 $0x320, s17;
	_ =	swait.ge [sflag:s23], $0x1400  }
0x53: {  	s19 =	sshra.s32 s19, $0x2;
	[sflag:s23] =	ssyncset.done $0x0  }
0x54: {  	s21 =	sadd.s32 $0x2710, s19;
	[sflag:s23] =	ssyncadd.s32 $0xFFFFEC00  }
0x55: {  	[spmem:s2] =	stream.indirect.scatter.add.f32 [tilespmem:s15], [sflag:$0x6], $0x80, s21, s14, $0xb8;
	[tilespmem:$0x1F220] =	vst v63  }
0x56: {  	_ =	swait.ge [sflag:s10], $0x1400  }
0x57: {  	[sflag:s10] =	ssyncset.done $0x0  }
0x58: {  	s21 =	sadd.s32 $0xC8, s19;
	[sflag:s10] =	ssyncadd.s32 $0xFFFFEC00  }
0x59: {  	[tilespmem:s15], [sflag:$0x1] =	stream.indirect.gather [hbm4b:s4+s14], $0x80, s21, s14, $0xb8;
	[tilespmem:$0x1F220] =	vst v63  }
0x5a: {  	_ =	swait.ge [sflag:s24], $0x1400  }
0x5b: {  	[sflag:s24] =	ssyncset.done $0x0  }
0x5c: {  	s21 =	sadd.s32 $0x2738, s19;
	[sflag:s24] =	ssyncadd.s32 $0xFFFFEC00  }
0x5d: {  	[spmem:s2] =	stream.indirect.scatter.add.f32 [tilespmem:s16], [sflag:$0x6], $0x80, s21, s14, $0xb8;
	[tilespmem:$0x1F220] =	vst v63  }
0x5e: {  	_ =	swait.ge [sflag:s10], $0x1400  }
0x5f: {  	[sflag:s10] =	ssyncset.done $0x0  }
0x60: {  	s21 =	sadd.s32 $0xF0, s19;
	[sflag:s10] =	ssyncadd.s32 $0xFFFFEC00  }
0x61: {  	[tilespmem:s16], [sflag:$0x2] =	stream.indirect.gather [hbm4b:s4+s14], $0x80, s21, s14, $0xb8;
	[tilespmem:$0x1F220] =	vst v63  }
0x62: {  	_ =	swait.ge [sflag:s25], $0x1400  }
0x63: {  	[sflag:s25] =	ssyncset.done $0x0  }
0x64: {  	s21 =	sadd.s32 $0x2760, s19;
	[sflag:s25] =	ssyncadd.s32 $0xFFFFEC00  }
0x65: {  	[spmem:s2] =	stream.indirect.scatter.add.f32 [tilespmem:s18], [sflag:$0x6], $0x80, s21, s14, $0xb8;
	[tilespmem:$0x1F220] =	vst v63  }
0x66: {  	_ =	swait.ge [sflag:s10], $0x1400  }
0x67: {  	[sflag:s10] =	ssyncset.done $0x0  }
0x68: {  	s21 =	sadd.s32 $0x118, s19;
	[sflag:s10] =	ssyncadd.s32 $0xFFFFEC00  }
0x69: {  	[tilespmem:s18], [sflag:$0x3] =	stream.indirect.gather [hbm4b:s4+s14], $0x80, s21, s14, $0xb8;
	[tilespmem:$0x1F220] =	vst v63  }
0x6a: {  	_ =	swait.ge [sflag:s26], $0x1400  }
0x6b: {  	[sflag:s26] =	ssyncset.done $0x0  }
0x6c: {  	s21 =	sadd.s32 $0x2788, s19;
	[sflag:s26] =	ssyncadd.s32 $0xFFFFEC00  }
0x6d: {  	[spmem:s2] =	stream.indirect.scatter.add.f32 [tilespmem:s20], [sflag:$0x6], $0x80, s21, s14, $0xb8;
	[tilespmem:$0x1F220] =	vst v63  }
0x6e: {  	_ =	swait.ge [sflag:s10], $0x1400  }
0x6f: {  	[sflag:s10] =	ssyncset.done $0x0  }
0x70: {  	s21 =	sadd.s32 $0x140, s19;
	[sflag:s10] =	ssyncadd.s32 $0xFFFFEC00  }
0x71: {  	[tilespmem:s20], [sflag:$0x4] =	stream.indirect.gather [hbm4b:s4+s14], $0x80, s21, s14, $0xb8;
	[tilespmem:$0x1F220] =	vst v63  }
0x72: {  	_ =	swait.ge [sflag:s28], $0x1400  }
0x73: {  	[sflag:s28] =	ssyncset.done $0x0  }
.Ltmp0:
0x74: {  	s21 =	sadd.s32 $0x27B0, s19;
	[sflag:s28] =	ssyncadd.s32 $0xFFFFEC00;
	(pc) =	sbr.rel @p0 .LBB2_2-.Ltmp0, $4  }
0x75: {  	[spmem:s2] =	stream.indirect.scatter.add.f32 [tilespmem:s22], [sflag:$0x6], $0x80, s21, s14, $0xb8;
	[tilespmem:$0x1F220] =	vst v63  }
0x76: {  	_ =	swait.ge [sflag:s10], $0x1400  }
0x77: {  	[sflag:s10] =	ssyncset.done $0x0  }
0x78: {  	s19 =	sadd.s32 $0x168, s19;
	[sflag:s10] =	ssyncadd.s32 $0xFFFFEC00  }
0x79: {  	[tilespmem:s22], [sflag:$0x5] =	stream.indirect.gather [hbm4b:s4+s14], $0x80, s19, s14, $0xb8;
	[tilespmem:$0x1F220] =	vst v63  }
0x7a: {  	_ =	swait.ge [sflag:s23], $0x1400  }
0x7b: {  	[sflag:s23] =	ssyncset.done $0x0  }
0x7c: {  	[sflag:s23] =	ssyncadd.s32 $0xFFFFEC00  }
0x7d: {  	[spmem:s2] =	stream.indirect.scatter.add.f32 [tilespmem:s15], [sflag:$0x6], $0x80, s29, s14, $0xb8;
	[tilespmem:$0x1F220] =	vst v63  }
0x7e: {  	_ =	swait.ge [sflag:s10], $0x1400  }
0x7f: {  	[sflag:s10] =	ssyncset.done $0x0  }
0x80: {  	[sflag:s10] =	ssyncadd.s32 $0xFFFFEC00  }
0x81: {  	_ =	swait.ge [sflag:s24], $0x1400  }
0x82: {  	[sflag:s24] =	ssyncset.done $0x0  }
0x83: {  	[sflag:s24] =	ssyncadd.s32 $0xFFFFEC00  }
0x84: {  	[spmem:s2] =	stream.indirect.scatter.add.f32 [tilespmem:s16], [sflag:$0x6], $0x80, s30, s14, $0xb8;
	[tilespmem:$0x1F220] =	vst v63  }
0x85: {  	_ =	swait.ge [sflag:s10], $0x1400  }
0x86: {  	[sflag:s10] =	ssyncset.done $0x0  }
0x87: {  	[sflag:s10] =	ssyncadd.s32 $0xFFFFEC00  }
0x88: {  	_ =	swait.ge [sflag:s25], $0x1400  }
0x89: {  	[sflag:s25] =	ssyncset.done $0x0  }
0x8a: {  	[sflag:s25] =	ssyncadd.s32 $0xFFFFEC00  }
0x8b: {  	[spmem:s2] =	stream.indirect.scatter.add.f32 [tilespmem:s18], [sflag:$0x6], $0x80, s31, s14, $0xb8;
	[tilespmem:$0x1F220] =	vst v63  }
0x8c: {  	_ =	swait.ge [sflag:s10], $0x1400  }
0x8d: {  	[sflag:s10] =	ssyncset.done $0x0  }
0x8e: {  	[sflag:s10] =	ssyncadd.s32 $0xFFFFEC00  }
0x8f: {  	_ =	swait.ge [sflag:s26], $0x1400  }
0x90: {  	[sflag:s26] =	ssyncset.done $0x0  }
0x91: {  	[sflag:s26] =	ssyncadd.s32 $0xFFFFEC00  }
0x92: {  	[spmem:s2] =	stream.indirect.scatter.add.f32 [tilespmem:s20], [sflag:$0x6], $0x80, s0, s14, $0xb8;
	[tilespmem:$0x1F220] =	vst v63  }
0x93: {  	_ =	swait.ge [sflag:s10], $0x1400  }
0x94: {  	[sflag:s10] =	ssyncset.done $0x0  }
0x95: {  	[sflag:s10] =	ssyncadd.s32 $0xFFFFEC00  }
0x96: {  	_ =	swait.ge [sflag:s28], $0x1400  }
0x97: {  	[sflag:s28] =	ssyncset.done $0x0  }
0x98: {  	[sflag:s28] =	ssyncadd.s32 $0xFFFFEC00  }
0x99: {  	[spmem:s2] =	stream.indirect.scatter.add.f32 [tilespmem:s22], [sflag:$0x6], $0x80, s1, s14, $0xb8;
	[tilespmem:$0x1F220] =	vst v63  }
0x9a: {  	_ =	swait.ge [sflag:s10], $0x1400  }
0x9b: {  	s11 =	sadd.s32 $0x1, s11;
	[sflag:s10] =	ssyncset.done $0x0  }
0x9c: {  	p0 =	sne.s32 s11, s9;
	[sflag:s10] =	ssyncadd.s32 $0xFFFFEC00  }
.Ltmp1:
0x9d: {  	[bflag:$0x0] =	sbarrier.arrive $0xFFFF;
	(pc) =	sbr.rel @p0 .LBB2_1-.Ltmp1, $4  }
0x9e: {  	[hbm:s8], [sflag:s12] =	dma.local [spmem:s13], $0x2800  }
0x9f: {  	_ =	swait.ge [sflag:s10], $0x2800  }
0xa0: {  	[sflag:s10] =	ssyncset.done $0x0  }
0xa1: {  	[sflag:s10] =	ssyncadd.s32 $0xFFFFD800  }
0xa2: {  	_ =	sfence.sel $0x180000  }
0xa3: {  	[bflag:$0x0] =	sbarrier.arrive $0xFFFF  }
0xa4: {  	_ =	strace $0x90000053  }
0xa5: {  	s0 =	stileid.u32;
	[bflag:$0x2] =	sbarrier.arrive $0xFFFF  }
0xa6: {  	p0 =	sne.s32 s0, $0x0;
	s0 =	rddreg [dreg:$0x2]  }
0xa7: {  	s0 =	sadd.s32 @!p0 $0x100000, s0  }
0xa8: {  	[sflag:s0] =	ssyncadd.tile.s32 @!p0 $0x1;
	_ =	shalt  }
.Lfunc_end2:
_tile_overlayer_lowered:
.L_overlay_start_2:
0xa9: {  	(tag) =	ssettag $0x2  }
0xaa: {  	s0 =	rddreg [dreg:$0x0];
	s2 =	stileid.u32  }
0xab: {  	s1 =	rddreg [dreg:$0x1];
	p0 =	sne.s32 s2, $0x0  }
0xac: {  	s3 =	rddreg [dreg:$0x2];
	[bflag:$0x3] =	sbarrier.arrive $0xFFFF;
	s2 =	simm.s32 @!p0 $0x1C06  }
0xad: {  	[timem:s3], [sflag:s2] =	dma.local @!p0 [hbm:s0], s1  }
0xae: {  	s0 =	simm.s32 @!p0 $0x6  }
0xaf: {  	_ =	swait.ge @!p0 [sflag:s0], s1  }
0xb0: {  	s1 =	ssub.s32 @!p0 $0x0, s1;
	[sflag:s0] =	ssyncset.done @!p0 $0x0  }
0xb1: {  	[sflag:s0] =	ssyncadd.s32 @!p0 s1  }
0xb2: {  	[bflag:$0x3] =	sbarrier.arrive $0xFFFF  }
0xb3: {  	_ =	shalt  }

</sc_bundles>
